<compile_context>
chip_gen: v7x
topology: tpu7x:2x2x1
jax: 0.10.2.dev20260603
libtpu: 0.0.44.dev20260713+nightly
codegen_flags: <defaults>
</compile_context>

<pallas_src>
import jax
import jax.numpy as jnp
from jax import lax
from jax.experimental import pallas as pl
from jax.experimental.pallas import tpu as pltpu
from jax.experimental.pallas import tpu_sc as plsc

N = 50000
NODES = 50176
E = 800000
E_PAD = 819200
H = 64
HH = H // 2
OUT = 128
G = 512
PG = 544
CHUNK = 1024
NC = 2
NS = 16
LANES = 16

_mesh = plsc.VectorSubcoreMesh(core_axis_name="c", subcore_axis_name="s")
_sc_params = pltpu.CompilerParams(use_tc_tiling_on_sc=False)
_sc_params_nl = pltpu.CompilerParams(use_tc_tiling_on_sc=False,
                                     needs_layout_passes=False)


def _zero_fill(ref, rows, cols):
    zv = jnp.zeros((LANES,), jnp.float32)

    @pl.loop(0, rows)
    def _(r):
        @pl.loop(0, cols // LANES)
        def _(cc):
            ref[r, pl.ds(cc * LANES, LANES)] = zv


CHUNK_W = 400


def _agg64_body(h_flat, src_hbm, dst_hbm, out_hbm,
                idx_g0, idx_g1, idx_d0, idx_d1, rows0, rows1,
                gsem0, gsem1, ssem0, ssem1, acc):
    c = lax.axis_index("c")
    s = lax.axis_index("s")

    _zero_fill(rows0, 392, HH)
    row0 = s * (NODES // NS)

    @pl.loop(0, 8)
    def _(k):
        pltpu.sync_copy(rows0.at[pl.ds(0, 392)],
                        acc.at[pl.ds(row0 + k * 392, 392)])

    plsc.subcore_barrier()

    ebase = s * (E_PAD // NS)

    def _load_idx(base, idx_g, idx_d):
        pltpu.sync_copy(src_hbm.at[pl.ds(base, CHUNK_W)], idx_g)
        pltpu.sync_copy(dst_hbm.at[pl.ds(base, CHUNK_W)], idx_d)

        @pl.loop(0, CHUNK_W // LANES)
        def _(i):
            v = idx_g[pl.ds(i * LANES, LANES)]
            idx_g[pl.ds(i * LANES, LANES)] = v * 2 + c

    @pl.loop(0, E_PAD // NS // CHUNK_W // 2)
    def _(m):
        base = ebase + m * (2 * CHUNK_W)
        _load_idx(base, idx_g0, idx_d0)
        g0 = pltpu.async_copy(h_flat.at[idx_g0], rows0, gsem0)
        _load_idx(base + CHUNK_W, idx_g1, idx_d1)
        g1 = pltpu.async_copy(h_flat.at[idx_g1], rows1, gsem1)
        g0.wait()
        s0 = pltpu.async_copy(rows0, acc.at[idx_d0], ssem0, add=True)
        g1.wait()
        s1 = pltpu.async_copy(rows1, acc.at[idx_d1], ssem1, add=True)
        s0.wait()
        s1.wait()

    plsc.subcore_barrier()
    pltpu.sync_copy(acc.at[pl.ds(row0, NODES // NS)],
                    out_hbm.at[pl.ds(c * NODES + row0, NODES // NS)])


def _run_agg64(h, src_pad, dst_pad):
    h_flat = h.reshape(2 * NODES, HH)
    kern = pl.kernel(
        _agg64_body,
        out_type=jax.ShapeDtypeStruct((2 * NODES, HH), jnp.float32),
        mesh=_mesh,
        compiler_params=_sc_params,
        scratch_types=[
            pltpu.VMEM((CHUNK_W,), jnp.int32),
            pltpu.VMEM((CHUNK_W,), jnp.int32),
            pltpu.VMEM((CHUNK_W,), jnp.int32),
            pltpu.VMEM((CHUNK_W,), jnp.int32),
            pltpu.VMEM((CHUNK_W, HH), jnp.float32),
            pltpu.VMEM((CHUNK_W, HH), jnp.float32),
            pltpu.SemaphoreType.DMA,
            pltpu.SemaphoreType.DMA,
            pltpu.SemaphoreType.DMA,
            pltpu.SemaphoreType.DMA,
            pltpu.VMEM_SHARED((NODES, HH), jnp.float32),
        ],
    )
    return kern(h_flat, src_pad, dst_pad)


CHUNK_1 = 800


def _agg1_body(x16_hbm, src_hbm, dst_hbm, out_hbm,
               idx_s0, idx_s1, idx_d0, idx_d1, rows0, rows1,
               gsem0, gsem1, ssem0, ssem1, acc):
    c = lax.axis_index("c")
    s = lax.axis_index("s")

    _zero_fill(rows0, 392, 16)
    row0 = s * (NODES // NS)

    @pl.loop(0, 8)
    def _(k):
        pltpu.sync_copy(rows0.at[pl.ds(0, 392)],
                        acc.at[pl.ds(row0 + k * 392, 392)])

    plsc.subcore_barrier()

    wid = c * NS + s
    ebase = wid * (E_PAD // (NC * NS))

    @pl.loop(0, E_PAD // (NC * NS) // CHUNK_1 // 2)
    def _(m):
        base = ebase + m * (2 * CHUNK_1)
        pltpu.sync_copy(src_hbm.at[pl.ds(base, CHUNK_1)], idx_s0)
        pltpu.sync_copy(dst_hbm.at[pl.ds(base, CHUNK_1)], idx_d0)
        g0 = pltpu.async_copy(x16_hbm.at[idx_s0], rows0, gsem0)
        pltpu.sync_copy(src_hbm.at[pl.ds(base + CHUNK_1, CHUNK_1)], idx_s1)
        pltpu.sync_copy(dst_hbm.at[pl.ds(base + CHUNK_1, CHUNK_1)], idx_d1)
        g1 = pltpu.async_copy(x16_hbm.at[idx_s1], rows1, gsem1)
        g0.wait()
        s0 = pltpu.async_copy(rows0, acc.at[idx_d0], ssem0, add=True)
        g1.wait()
        s1 = pltpu.async_copy(rows1, acc.at[idx_d1], ssem1, add=True)
        s0.wait()
        s1.wait()

    plsc.subcore_barrier()
    pltpu.sync_copy(acc.at[pl.ds(row0, NODES // NS)],
                    out_hbm.at[pl.ds(c * NODES + row0, NODES // NS)])


def _run_agg1(x16, src_pad, dst_pad):
    kern = pl.kernel(
        _agg1_body,
        out_type=jax.ShapeDtypeStruct((2 * NODES, 16), jnp.float32),
        mesh=_mesh,
        compiler_params=_sc_params,
        scratch_types=[
            pltpu.VMEM((CHUNK_1,), jnp.int32),
            pltpu.VMEM((CHUNK_1,), jnp.int32),
            pltpu.VMEM((CHUNK_1,), jnp.int32),
            pltpu.VMEM((CHUNK_1,), jnp.int32),
            pltpu.VMEM((CHUNK_1, 16), jnp.float32),
            pltpu.VMEM((CHUNK_1, 16), jnp.float32),
            pltpu.SemaphoreType.DMA,
            pltpu.SemaphoreType.DMA,
            pltpu.SemaphoreType.DMA,
            pltpu.SemaphoreType.DMA,
            pltpu.VMEM_SHARED((NODES, 16), jnp.float32),
        ],
    )
    return kern(x16, src_pad, dst_pad)


def _pool_body(h_hbm, batch_hbm, out_hbm, idx_b, rows_v, zbuf, acc):
    c = lax.axis_index("c")
    s = lax.axis_index("s")

    _zero_fill(zbuf, PG // NS, H)
    row0 = s * (PG // NS)
    pltpu.sync_copy(zbuf, acc.at[pl.ds(row0, PG // NS)])
    plsc.subcore_barrier()

    wid = c * NS + s
    nbase = wid * (NODES // (NC * NS))

    @pl.loop(0, 2)
    def _(ch):
        base = nbase + ch * 784
        pltpu.sync_copy(batch_hbm.at[pl.ds(base, 784)], idx_b)
        pltpu.sync_copy(h_hbm.at[pl.ds(base, 784)], rows_v)
        pltpu.sync_copy(rows_v, acc.at[idx_b], add=True)

    plsc.subcore_barrier()
    pltpu.sync_copy(acc.at[pl.ds(row0, PG // NS)],
                    out_hbm.at[pl.ds(c * PG + row0, PG // NS)])


def _run_pool(h, batch_pad):
    kern = pl.kernel(
        _pool_body,
        out_type=jax.ShapeDtypeStruct((2 * PG, H), jnp.float32),
        mesh=_mesh,
        compiler_params=_sc_params,
        scratch_types=[
            pltpu.VMEM((784,), jnp.int32),
            pltpu.VMEM((784, H), jnp.float32),
            pltpu.VMEM((PG // NS, H), jnp.float32),
            pltpu.VMEM_SHARED((PG, H), jnp.float32),
        ],
    )
    return kern(h, batch_pad)


_BLK = 1024
_NBLK = NODES // _BLK


def _mlp1_tc(x_ref, a0_ref, a1_ref, w1_ref, b1_ref, w2_ref, b2_ref, o_ref):
    s = x_ref[...] + a0_ref[:, :1] + a1_ref[:, :1]
    h = jnp.maximum(s * w1_ref[...] + b1_ref[...], 0.0)
    h = jnp.dot(h, w2_ref[...], preferred_element_type=jnp.float32)
    o_ref[...] = jnp.maximum(h + b2_ref[...], 0.0)


def _run_mlp1(x_pad, agg16, W1, b1, W2, b2):
    return pl.pallas_call(
        _mlp1_tc,
        grid=(_NBLK,),
        in_specs=[
            pl.BlockSpec((_BLK, 1), lambda i: (i, 0)),
            pl.BlockSpec((_BLK, 16), lambda i: (i, 0)),
            pl.BlockSpec((_BLK, 16), lambda i: (i + _NBLK, 0)),
            pl.BlockSpec((1, H), lambda i: (0, 0)),
            pl.BlockSpec((1, H), lambda i: (0, 0)),
            pl.BlockSpec((H, H), lambda i: (0, 0)),
            pl.BlockSpec((1, H), lambda i: (0, 0)),
        ],
        out_specs=pl.BlockSpec((_BLK, H), lambda i: (i, 0)),
        out_shape=jax.ShapeDtypeStruct((NODES, H), jnp.float32),
    )(x_pad, agg16, agg16, W1, b1.reshape(1, H), W2, b2.reshape(1, H))


def _mlp23_tc(h_ref, a0_ref, a1_ref, w1c_ref, b1_ref, w2_ref, b2_ref, o_ref):
    hin = jnp.concatenate([h_ref[...], a0_ref[...], a1_ref[...]], axis=1)
    h = jnp.dot(hin, w1c_ref[...], preferred_element_type=jnp.float32)
    h = jnp.maximum(h + b1_ref[...], 0.0)
    h = jnp.dot(h, w2_ref[...], preferred_element_type=jnp.float32)
    o_ref[...] = jnp.maximum(h + b2_ref[...], 0.0)


def _run_mlp23(h_prev, agg, W1cat, b1, W2, b2):
    return pl.pallas_call(
        _mlp23_tc,
        grid=(_NBLK,),
        in_specs=[
            pl.BlockSpec((_BLK, H), lambda i: (i, 0)),
            pl.BlockSpec((_BLK, HH), lambda i: (i, 0)),
            pl.BlockSpec((_BLK, HH), lambda i: (i + _NBLK, 0)),
            pl.BlockSpec((2 * H, H), lambda i: (0, 0)),
            pl.BlockSpec((1, H), lambda i: (0, 0)),
            pl.BlockSpec((H, H), lambda i: (0, 0)),
            pl.BlockSpec((1, H), lambda i: (0, 0)),
        ],
        out_specs=pl.BlockSpec((_BLK, H), lambda i: (i, 0)),
        out_shape=jax.ShapeDtypeStruct((NODES, H), jnp.float32),
    )(h_prev, agg, agg, W1cat, b1.reshape(1, H), W2, b2.reshape(1, H))


def _w1cat(W1):
    return jnp.concatenate([W1, W1], axis=0)


def _fc_tc(p0_ref, p1_ref, w_ref, b_ref, o_ref):
    p = p0_ref[:G, :] + p1_ref[:G, :]
    o_ref[...] = jnp.dot(p, w_ref[...],
                         preferred_element_type=jnp.float32) + b_ref[...]


def _run_fc(pacc, fcW, fcb):
    return pl.pallas_call(
        _fc_tc,
        grid=(1,),
        in_specs=[
            pl.BlockSpec((PG, H), lambda i: (0, 0)),
            pl.BlockSpec((PG, H), lambda i: (1, 0)),
            pl.BlockSpec((H, OUT), lambda i: (0, 0)),
            pl.BlockSpec((1, OUT), lambda i: (0, 0)),
        ],
        out_specs=pl.BlockSpec((G, OUT), lambda i: (0, 0)),
        out_shape=jax.ShapeDtypeStruct((G, OUT), jnp.float32),
    )(pacc, pacc, fcW, fcb.reshape(1, OUT))


def _forward(x, edge_index, batch, params):
    (c1W1, c1b1, c1W2, c1b2, c2W1, c2b1, c2W2, c2b2,
     c3W1, c3b1, c3W2, c3b2, fcW, fcb) = params

    src_pad = jnp.concatenate(
        [edge_index[0], jnp.zeros((E_PAD - E,), jnp.int32)])
    dst_pad = jnp.concatenate(
        [edge_index[1], jnp.full((E_PAD - E,), NODES - 1, jnp.int32)])
    batch_pad = jnp.concatenate([batch, jnp.full((NODES - N,), G, jnp.int32)])
    x_pad = jnp.pad(x, ((0, NODES - N), (0, 0)))
    x16 = jnp.pad(x, ((0, NODES - N), (0, 15)))

    agg16 = _run_agg1(x16, src_pad, dst_pad)
    h1 = _run_mlp1(x_pad, agg16, c1W1, c1b1, c1W2, c1b2)
    agg2 = _run_agg64(h1, src_pad, dst_pad)
    h2 = _run_mlp23(h1, agg2, _w1cat(c2W1), c2b1, c2W2, c2b2)
    agg3 = _run_agg64(h2, src_pad, dst_pad)
    h3 = _run_mlp23(h2, agg3, _w1cat(c3W1), c3b1, c3W2, c3b2)
    pacc = _run_pool(h3, batch_pad)
    return _run_fc(pacc, fcW, fcb)


def kernel(x_a, edge_index_a, batch_a, x_p, edge_index_p, batch_p,
           x_n, edge_index_n, batch_n,
           c1W1, c1b1, c1W2, c1b2, c2W1, c2b1, c2W2, c2b2,
           c3W1, c3b1, c3W2, c3b2, fcW, fcb):
    params = (c1W1, c1b1, c1W2, c1b2, c2W1, c2b1, c2W2, c2b2,
              c3W1, c3b1, c3W2, c3b2, fcW, fcb)
    a = _forward(x_a, edge_index_a, batch_a, params)
    p = _forward(x_p, edge_index_p, batch_p, params)
    n = _forward(x_n, edge_index_n, batch_n, params)
    return (a, p, n)

# --- scband reference (transcript-rebuilt; emitter-appended) ---
"""Pipeline reference for scband-ginmodel3-layers-27290222199187 (READ-ONLY COPY).

The authoritative reference and input builder live on the scoring server;
editing this copy changes nothing except your own understanding.
"""

import jax, jax.numpy as jnp
import numpy as np

N = 50000
E = 800000
H = 64
OUT = 128
G = 512

def _glorot(key, shape):
    fan_in = shape[0]
    return jax.random.normal(key, shape, dtype=jnp.float32) * (1.0 / np.sqrt(fan_in))

def setup_inputs(seed: int = 0):
    key = jax.random.key(seed)
    keys = jax.random.split(key, 32)
    inp = {}
    for i, tag in enumerate(['a', 'p', 'n']):
        inp['x_' + tag] = jax.random.normal(keys[i], (N, 1), dtype=jnp.float32)
        inp['edge_index_' + tag] = jax.random.randint(keys[3 + i], (2, E), 0, N, dtype=jnp.int32)
        inp['batch_' + tag] = jnp.sort(jax.random.randint(keys[6 + i], (N,), 0, G, dtype=jnp.int32))
    pk = keys[10:]
    dims = [(1, H), (H, H), (H, H), (H, H), (H, H), (H, H)]
    names = ['c1W1', 'c1W2', 'c2W1', 'c2W2', 'c3W1', 'c3W2']
    for j, (nm, d) in enumerate(zip(names, dims)):
        inp[nm] = _glorot(pk[j], d)
        inp[nm.replace('W', 'b')] = jnp.zeros((d[1],), dtype=jnp.float32)
    inp['fcW'] = _glorot(pk[6], (H, OUT))
    inp['fcb'] = jnp.zeros((OUT,), dtype=jnp.float32)
    return inp

def _gin_conv(x, edge_index, W1, b1, W2, b2):
    src = edge_index[0]
    dst = edge_index[1]
    agg = jax.ops.segment_sum(x[src], dst, num_segments=x.shape[0])
    h = x + agg
    h = jax.nn.relu(h @ W1 + b1)
    h = jax.nn.relu(h @ W2 + b2)
    return h

def _forward_once(x, edge_index, batch, params):
    (c1W1, c1b1, c1W2, c1b2, c2W1, c2b1, c2W2, c2b2, c3W1, c3b1, c3W2, c3b2, fcW, fcb) = params
    h = _gin_conv(x, edge_index, c1W1, c1b1, c1W2, c1b2)
    h = _gin_conv(h, edge_index, c2W1, c2b1, c2W2, c2b2)
    h = _gin_conv(h, edge_index, c3W1, c3b1, c3W2, c3b2)
    pooled = jax.ops.segment_sum(h, batch, num_segments=G)
    return pooled @ fcW + fcb

def reference(x_a, edge_index_a, batch_a, x_p, edge_index_p, batch_p, x_n, edge_index_n, batch_n, c1W1, c1b1, c1W2, c1b2, c2W1, c2b1, c2W2, c2b2, c3W1, c3b1, c3W2, c3b2, fcW, fcb):
    params = (c1W1, c1b1, c1W2, c1b2, c2W1, c2b1, c2W2, c2b2, c3W1, c3b1, c3W2, c3b2, fcW, fcb)
    a = _forward_once(x_a, edge_index_a, batch_a, params)
    p = _forward_once(x_p, edge_index_p, batch_p, params)
    n = _forward_once(x_n, edge_index_n, batch_n, params)
    return (a, p, n)

if __name__ == "__main__":
    import jax
    _d = setup_inputs()
    print(jax.jit(kernel)(*tuple(_d.values())))

</pallas_src>

<mosaic_0001>
#map = affine_map<(d0, d1) -> (0, 0)>
#map1 = affine_map<(d0, d1) -> (0)>
module attributes {stable_mosaic.version = 14 : i64} {
  func.func @_agg1_body(%arg0: i32, %arg1: i32, %arg2: memref<50176x16xf32, #tpu.memory_space<hbm>>, %arg3: memref<819200xi32, #tpu.memory_space<hbm>>, %arg4: memref<819200xi32, #tpu.memory_space<hbm>>, %arg5: memref<100352x16xf32, #tpu.memory_space<hbm>>, %arg6: memref<800xi32, #tpu.memory_space<vmem>>, %arg7: memref<800xi32, #tpu.memory_space<vmem>>, %arg8: memref<800xi32, #tpu.memory_space<vmem>>, %arg9: memref<800xi32, #tpu.memory_space<vmem>>, %arg10: memref<800x16xf32, #tpu.memory_space<vmem>>, %arg11: memref<800x16xf32, #tpu.memory_space<vmem>>, %arg12: memref<!tpu.dma_semaphore, #tpu.memory_space<semaphore_mem>>, %arg13: memref<!tpu.dma_semaphore, #tpu.memory_space<semaphore_mem>>, %arg14: memref<!tpu.dma_semaphore, #tpu.memory_space<semaphore_mem>>, %arg15: memref<!tpu.dma_semaphore, #tpu.memory_space<semaphore_mem>>, %arg16: memref<50176x16xf32, #tpu.memory_space<vmem_shared>>) attributes {dimension_semantics = [#tpu.dimension_semantics<core_parallel>, #tpu.dimension_semantics<subcore_parallel>], iteration_bounds = array<i64: 2, 16>, scalar_prefetch = 0 : i64, scratch_operands = 11 : i64, tpu.core_type = #tpu.core_type<sc_vector_subcore>, window_params = [{transform_indices = #map}, {transform_indices = #map1}, {transform_indices = #map1}, {transform_indices = #map}]} {
    %broadcast_in_dim3A = arith.constant 0.000000e+00 : f32
    %broadcast_in_dim3A_0 = vector.broadcast %broadcast_in_dim3A : f32 to vector<16xf32>
    %scan3A = arith.constant 0 : i32
    %scan3A_1 = arith.constant 392 : i32
    %scan3A_2 = arith.addi %scan3A, %scan3A_1 : i32
    %scan3A_3 = arith.constant 1 : i32
    scf.for %scan3A_24 = %scan3A to %scan3A_2 step %scan3A_3  : i32 {
      %mul3A_25 = arith.constant 1 : i32
      %mul3A_26 = arith.muli %scan3A_24, %mul3A_25 : i32
      %add3A_27 = arith.constant 0 : i32
      %add3A_28 = arith.addi %add3A_27, %mul3A_26 : i32
      %scan3A_29 = arith.constant 0 : i32
      %mul3A_30 = arith.constant 1 : i32
      %mul3A_31 = arith.muli %scan3A_29, %mul3A_30 : i32
      %add3A_32 = arith.constant 0 : i32
      %add3A_33 = arith.addi %add3A_32, %mul3A_31 : i32
      %mul3A_34 = arith.constant 16 : i32
      %mul3A_35 = arith.muli %add3A_33, %mul3A_34 : i32
      %swap3A = arith.index_cast %add3A_28 : i32 to index
      %swap3A_36 = arith.index_cast %mul3A_35 : i32 to index
      %swap3A_37 = tpu.vector_load %arg10[%swap3A, %swap3A_36] {strides = array<i32>} : memref<800x16xf32, #tpu.memory_space<vmem>>, vector<1x16xf32>,
      %swap3A_38 = vector.shape_cast %swap3A_37 : vector<1x16xf32> to vector<16xf32>
      %swap3A_39 = vector.shape_cast %broadcast_in_dim3A_0 : vector<16xf32> to vector<1x16xf32>
      tpu.vector_store %arg10[%swap3A, %swap3A_36], %swap3A_39 {strides = array<i32>} : memref<800x16xf32, #tpu.memory_space<vmem>>, vector<1x16xf32>,
      %scan3A_40 = arith.constant 1 : i32
    }
    %scan3A_4 = arith.constant 392 : i32
    %mul3A = arith.constant 3136 : i32
    %mul3A_5 = arith.muli %arg1, %mul3A : i32
    %scan3A_6 = arith.constant 0 : i32
    %scan3A_7 = arith.constant 8 : i32
    %scan3A_8 = arith.addi %scan3A_6, %scan3A_7 : i32
    %scan3A_9 = arith.constant 1 : i32
    scf.for %scan3A_24 = %scan3A_6 to %scan3A_8 step %scan3A_9  : i32 {
      %mul3A_25 = arith.constant 1 : i32
      %mul3A_26 = arith.muli %scan3A_24, %mul3A_25 : i32
      %add3A_27 = arith.constant 0 : i32
      %add3A_28 = arith.addi %add3A_27, %mul3A_26 : i32
      %mul3A_29 = arith.constant 392 : i32
      %mul3A_30 = arith.muli %add3A_28, %mul3A_29 : i32
      %add3A_31 = arith.addi %mul3A_5, %mul3A_30 : i32
      "tpu.region"() ({
        %run_scoped3A = tpu.sem_alloc : memref<!tpu.dma_semaphore, #tpu.memory_space<semaphore_mem>>
        %dma_start3A = arith.constant 0 : i32
        %dma_start3A_32 = arith.constant 0 : i32
        %dma_start3A_33 = tpu.memref_slice %arg10[%dma_start3A, %dma_start3A_32] : memref<800x16xf32, #tpu.memory_space<vmem>> -> memref<392x16xf32, #tpu.memory_space<vmem>>
        %dma_start3A_34 = arith.constant 0 : i32
        %dma_start3A_35 = tpu.memref_slice %arg16[%add3A_31, %dma_start3A_34] : memref<50176x16xf32, #tpu.memory_space<vmem_shared>> -> memref<392x16xf32, #tpu.memory_space<vmem_shared>>
        %dma_start3A_36 = arith.constant 0 : i32
        %dma_start3A_37 = tpu.memref_slice %arg16[%add3A_31, %dma_start3A_36] : memref<50176x16xf32, #tpu.memory_space<vmem_shared>> -> memref<392x16xf32, #tpu.memory_space<vmem_shared>>
        %dma_start3A_38 = arith.constant 0 : i32
        %dma_start3A_39 = arith.constant 0 : i32
        %dma_start3A_40 = tpu.memref_slice %arg10[%dma_start3A_38, %dma_start3A_39] : memref<800x16xf32, #tpu.memory_space<vmem>> -> memref<392x16xf32, #tpu.memory_space<vmem>>
        tpu.enqueue_dma source(%dma_start3A_40 : memref<392x16xf32, #tpu.memory_space<vmem>>) target(%dma_start3A_37 : memref<392x16xf32, #tpu.memory_space<vmem_shared>>) target_semaphore(%run_scoped3A : memref<!tpu.dma_semaphore, #tpu.memory_space<semaphore_mem>>)
        %dma_wait3A = arith.constant 0 : i32
        %dma_wait3A_41 = arith.constant 0 : i32
        %dma_wait3A_42 = tpu.memref_slice %arg10[%dma_wait3A, %dma_wait3A_41] : memref<800x16xf32, #tpu.memory_space<vmem>> -> memref<392x16xf32, #tpu.memory_space<vmem>>
        %dma_wait3A_43 = arith.constant 0 : i32
        %dma_wait3A_44 = tpu.memref_slice %arg16[%add3A_31, %dma_wait3A_43] : memref<50176x16xf32, #tpu.memory_space<vmem_shared>> -> memref<392x16xf32, #tpu.memory_space<vmem_shared>>
        %dma_wait3A_45 = arith.constant 0 : i32
        %dma_wait3A_46 = tpu.memref_slice %arg16[%add3A_31, %dma_wait3A_45] : memref<50176x16xf32, #tpu.memory_space<vmem_shared>> -> memref<392x16xf32, #tpu.memory_space<vmem_shared>>
        %dma_wait3A_47 = arith.constant 0 : i32
        %dma_wait3A_48 = arith.constant 0 : i32
        %dma_wait3A_49 = tpu.memref_slice %arg10[%dma_wait3A_47, %dma_wait3A_48] : memref<800x16xf32, #tpu.memory_space<vmem>> -> memref<392x16xf32, #tpu.memory_space<vmem>>
        tpu.wait_dma2 semaphore(%run_scoped3A : memref<!tpu.dma_semaphore, #tpu.memory_space<semaphore_mem>>) src(%dma_wait3A_49 : memref<392x16xf32, #tpu.memory_space<vmem>>) dst(%dma_wait3A_46 : memref<392x16xf32, #tpu.memory_space<vmem_shared>>)
        tpu.yield
      }) : () -> ()
    }
    %scan3A_10 = arith.constant 8 : i32
    %barrier3A = arith.constant 0 : index
    tpu.barrier barrier_id(%barrier3A)
    %mul3A_11 = arith.constant 16 : i32
    %mul3A_12 = arith.muli %arg0, %mul3A_11 : i32
    %add3A = arith.addi %mul3A_12, %arg1 : i32
    %mul3A_13 = arith.constant 25600 : i32
    %mul3A_14 = arith.muli %add3A, %mul3A_13 : i32
    %scan3A_15 = arith.constant 0 : i32
    %scan3A_16 = arith.constant 16 : i32
    %scan3A_17 = arith.addi %scan3A_15, %scan3A_16 : i32
    %scan3A_18 = arith.constant 1 : i32
    scf.for %scan3A_24 = %scan3A_15 to %scan3A_17 step %scan3A_18  : i32 {
      %mul3A_25 = arith.constant 1 : i32
      %mul3A_26 = arith.muli %scan3A_24, %mul3A_25 : i32
      %add3A_27 = arith.constant 0 : i32
      %add3A_28 = arith.addi %add3A_27, %mul3A_26 : i32
      %mul3A_29 = arith.constant 1600 : i32
      %mul3A_30 = arith.muli %add3A_28, %mul3A_29 : i32
      %add3A_31 = arith.addi %mul3A_14, %mul3A_30 : i32
      "tpu.region"() ({
        %run_scoped3A = tpu.sem_alloc : memref<!tpu.dma_semaphore, #tpu.memory_space<semaphore_mem>>
        %dma_start3A_58 = tpu.memref_slice %arg3[%add3A_31] : memref<819200xi32, #tpu.memory_space<hbm>> -> memref<800xi32, #tpu.memory_space<hbm>>
        %dma_start3A_59 = tpu.memref_slice %arg3[%add3A_31] : memref<819200xi32, #tpu.memory_space<hbm>> -> memref<800xi32, #tpu.memory_space<hbm>>
        tpu.enqueue_dma source(%dma_start3A_59 : memref<800xi32, #tpu.memory_space<hbm>>) target(%arg6 : memref<800xi32, #tpu.memory_space<vmem>>) target_semaphore(%run_scoped3A : memref<!tpu.dma_semaphore, #tpu.memory_space<semaphore_mem>>)
        %dma_wait3A_60 = tpu.memref_slice %arg3[%add3A_31] : memref<819200xi32, #tpu.memory_space<hbm>> -> memref<800xi32, #tpu.memory_space<hbm>>
        %dma_wait3A_61 = tpu.memref_slice %arg3[%add3A_31] : memref<819200xi32, #tpu.memory_space<hbm>> -> memref<800xi32, #tpu.memory_space<hbm>>
        tpu.wait_dma2 semaphore(%run_scoped3A : memref<!tpu.dma_semaphore, #tpu.memory_space<semaphore_mem>>) src(%dma_wait3A_61 : memref<800xi32, #tpu.memory_space<hbm>>) dst(%arg6 : memref<800xi32, #tpu.memory_space<vmem>>)
        tpu.yield
      }) : () -> ()
      "tpu.region"() ({
        %run_scoped3A = tpu.sem_alloc : memref<!tpu.dma_semaphore, #tpu.memory_space<semaphore_mem>>
        %dma_start3A_58 = tpu.memref_slice %arg4[%add3A_31] : memref<819200xi32, #tpu.memory_space<hbm>> -> memref<800xi32, #tpu.memory_space<hbm>>
        %dma_start3A_59 = tpu.memref_slice %arg4[%add3A_31] : memref<819200xi32, #tpu.memory_space<hbm>> -> memref<800xi32, #tpu.memory_space<hbm>>
        tpu.enqueue_dma source(%dma_start3A_59 : memref<800xi32, #tpu.memory_space<hbm>>) target(%arg8 : memref<800xi32, #tpu.memory_space<vmem>>) target_semaphore(%run_scoped3A : memref<!tpu.dma_semaphore, #tpu.memory_space<semaphore_mem>>)
        %dma_wait3A_60 = tpu.memref_slice %arg4[%add3A_31] : memref<819200xi32, #tpu.memory_space<hbm>> -> memref<800xi32, #tpu.memory_space<hbm>>
        %dma_wait3A_61 = tpu.memref_slice %arg4[%add3A_31] : memref<819200xi32, #tpu.memory_space<hbm>> -> memref<800xi32, #tpu.memory_space<hbm>>
        tpu.wait_dma2 semaphore(%run_scoped3A : memref<!tpu.dma_semaphore, #tpu.memory_space<semaphore_mem>>) src(%dma_wait3A_61 : memref<800xi32, #tpu.memory_space<hbm>>) dst(%arg8 : memref<800xi32, #tpu.memory_space<vmem>>)
        tpu.yield
      }) : () -> ()
      %dma_start3A = arith.constant 0 : i32
      %dma_start3A_32 = arith.constant 0 : i32
      %dma_start3A_33 = tpu.memref_slice %arg2[%dma_start3A, %dma_start3A_32] : memref<50176x16xf32, #tpu.memory_space<hbm>> -> memref<50176x16xf32, #tpu.memory_space<hbm>>
      tpu.enqueue_indirect_dma source(%dma_start3A_33 : memref<50176x16xf32, #tpu.memory_space<hbm>>) target(%arg10 : memref<800x16xf32, #tpu.memory_space<vmem>>) offsets(%arg6 : memref<800xi32, #tpu.memory_space<vmem>>) semaphore(%arg12 : memref<!tpu.dma_semaphore, #tpu.memory_space<semaphore_mem>>)
      %add3A_34 = arith.constant 800 : i32
      %add3A_35 = arith.addi %add3A_31, %add3A_34 : i32
      "tpu.region"() ({
        %run_scoped3A = tpu.sem_alloc : memref<!tpu.dma_semaphore, #tpu.memory_space<semaphore_mem>>
        %dma_start3A_58 = tpu.memref_slice %arg3[%add3A_35] : memref<819200xi32, #tpu.memory_space<hbm>> -> memref<800xi32, #tpu.memory_space<hbm>>
        %dma_start3A_59 = tpu.memref_slice %arg3[%add3A_35] : memref<819200xi32, #tpu.memory_space<hbm>> -> memref<800xi32, #tpu.memory_space<hbm>>
        tpu.enqueue_dma source(%dma_start3A_59 : memref<800xi32, #tpu.memory_space<hbm>>) target(%arg7 : memref<800xi32, #tpu.memory_space<vmem>>) target_semaphore(%run_scoped3A : memref<!tpu.dma_semaphore, #tpu.memory_space<semaphore_mem>>)
        %dma_wait3A_60 = tpu.memref_slice %arg3[%add3A_35] : memref<819200xi32, #tpu.memory_space<hbm>> -> memref<800xi32, #tpu.memory_space<hbm>>
        %dma_wait3A_61 = tpu.memref_slice %arg3[%add3A_35] : memref<819200xi32, #tpu.memory_space<hbm>> -> memref<800xi32, #tpu.memory_space<hbm>>
        tpu.wait_dma2 semaphore(%run_scoped3A : memref<!tpu.dma_semaphore, #tpu.memory_space<semaphore_mem>>) src(%dma_wait3A_61 : memref<800xi32, #tpu.memory_space<hbm>>) dst(%arg7 : memref<800xi32, #tpu.memory_space<vmem>>)
        tpu.yield
      }) : () -> ()
      %add3A_36 = arith.constant 800 : i32
      %add3A_37 = arith.addi %add3A_31, %add3A_36 : i32
      "tpu.region"() ({
        %run_scoped3A = tpu.sem_alloc : memref<!tpu.dma_semaphore, #tpu.memory_space<semaphore_mem>>
        %dma_start3A_58 = tpu.memref_slice %arg4[%add3A_37] : memref<819200xi32, #tpu.memory_space<hbm>> -> memref<800xi32, #tpu.memory_space<hbm>>
        %dma_start3A_59 = tpu.memref_slice %arg4[%add3A_37] : memref<819200xi32, #tpu.memory_space<hbm>> -> memref<800xi32, #tpu.memory_space<hbm>>
        tpu.enqueue_dma source(%dma_start3A_59 : memref<800xi32, #tpu.memory_space<hbm>>) target(%arg9 : memref<800xi32, #tpu.memory_space<vmem>>) target_semaphore(%run_scoped3A : memref<!tpu.dma_semaphore, #tpu.memory_space<semaphore_mem>>)
        %dma_wait3A_60 = tpu.memref_slice %arg4[%add3A_37] : memref<819200xi32, #tpu.memory_space<hbm>> -> memref<800xi32, #tpu.memory_space<hbm>>
        %dma_wait3A_61 = tpu.memref_slice %arg4[%add3A_37] : memref<819200xi32, #tpu.memory_space<hbm>> -> memref<800xi32, #tpu.memory_space<hbm>>
        tpu.wait_dma2 semaphore(%run_scoped3A : memref<!tpu.dma_semaphore, #tpu.memory_space<semaphore_mem>>) src(%dma_wait3A_61 : memref<800xi32, #tpu.memory_space<hbm>>) dst(%arg9 : memref<800xi32, #tpu.memory_space<vmem>>)
        tpu.yield
      }) : () -> ()
      %dma_start3A_38 = arith.constant 0 : i32
      %dma_start3A_39 = arith.constant 0 : i32
      %dma_start3A_40 = tpu.memref_slice %arg2[%dma_start3A_38, %dma_start3A_39] : memref<50176x16xf32, #tpu.memory_space<hbm>> -> memref<50176x16xf32, #tpu.memory_space<hbm>>
      tpu.enqueue_indirect_dma source(%dma_start3A_40 : memref<50176x16xf32, #tpu.memory_space<hbm>>) target(%arg11 : memref<800x16xf32, #tpu.memory_space<vmem>>) offsets(%arg7 : memref<800xi32, #tpu.memory_space<vmem>>) semaphore(%arg13 : memref<!tpu.dma_semaphore, #tpu.memory_space<semaphore_mem>>)
      %dma_wait3A = arith.constant 0 : i32
      %dma_wait3A_41 = arith.constant 0 : i32
      %dma_wait3A_42 = tpu.memref_slice %arg2[%dma_wait3A, %dma_wait3A_41] : memref<50176x16xf32, #tpu.memory_space<hbm>> -> memref<50176x16xf32, #tpu.memory_space<hbm>>
      tpu.wait_indirect_dma semaphore(%arg12 : memref<!tpu.dma_semaphore, #tpu.memory_space<semaphore_mem>>) src(%dma_wait3A_42 : memref<50176x16xf32, #tpu.memory_space<hbm>>) dst(%arg10 : memref<800x16xf32, #tpu.memory_space<vmem>>)
      %dma_start3A_43 = arith.constant 0 : i32
      %dma_start3A_44 = arith.constant 0 : i32
      %dma_start3A_45 = tpu.memref_slice %arg16[%dma_start3A_43, %dma_start3A_44] : memref<50176x16xf32, #tpu.memory_space<vmem_shared>> -> memref<50176x16xf32, #tpu.memory_space<vmem_shared>>
      tpu.enqueue_indirect_dma source(%arg10 : memref<800x16xf32, #tpu.memory_space<vmem>>) target(%dma_start3A_45 : memref<50176x16xf32, #tpu.memory_space<vmem_shared>>) offsets(%arg8 : memref<800xi32, #tpu.memory_space<vmem>>) semaphore(%arg14 : memref<!tpu.dma_semaphore, #tpu.memory_space<semaphore_mem>>) {add = true}
      %dma_wait3A_46 = arith.constant 0 : i32
      %dma_wait3A_47 = arith.constant 0 : i32
      %dma_wait3A_48 = tpu.memref_slice %arg2[%dma_wait3A_46, %dma_wait3A_47] : memref<50176x16xf32, #tpu.memory_space<hbm>> -> memref<50176x16xf32, #tpu.memory_space<hbm>>
      tpu.wait_indirect_dma semaphore(%arg13 : memref<!tpu.dma_semaphore, #tpu.memory_space<semaphore_mem>>) src(%dma_wait3A_48 : memref<50176x16xf32, #tpu.memory_space<hbm>>) dst(%arg11 : memref<800x16xf32, #tpu.memory_space<vmem>>)
      %dma_start3A_49 = arith.constant 0 : i32
      %dma_start3A_50 = arith.constant 0 : i32
      %dma_start3A_51 = tpu.memref_slice %arg16[%dma_start3A_49, %dma_start3A_50] : memref<50176x16xf32, #tpu.memory_space<vmem_shared>> -> memref<50176x16xf32, #tpu.memory_space<vmem_shared>>
      tpu.enqueue_indirect_dma source(%arg11 : memref<800x16xf32, #tpu.memory_space<vmem>>) target(%dma_start3A_51 : memref<50176x16xf32, #tpu.memory_space<vmem_shared>>) offsets(%arg9 : memref<800xi32, #tpu.memory_space<vmem>>) semaphore(%arg15 : memref<!tpu.dma_semaphore, #tpu.memory_space<semaphore_mem>>) {add = true}
      %dma_wait3A_52 = arith.constant 0 : i32
      %dma_wait3A_53 = arith.constant 0 : i32
      %dma_wait3A_54 = tpu.memref_slice %arg16[%dma_wait3A_52, %dma_wait3A_53] : memref<50176x16xf32, #tpu.memory_space<vmem_shared>> -> memref<50176x16xf32, #tpu.memory_space<vmem_shared>>
      tpu.wait_indirect_dma semaphore(%arg14 : memref<!tpu.dma_semaphore, #tpu.memory_space<semaphore_mem>>) src(%arg10 : memref<800x16xf32, #tpu.memory_space<vmem>>) dst(%dma_wait3A_54 : memref<50176x16xf32, #tpu.memory_space<vmem_shared>>)
      %dma_wait3A_55 = arith.constant 0 : i32
      %dma_wait3A_56 = arith.constant 0 : i32
      %dma_wait3A_57 = tpu.memref_slice %arg16[%dma_wait3A_55, %dma_wait3A_56] : memref<50176x16xf32, #tpu.memory_space<vmem_shared>> -> memref<50176x16xf32, #tpu.memory_space<vmem_shared>>
      tpu.wait_indirect_dma semaphore(%arg15 : memref<!tpu.dma_semaphore, #tpu.memory_space<semaphore_mem>>) src(%arg11 : memref<800x16xf32, #tpu.memory_space<vmem>>) dst(%dma_wait3A_57 : memref<50176x16xf32, #tpu.memory_space<vmem_shared>>)
    }
    %scan3A_19 = arith.constant 16 : i32
    %barrier3A_20 = arith.constant 0 : index
    tpu.barrier barrier_id(%barrier3A_20)
    %mul3A_21 = arith.constant 50176 : i32
    %mul3A_22 = arith.muli %arg0, %mul3A_21 : i32
    %add3A_23 = arith.addi %mul3A_22, %mul3A_5 : i32
    "tpu.region"() ({
      %run_scoped3A = tpu.sem_alloc : memref<!tpu.dma_semaphore, #tpu.memory_space<semaphore_mem>>
      %dma_start3A = arith.constant 0 : i32
      %dma_start3A_24 = tpu.memref_slice %arg5[%add3A_23, %dma_start3A] : memref<100352x16xf32, #tpu.memory_space<hbm>> -> memref<3136x16xf32, #tpu.memory_space<hbm>>
      %dma_start3A_25 = arith.constant 0 : i32
      %dma_start3A_26 = tpu.memref_slice %arg16[%mul3A_5, %dma_start3A_25] : memref<50176x16xf32, #tpu.memory_space<vmem_shared>> -> memref<3136x16xf32, #tpu.memory_space<vmem_shared>>
      tpu.enqueue_dma source(%dma_start3A_26 : memref<3136x16xf32, #tpu.memory_space<vmem_shared>>) target(%dma_start3A_24 : memref<3136x16xf32, #tpu.memory_space<hbm>>) target_semaphore(%run_scoped3A : memref<!tpu.dma_semaphore, #tpu.memory_space<semaphore_mem>>)
      %dma_wait3A = arith.constant 0 : i32
      %dma_wait3A_27 = tpu.memref_slice %arg5[%add3A_23, %dma_wait3A] : memref<100352x16xf32, #tpu.memory_space<hbm>> -> memref<3136x16xf32, #tpu.memory_space<hbm>>
      %dma_wait3A_28 = arith.constant 0 : i32
      %dma_wait3A_29 = tpu.memref_slice %arg16[%mul3A_5, %dma_wait3A_28] : memref<50176x16xf32, #tpu.memory_space<vmem_shared>> -> memref<3136x16xf32, #tpu.memory_space<vmem_shared>>
      tpu.wait_dma2 semaphore(%run_scoped3A : memref<!tpu.dma_semaphore, #tpu.memory_space<semaphore_mem>>) src(%dma_wait3A_29 : memref<3136x16xf32, #tpu.memory_space<vmem_shared>>) dst(%dma_wait3A_27 : memref<3136x16xf32, #tpu.memory_space<hbm>>)
      tpu.yield
    }) : () -> ()
    return
  }
}

#map = affine_map<(d0, d1) -> (0, 0)>
#map1 = affine_map<(d0, d1) -> (0)>
module attributes {stable_mosaic.version = 14 : i64} {
  func.func @_agg1_body(%arg0: i32, %arg1: i32, %arg2: memref<50176x16xf32, #tpu.memory_space<hbm>>, %arg3: memref<819200xi32, #tpu.memory_space<hbm>>, %arg4: memref<819200xi32, #tpu.memory_space<hbm>>, %arg5: memref<100352x16xf32, #tpu.memory_space<hbm>>, %arg6: memref<800xi32, #tpu.memory_space<vmem>>, %arg7: memref<800xi32, #tpu.memory_space<vmem>>, %arg8: memref<800xi32, #tpu.memory_space<vmem>>, %arg9: memref<800xi32, #tpu.memory_space<vmem>>, %arg10: memref<800x16xf32, #tpu.memory_space<vmem>>, %arg11: memref<800x16xf32, #tpu.memory_space<vmem>>, %arg12: memref<!tpu.dma_semaphore, #tpu.memory_space<semaphore_mem>>, %arg13: memref<!tpu.dma_semaphore, #tpu.memory_space<semaphore_mem>>, %arg14: memref<!tpu.dma_semaphore, #tpu.memory_space<semaphore_mem>>, %arg15: memref<!tpu.dma_semaphore, #tpu.memory_space<semaphore_mem>>, %arg16: memref<50176x16xf32, #tpu.memory_space<vmem_shared>>) attributes {dimension_semantics = [#tpu.dimension_semantics<core_parallel>, #tpu.dimension_semantics<subcore_parallel>], iteration_bounds = array<i64: 2, 16>, scalar_prefetch = 0 : i64, scratch_operands = 11 : i64, tpu.core_type = #tpu.core_type<sc_vector_subcore>, window_params = [{transform_indices = #map}, {transform_indices = #map1}, {transform_indices = #map1}, {transform_indices = #map}]} {
    %broadcast_in_dim3A = arith.constant 0.000000e+00 : f32
    %broadcast_in_dim3A_0 = vector.broadcast %broadcast_in_dim3A : f32 to vector<16xf32>
    %scan3A = arith.constant 0 : i32
    %scan3A_1 = arith.constant 392 : i32
    %scan3A_2 = arith.addi %scan3A, %scan3A_1 : i32
    %scan3A_3 = arith.constant 1 : i32
    scf.for %scan3A_24 = %scan3A to %scan3A_2 step %scan3A_3  : i32 {
      %mul3A_25 = arith.constant 1 : i32
      %mul3A_26 = arith.muli %scan3A_24, %mul3A_25 : i32
      %add3A_27 = arith.constant 0 : i32
      %add3A_28 = arith.addi %add3A_27, %mul3A_26 : i32
      %scan3A_29 = arith.constant 0 : i32
      %mul3A_30 = arith.constant 1 : i32
      %mul3A_31 = arith.muli %scan3A_29, %mul3A_30 : i32
      %add3A_32 = arith.constant 0 : i32
      %add3A_33 = arith.addi %add3A_32, %mul3A_31 : i32
      %mul3A_34 = arith.constant 16 : i32
      %mul3A_35 = arith.muli %add3A_33, %mul3A_34 : i32
      %swap3A = arith.index_cast %add3A_28 : i32 to index
      %swap3A_36 = arith.index_cast %mul3A_35 : i32 to index
      %swap3A_37 = tpu.vector_load %arg10[%swap3A, %swap3A_36] {strides = array<i32>} : memref<800x16xf32, #tpu.memory_space<vmem>>, vector<1x16xf32>,
      %swap3A_38 = vector.shape_cast %swap3A_37 : vector<1x16xf32> to vector<16xf32>
      %swap3A_39 = vector.shape_cast %broadcast_in_dim3A_0 : vector<16xf32> to vector<1x16xf32>
      tpu.vector_store %arg10[%swap3A, %swap3A_36], %swap3A_39 {strides = array<i32>} : memref<800x16xf32, #tpu.memory_space<vmem>>, vector<1x16xf32>,
      %scan3A_40 = arith.constant 1 : i32
    }
    %scan3A_4 = arith.constant 392 : i32
    %mul3A = arith.constant 3136 : i32
    %mul3A_5 = arith.muli %arg1, %mul3A : i32
    %scan3A_6 = arith.constant 0 : i32
    %scan3A_7 = arith.constant 8 : i32
    %scan3A_8 = arith.addi %scan3A_6, %scan3A_7 : i32
    %scan3A_9 = arith.constant 1 : i32
    scf.for %scan3A_24 = %scan3A_6 to %scan3A_8 step %scan3A_9  : i32 {
      %mul3A_25 = arith.constant 1 : i32
      %mul3A_26 = arith.muli %scan3A_24, %mul3A_25 : i32
      %add3A_27 = arith.constant 0 : i32
      %add3A_28 = arith.addi %add3A_27, %mul3A_26 : i32
      %mul3A_29 = arith.constant 392 : i32
      %mul3A_30 = arith.muli %add3A_28, %mul3A_29 : i32
      %add3A_31 = arith.addi %mul3A_5, %mul3A_30 : i32
      "tpu.region"() ({
        %run_scoped3A = tpu.sem_alloc : memref<!tpu.dma_semaphore, #tpu.memory_space<semaphore_mem>>
        %dma_start3A = arith.constant 0 : i32
        %dma_start3A_32 = arith.constant 0 : i32
        %dma_start3A_33 = tpu.memref_slice %arg10[%dma_start3A, %dma_start3A_32] : memref<800x16xf32, #tpu.memory_space<vmem>> -> memref<392x16xf32, #tpu.memory_space<vmem>>
        %dma_start3A_34 = arith.constant 0 : i32
        %dma_start3A_35 = tpu.memref_slice %arg16[%add3A_31, %dma_start3A_34] : memref<50176x16xf32, #tpu.memory_space<vmem_shared>> -> memref<392x16xf32, #tpu.memory_space<vmem_shared>>
        %dma_start3A_36 = arith.constant 0 : i32
        %dma_start3A_37 = tpu.memref_slice %arg16[%add3A_31, %dma_start3A_36] : memref<50176x16xf32, #tpu.memory_space<vmem_shared>> -> memref<392x16xf32, #tpu.memory_space<vmem_shared>>
        %dma_start3A_38 = arith.constant 0 : i32
        %dma_start3A_39 = arith.constant 0 : i32
        %dma_start3A_40 = tpu.memref_slice %arg10[%dma_start3A_38, %dma_start3A_39] : memref<800x16xf32, #tpu.memory_space<vmem>> -> memref<392x16xf32, #tpu.memory_space<vmem>>
        tpu.enqueue_dma source(%dma_start3A_40 : memref<392x16xf32, #tpu.memory_space<vmem>>) target(%dma_start3A_37 : memref<392x16xf32, #tpu.memory_space<vmem_shared>>) target_semaphore(%run_scoped3A : memref<!tpu.dma_semaphore, #tpu.memory_space<semaphore_mem>>)
        %dma_wait3A = arith.constant 0 : i32
        %dma_wait3A_41 = arith.constant 0 : i32
        %dma_wait3A_42 = tpu.memref_slice %arg10[%dma_wait3A, %dma_wait3A_41] : memref<800x16xf32, #tpu.memory_space<vmem>> -> memref<392x16xf32, #tpu.memory_space<vmem>>
        %dma_wait3A_43 = arith.constant 0 : i32
        %dma_wait3A_44 = tpu.memref_slice %arg16[%add3A_31, %dma_wait3A_43] : memref<50176x16xf32, #tpu.memory_space<vmem_shared>> -> memref<392x16xf32, #tpu.memory_space<vmem_shared>>
        %dma_wait3A_45 = arith.constant 0 : i32
        %dma_wait3A_46 = tpu.memref_slice %arg16[%add3A_31, %dma_wait3A_45] : memref<50176x16xf32, #tpu.memory_space<vmem_shared>> -> memref<392x16xf32, #tpu.memory_space<vmem_shared>>
        %dma_wait3A_47 = arith.constant 0 : i32
        %dma_wait3A_48 = arith.constant 0 : i32
        %dma_wait3A_49 = tpu.memref_slice %arg10[%dma_wait3A_47, %dma_wait3A_48] : memref<800x16xf32, #tpu.memory_space<vmem>> -> memref<392x16xf32, #tpu.memory_space<vmem>>
        tpu.wait_dma2 semaphore(%run_scoped3A : memref<!tpu.dma_semaphore, #tpu.memory_space<semaphore_mem>>) src(%dma_wait3A_49 : memref<392x16xf32, #tpu.memory_space<vmem>>) dst(%dma_wait3A_46 : memref<392x16xf32, #tpu.memory_space<vmem_shared>>)
        tpu.yield
      }) : () -> ()
    }
    %scan3A_10 = arith.constant 8 : i32
    %barrier3A = arith.constant 0 : index
    tpu.barrier barrier_id(%barrier3A)
    %mul3A_11 = arith.constant 16 : i32
    %mul3A_12 = arith.muli %arg0, %mul3A_11 : i32
    %add3A = arith.addi %mul3A_12, %arg1 : i32
    %mul3A_13 = arith.constant 25600 : i32
    %mul3A_14 = arith.muli %add3A, %mul3A_13 : i32
    %scan3A_15 = arith.constant 0 : i32
    %scan3A_16 = arith.constant 16 : i32
    %scan3A_17 = arith.addi %scan3A_15, %scan3A_16 : i32
    %scan3A_18 = arith.constant 1 : i32
    scf.for %scan3A_24 = %scan3A_15 to %scan3A_17 step %scan3A_18  : i32 {
      %mul3A_25 = arith.constant 1 : i32
      %mul3A_26 = arith.muli %scan3A_24, %mul3A_25 : i32
      %add3A_27 = arith.constant 0 : i32
      %add3A_28 = arith.addi %add3A_27, %mul3A_26 : i32
      %mul3A_29 = arith.constant 1600 : i32
      %mul3A_30 = arith.muli %add3A_28, %mul3A_29 : i32
      %add3A_31 = arith.addi %mul3A_14, %mul3A_30 : i32
      "tpu.region"() ({
        %run_scoped3A = tpu.sem_alloc : memref<!tpu.dma_semaphore, #tpu.memory_space<semaphore_mem>>
        %dma_start3A_58 = tpu.memref_slice %arg3[%add3A_31] : memref<819200xi32, #tpu.memory_space<hbm>> -> memref<800xi32, #tpu.memory_space<hbm>>
        %dma_start3A_59 = tpu.memref_slice %arg3[%add3A_31] : memref<819200xi32, #tpu.memory_space<hbm>> -> memref<800xi32, #tpu.memory_space<hbm>>
        tpu.enqueue_dma source(%dma_start3A_59 : memref<800xi32, #tpu.memory_space<hbm>>) target(%arg6 : memref<800xi32, #tpu.memory_space<vmem>>) target_semaphore(%run_scoped3A : memref<!tpu.dma_semaphore, #tpu.memory_space<semaphore_mem>>)
        %dma_wait3A_60 = tpu.memref_slice %arg3[%add3A_31] : memref<819200xi32, #tpu.memory_space<hbm>> -> memref<800xi32, #tpu.memory_space<hbm>>
        %dma_wait3A_61 = tpu.memref_slice %arg3[%add3A_31] : memref<819200xi32, #tpu.memory_space<hbm>> -> memref<800xi32, #tpu.memory_space<hbm>>
        tpu.wait_dma2 semaphore(%run_scoped3A : memref<!tpu.dma_semaphore, #tpu.memory_space<semaphore_mem>>) src(%dma_wait3A_61 : memref<800xi32, #tpu.memory_space<hbm>>) dst(%arg6 : memref<800xi32, #tpu.memory_space<vmem>>)
        tpu.yield
      }) : () -> ()
      "tpu.region"() ({
        %run_scoped3A = tpu.sem_alloc : memref<!tpu.dma_semaphore, #tpu.memory_space<semaphore_mem>>
        %dma_start3A_58 = tpu.memref_slice %arg4[%add3A_31] : memref<819200xi32, #tpu.memory_space<hbm>> -> memref<800xi32, #tpu.memory_space<hbm>>
        %dma_start3A_59 = tpu.memref_slice %arg4[%add3A_31] : memref<819200xi32, #tpu.memory_space<hbm>> -> memref<800xi32, #tpu.memory_space<hbm>>
        tpu.enqueue_dma source(%dma_start3A_59 : memref<800xi32, #tpu.memory_space<hbm>>) target(%arg8 : memref<800xi32, #tpu.memory_space<vmem>>) target_semaphore(%run_scoped3A : memref<!tpu.dma_semaphore, #tpu.memory_space<semaphore_mem>>)
        %dma_wait3A_60 = tpu.memref_slice %arg4[%add3A_31] : memref<819200xi32, #tpu.memory_space<hbm>> -> memref<800xi32, #tpu.memory_space<hbm>>
        %dma_wait3A_61 = tpu.memref_slice %arg4[%add3A_31] : memref<819200xi32, #tpu.memory_space<hbm>> -> memref<800xi32, #tpu.memory_space<hbm>>
        tpu.wait_dma2 semaphore(%run_scoped3A : memref<!tpu.dma_semaphore, #tpu.memory_space<semaphore_mem>>) src(%dma_wait3A_61 : memref<800xi32, #tpu.memory_space<hbm>>) dst(%arg8 : memref<800xi32, #tpu.memory_space<vmem>>)
        tpu.yield
      }) : () -> ()
      %dma_start3A = arith.constant 0 : i32
      %dma_start3A_32 = arith.constant 0 : i32
      %dma_start3A_33 = tpu.memref_slice %arg2[%dma_start3A, %dma_start3A_32] : memref<50176x16xf32, #tpu.memory_space<hbm>> -> memref<50176x16xf32, #tpu.memory_space<hbm>>
      tpu.enqueue_indirect_dma source(%dma_start3A_33 : memref<50176x16xf32, #tpu.memory_space<hbm>>) target(%arg10 : memref<800x16xf32, #tpu.memory_space<vmem>>) offsets(%arg6 : memref<800xi32, #tpu.memory_space<vmem>>) semaphore(%arg12 : memref<!tpu.dma_semaphore, #tpu.memory_space<semaphore_mem>>)
      %add3A_34 = arith.constant 800 : i32
      %add3A_35 = arith.addi %add3A_31, %add3A_34 : i32
      "tpu.region"() ({
        %run_scoped3A = tpu.sem_alloc : memref<!tpu.dma_semaphore, #tpu.memory_space<semaphore_mem>>
        %dma_start3A_58 = tpu.memref_slice %arg3[%add3A_35] : memref<819200xi32, #tpu.memory_space<hbm>> -> memref<800xi32, #tpu.memory_space<hbm>>
        %dma_start3A_59 = tpu.memref_slice %arg3[%add3A_35] : memref<819200xi32, #tpu.memory_space<hbm>> -> memref<800xi32, #tpu.memory_space<hbm>>
        tpu.enqueue_dma source(%dma_start3A_59 : memref<800xi32, #tpu.memory_space<hbm>>) target(%arg7 : memref<800xi32, #tpu.memory_space<vmem>>) target_semaphore(%run_scoped3A : memref<!tpu.dma_semaphore, #tpu.memory_space<semaphore_mem>>)
        %dma_wait3A_60 = tpu.memref_slice %arg3[%add3A_35] : memref<819200xi32, #tpu.memory_space<hbm>> -> memref<800xi32, #tpu.memory_space<hbm>>
        %dma_wait3A_61 = tpu.memref_slice %arg3[%add3A_35] : memref<819200xi32, #tpu.memory_space<hbm>> -> memref<800xi32, #tpu.memory_space<hbm>>
        tpu.wait_dma2 semaphore(%run_scoped3A : memref<!tpu.dma_semaphore, #tpu.memory_space<semaphore_mem>>) src(%dma_wait3A_61 : memref<800xi32, #tpu.memory_space<hbm>>) dst(%arg7 : memref<800xi32, #tpu.memory_space<vmem>>)
        tpu.yield
      }) : () -> ()
      %add3A_36 = arith.constant 800 : i32
      %add3A_37 = arith.addi %add3A_31, %add3A_36 : i32
      "tpu.region"() ({
        %run_scoped3A = tpu.sem_alloc : memref<!tpu.dma_semaphore, #tpu.memory_space<semaphore_mem>>
        %dma_start3A_58 = tpu.memref_slice %arg4[%add3A_37] : memref<819200xi32, #tpu.memory_space<hbm>> -> memref<800xi32, #tpu.memory_space<hbm>>
        %dma_start3A_59 = tpu.memref_slice %arg4[%add3A_37] : memref<819200xi32, #tpu.memory_space<hbm>> -> memref<800xi32, #tpu.memory_space<hbm>>
        tpu.enqueue_dma source(%dma_start3A_59 : memref<800xi32, #tpu.memory_space<hbm>>) target(%arg9 : memref<800xi32, #tpu.memory_space<vmem>>) target_semaphore(%run_scoped3A : memref<!tpu.dma_semaphore, #tpu.memory_space<semaphore_mem>>)
        %dma_wait3A_60 = tpu.memref_slice %arg4[%add3A_37] : memref<819200xi32, #tpu.memory_space<hbm>> -> memref<800xi32, #tpu.memory_space<hbm>>
        %dma_wait3A_61 = tpu.memref_slice %arg4[%add3A_37] : memref<819200xi32, #tpu.memory_space<hbm>> -> memref<800xi32, #tpu.memory_space<hbm>>
        tpu.wait_dma2 semaphore(%run_scoped3A : memref<!tpu.dma_semaphore, #tpu.memory_space<semaphore_mem>>) src(%dma_wait3A_61 : memref<800xi32, #tpu.memory_space<hbm>>) dst(%arg9 : memref<800xi32, #tpu.memory_space<vmem>>)
        tpu.yield
      }) : () -> ()
      %dma_start3A_38 = arith.constant 0 : i32
      %dma_start3A_39 = arith.constant 0 : i32
      %dma_start3A_40 = tpu.memref_slice %arg2[%dma_start3A_38, %dma_start3A_39] : memref<50176x16xf32, #tpu.memory_space<hbm>> -> memref<50176x16xf32, #tpu.memory_space<hbm>>
      tpu.enqueue_indirect_dma source(%dma_start3A_40 : memref<50176x16xf32, #tpu.memory_space<hbm>>) target(%arg11 : memref<800x16xf32, #tpu.memory_space<vmem>>) offsets(%arg7 : memref<800xi32, #tpu.memory_space<vmem>>) semaphore(%arg13 : memref<!tpu.dma_semaphore, #tpu.memory_space<semaphore_mem>>)
      %dma_wait3A = arith.constant 0 : i32
      %dma_wait3A_41 = arith.constant 0 : i32
      %dma_wait3A_42 = tpu.memref_slice %arg2[%dma_wait3A, %dma_wait3A_41] : memref<50176x16xf32, #tpu.memory_space<hbm>> -> memref<50176x16xf32, #tpu.memory_space<hbm>>
      tpu.wait_indirect_dma semaphore(%arg12 : memref<!tpu.dma_semaphore, #tpu.memory_space<semaphore_mem>>) src(%dma_wait3A_42 : memref<50176x16xf32, #tpu.memory_space<hbm>>) dst(%arg10 : memref<800x16xf32, #tpu.memory_space<vmem>>)
      %dma_start3A_43 = arith.constant 0 : i32
      %dma_start3A_44 = arith.constant 0 : i32
      %dma_start3A_45 = tpu.memref_slice %arg16[%dma_start3A_43, %dma_start3A_44] : memref<50176x16xf32, #tpu.memory_space<vmem_shared>> -> memref<50176x16xf32, #tpu.memory_space<vmem_shared>>
      tpu.enqueue_indirect_dma source(%arg10 : memref<800x16xf32, #tpu.memory_space<vmem>>) target(%dma_start3A_45 : memref<50176x16xf32, #tpu.memory_space<vmem_shared>>) offsets(%arg8 : memref<800xi32, #tpu.memory_space<vmem>>) semaphore(%arg14 : memref<!tpu.dma_semaphore, #tpu.memory_space<semaphore_mem>>) {add = true}
      %dma_wait3A_46 = arith.constant 0 : i32
      %dma_wait3A_47 = arith.constant 0 : i32
      %dma_wait3A_48 = tpu.memref_slice %arg2[%dma_wait3A_46, %dma_wait3A_47] : memref<50176x16xf32, #tpu.memory_space<hbm>> -> memref<50176x16xf32, #tpu.memory_space<hbm>>
      tpu.wait_indirect_dma semaphore(%arg13 : memref<!tpu.dma_semaphore, #tpu.memory_space<semaphore_mem>>) src(%dma_wait3A_48 : memref<50176x16xf32, #tpu.memory_space<hbm>>) dst(%arg11 : memref<800x16xf32, #tpu.memory_space<vmem>>)
      %dma_start3A_49 = arith.constant 0 : i32
      %dma_start3A_50 = arith.constant 0 : i32
      %dma_start3A_51 = tpu.memref_slice %arg16[%dma_start3A_49, %dma_start3A_50] : memref<50176x16xf32, #tpu.memory_space<vmem_shared>> -> memref<50176x16xf32, #tpu.memory_space<vmem_shared>>
      tpu.enqueue_indirect_dma source(%arg11 : memref<800x16xf32, #tpu.memory_space<vmem>>) target(%dma_start3A_51 : memref<50176x16xf32, #tpu.memory_space<vmem_shared>>) offsets(%arg9 : memref<800xi32, #tpu.memory_space<vmem>>) semaphore(%arg15 : memref<!tpu.dma_semaphore, #tpu.memory_space<semaphore_mem>>) {add = true}
      %dma_wait3A_52 = arith.constant 0 : i32
      %dma_wait3A_53 = arith.constant 0 : i32
      %dma_wait3A_54 = tpu.memref_slice %arg16[%dma_wait3A_52, %dma_wait3A_53] : memref<50176x16xf32, #tpu.memory_space<vmem_shared>> -> memref<50176x16xf32, #tpu.memory_space<vmem_shared>>
      tpu.wait_indirect_dma semaphore(%arg14 : memref<!tpu.dma_semaphore, #tpu.memory_space<semaphore_mem>>) src(%arg10 : memref<800x16xf32, #tpu.memory_space<vmem>>) dst(%dma_wait3A_54 : memref<50176x16xf32, #tpu.memory_space<vmem_shared>>)
      %dma_wait3A_55 = arith.constant 0 : i32
      %dma_wait3A_56 = arith.constant 0 : i32
      %dma_wait3A_57 = tpu.memref_slice %arg16[%dma_wait3A_55, %dma_wait3A_56] : memref<50176x16xf32, #tpu.memory_space<vmem_shared>> -> memref<50176x16xf32, #tpu.memory_space<vmem_shared>>
      tpu.wait_indirect_dma semaphore(%arg15 : memref<!tpu.dma_semaphore, #tpu.memory_space<semaphore_mem>>) src(%arg11 : memref<800x16xf32, #tpu.memory_space<vmem>>) dst(%dma_wait3A_57 : memref<50176x16xf32, #tpu.memory_space<vmem_shared>>)
    }
    %scan3A_19 = arith.constant 16 : i32
    %barrier3A_20 = arith.constant 0 : index
    tpu.barrier barrier_id(%barrier3A_20)
    %mul3A_21 = arith.constant 50176 : i32
    %mul3A_22 = arith.muli %arg0, %mul3A_21 : i32
    %add3A_23 = arith.addi %mul3A_22, %mul3A_5 : i32
    "tpu.region"() ({
      %run_scoped3A = tpu.sem_alloc : memref<!tpu.dma_semaphore, #tpu.memory_space<semaphore_mem>>
      %dma_start3A = arith.constant 0 : i32
      %dma_start3A_24 = tpu.memref_slice %arg5[%add3A_23, %dma_start3A] : memref<100352x16xf32, #tpu.memory_space<hbm>> -> memref<3136x16xf32, #tpu.memory_space<hbm>>
      %dma_start3A_25 = arith.constant 0 : i32
      %dma_start3A_26 = tpu.memref_slice %arg16[%mul3A_5, %dma_start3A_25] : memref<50176x16xf32, #tpu.memory_space<vmem_shared>> -> memref<3136x16xf32, #tpu.memory_space<vmem_shared>>
      tpu.enqueue_dma source(%dma_start3A_26 : memref<3136x16xf32, #tpu.memory_space<vmem_shared>>) target(%dma_start3A_24 : memref<3136x16xf32, #tpu.memory_space<hbm>>) target_semaphore(%run_scoped3A : memref<!tpu.dma_semaphore, #tpu.memory_space<semaphore_mem>>)
      %dma_wait3A = arith.constant 0 : i32
      %dma_wait3A_27 = tpu.memref_slice %arg5[%add3A_23, %dma_wait3A] : memref<100352x16xf32, #tpu.memory_space<hbm>> -> memref<3136x16xf32, #tpu.memory_space<hbm>>
      %dma_wait3A_28 = arith.constant 0 : i32
      %dma_wait3A_29 = tpu.memref_slice %arg16[%mul3A_5, %dma_wait3A_28] : memref<50176x16xf32, #tpu.memory_space<vmem_shared>> -> memref<3136x16xf32, #tpu.memory_space<vmem_shared>>
      tpu.wait_dma2 semaphore(%run_scoped3A : memref<!tpu.dma_semaphore, #tpu.memory_space<semaphore_mem>>) src(%dma_wait3A_29 : memref<3136x16xf32, #tpu.memory_space<vmem_shared>>) dst(%dma_wait3A_27 : memref<3136x16xf32, #tpu.memory_space<hbm>>)
      tpu.yield
    }) : () -> ()
    return
  }
}

#map = affine_map<(d0, d1) -> (0, 0)>
#map1 = affine_map<(d0, d1) -> (0)>
module attributes {stable_mosaic.version = 14 : i64} {
  func.func @_agg64_body(%arg0: i32, %arg1: i32, %arg2: memref<100352x32xf32, #tpu.memory_space<hbm>>, %arg3: memref<819200xi32, #tpu.memory_space<hbm>>, %arg4: memref<819200xi32, #tpu.memory_space<hbm>>, %arg5: memref<100352x32xf32, #tpu.memory_space<hbm>>, %arg6: memref<400xi32, #tpu.memory_space<vmem>>, %arg7: memref<400xi32, #tpu.memory_space<vmem>>, %arg8: memref<400xi32, #tpu.memory_space<vmem>>, %arg9: memref<400xi32, #tpu.memory_space<vmem>>, %arg10: memref<400x32xf32, #tpu.memory_space<vmem>>, %arg11: memref<400x32xf32, #tpu.memory_space<vmem>>, %arg12: memref<!tpu.dma_semaphore, #tpu.memory_space<semaphore_mem>>, %arg13: memref<!tpu.dma_semaphore, #tpu.memory_space<semaphore_mem>>, %arg14: memref<!tpu.dma_semaphore, #tpu.memory_space<semaphore_mem>>, %arg15: memref<!tpu.dma_semaphore, #tpu.memory_space<semaphore_mem>>, %arg16: memref<50176x32xf32, #tpu.memory_space<vmem_shared>>) attributes {dimension_semantics = [#tpu.dimension_semantics<core_parallel>, #tpu.dimension_semantics<subcore_parallel>], iteration_bounds = array<i64: 2, 16>, scalar_prefetch = 0 : i64, scratch_operands = 11 : i64, tpu.core_type = #tpu.core_type<sc_vector_subcore>, window_params = [{transform_indices = #map}, {transform_indices = #map1}, {transform_indices = #map1}, {transform_indices = #map}]} {
    %broadcast_in_dim3A = arith.constant 0.000000e+00 : f32
    %broadcast_in_dim3A_0 = vector.broadcast %broadcast_in_dim3A : f32 to vector<16xf32>
    %scan3A = arith.constant 0 : i32
    %scan3A_1 = arith.constant 392 : i32
    %scan3A_2 = arith.addi %scan3A, %scan3A_1 : i32
    %scan3A_3 = arith.constant 1 : i32
    scf.for %scan3A_21 = %scan3A to %scan3A_2 step %scan3A_3  : i32 {
      %mul3A_22 = arith.constant 1 : i32
      %mul3A_23 = arith.muli %scan3A_21, %mul3A_22 : i32
      %add3A_24 = arith.constant 0 : i32
      %add3A_25 = arith.addi %add3A_24, %mul3A_23 : i32
      %scan3A_26 = arith.constant 0 : i32
      %scan3A_27 = arith.constant 2 : i32
      %scan3A_28 = arith.addi %scan3A_26, %scan3A_27 : i32
      %scan3A_29 = arith.constant 1 : i32
      scf.for %scan3A_31 = %scan3A_26 to %scan3A_28 step %scan3A_29  : i32 {
        %mul3A_32 = arith.constant 1 : i32
        %mul3A_33 = arith.muli %scan3A_31, %mul3A_32 : i32
        %add3A_34 = arith.constant 0 : i32
        %add3A_35 = arith.addi %add3A_34, %mul3A_33 : i32
        %mul3A_36 = arith.constant 16 : i32
        %mul3A_37 = arith.muli %add3A_35, %mul3A_36 : i32
        %swap3A = arith.index_cast %add3A_25 : i32 to index
        %swap3A_38 = arith.index_cast %mul3A_37 : i32 to index
        %swap3A_39 = tpu.vector_load %arg10[%swap3A, %swap3A_38] {strides = array<i32>} : memref<400x32xf32, #tpu.memory_space<vmem>>, vector<1x16xf32>,
        %swap3A_40 = vector.shape_cast %swap3A_39 : vector<1x16xf32> to vector<16xf32>
        %swap3A_41 = vector.shape_cast %broadcast_in_dim3A_0 : vector<16xf32> to vector<1x16xf32>
        tpu.vector_store %arg10[%swap3A, %swap3A_38], %swap3A_41 {strides = array<i32>} : memref<400x32xf32, #tpu.memory_space<vmem>>, vector<1x16xf32>,
      }
      %scan3A_30 = arith.constant 2 : i32
    }
    %scan3A_4 = arith.constant 392 : i32
    %mul3A = arith.constant 3136 : i32
    %mul3A_5 = arith.muli %arg1, %mul3A : i32
    %scan3A_6 = arith.constant 0 : i32
    %scan3A_7 = arith.constant 8 : i32
    %scan3A_8 = arith.addi %scan3A_6, %scan3A_7 : i32
    %scan3A_9 = arith.constant 1 : i32
    scf.for %scan3A_21 = %scan3A_6 to %scan3A_8 step %scan3A_9  : i32 {
      %mul3A_22 = arith.constant 1 : i32
      %mul3A_23 = arith.muli %scan3A_21, %mul3A_22 : i32
      %add3A_24 = arith.constant 0 : i32
      %add3A_25 = arith.addi %add3A_24, %mul3A_23 : i32
      %mul3A_26 = arith.constant 392 : i32
      %mul3A_27 = arith.muli %add3A_25, %mul3A_26 : i32
      %add3A_28 = arith.addi %mul3A_5, %mul3A_27 : i32
      "tpu.region"() ({
        %run_scoped3A = tpu.sem_alloc : memref<!tpu.dma_semaphore, #tpu.memory_space<semaphore_mem>>
        %dma_start3A = arith.constant 0 : i32
        %dma_start3A_29 = arith.constant 0 : i32
        %dma_start3A_30 = tpu.memref_slice %arg10[%dma_start3A, %dma_start3A_29] : memref<400x32xf32, #tpu.memory_space<vmem>> -> memref<392x32xf32, #tpu.memory_space<vmem>>
        %dma_start3A_31 = arith.constant 0 : i32
        %dma_start3A_32 = tpu.memref_slice %arg16[%add3A_28, %dma_start3A_31] : memref<50176x32xf32, #tpu.memory_space<vmem_shared>> -> memref<392x32xf32, #tpu.memory_space<vmem_shared>>
        %dma_start3A_33 = arith.constant 0 : i32
        %dma_start3A_34 = tpu.memref_slice %arg16[%add3A_28, %dma_start3A_33] : memref<50176x32xf32, #tpu.memory_space<vmem_shared>> -> memref<392x32xf32, #tpu.memory_space<vmem_shared>>
        %dma_start3A_35 = arith.constant 0 : i32
        %dma_start3A_36 = arith.constant 0 : i32
        %dma_start3A_37 = tpu.memref_slice %arg10[%dma_start3A_35, %dma_start3A_36] : memref<400x32xf32, #tpu.memory_space<vmem>> -> memref<392x32xf32, #tpu.memory_space<vmem>>
        tpu.enqueue_dma source(%dma_start3A_37 : memref<392x32xf32, #tpu.memory_space<vmem>>) target(%dma_start3A_34 : memref<392x32xf32, #tpu.memory_space<vmem_shared>>) target_semaphore(%run_scoped3A : memref<!tpu.dma_semaphore, #tpu.memory_space<semaphore_mem>>)
        %dma_wait3A = arith.constant 0 : i32
        %dma_wait3A_38 = arith.constant 0 : i32
        %dma_wait3A_39 = tpu.memref_slice %arg10[%dma_wait3A, %dma_wait3A_38] : memref<400x32xf32, #tpu.memory_space<vmem>> -> memref<392x32xf32, #tpu.memory_space<vmem>>
        %dma_wait3A_40 = arith.constant 0 : i32
        %dma_wait3A_41 = tpu.memref_slice %arg16[%add3A_28, %dma_wait3A_40] : memref<50176x32xf32, #tpu.memory_space<vmem_shared>> -> memref<392x32xf32, #tpu.memory_space<vmem_shared>>
        %dma_wait3A_42 = arith.constant 0 : i32
        %dma_wait3A_43 = tpu.memref_slice %arg16[%add3A_28, %dma_wait3A_42] : memref<50176x32xf32, #tpu.memory_space<vmem_shared>> -> memref<392x32xf32, #tpu.memory_space<vmem_shared>>
        %dma_wait3A_44 = arith.constant 0 : i32
        %dma_wait3A_45 = arith.constant 0 : i32
        %dma_wait3A_46 = tpu.memref_slice %arg10[%dma_wait3A_44, %dma_wait3A_45] : memref<400x32xf32, #tpu.memory_space<vmem>> -> memref<392x32xf32, #tpu.memory_space<vmem>>
        tpu.wait_dma2 semaphore(%run_scoped3A : memref<!tpu.dma_semaphore, #tpu.memory_space<semaphore_mem>>) src(%dma_wait3A_46 : memref<392x32xf32, #tpu.memory_space<vmem>>) dst(%dma_wait3A_43 : memref<392x32xf32, #tpu.memory_space<vmem_shared>>)
        tpu.yield
      }) : () -> ()
    }
    %scan3A_10 = arith.constant 8 : i32
    %barrier3A = arith.constant 0 : index
    tpu.barrier barrier_id(%barrier3A)
    %mul3A_11 = arith.constant 51200 : i32
    %mul3A_12 = arith.muli %arg1, %mul3A_11 : i32
    %scan3A_13 = arith.constant 0 : i32
    %scan3A_14 = arith.constant 64 : i32
    %scan3A_15 = arith.addi %scan3A_13, %scan3A_14 : i32
    %scan3A_16 = arith.constant 1 : i32
    scf.for %scan3A_21 = %scan3A_13 to %scan3A_15 step %scan3A_16  : i32 {
      %mul3A_22 = arith.constant 1 : i32
      %mul3A_23 = arith.muli %scan3A_21, %mul3A_22 : i32
      %add3A_24 = arith.constant 0 : i32
      %add3A_25 = arith.addi %add3A_24, %mul3A_23 : i32
      %mul3A_26 = arith.constant 800 : i32
      %mul3A_27 = arith.muli %add3A_25, %mul3A_26 : i32
      %add3A_28 = arith.addi %mul3A_12, %mul3A_27 : i32
      "tpu.region"() ({
        %run_scoped3A = tpu.sem_alloc : memref<!tpu.dma_semaphore, #tpu.memory_space<semaphore_mem>>
        %dma_start3A_63 = tpu.memref_slice %arg3[%add3A_28] : memref<819200xi32, #tpu.memory_space<hbm>> -> memref<400xi32, #tpu.memory_space<hbm>>
        %dma_start3A_64 = tpu.memref_slice %arg3[%add3A_28] : memref<819200xi32, #tpu.memory_space<hbm>> -> memref<400xi32, #tpu.memory_space<hbm>>
        tpu.enqueue_dma source(%dma_start3A_64 : memref<400xi32, #tpu.memory_space<hbm>>) target(%arg6 : memref<400xi32, #tpu.memory_space<vmem>>) target_semaphore(%run_scoped3A : memref<!tpu.dma_semaphore, #tpu.memory_space<semaphore_mem>>)
        %dma_wait3A_65 = tpu.memref_slice %arg3[%add3A_28] : memref<819200xi32, #tpu.memory_space<hbm>> -> memref<400xi32, #tpu.memory_space<hbm>>
        %dma_wait3A_66 = tpu.memref_slice %arg3[%add3A_28] : memref<819200xi32, #tpu.memory_space<hbm>> -> memref<400xi32, #tpu.memory_space<hbm>>
        tpu.wait_dma2 semaphore(%run_scoped3A : memref<!tpu.dma_semaphore, #tpu.memory_space<semaphore_mem>>) src(%dma_wait3A_66 : memref<400xi32, #tpu.memory_space<hbm>>) dst(%arg6 : memref<400xi32, #tpu.memory_space<vmem>>)
        tpu.yield
      }) : () -> ()
      "tpu.region"() ({
        %run_scoped3A = tpu.sem_alloc : memref<!tpu.dma_semaphore, #tpu.memory_space<semaphore_mem>>
        %dma_start3A_63 = tpu.memref_slice %arg4[%add3A_28] : memref<819200xi32, #tpu.memory_space<hbm>> -> memref<400xi32, #tpu.memory_space<hbm>>
        %dma_start3A_64 = tpu.memref_slice %arg4[%add3A_28] : memref<819200xi32, #tpu.memory_space<hbm>> -> memref<400xi32, #tpu.memory_space<hbm>>
        tpu.enqueue_dma source(%dma_start3A_64 : memref<400xi32, #tpu.memory_space<hbm>>) target(%arg8 : memref<400xi32, #tpu.memory_space<vmem>>) target_semaphore(%run_scoped3A : memref<!tpu.dma_semaphore, #tpu.memory_space<semaphore_mem>>)
        %dma_wait3A_65 = tpu.memref_slice %arg4[%add3A_28] : memref<819200xi32, #tpu.memory_space<hbm>> -> memref<400xi32, #tpu.memory_space<hbm>>
        %dma_wait3A_66 = tpu.memref_slice %arg4[%add3A_28] : memref<819200xi32, #tpu.memory_space<hbm>> -> memref<400xi32, #tpu.memory_space<hbm>>
        tpu.wait_dma2 semaphore(%run_scoped3A : memref<!tpu.dma_semaphore, #tpu.memory_space<semaphore_mem>>) src(%dma_wait3A_66 : memref<400xi32, #tpu.memory_space<hbm>>) dst(%arg8 : memref<400xi32, #tpu.memory_space<vmem>>)
        tpu.yield
      }) : () -> ()
      %scan3A_29 = arith.constant 0 : i32
      %scan3A_30 = arith.constant 25 : i32
      %scan3A_31 = arith.addi %scan3A_29, %scan3A_30 : i32
      %scan3A_32 = arith.constant 1 : i32
      scf.for %scan3A_63 = %scan3A_29 to %scan3A_31 step %scan3A_32  : i32 {
        %mul3A_64 = arith.constant 1 : i32
        %mul3A_65 = arith.muli %scan3A_63, %mul3A_64 : i32
        %add3A_66 = arith.constant 0 : i32
        %add3A_67 = arith.addi %add3A_66, %mul3A_65 : i32
        %mul3A_68 = arith.constant 16 : i32
        %mul3A_69 = arith.muli %add3A_67, %mul3A_68 : i32
        %get3A = arith.index_cast %mul3A_69 : i32 to index
        %get3A_70 = tpu.vector_load %arg6[%get3A] {strides = array<i32>} : memref<400xi32, #tpu.memory_space<vmem>>, vector<16xi32>,
        %get3A_71 = vector.shape_cast %get3A_70 : vector<16xi32> to vector<16xi32>
        %mul3A_72 = arith.constant 2 : i32
        %mul3A_73 = vector.broadcast %mul3A_72 : i32 to vector<16xi32>
        %mul3A_74 = arith.muli %get3A_71, %mul3A_73 : vector<16xi32>
        %add3A_75 = vector.broadcast %arg0 : i32 to vector<16xi32>
        %add3A_76 = arith.addi %mul3A_74, %add3A_75 : vector<16xi32>
        %mul3A_77 = arith.constant 16 : i32
        %mul3A_78 = arith.muli %add3A_67, %mul3A_77 : i32
        %swap3A = arith.index_cast %mul3A_78 : i32 to index
        %swap3A_79 = tpu.vector_load %arg6[%swap3A] {strides = array<i32>} : memref<400xi32, #tpu.memory_space<vmem>>, vector<16xi32>,
        %swap3A_80 = vector.shape_cast %swap3A_79 : vector<16xi32> to vector<16xi32>
        %swap3A_81 = vector.shape_cast %add3A_76 : vector<16xi32> to vector<16xi32>
        tpu.vector_store %arg6[%swap3A], %swap3A_81 {strides = array<i32>} : memref<400xi32, #tpu.memory_space<vmem>>, vector<16xi32>,
      }
      %scan3A_33 = arith.constant 25 : i32
      %dma_start3A = arith.constant 0 : i32
      %dma_start3A_34 = arith.constant 0 : i32
      %dma_start3A_35 = tpu.memref_slice %arg2[%dma_start3A, %dma_start3A_34] : memref<100352x32xf32, #tpu.memory_space<hbm>> -> memref<100352x32xf32, #tpu.memory_space<hbm>>
      tpu.enqueue_indirect_dma source(%dma_start3A_35 : memref<100352x32xf32, #tpu.memory_space<hbm>>) target(%arg10 : memref<400x32xf32, #tpu.memory_space<vmem>>) offsets(%arg6 : memref<400xi32, #tpu.memory_space<vmem>>) semaphore(%arg12 : memref<!tpu.dma_semaphore, #tpu.memory_space<semaphore_mem>>)
      %add3A_36 = arith.constant 400 : i32
      %add3A_37 = arith.addi %add3A_28, %add3A_36 : i32
      "tpu.region"() ({
        %run_scoped3A = tpu.sem_alloc : memref<!tpu.dma_semaphore, #tpu.memory_space<semaphore_mem>>
        %dma_start3A_63 = tpu.memref_slice %arg3[%add3A_37] : memref<819200xi32, #tpu.memory_space<hbm>> -> memref<400xi32, #tpu.memory_space<hbm>>
        %dma_start3A_64 = tpu.memref_slice %arg3[%add3A_37] : memref<819200xi32, #tpu.memory_space<hbm>> -> memref<400xi32, #tpu.memory_space<hbm>>
        tpu.enqueue_dma source(%dma_start3A_64 : memref<400xi32, #tpu.memory_space<hbm>>) target(%arg7 : memref<400xi32, #tpu.memory_space<vmem>>) target_semaphore(%run_scoped3A : memref<!tpu.dma_semaphore, #tpu.memory_space<semaphore_mem>>)
        %dma_wait3A_65 = tpu.memref_slice %arg3[%add3A_37] : memref<819200xi32, #tpu.memory_space<hbm>> -> memref<400xi32, #tpu.memory_space<hbm>>
        %dma_wait3A_66 = tpu.memref_slice %arg3[%add3A_37] : memref<819200xi32, #tpu.memory_space<hbm>> -> memref<400xi32, #tpu.memory_space<hbm>>
        tpu.wait_dma2 semaphore(%run_scoped3A : memref<!tpu.dma_semaphore, #tpu.memory_space<semaphore_mem>>) src(%dma_wait3A_66 : memref<400xi32, #tpu.memory_space<hbm>>) dst(%arg7 : memref<400xi32, #tpu.memory_space<vmem>>)
        tpu.yield
      }) : () -> ()
      "tpu.region"() ({
        %run_scoped3A = tpu.sem_alloc : memref<!tpu.dma_semaphore, #tpu.memory_space<semaphore_mem>>
        %dma_start3A_63 = tpu.memref_slice %arg4[%add3A_37] : memref<819200xi32, #tpu.memory_space<hbm>> -> memref<400xi32, #tpu.memory_space<hbm>>
        %dma_start3A_64 = tpu.memref_slice %arg4[%add3A_37] : memref<819200xi32, #tpu.memory_space<hbm>> -> memref<400xi32, #tpu.memory_space<hbm>>
        tpu.enqueue_dma source(%dma_start3A_64 : memref<400xi32, #tpu.memory_space<hbm>>) target(%arg9 : memref<400xi32, #tpu.memory_space<vmem>>) target_semaphore(%run_scoped3A : memref<!tpu.dma_semaphore, #tpu.memory_space<semaphore_mem>>)
        %dma_wait3A_65 = tpu.memref_slice %arg4[%add3A_37] : memref<819200xi32, #tpu.memory_space<hbm>> -> memref<400xi32, #tpu.memory_space<hbm>>
        %dma_wait3A_66 = tpu.memref_slice %arg4[%add3A_37] : memref<819200xi32, #tpu.memory_space<hbm>> -> memref<400xi32, #tpu.memory_space<hbm>>
        tpu.wait_dma2 semaphore(%run_scoped3A : memref<!tpu.dma_semaphore, #tpu.memory_space<semaphore_mem>>) src(%dma_wait3A_66 : memref<400xi32, #tpu.memory_space<hbm>>) dst(%arg9 : memref<400xi32, #tpu.memory_space<vmem>>)
        tpu.yield
      }) : () -> ()
      %scan3A_38 = arith.constant 0 : i32
      %scan3A_39 = arith.constant 25 : i32
      %scan3A_40 = arith.addi %scan3A_38, %scan3A_39 : i32
      %scan3A_41 = arith.constant 1 : i32
      scf.for %scan3A_63 = %scan3A_38 to %scan3A_40 step %scan3A_41  : i32 {
        %mul3A_64 = arith.constant 1 : i32
        %mul3A_65 = arith.muli %scan3A_63, %mul3A_64 : i32
        %add3A_66 = arith.constant 0 : i32
        %add3A_67 = arith.addi %add3A_66, %mul3A_65 : i32
        %mul3A_68 = arith.constant 16 : i32
        %mul3A_69 = arith.muli %add3A_67, %mul3A_68 : i32
        %get3A = arith.index_cast %mul3A_69 : i32 to index
        %get3A_70 = tpu.vector_load %arg7[%get3A] {strides = array<i32>} : memref<400xi32, #tpu.memory_space<vmem>>, vector<16xi32>,
        %get3A_71 = vector.shape_cast %get3A_70 : vector<16xi32> to vector<16xi32>
        %mul3A_72 = arith.constant 2 : i32
        %mul3A_73 = vector.broadcast %mul3A_72 : i32 to vector<16xi32>
        %mul3A_74 = arith.muli %get3A_71, %mul3A_73 : vector<16xi32>
        %add3A_75 = vector.broadcast %arg0 : i32 to vector<16xi32>
        %add3A_76 = arith.addi %mul3A_74, %add3A_75 : vector<16xi32>
        %mul3A_77 = arith.constant 16 : i32
        %mul3A_78 = arith.muli %add3A_67, %mul3A_77 : i32
        %swap3A = arith.index_cast %mul3A_78 : i32 to index
        %swap3A_79 = tpu.vector_load %arg7[%swap3A] {strides = array<i32>} : memref<400xi32, #tpu.memory_space<vmem>>, vector<16xi32>,
        %swap3A_80 = vector.shape_cast %swap3A_79 : vector<16xi32> to vector<16xi32>
        %swap3A_81 = vector.shape_cast %add3A_76 : vector<16xi32> to vector<16xi32>
        tpu.vector_store %arg7[%swap3A], %swap3A_81 {strides = array<i32>} : memref<400xi32, #tpu.memory_space<vmem>>, vector<16xi32>,
      }
      %scan3A_42 = arith.constant 25 : i32
      %dma_start3A_43 = arith.constant 0 : i32
      %dma_start3A_44 = arith.constant 0 : i32
      %dma_start3A_45 = tpu.memref_slice %arg2[%dma_start3A_43, %dma_start3A_44] : memref<100352x32xf32, #tpu.memory_space<hbm>> -> memref<100352x32xf32, #tpu.memory_space<hbm>>
      tpu.enqueue_indirect_dma source(%dma_start3A_45 : memref<100352x32xf32, #tpu.memory_space<hbm>>) target(%arg11 : memref<400x32xf32, #tpu.memory_space<vmem>>) offsets(%arg7 : memref<400xi32, #tpu.memory_space<vmem>>) semaphore(%arg13 : memref<!tpu.dma_semaphore, #tpu.memory_space<semaphore_mem>>)
      %dma_wait3A = arith.constant 0 : i32
      %dma_wait3A_46 = arith.constant 0 : i32
      %dma_wait3A_47 = tpu.memref_slice %arg2[%dma_wait3A, %dma_wait3A_46] : memref<100352x32xf32, #tpu.memory_space<hbm>> -> memref<100352x32xf32, #tpu.memory_space<hbm>>
      tpu.wait_indirect_dma semaphore(%arg12 : memref<!tpu.dma_semaphore, #tpu.memory_space<semaphore_mem>>) src(%dma_wait3A_47 : memref<100352x32xf32, #tpu.memory_space<hbm>>) dst(%arg10 : memref<400x32xf32, #tpu.memory_space<vmem>>)
      %dma_start3A_48 = arith.constant 0 : i32
      %dma_start3A_49 = arith.constant 0 : i32
      %dma_start3A_50 = tpu.memref_slice %arg16[%dma_start3A_48, %dma_start3A_49] : memref<50176x32xf32, #tpu.memory_space<vmem_shared>> -> memref<50176x32xf32, #tpu.memory_space<vmem_shared>>
      tpu.enqueue_indirect_dma source(%arg10 : memref<400x32xf32, #tpu.memory_space<vmem>>) target(%dma_start3A_50 : memref<50176x32xf32, #tpu.memory_space<vmem_shared>>) offsets(%arg8 : memref<400xi32, #tpu.memory_space<vmem>>) semaphore(%arg14 : memref<!tpu.dma_semaphore, #tpu.memory_space<semaphore_mem>>) {add = true}
      %dma_wait3A_51 = arith.constant 0 : i32
      %dma_wait3A_52 = arith.constant 0 : i32
      %dma_wait3A_53 = tpu.memref_slice %arg2[%dma_wait3A_51, %dma_wait3A_52] : memref<100352x32xf32, #tpu.memory_space<hbm>> -> memref<100352x32xf32, #tpu.memory_space<hbm>>
      tpu.wait_indirect_dma semaphore(%arg13 : memref<!tpu.dma_semaphore, #tpu.memory_space<semaphore_mem>>) src(%dma_wait3A_53 : memref<100352x32xf32, #tpu.memory_space<hbm>>) dst(%arg11 : memref<400x32xf32, #tpu.memory_space<vmem>>)
      %dma_start3A_54 = arith.constant 0 : i32
      %dma_start3A_55 = arith.constant 0 : i32
      %dma_start3A_56 = tpu.memref_slice %arg16[%dma_start3A_54, %dma_start3A_55] : memref<50176x32xf32, #tpu.memory_space<vmem_shared>> -> memref<50176x32xf32, #tpu.memory_space<vmem_shared>>
      tpu.enqueue_indirect_dma source(%arg11 : memref<400x32xf32, #tpu.memory_space<vmem>>) target(%dma_start3A_56 : memref<50176x32xf32, #tpu.memory_space<vmem_shared>>) offsets(%arg9 : memref<400xi32, #tpu.memory_space<vmem>>) semaphore(%arg15 : memref<!tpu.dma_semaphore, #tpu.memory_space<semaphore_mem>>) {add = true}
      %dma_wait3A_57 = arith.constant 0 : i32
      %dma_wait3A_58 = arith.constant 0 : i32
      %dma_wait3A_59 = tpu.memref_slice %arg16[%dma_wait3A_57, %dma_wait3A_58] : memref<50176x32xf32, #tpu.memory_space<vmem_shared>> -> memref<50176x32xf32, #tpu.memory_space<vmem_shared>>
      tpu.wait_indirect_dma semaphore(%arg14 : memref<!tpu.dma_semaphore, #tpu.memory_space<semaphore_mem>>) src(%arg10 : memref<400x32xf32, #tpu.memory_space<vmem>>) dst(%dma_wait3A_59 : memref<50176x32xf32, #tpu.memory_space<vmem_shared>>)
      %dma_wait3A_60 = arith.constant 0 : i32
      %dma_wait3A_61 = arith.constant 0 : i32
      %dma_wait3A_62 = tpu.memref_slice %arg16[%dma_wait3A_60, %dma_wait3A_61] : memref<50176x32xf32, #tpu.memory_space<vmem_shared>> -> memref<50176x32xf32, #tpu.memory_space<vmem_shared>>
      tpu.wait_indirect_dma semaphore(%arg15 : memref<!tpu.dma_semaphore, #tpu.memory_space<semaphore_mem>>) src(%arg11 : memref<400x32xf32, #tpu.memory_space<vmem>>) dst(%dma_wait3A_62 : memref<50176x32xf32, #tpu.memory_space<vmem_shared>>)
    }
    %scan3A_17 = arith.constant 64 : i32
    %barrier3A_18 = arith.constant 0 : index
    tpu.barrier barrier_id(%barrier3A_18)
    %mul3A_19 = arith.constant 50176 : i32
    %mul3A_20 = arith.muli %arg0, %mul3A_19 : i32
    %add3A = arith.addi %mul3A_20, %mul3A_5 : i32
    "tpu.region"() ({
      %run_scoped3A = tpu.sem_alloc : memref<!tpu.dma_semaphore, #tpu.memory_space<semaphore_mem>>
      %dma_start3A = arith.constant 0 : i32
      %dma_start3A_21 = tpu.memref_slice %arg5[%add3A, %dma_start3A] : memref<100352x32xf32, #tpu.memory_space<hbm>> -> memref<3136x32xf32, #tpu.memory_space<hbm>>
      %dma_start3A_22 = arith.constant 0 : i32
      %dma_start3A_23 = tpu.memref_slice %arg16[%mul3A_5, %dma_start3A_22] : memref<50176x32xf32, #tpu.memory_space<vmem_shared>> -> memref<3136x32xf32, #tpu.memory_space<vmem_shared>>
      tpu.enqueue_dma source(%dma_start3A_23 : memref<3136x32xf32, #tpu.memory_space<vmem_shared>>) target(%dma_start3A_21 : memref<3136x32xf32, #tpu.memory_space<hbm>>) target_semaphore(%run_scoped3A : memref<!tpu.dma_semaphore, #tpu.memory_space<semaphore_mem>>)
      %dma_wait3A = arith.constant 0 : i32
      %dma_wait3A_24 = tpu.memref_slice %arg5[%add3A, %dma_wait3A] : memref<100352x32xf32, #tpu.memory_space<hbm>> -> memref<3136x32xf32, #tpu.memory_space<hbm>>
      %dma_wait3A_25 = arith.constant 0 : i32
      %dma_wait3A_26 = tpu.memref_slice %arg16[%mul3A_5, %dma_wait3A_25] : memref<50176x32xf32, #tpu.memory_space<vmem_shared>> -> memref<3136x32xf32, #tpu.memory_space<vmem_shared>>
      tpu.wait_dma2 semaphore(%run_scoped3A : memref<!tpu.dma_semaphore, #tpu.memory_space<semaphore_mem>>) src(%dma_wait3A_26 : memref<3136x32xf32, #tpu.memory_space<vmem_shared>>) dst(%dma_wait3A_24 : memref<3136x32xf32, #tpu.memory_space<hbm>>)
      tpu.yield
    }) : () -> ()
    return
  }
}

#map = affine_map<(d0, d1) -> (0, 0)>
#map1 = affine_map<(d0, d1) -> (0)>
module attributes {stable_mosaic.version = 14 : i64} {
  func.func @_agg1_body(%arg0: i32, %arg1: i32, %arg2: memref<50176x16xf32, #tpu.memory_space<hbm>>, %arg3: memref<819200xi32, #tpu.memory_space<hbm>>, %arg4: memref<819200xi32, #tpu.memory_space<hbm>>, %arg5: memref<100352x16xf32, #tpu.memory_space<hbm>>, %arg6: memref<800xi32, #tpu.memory_space<vmem>>, %arg7: memref<800xi32, #tpu.memory_space<vmem>>, %arg8: memref<800xi32, #tpu.memory_space<vmem>>, %arg9: memref<800xi32, #tpu.memory_space<vmem>>, %arg10: memref<800x16xf32, #tpu.memory_space<vmem>>, %arg11: memref<800x16xf32, #tpu.memory_space<vmem>>, %arg12: memref<!tpu.dma_semaphore, #tpu.memory_space<semaphore_mem>>, %arg13: memref<!tpu.dma_semaphore, #tpu.memory_space<semaphore_mem>>, %arg14: memref<!tpu.dma_semaphore, #tpu.memory_space<semaphore_mem>>, %arg15: memref<!tpu.dma_semaphore, #tpu.memory_space<semaphore_mem>>, %arg16: memref<50176x16xf32, #tpu.memory_space<vmem_shared>>) attributes {dimension_semantics = [#tpu.dimension_semantics<core_parallel>, #tpu.dimension_semantics<subcore_parallel>], iteration_bounds = array<i64: 2, 16>, scalar_prefetch = 0 : i64, scratch_operands = 11 : i64, tpu.core_type = #tpu.core_type<sc_vector_subcore>, window_params = [{transform_indices = #map}, {transform_indices = #map1}, {transform_indices = #map1}, {transform_indices = #map}]} {
    %broadcast_in_dim3A = arith.constant 0.000000e+00 : f32
    %broadcast_in_dim3A_0 = vector.broadcast %broadcast_in_dim3A : f32 to vector<16xf32>
    %scan3A = arith.constant 0 : i32
    %scan3A_1 = arith.constant 392 : i32
    %scan3A_2 = arith.addi %scan3A, %scan3A_1 : i32
    %scan3A_3 = arith.constant 1 : i32
    scf.for %scan3A_24 = %scan3A to %scan3A_2 step %scan3A_3  : i32 {
      %mul3A_25 = arith.constant 1 : i32
      %mul3A_26 = arith.muli %scan3A_24, %mul3A_25 : i32
      %add3A_27 = arith.constant 0 : i32
      %add3A_28 = arith.addi %add3A_27, %mul3A_26 : i32
      %scan3A_29 = arith.constant 0 : i32
      %mul3A_30 = arith.constant 1 : i32
      %mul3A_31 = arith.muli %scan3A_29, %mul3A_30 : i32
      %add3A_32 = arith.constant 0 : i32
      %add3A_33 = arith.addi %add3A_32, %mul3A_31 : i32
      %mul3A_34 = arith.constant 16 : i32
      %mul3A_35 = arith.muli %add3A_33, %mul3A_34 : i32
      %swap3A = arith.index_cast %add3A_28 : i32 to index
      %swap3A_36 = arith.index_cast %mul3A_35 : i32 to index
      %swap3A_37 = tpu.vector_load %arg10[%swap3A, %swap3A_36] {strides = array<i32>} : memref<800x16xf32, #tpu.memory_space<vmem>>, vector<1x16xf32>,
      %swap3A_38 = vector.shape_cast %swap3A_37 : vector<1x16xf32> to vector<16xf32>
      %swap3A_39 = vector.shape_cast %broadcast_in_dim3A_0 : vector<16xf32> to vector<1x16xf32>
      tpu.vector_store %arg10[%swap3A, %swap3A_36], %swap3A_39 {strides = array<i32>} : memref<800x16xf32, #tpu.memory_space<vmem>>, vector<1x16xf32>,
      %scan3A_40 = arith.constant 1 : i32
    }
    %scan3A_4 = arith.constant 392 : i32
    %mul3A = arith.constant 3136 : i32
    %mul3A_5 = arith.muli %arg1, %mul3A : i32
    %scan3A_6 = arith.constant 0 : i32
    %scan3A_7 = arith.constant 8 : i32
    %scan3A_8 = arith.addi %scan3A_6, %scan3A_7 : i32
    %scan3A_9 = arith.constant 1 : i32
    scf.for %scan3A_24 = %scan3A_6 to %scan3A_8 step %scan3A_9  : i32 {
      %mul3A_25 = arith.constant 1 : i32
      %mul3A_26 = arith.muli %scan3A_24, %mul3A_25 : i32
      %add3A_27 = arith.constant 0 : i32
      %add3A_28 = arith.addi %add3A_27, %mul3A_26 : i32
      %mul3A_29 = arith.constant 392 : i32
      %mul3A_30 = arith.muli %add3A_28, %mul3A_29 : i32
      %add3A_31 = arith.addi %mul3A_5, %mul3A_30 : i32
      "tpu.region"() ({
        %run_scoped3A = tpu.sem_alloc : memref<!tpu.dma_semaphore, #tpu.memory_space<semaphore_mem>>
        %dma_start3A = arith.constant 0 : i32
        %dma_start3A_32 = arith.constant 0 : i32
        %dma_start3A_33 = tpu.memref_slice %arg10[%dma_start3A, %dma_start3A_32] : memref<800x16xf32, #tpu.memory_space<vmem>> -> memref<392x16xf32, #tpu.memory_space<vmem>>
        %dma_start3A_34 = arith.constant 0 : i32
        %dma_start3A_35 = tpu.memref_slice %arg16[%add3A_31, %dma_start3A_34] : memref<50176x16xf32, #tpu.memory_space<vmem_shared>> -> memref<392x16xf32, #tpu.memory_space<vmem_shared>>
        %dma_start3A_36 = arith.constant 0 : i32
        %dma_start3A_37 = tpu.memref_slice %arg16[%add3A_31, %dma_start3A_36] : memref<50176x16xf32, #tpu.memory_space<vmem_shared>> -> memref<392x16xf32, #tpu.memory_space<vmem_shared>>
        %dma_start3A_38 = arith.constant 0 : i32
        %dma_start3A_39 = arith.constant 0 : i32
        %dma_start3A_40 = tpu.memref_slice %arg10[%dma_start3A_38, %dma_start3A_39] : memref<800x16xf32, #tpu.memory_space<vmem>> -> memref<392x16xf32, #tpu.memory_space<vmem>>
        tpu.enqueue_dma source(%dma_start3A_40 : memref<392x16xf32, #tpu.memory_space<vmem>>) target(%dma_start3A_37 : memref<392x16xf32, #tpu.memory_space<vmem_shared>>) target_semaphore(%run_scoped3A : memref<!tpu.dma_semaphore, #tpu.memory_space<semaphore_mem>>)
        %dma_wait3A = arith.constant 0 : i32
        %dma_wait3A_41 = arith.constant 0 : i32
        %dma_wait3A_42 = tpu.memref_slice %arg10[%dma_wait3A, %dma_wait3A_41] : memref<800x16xf32, #tpu.memory_space<vmem>> -> memref<392x16xf32, #tpu.memory_space<vmem>>
        %dma_wait3A_43 = arith.constant 0 : i32
        %dma_wait3A_44 = tpu.memref_slice %arg16[%add3A_31, %dma_wait3A_43] : memref<50176x16xf32, #tpu.memory_space<vmem_shared>> -> memref<392x16xf32, #tpu.memory_space<vmem_shared>>
        %dma_wait3A_45 = arith.constant 0 : i32
        %dma_wait3A_46 = tpu.memref_slice %arg16[%add3A_31, %dma_wait3A_45] : memref<50176x16xf32, #tpu.memory_space<vmem_shared>> -> memref<392x16xf32, #tpu.memory_space<vmem_shared>>
        %dma_wait3A_47 = arith.constant 0 : i32
        %dma_wait3A_48 = arith.constant 0 : i32
        %dma_wait3A_49 = tpu.memref_slice %arg10[%dma_wait3A_47, %dma_wait3A_48] : memref<800x16xf32, #tpu.memory_space<vmem>> -> memref<392x16xf32, #tpu.memory_space<vmem>>
        tpu.wait_dma2 semaphore(%run_scoped3A : memref<!tpu.dma_semaphore, #tpu.memory_space<semaphore_mem>>) src(%dma_wait3A_49 : memref<392x16xf32, #tpu.memory_space<vmem>>) dst(%dma_wait3A_46 : memref<392x16xf32, #tpu.memory_space<vmem_shared>>)
        tpu.yield
      }) : () -> ()
    }
    %scan3A_10 = arith.constant 8 : i32
    %barrier3A = arith.constant 0 : index
    tpu.barrier barrier_id(%barrier3A)
    %mul3A_11 = arith.constant 16 : i32
    %mul3A_12 = arith.muli %arg0, %mul3A_11 : i32
    %add3A = arith.addi %mul3A_12, %arg1 : i32
    %mul3A_13 = arith.constant 25600 : i32
    %mul3A_14 = arith.muli %add3A, %mul3A_13 : i32
    %scan3A_15 = arith.constant 0 : i32
    %scan3A_16 = arith.constant 16 : i32
    %scan3A_17 = arith.addi %scan3A_15, %scan3A_16 : i32
    %scan3A_18 = arith.constant 1 : i32
    scf.for %scan3A_24 = %scan3A_15 to %scan3A_17 step %scan3A_18  : i32 {
      %mul3A_25 = arith.constant 1 : i32
      %mul3A_26 = arith.muli %scan3A_24, %mul3A_25 : i32
      %add3A_27 = arith.constant 0 : i32
      %add3A_28 = arith.addi %add3A_27, %mul3A_26 : i32
      %mul3A_29 = arith.constant 1600 : i32
      %mul3A_30 = arith.muli %add3A_28, %mul3A_29 : i32
      %add3A_31 = arith.addi %mul3A_14, %mul3A_30 : i32
      "tpu.region"() ({
        %run_scoped3A = tpu.sem_alloc : memref<!tpu.dma_semaphore, #tpu.memory_space<semaphore_mem>>
        %dma_start3A_58 = tpu.memref_slice %arg3[%add3A_31] : memref<819200xi32, #tpu.memory_space<hbm>> -> memref<800xi32, #tpu.memory_space<hbm>>
        %dma_start3A_59 = tpu.memref_slice %arg3[%add3A_31] : memref<819200xi32, #tpu.memory_space<hbm>> -> memref<800xi32, #tpu.memory_space<hbm>>
        tpu.enqueue_dma source(%dma_start3A_59 : memref<800xi32, #tpu.memory_space<hbm>>) target(%arg6 : memref<800xi32, #tpu.memory_space<vmem>>) target_semaphore(%run_scoped3A : memref<!tpu.dma_semaphore, #tpu.memory_space<semaphore_mem>>)
        %dma_wait3A_60 = tpu.memref_slice %arg3[%add3A_31] : memref<819200xi32, #tpu.memory_space<hbm>> -> memref<800xi32, #tpu.memory_space<hbm>>
        %dma_wait3A_61 = tpu.memref_slice %arg3[%add3A_31] : memref<819200xi32, #tpu.memory_space<hbm>> -> memref<800xi32, #tpu.memory_space<hbm>>
        tpu.wait_dma2 semaphore(%run_scoped3A : memref<!tpu.dma_semaphore, #tpu.memory_space<semaphore_mem>>) src(%dma_wait3A_61 : memref<800xi32, #tpu.memory_space<hbm>>) dst(%arg6 : memref<800xi32, #tpu.memory_space<vmem>>)
        tpu.yield
      }) : () -> ()
      "tpu.region"() ({
        %run_scoped3A = tpu.sem_alloc : memref<!tpu.dma_semaphore, #tpu.memory_space<semaphore_mem>>
        %dma_start3A_58 = tpu.memref_slice %arg4[%add3A_31] : memref<819200xi32, #tpu.memory_space<hbm>> -> memref<800xi32, #tpu.memory_space<hbm>>
        %dma_start3A_59 = tpu.memref_slice %arg4[%add3A_31] : memref<819200xi32, #tpu.memory_space<hbm>> -> memref<800xi32, #tpu.memory_space<hbm>>
        tpu.enqueue_dma source(%dma_start3A_59 : memref<800xi32, #tpu.memory_space<hbm>>) target(%arg8 : memref<800xi32, #tpu.memory_space<vmem>>) target_semaphore(%run_scoped3A : memref<!tpu.dma_semaphore, #tpu.memory_space<semaphore_mem>>)
        %dma_wait3A_60 = tpu.memref_slice %arg4[%add3A_31] : memref<819200xi32, #tpu.memory_space<hbm>> -> memref<800xi32, #tpu.memory_space<hbm>>
        %dma_wait3A_61 = tpu.memref_slice %arg4[%add3A_31] : memref<819200xi32, #tpu.memory_space<hbm>> -> memref<800xi32, #tpu.memory_space<hbm>>
        tpu.wait_dma2 semaphore(%run_scoped3A : memref<!tpu.dma_semaphore, #tpu.memory_space<semaphore_mem>>) src(%dma_wait3A_61 : memref<800xi32, #tpu.memory_space<hbm>>) dst(%arg8 : memref<800xi32, #tpu.memory_space<vmem>>)
        tpu.yield
      }) : () -> ()
      %dma_start3A = arith.constant 0 : i32
      %dma_start3A_32 = arith.constant 0 : i32
      %dma_start3A_33 = tpu.memref_slice %arg2[%dma_start3A, %dma_start3A_32] : memref<50176x16xf32, #tpu.memory_space<hbm>> -> memref<50176x16xf32, #tpu.memory_space<hbm>>
      tpu.enqueue_indirect_dma source(%dma_start3A_33 : memref<50176x16xf32, #tpu.memory_space<hbm>>) target(%arg10 : memref<800x16xf32, #tpu.memory_space<vmem>>) offsets(%arg6 : memref<800xi32, #tpu.memory_space<vmem>>) semaphore(%arg12 : memref<!tpu.dma_semaphore, #tpu.memory_space<semaphore_mem>>)
      %add3A_34 = arith.constant 800 : i32
      %add3A_35 = arith.addi %add3A_31, %add3A_34 : i32
      "tpu.region"() ({
        %run_scoped3A = tpu.sem_alloc : memref<!tpu.dma_semaphore, #tpu.memory_space<semaphore_mem>>
        %dma_start3A_58 = tpu.memref_slice %arg3[%add3A_35] : memref<819200xi32, #tpu.memory_space<hbm>> -> memref<800xi32, #tpu.memory_space<hbm>>
        %dma_start3A_59 = tpu.memref_slice %arg3[%add3A_35] : memref<819200xi32, #tpu.memory_space<hbm>> -> memref<800xi32, #tpu.memory_space<hbm>>
        tpu.enqueue_dma source(%dma_start3A_59 : memref<800xi32, #tpu.memory_space<hbm>>) target(%arg7 : memref<800xi32, #tpu.memory_space<vmem>>) target_semaphore(%run_scoped3A : memref<!tpu.dma_semaphore, #tpu.memory_space<semaphore_mem>>)
        %dma_wait3A_60 = tpu.memref_slice %arg3[%add3A_35] : memref<819200xi32, #tpu.memory_space<hbm>> -> memref<800xi32, #tpu.memory_space<hbm>>
        %dma_wait3A_61 = tpu.memref_slice %arg3[%add3A_35] : memref<819200xi32, #tpu.memory_space<hbm>> -> memref<800xi32, #tpu.memory_space<hbm>>
        tpu.wait_dma2 semaphore(%run_scoped3A : memref<!tpu.dma_semaphore, #tpu.memory_space<semaphore_mem>>) src(%dma_wait3A_61 : memref<800xi32, #tpu.memory_space<hbm>>) dst(%arg7 : memref<800xi32, #tpu.memory_space<vmem>>)
        tpu.yield
      }) : () -> ()
      %add3A_36 = arith.constant 800 : i32
      %add3A_37 = arith.addi %add3A_31, %add3A_36 : i32
      "tpu.region"() ({
        %run_scoped3A = tpu.sem_alloc : memref<!tpu.dma_semaphore, #tpu.memory_space<semaphore_mem>>
        %dma_start3A_58 = tpu.memref_slice %arg4[%add3A_37] : memref<819200xi32, #tpu.memory_space<hbm>> -> memref<800xi32, #tpu.memory_space<hbm>>
        %dma_start3A_59 = tpu.memref_slice %arg4[%add3A_37] : memref<819200xi32, #tpu.memory_space<hbm>> -> memref<800xi32, #tpu.memory_space<hbm>>
        tpu.enqueue_dma source(%dma_start3A_59 : memref<800xi32, #tpu.memory_space<hbm>>) target(%arg9 : memref<800xi32, #tpu.memory_space<vmem>>) target_semaphore(%run_scoped3A : memref<!tpu.dma_semaphore, #tpu.memory_space<semaphore_mem>>)
        %dma_wait3A_60 = tpu.memref_slice %arg4[%add3A_37] : memref<819200xi32, #tpu.memory_space<hbm>> -> memref<800xi32, #tpu.memory_space<hbm>>
        %dma_wait3A_61 = tpu.memref_slice %arg4[%add3A_37] : memref<819200xi32, #tpu.memory_space<hbm>> -> memref<800xi32, #tpu.memory_space<hbm>>
        tpu.wait_dma2 semaphore(%run_scoped3A : memref<!tpu.dma_semaphore, #tpu.memory_space<semaphore_mem>>) src(%dma_wait3A_61 : memref<800xi32, #tpu.memory_space<hbm>>) dst(%arg9 : memref<800xi32, #tpu.memory_space<vmem>>)
        tpu.yield
      }) : () -> ()
      %dma_start3A_38 = arith.constant 0 : i32
      %dma_start3A_39 = arith.constant 0 : i32
      %dma_start3A_40 = tpu.memref_slice %arg2[%dma_start3A_38, %dma_start3A_39] : memref<50176x16xf32, #tpu.memory_space<hbm>> -> memref<50176x16xf32, #tpu.memory_space<hbm>>
      tpu.enqueue_indirect_dma source(%dma_start3A_40 : memref<50176x16xf32, #tpu.memory_space<hbm>>) target(%arg11 : memref<800x16xf32, #tpu.memory_space<vmem>>) offsets(%arg7 : memref<800xi32, #tpu.memory_space<vmem>>) semaphore(%arg13 : memref<!tpu.dma_semaphore, #tpu.memory_space<semaphore_mem>>)
      %dma_wait3A = arith.constant 0 : i32
      %dma_wait3A_41 = arith.constant 0 : i32
      %dma_wait3A_42 = tpu.memref_slice %arg2[%dma_wait3A, %dma_wait3A_41] : memref<50176x16xf32, #tpu.memory_space<hbm>> -> memref<50176x16xf32, #tpu.memory_space<hbm>>
      tpu.wait_indirect_dma semaphore(%arg12 : memref<!tpu.dma_semaphore, #tpu.memory_space<semaphore_mem>>) src(%dma_wait3A_42 : memref<50176x16xf32, #tpu.memory_space<hbm>>) dst(%arg10 : memref<800x16xf32, #tpu.memory_space<vmem>>)
      %dma_start3A_43 = arith.constant 0 : i32
      %dma_start3A_44 = arith.constant 0 : i32
      %dma_start3A_45 = tpu.memref_slice %arg16[%dma_start3A_43, %dma_start3A_44] : memref<50176x16xf32, #tpu.memory_space<vmem_shared>> -> memref<50176x16xf32, #tpu.memory_space<vmem_shared>>
      tpu.enqueue_indirect_dma source(%arg10 : memref<800x16xf32, #tpu.memory_space<vmem>>) target(%dma_start3A_45 : memref<50176x16xf32, #tpu.memory_space<vmem_shared>>) offsets(%arg8 : memref<800xi32, #tpu.memory_space<vmem>>) semaphore(%arg14 : memref<!tpu.dma_semaphore, #tpu.memory_space<semaphore_mem>>) {add = true}
      %dma_wait3A_46 = arith.constant 0 : i32
      %dma_wait3A_47 = arith.constant 0 : i32
      %dma_wait3A_48 = tpu.memref_slice %arg2[%dma_wait3A_46, %dma_wait3A_47] : memref<50176x16xf32, #tpu.memory_space<hbm>> -> memref<50176x16xf32, #tpu.memory_space<hbm>>
      tpu.wait_indirect_dma semaphore(%arg13 : memref<!tpu.dma_semaphore, #tpu.memory_space<semaphore_mem>>) src(%dma_wait3A_48 : memref<50176x16xf32, #tpu.memory_space<hbm>>) dst(%arg11 : memref<800x16xf32, #tpu.memory_space<vmem>>)
      %dma_start3A_49 = arith.constant 0 : i32
      %dma_start3A_50 = arith.constant 0 : i32
      %dma_start3A_51 = tpu.memref_slice %arg16[%dma_start3A_49, %dma_start3A_50] : memref<50176x16xf32, #tpu.memory_space<vmem_shared>> -> memref<50176x16xf32, #tpu.memory_space<vmem_shared>>
      tpu.enqueue_indirect_dma source(%arg11 : memref<800x16xf32, #tpu.memory_space<vmem>>) target(%dma_start3A_51 : memref<50176x16xf32, #tpu.memory_space<vmem_shared>>) offsets(%arg9 : memref<800xi32, #tpu.memory_space<vmem>>) semaphore(%arg15 : memref<!tpu.dma_semaphore, #tpu.memory_space<semaphore_mem>>) {add = true}
      %dma_wait3A_52 = arith.constant 0 : i32
      %dma_wait3A_53 = arith.constant 0 : i32
      %dma_wait3A_54 = tpu.memref_slice %arg16[%dma_wait3A_52, %dma_wait3A_53] : memref<50176x16xf32, #tpu.memory_space<vmem_shared>> -> memref<50176x16xf32, #tpu.memory_space<vmem_shared>>
      tpu.wait_indirect_dma semaphore(%arg14 : memref<!tpu.dma_semaphore, #tpu.memory_space<semaphore_mem>>) src(%arg10 : memref<800x16xf32, #tpu.memory_space<vmem>>) dst(%dma_wait3A_54 : memref<50176x16xf32, #tpu.memory_space<vmem_shared>>)
      %dma_wait3A_55 = arith.constant 0 : i32
      %dma_wait3A_56 = arith.constant 0 : i32
      %dma_wait3A_57 = tpu.memref_slice %arg16[%dma_wait3A_55, %dma_wait3A_56] : memref<50176x16xf32, #tpu.memory_space<vmem_shared>> -> memref<50176x16xf32, #tpu.memory_space<vmem_shared>>
      tpu.wait_indirect_dma semaphore(%arg15 : memref<!tpu.dma_semaphore, #tpu.memory_space<semaphore_mem>>) src(%arg11 : memref<800x16xf32, #tpu.memory_space<vmem>>) dst(%dma_wait3A_57 : memref<50176x16xf32, #tpu.memory_space<vmem_shared>>)
    }
    %scan3A_19 = arith.constant 16 : i32
    %barrier3A_20 = arith.constant 0 : index
    tpu.barrier barrier_id(%barrier3A_20)
    %mul3A_21 = arith.constant 50176 : i32
    %mul3A_22 = arith.muli %arg0, %mul3A_21 : i32
    %add3A_23 = arith.addi %mul3A_22, %mul3A_5 : i32
    "tpu.region"() ({
      %run_scoped3A = tpu.sem_alloc : memref<!tpu.dma_semaphore, #tpu.memory_space<semaphore_mem>>
      %dma_start3A = arith.constant 0 : i32
      %dma_start3A_24 = tpu.memref_slice %arg5[%add3A_23, %dma_start3A] : memref<100352x16xf32, #tpu.memory_space<hbm>> -> memref<3136x16xf32, #tpu.memory_space<hbm>>
      %dma_start3A_25 = arith.constant 0 : i32
      %dma_start3A_26 = tpu.memref_slice %arg16[%mul3A_5, %dma_start3A_25] : memref<50176x16xf32, #tpu.memory_space<vmem_shared>> -> memref<3136x16xf32, #tpu.memory_space<vmem_shared>>
      tpu.enqueue_dma source(%dma_start3A_26 : memref<3136x16xf32, #tpu.memory_space<vmem_shared>>) target(%dma_start3A_24 : memref<3136x16xf32, #tpu.memory_space<hbm>>) target_semaphore(%run_scoped3A : memref<!tpu.dma_semaphore, #tpu.memory_space<semaphore_mem>>)
      %dma_wait3A = arith.constant 0 : i32
      %dma_wait3A_27 = tpu.memref_slice %arg5[%add3A_23, %dma_wait3A] : memref<100352x16xf32, #tpu.memory_space<hbm>> -> memref<3136x16xf32, #tpu.memory_space<hbm>>
      %dma_wait3A_28 = arith.constant 0 : i32
      %dma_wait3A_29 = tpu.memref_slice %arg16[%mul3A_5, %dma_wait3A_28] : memref<50176x16xf32, #tpu.memory_space<vmem_shared>> -> memref<3136x16xf32, #tpu.memory_space<vmem_shared>>
      tpu.wait_dma2 semaphore(%run_scoped3A : memref<!tpu.dma_semaphore, #tpu.memory_space<semaphore_mem>>) src(%dma_wait3A_29 : memref<3136x16xf32, #tpu.memory_space<vmem_shared>>) dst(%dma_wait3A_27 : memref<3136x16xf32, #tpu.memory_space<hbm>>)
      tpu.yield
    }) : () -> ()
    return
  }
}

#map = affine_map<(d0, d1) -> (0, 0)>
#map1 = affine_map<(d0, d1) -> (0)>
module attributes {stable_mosaic.version = 14 : i64} {
  func.func @_agg64_body(%arg0: i32, %arg1: i32, %arg2: memref<100352x32xf32, #tpu.memory_space<hbm>>, %arg3: memref<819200xi32, #tpu.memory_space<hbm>>, %arg4: memref<819200xi32, #tpu.memory_space<hbm>>, %arg5: memref<100352x32xf32, #tpu.memory_space<hbm>>, %arg6: memref<400xi32, #tpu.memory_space<vmem>>, %arg7: memref<400xi32, #tpu.memory_space<vmem>>, %arg8: memref<400xi32, #tpu.memory_space<vmem>>, %arg9: memref<400xi32, #tpu.memory_space<vmem>>, %arg10: memref<400x32xf32, #tpu.memory_space<vmem>>, %arg11: memref<400x32xf32, #tpu.memory_space<vmem>>, %arg12: memref<!tpu.dma_semaphore, #tpu.memory_space<semaphore_mem>>, %arg13: memref<!tpu.dma_semaphore, #tpu.memory_space<semaphore_mem>>, %arg14: memref<!tpu.dma_semaphore, #tpu.memory_space<semaphore_mem>>, %arg15: memref<!tpu.dma_semaphore, #tpu.memory_space<semaphore_mem>>, %arg16: memref<50176x32xf32, #tpu.memory_space<vmem_shared>>) attributes {dimension_semantics = [#tpu.dimension_semantics<core_parallel>, #tpu.dimension_semantics<subcore_parallel>], iteration_bounds = array<i64: 2, 16>, scalar_prefetch = 0 : i64, scratch_operands = 11 : i64, tpu.core_type = #tpu.core_type<sc_vector_subcore>, window_params = [{transform_indices = #map}, {transform_indices = #map1}, {transform_indices = #map1}, {transform_indices = #map}]} {
    %broadcast_in_dim3A = arith.constant 0.000000e+00 : f32
    %broadcast_in_dim3A_0 = vector.broadcast %broadcast_in_dim3A : f32 to vector<16xf32>
    %scan3A = arith.constant 0 : i32
    %scan3A_1 = arith.constant 392 : i32
    %scan3A_2 = arith.addi %scan3A, %scan3A_1 : i32
    %scan3A_3 = arith.constant 1 : i32
    scf.for %scan3A_21 = %scan3A to %scan3A_2 step %scan3A_3  : i32 {
      %mul3A_22 = arith.constant 1 : i32
      %mul3A_23 = arith.muli %scan3A_21, %mul3A_22 : i32
      %add3A_24 = arith.constant 0 : i32
      %add3A_25 = arith.addi %add3A_24, %mul3A_23 : i32
      %scan3A_26 = arith.constant 0 : i32
      %scan3A_27 = arith.constant 2 : i32
      %scan3A_28 = arith.addi %scan3A_26, %scan3A_27 : i32
      %scan3A_29 = arith.constant 1 : i32
      scf.for %scan3A_31 = %scan3A_26 to %scan3A_28 step %scan3A_29  : i32 {
        %mul3A_32 = arith.constant 1 : i32
        %mul3A_33 = arith.muli %scan3A_31, %mul3A_32 : i32
        %add3A_34 = arith.constant 0 : i32
        %add3A_35 = arith.addi %add3A_34, %mul3A_33 : i32
        %mul3A_36 = arith.constant 16 : i32
        %mul3A_37 = arith.muli %add3A_35, %mul3A_36 : i32
        %swap3A = arith.index_cast %add3A_25 : i32 to index
        %swap3A_38 = arith.index_cast %mul3A_37 : i32 to index
        %swap3A_39 = tpu.vector_load %arg10[%swap3A, %swap3A_38] {strides = array<i32>} : memref<400x32xf32, #tpu.memory_space<vmem>>, vector<1x16xf32>,
        %swap3A_40 = vector.shape_cast %swap3A_39 : vector<1x16xf32> to vector<16xf32>
        %swap3A_41 = vector.shape_cast %broadcast_in_dim3A_0 : vector<16xf32> to vector<1x16xf32>
        tpu.vector_store %arg10[%swap3A, %swap3A_38], %swap3A_41 {strides = array<i32>} : memref<400x32xf32, #tpu.memory_space<vmem>>, vector<1x16xf32>,
      }
      %scan3A_30 = arith.constant 2 : i32
    }
    %scan3A_4 = arith.constant 392 : i32
    %mul3A = arith.constant 3136 : i32
    %mul3A_5 = arith.muli %arg1, %mul3A : i32
    %scan3A_6 = arith.constant 0 : i32
    %scan3A_7 = arith.constant 8 : i32
    %scan3A_8 = arith.addi %scan3A_6, %scan3A_7 : i32
    %scan3A_9 = arith.constant 1 : i32
    scf.for %scan3A_21 = %scan3A_6 to %scan3A_8 step %scan3A_9  : i32 {
      %mul3A_22 = arith.constant 1 : i32
      %mul3A_23 = arith.muli %scan3A_21, %mul3A_22 : i32
      %add3A_24 = arith.constant 0 : i32
      %add3A_25 = arith.addi %add3A_24, %mul3A_23 : i32
      %mul3A_26 = arith.constant 392 : i32
      %mul3A_27 = arith.muli %add3A_25, %mul3A_26 : i32
      %add3A_28 = arith.addi %mul3A_5, %mul3A_27 : i32
      "tpu.region"() ({
        %run_scoped3A = tpu.sem_alloc : memref<!tpu.dma_semaphore, #tpu.memory_space<semaphore_mem>>
        %dma_start3A = arith.constant 0 : i32
        %dma_start3A_29 = arith.constant 0 : i32
        %dma_start3A_30 = tpu.memref_slice %arg10[%dma_start3A, %dma_start3A_29] : memref<400x32xf32, #tpu.memory_space<vmem>> -> memref<392x32xf32, #tpu.memory_space<vmem>>
        %dma_start3A_31 = arith.constant 0 : i32
        %dma_start3A_32 = tpu.memref_slice %arg16[%add3A_28, %dma_start3A_31] : memref<50176x32xf32, #tpu.memory_space<vmem_shared>> -> memref<392x32xf32, #tpu.memory_space<vmem_shared>>
        %dma_start3A_33 = arith.constant 0 : i32
        %dma_start3A_34 = tpu.memref_slice %arg16[%add3A_28, %dma_start3A_33] : memref<50176x32xf32, #tpu.memory_space<vmem_shared>> -> memref<392x32xf32, #tpu.memory_space<vmem_shared>>
        %dma_start3A_35 = arith.constant 0 : i32
        %dma_start3A_36 = arith.constant 0 : i32
        %dma_start3A_37 = tpu.memref_slice %arg10[%dma_start3A_35, %dma_start3A_36] : memref<400x32xf32, #tpu.memory_space<vmem>> -> memref<392x32xf32, #tpu.memory_space<vmem>>
        tpu.enqueue_dma source(%dma_start3A_37 : memref<392x32xf32, #tpu.memory_space<vmem>>) target(%dma_start3A_34 : memref<392x32xf32, #tpu.memory_space<vmem_shared>>) target_semaphore(%run_scoped3A : memref<!tpu.dma_semaphore, #tpu.memory_space<semaphore_mem>>)
        %dma_wait3A = arith.constant 0 : i32
        %dma_wait3A_38 = arith.constant 0 : i32
        %dma_wait3A_39 = tpu.memref_slice %arg10[%dma_wait3A, %dma_wait3A_38] : memref<400x32xf32, #tpu.memory_space<vmem>> -> memref<392x32xf32, #tpu.memory_space<vmem>>
        %dma_wait3A_40 = arith.constant 0 : i32
        %dma_wait3A_41 = tpu.memref_slice %arg16[%add3A_28, %dma_wait3A_40] : memref<50176x32xf32, #tpu.memory_space<vmem_shared>> -> memref<392x32xf32, #tpu.memory_space<vmem_shared>>
        %dma_wait3A_42 = arith.constant 0 : i32
        %dma_wait3A_43 = tpu.memref_slice %arg16[%add3A_28, %dma_wait3A_42] : memref<50176x32xf32, #tpu.memory_space<vmem_shared>> -> memref<392x32xf32, #tpu.memory_space<vmem_shared>>
        %dma_wait3A_44 = arith.constant 0 : i32
        %dma_wait3A_45 = arith.constant 0 : i32
        %dma_wait3A_46 = tpu.memref_slice %arg10[%dma_wait3A_44, %dma_wait3A_45] : memref<400x32xf32, #tpu.memory_space<vmem>> -> memref<392x32xf32, #tpu.memory_space<vmem>>
        tpu.wait_dma2 semaphore(%run_scoped3A : memref<!tpu.dma_semaphore, #tpu.memory_space<semaphore_mem>>) src(%dma_wait3A_46 : memref<392x32xf32, #tpu.memory_space<vmem>>) dst(%dma_wait3A_43 : memref<392x32xf32, #tpu.memory_space<vmem_shared>>)
        tpu.yield
      }) : () -> ()
    }
    %scan3A_10 = arith.constant 8 : i32
    %barrier3A = arith.constant 0 : index
    tpu.barrier barrier_id(%barrier3A)
    %mul3A_11 = arith.constant 51200 : i32
    %mul3A_12 = arith.muli %arg1, %mul3A_11 : i32
    %scan3A_13 = arith.constant 0 : i32
    %scan3A_14 = arith.constant 64 : i32
    %scan3A_15 = arith.addi %scan3A_13, %scan3A_14 : i32
    %scan3A_16 = arith.constant 1 : i32
    scf.for %scan3A_21 = %scan3A_13 to %scan3A_15 step %scan3A_16  : i32 {
      %mul3A_22 = arith.constant 1 : i32
      %mul3A_23 = arith.muli %scan3A_21, %mul3A_22 : i32
      %add3A_24 = arith.constant 0 : i32
      %add3A_25 = arith.addi %add3A_24, %mul3A_23 : i32
      %mul3A_26 = arith.constant 800 : i32
      %mul3A_27 = arith.muli %add3A_25, %mul3A_26 : i32
      %add3A_28 = arith.addi %mul3A_12, %mul3A_27 : i32
      "tpu.region"() ({
        %run_scoped3A = tpu.sem_alloc : memref<!tpu.dma_semaphore, #tpu.memory_space<semaphore_mem>>
        %dma_start3A_63 = tpu.memref_slice %arg3[%add3A_28] : memref<819200xi32, #tpu.memory_space<hbm>> -> memref<400xi32, #tpu.memory_space<hbm>>
        %dma_start3A_64 = tpu.memref_slice %arg3[%add3A_28] : memref<819200xi32, #tpu.memory_space<hbm>> -> memref<400xi32, #tpu.memory_space<hbm>>
        tpu.enqueue_dma source(%dma_start3A_64 : memref<400xi32, #tpu.memory_space<hbm>>) target(%arg6 : memref<400xi32, #tpu.memory_space<vmem>>) target_semaphore(%run_scoped3A : memref<!tpu.dma_semaphore, #tpu.memory_space<semaphore_mem>>)
        %dma_wait3A_65 = tpu.memref_slice %arg3[%add3A_28] : memref<819200xi32, #tpu.memory_space<hbm>> -> memref<400xi32, #tpu.memory_space<hbm>>
        %dma_wait3A_66 = tpu.memref_slice %arg3[%add3A_28] : memref<819200xi32, #tpu.memory_space<hbm>> -> memref<400xi32, #tpu.memory_space<hbm>>
        tpu.wait_dma2 semaphore(%run_scoped3A : memref<!tpu.dma_semaphore, #tpu.memory_space<semaphore_mem>>) src(%dma_wait3A_66 : memref<400xi32, #tpu.memory_space<hbm>>) dst(%arg6 : memref<400xi32, #tpu.memory_space<vmem>>)
        tpu.yield
      }) : () -> ()
      "tpu.region"() ({
        %run_scoped3A = tpu.sem_alloc : memref<!tpu.dma_semaphore, #tpu.memory_space<semaphore_mem>>
        %dma_start3A_63 = tpu.memref_slice %arg4[%add3A_28] : memref<819200xi32, #tpu.memory_space<hbm>> -> memref<400xi32, #tpu.memory_space<hbm>>
        %dma_start3A_64 = tpu.memref_slice %arg4[%add3A_28] : memref<819200xi32, #tpu.memory_space<hbm>> -> memref<400xi32, #tpu.memory_space<hbm>>
        tpu.enqueue_dma source(%dma_start3A_64 : memref<400xi32, #tpu.memory_space<hbm>>) target(%arg8 : memref<400xi32, #tpu.memory_space<vmem>>) target_semaphore(%run_scoped3A : memref<!tpu.dma_semaphore, #tpu.memory_space<semaphore_mem>>)
        %dma_wait3A_65 = tpu.memref_slice %arg4[%add3A_28] : memref<819200xi32, #tpu.memory_space<hbm>> -> memref<400xi32, #tpu.memory_space<hbm>>
        %dma_wait3A_66 = tpu.memref_slice %arg4[%add3A_28] : memref<819200xi32, #tpu.memory_space<hbm>> -> memref<400xi32, #tpu.memory_space<hbm>>
        tpu.wait_dma2 semaphore(%run_scoped3A : memref<!tpu.dma_semaphore, #tpu.memory_space<semaphore_mem>>) src(%dma_wait3A_66 : memref<400xi32, #tpu.memory_space<hbm>>) dst(%arg8 : memref<400xi32, #tpu.memory_space<vmem>>)
        tpu.yield
      }) : () -> ()
      %scan3A_29 = arith.constant 0 : i32
      %scan3A_30 = arith.constant 25 : i32
      %scan3A_31 = arith.addi %scan3A_29, %scan3A_30 : i32
      %scan3A_32 = arith.constant 1 : i32
      scf.for %scan3A_63 = %scan3A_29 to %scan3A_31 step %scan3A_32  : i32 {
        %mul3A_64 = arith.constant 1 : i32
        %mul3A_65 = arith.muli %scan3A_63, %mul3A_64 : i32
        %add3A_66 = arith.constant 0 : i32
        %add3A_67 = arith.addi %add3A_66, %mul3A_65 : i32
        %mul3A_68 = arith.constant 16 : i32
        %mul3A_69 = arith.muli %add3A_67, %mul3A_68 : i32
        %get3A = arith.index_cast %mul3A_69 : i32 to index
        %get3A_70 = tpu.vector_load %arg6[%get3A] {strides = array<i32>} : memref<400xi32, #tpu.memory_space<vmem>>, vector<16xi32>,
        %get3A_71 = vector.shape_cast %get3A_70 : vector<16xi32> to vector<16xi32>
        %mul3A_72 = arith.constant 2 : i32
        %mul3A_73 = vector.broadcast %mul3A_72 : i32 to vector<16xi32>
        %mul3A_74 = arith.muli %get3A_71, %mul3A_73 : vector<16xi32>
        %add3A_75 = vector.broadcast %arg0 : i32 to vector<16xi32>
        %add3A_76 = arith.addi %mul3A_74, %add3A_75 : vector<16xi32>
        %mul3A_77 = arith.constant 16 : i32
        %mul3A_78 = arith.muli %add3A_67, %mul3A_77 : i32
        %swap3A = arith.index_cast %mul3A_78 : i32 to index
        %swap3A_79 = tpu.vector_load %arg6[%swap3A] {strides = array<i32>} : memref<400xi32, #tpu.memory_space<vmem>>, vector<16xi32>,
        %swap3A_80 = vector.shape_cast %swap3A_79 : vector<16xi32> to vector<16xi32>
        %swap3A_81 = vector.shape_cast %add3A_76 : vector<16xi32> to vector<16xi32>
        tpu.vector_store %arg6[%swap3A], %swap3A_81 {strides = array<i32>} : memref<400xi32, #tpu.memory_space<vmem>>, vector<16xi32>,
      }
      %scan3A_33 = arith.constant 25 : i32
      %dma_start3A = arith.constant 0 : i32
      %dma_start3A_34 = arith.constant 0 : i32
      %dma_start3A_35 = tpu.memref_slice %arg2[%dma_start3A, %dma_start3A_34] : memref<100352x32xf32, #tpu.memory_space<hbm>> -> memref<100352x32xf32, #tpu.memory_space<hbm>>
      tpu.enqueue_indirect_dma source(%dma_start3A_35 : memref<100352x32xf32, #tpu.memory_space<hbm>>) target(%arg10 : memref<400x32xf32, #tpu.memory_space<vmem>>) offsets(%arg6 : memref<400xi32, #tpu.memory_space<vmem>>) semaphore(%arg12 : memref<!tpu.dma_semaphore, #tpu.memory_space<semaphore_mem>>)
      %add3A_36 = arith.constant 400 : i32
      %add3A_37 = arith.addi %add3A_28, %add3A_36 : i32
      "tpu.region"() ({
        %run_scoped3A = tpu.sem_alloc : memref<!tpu.dma_semaphore, #tpu.memory_space<semaphore_mem>>
        %dma_start3A_63 = tpu.memref_slice %arg3[%add3A_37] : memref<819200xi32, #tpu.memory_space<hbm>> -> memref<400xi32, #tpu.memory_space<hbm>>
        %dma_start3A_64 = tpu.memref_slice %arg3[%add3A_37] : memref<819200xi32, #tpu.memory_space<hbm>> -> memref<400xi32, #tpu.memory_space<hbm>>
        tpu.enqueue_dma source(%dma_start3A_64 : memref<400xi32, #tpu.memory_space<hbm>>) target(%arg7 : memref<400xi32, #tpu.memory_space<vmem>>) target_semaphore(%run_scoped3A : memref<!tpu.dma_semaphore, #tpu.memory_space<semaphore_mem>>)
        %dma_wait3A_65 = tpu.memref_slice %arg3[%add3A_37] : memref<819200xi32, #tpu.memory_space<hbm>> -> memref<400xi32, #tpu.memory_space<hbm>>
        %dma_wait3A_66 = tpu.memref_slice %arg3[%add3A_37] : memref<819200xi32, #tpu.memory_space<hbm>> -> memref<400xi32, #tpu.memory_space<hbm>>
        tpu.wait_dma2 semaphore(%run_scoped3A : memref<!tpu.dma_semaphore, #tpu.memory_space<semaphore_mem>>) src(%dma_wait3A_66 : memref<400xi32, #tpu.memory_space<hbm>>) dst(%arg7 : memref<400xi32, #tpu.memory_space<vmem>>)
        tpu.yield
      }) : () -> ()
      "tpu.region"() ({
        %run_scoped3A = tpu.sem_alloc : memref<!tpu.dma_semaphore, #tpu.memory_space<semaphore_mem>>
        %dma_start3A_63 = tpu.memref_slice %arg4[%add3A_37] : memref<819200xi32, #tpu.memory_space<hbm>> -> memref<400xi32, #tpu.memory_space<hbm>>
        %dma_start3A_64 = tpu.memref_slice %arg4[%add3A_37] : memref<819200xi32, #tpu.memory_space<hbm>> -> memref<400xi32, #tpu.memory_space<hbm>>
        tpu.enqueue_dma source(%dma_start3A_64 : memref<400xi32, #tpu.memory_space<hbm>>) target(%arg9 : memref<400xi32, #tpu.memory_space<vmem>>) target_semaphore(%run_scoped3A : memref<!tpu.dma_semaphore, #tpu.memory_space<semaphore_mem>>)
        %dma_wait3A_65 = tpu.memref_slice %arg4[%add3A_37] : memref<819200xi32, #tpu.memory_space<hbm>> -> memref<400xi32, #tpu.memory_space<hbm>>
        %dma_wait3A_66 = tpu.memref_slice %arg4[%add3A_37] : memref<819200xi32, #tpu.memory_space<hbm>> -> memref<400xi32, #tpu.memory_space<hbm>>
        tpu.wait_dma2 semaphore(%run_scoped3A : memref<!tpu.dma_semaphore, #tpu.memory_space<semaphore_mem>>) src(%dma_wait3A_66 : memref<400xi32, #tpu.memory_space<hbm>>) dst(%arg9 : memref<400xi32, #tpu.memory_space<vmem>>)
        tpu.yield
      }) : () -> ()
      %scan3A_38 = arith.constant 0 : i32
      %scan3A_39 = arith.constant 25 : i32
      %scan3A_40 = arith.addi %scan3A_38, %scan3A_39 : i32
      %scan3A_41 = arith.constant 1 : i32
      scf.for %scan3A_63 = %scan3A_38 to %scan3A_40 step %scan3A_41  : i32 {
        %mul3A_64 = arith.constant 1 : i32
        %mul3A_65 = arith.muli %scan3A_63, %mul3A_64 : i32
        %add3A_66 = arith.constant 0 : i32
        %add3A_67 = arith.addi %add3A_66, %mul3A_65 : i32
        %mul3A_68 = arith.constant 16 : i32
        %mul3A_69 = arith.muli %add3A_67, %mul3A_68 : i32
        %get3A = arith.index_cast %mul3A_69 : i32 to index
        %get3A_70 = tpu.vector_load %arg7[%get3A] {strides = array<i32>} : memref<400xi32, #tpu.memory_space<vmem>>, vector<16xi32>,
        %get3A_71 = vector.shape_cast %get3A_70 : vector<16xi32> to vector<16xi32>
        %mul3A_72 = arith.constant 2 : i32
        %mul3A_73 = vector.broadcast %mul3A_72 : i32 to vector<16xi32>
        %mul3A_74 = arith.muli %get3A_71, %mul3A_73 : vector<16xi32>
        %add3A_75 = vector.broadcast %arg0 : i32 to vector<16xi32>
        %add3A_76 = arith.addi %mul3A_74, %add3A_75 : vector<16xi32>
        %mul3A_77 = arith.constant 16 : i32
        %mul3A_78 = arith.muli %add3A_67, %mul3A_77 : i32
        %swap3A = arith.index_cast %mul3A_78 : i32 to index
        %swap3A_79 = tpu.vector_load %arg7[%swap3A] {strides = array<i32>} : memref<400xi32, #tpu.memory_space<vmem>>, vector<16xi32>,
        %swap3A_80 = vector.shape_cast %swap3A_79 : vector<16xi32> to vector<16xi32>
        %swap3A_81 = vector.shape_cast %add3A_76 : vector<16xi32> to vector<16xi32>
        tpu.vector_store %arg7[%swap3A], %swap3A_81 {strides = array<i32>} : memref<400xi32, #tpu.memory_space<vmem>>, vector<16xi32>,
      }
      %scan3A_42 = arith.constant 25 : i32
      %dma_start3A_43 = arith.constant 0 : i32
      %dma_start3A_44 = arith.constant 0 : i32
      %dma_start3A_45 = tpu.memref_slice %arg2[%dma_start3A_43, %dma_start3A_44] : memref<100352x32xf32, #tpu.memory_space<hbm>> -> memref<100352x32xf32, #tpu.memory_space<hbm>>
      tpu.enqueue_indirect_dma source(%dma_start3A_45 : memref<100352x32xf32, #tpu.memory_space<hbm>>) target(%arg11 : memref<400x32xf32, #tpu.memory_space<vmem>>) offsets(%arg7 : memref<400xi32, #tpu.memory_space<vmem>>) semaphore(%arg13 : memref<!tpu.dma_semaphore, #tpu.memory_space<semaphore_mem>>)
      %dma_wait3A = arith.constant 0 : i32
      %dma_wait3A_46 = arith.constant 0 : i32
      %dma_wait3A_47 = tpu.memref_slice %arg2[%dma_wait3A, %dma_wait3A_46] : memref<100352x32xf32, #tpu.memory_space<hbm>> -> memref<100352x32xf32, #tpu.memory_space<hbm>>
      tpu.wait_indirect_dma semaphore(%arg12 : memref<!tpu.dma_semaphore, #tpu.memory_space<semaphore_mem>>) src(%dma_wait3A_47 : memref<100352x32xf32, #tpu.memory_space<hbm>>) dst(%arg10 : memref<400x32xf32, #tpu.memory_space<vmem>>)
      %dma_start3A_48 = arith.constant 0 : i32
      %dma_start3A_49 = arith.constant 0 : i32
      %dma_start3A_50 = tpu.memref_slice %arg16[%dma_start3A_48, %dma_start3A_49] : memref<50176x32xf32, #tpu.memory_space<vmem_shared>> -> memref<50176x32xf32, #tpu.memory_space<vmem_shared>>
      tpu.enqueue_indirect_dma source(%arg10 : memref<400x32xf32, #tpu.memory_space<vmem>>) target(%dma_start3A_50 : memref<50176x32xf32, #tpu.memory_space<vmem_shared>>) offsets(%arg8 : memref<400xi32, #tpu.memory_space<vmem>>) semaphore(%arg14 : memref<!tpu.dma_semaphore, #tpu.memory_space<semaphore_mem>>) {add = true}
      %dma_wait3A_51 = arith.constant 0 : i32
      %dma_wait3A_52 = arith.constant 0 : i32
      %dma_wait3A_53 = tpu.memref_slice %arg2[%dma_wait3A_51, %dma_wait3A_52] : memref<100352x32xf32, #tpu.memory_space<hbm>> -> memref<100352x32xf32, #tpu.memory_space<hbm>>
      tpu.wait_indirect_dma semaphore(%arg13 : memref<!tpu.dma_semaphore, #tpu.memory_space<semaphore_mem>>) src(%dma_wait3A_53 : memref<100352x32xf32, #tpu.memory_space<hbm>>) dst(%arg11 : memref<400x32xf32, #tpu.memory_space<vmem>>)
      %dma_start3A_54 = arith.constant 0 : i32
      %dma_start3A_55 = arith.constant 0 : i32
      %dma_start3A_56 = tpu.memref_slice %arg16[%dma_start3A_54, %dma_start3A_55] : memref<50176x32xf32, #tpu.memory_space<vmem_shared>> -> memref<50176x32xf32, #tpu.memory_space<vmem_shared>>
      tpu.enqueue_indirect_dma source(%arg11 : memref<400x32xf32, #tpu.memory_space<vmem>>) target(%dma_start3A_56 : memref<50176x32xf32, #tpu.memory_space<vmem_shared>>) offsets(%arg9 : memref<400xi32, #tpu.memory_space<vmem>>) semaphore(%arg15 : memref<!tpu.dma_semaphore, #tpu.memory_space<semaphore_mem>>) {add = true}
      %dma_wait3A_57 = arith.constant 0 : i32
      %dma_wait3A_58 = arith.constant 0 : i32
      %dma_wait3A_59 = tpu.memref_slice %arg16[%dma_wait3A_57, %dma_wait3A_58] : memref<50176x32xf32, #tpu.memory_space<vmem_shared>> -> memref<50176x32xf32, #tpu.memory_space<vmem_shared>>
      tpu.wait_indirect_dma semaphore(%arg14 : memref<!tpu.dma_semaphore, #tpu.memory_space<semaphore_mem>>) src(%arg10 : memref<400x32xf32, #tpu.memory_space<vmem>>) dst(%dma_wait3A_59 : memref<50176x32xf32, #tpu.memory_space<vmem_shared>>)
      %dma_wait3A_60 = arith.constant 0 : i32
      %dma_wait3A_61 = arith.constant 0 : i32
      %dma_wait3A_62 = tpu.memref_slice %arg16[%dma_wait3A_60, %dma_wait3A_61] : memref<50176x32xf32, #tpu.memory_space<vmem_shared>> -> memref<50176x32xf32, #tpu.memory_space<vmem_shared>>
      tpu.wait_indirect_dma semaphore(%arg15 : memref<!tpu.dma_semaphore, #tpu.memory_space<semaphore_mem>>) src(%arg11 : memref<400x32xf32, #tpu.memory_space<vmem>>) dst(%dma_wait3A_62 : memref<50176x32xf32, #tpu.memory_space<vmem_shared>>)
    }
    %scan3A_17 = arith.constant 64 : i32
    %barrier3A_18 = arith.constant 0 : index
    tpu.barrier barrier_id(%barrier3A_18)
    %mul3A_19 = arith.constant 50176 : i32
    %mul3A_20 = arith.muli %arg0, %mul3A_19 : i32
    %add3A = arith.addi %mul3A_20, %mul3A_5 : i32
    "tpu.region"() ({
      %run_scoped3A = tpu.sem_alloc : memref<!tpu.dma_semaphore, #tpu.memory_space<semaphore_mem>>
      %dma_start3A = arith.constant 0 : i32
      %dma_start3A_21 = tpu.memref_slice %arg5[%add3A, %dma_start3A] : memref<100352x32xf32, #tpu.memory_space<hbm>> -> memref<3136x32xf32, #tpu.memory_space<hbm>>
      %dma_start3A_22 = arith.constant 0 : i32
      %dma_start3A_23 = tpu.memref_slice %arg16[%mul3A_5, %dma_start3A_22] : memref<50176x32xf32, #tpu.memory_space<vmem_shared>> -> memref<3136x32xf32, #tpu.memory_space<vmem_shared>>
      tpu.enqueue_dma source(%dma_start3A_23 : memref<3136x32xf32, #tpu.memory_space<vmem_shared>>) target(%dma_start3A_21 : memref<3136x32xf32, #tpu.memory_space<hbm>>) target_semaphore(%run_scoped3A : memref<!tpu.dma_semaphore, #tpu.memory_space<semaphore_mem>>)
      %dma_wait3A = arith.constant 0 : i32
      %dma_wait3A_24 = tpu.memref_slice %arg5[%add3A, %dma_wait3A] : memref<100352x32xf32, #tpu.memory_space<hbm>> -> memref<3136x32xf32, #tpu.memory_space<hbm>>
      %dma_wait3A_25 = arith.constant 0 : i32
      %dma_wait3A_26 = tpu.memref_slice %arg16[%mul3A_5, %dma_wait3A_25] : memref<50176x32xf32, #tpu.memory_space<vmem_shared>> -> memref<3136x32xf32, #tpu.memory_space<vmem_shared>>
      tpu.wait_dma2 semaphore(%run_scoped3A : memref<!tpu.dma_semaphore, #tpu.memory_space<semaphore_mem>>) src(%dma_wait3A_26 : memref<3136x32xf32, #tpu.memory_space<vmem_shared>>) dst(%dma_wait3A_24 : memref<3136x32xf32, #tpu.memory_space<hbm>>)
      tpu.yield
    }) : () -> ()
    return
  }
}

#map = affine_map<(d0, d1) -> (0, 0)>
#map1 = affine_map<(d0, d1) -> (0)>
module attributes {stable_mosaic.version = 14 : i64} {
  func.func @_agg64_body(%arg0: i32, %arg1: i32, %arg2: memref<100352x32xf32, #tpu.memory_space<hbm>>, %arg3: memref<819200xi32, #tpu.memory_space<hbm>>, %arg4: memref<819200xi32, #tpu.memory_space<hbm>>, %arg5: memref<100352x32xf32, #tpu.memory_space<hbm>>, %arg6: memref<400xi32, #tpu.memory_space<vmem>>, %arg7: memref<400xi32, #tpu.memory_space<vmem>>, %arg8: memref<400xi32, #tpu.memory_space<vmem>>, %arg9: memref<400xi32, #tpu.memory_space<vmem>>, %arg10: memref<400x32xf32, #tpu.memory_space<vmem>>, %arg11: memref<400x32xf32, #tpu.memory_space<vmem>>, %arg12: memref<!tpu.dma_semaphore, #tpu.memory_space<semaphore_mem>>, %arg13: memref<!tpu.dma_semaphore, #tpu.memory_space<semaphore_mem>>, %arg14: memref<!tpu.dma_semaphore, #tpu.memory_space<semaphore_mem>>, %arg15: memref<!tpu.dma_semaphore, #tpu.memory_space<semaphore_mem>>, %arg16: memref<50176x32xf32, #tpu.memory_space<vmem_shared>>) attributes {dimension_semantics = [#tpu.dimension_semantics<core_parallel>, #tpu.dimension_semantics<subcore_parallel>], iteration_bounds = array<i64: 2, 16>, scalar_prefetch = 0 : i64, scratch_operands = 11 : i64, tpu.core_type = #tpu.core_type<sc_vector_subcore>, window_params = [{transform_indices = #map}, {transform_indices = #map1}, {transform_indices = #map1}, {transform_indices = #map}]} {
    %broadcast_in_dim3A = arith.constant 0.000000e+00 : f32
    %broadcast_in_dim3A_0 = vector.broadcast %broadcast_in_dim3A : f32 to vector<16xf32>
    %scan3A = arith.constant 0 : i32
    %scan3A_1 = arith.constant 392 : i32
    %scan3A_2 = arith.addi %scan3A, %scan3A_1 : i32
    %scan3A_3 = arith.constant 1 : i32
    scf.for %scan3A_21 = %scan3A to %scan3A_2 step %scan3A_3  : i32 {
      %mul3A_22 = arith.constant 1 : i32
      %mul3A_23 = arith.muli %scan3A_21, %mul3A_22 : i32
      %add3A_24 = arith.constant 0 : i32
      %add3A_25 = arith.addi %add3A_24, %mul3A_23 : i32
      %scan3A_26 = arith.constant 0 : i32
      %scan3A_27 = arith.constant 2 : i32
      %scan3A_28 = arith.addi %scan3A_26, %scan3A_27 : i32
      %scan3A_29 = arith.constant 1 : i32
      scf.for %scan3A_31 = %scan3A_26 to %scan3A_28 step %scan3A_29  : i32 {
        %mul3A_32 = arith.constant 1 : i32
        %mul3A_33 = arith.muli %scan3A_31, %mul3A_32 : i32
        %add3A_34 = arith.constant 0 : i32
        %add3A_35 = arith.addi %add3A_34, %mul3A_33 : i32
        %mul3A_36 = arith.constant 16 : i32
        %mul3A_37 = arith.muli %add3A_35, %mul3A_36 : i32
        %swap3A = arith.index_cast %add3A_25 : i32 to index
        %swap3A_38 = arith.index_cast %mul3A_37 : i32 to index
        %swap3A_39 = tpu.vector_load %arg10[%swap3A, %swap3A_38] {strides = array<i32>} : memref<400x32xf32, #tpu.memory_space<vmem>>, vector<1x16xf32>,
        %swap3A_40 = vector.shape_cast %swap3A_39 : vector<1x16xf32> to vector<16xf32>
        %swap3A_41 = vector.shape_cast %broadcast_in_dim3A_0 : vector<16xf32> to vector<1x16xf32>
        tpu.vector_store %arg10[%swap3A, %swap3A_38], %swap3A_41 {strides = array<i32>} : memref<400x32xf32, #tpu.memory_space<vmem>>, vector<1x16xf32>,
      }
      %scan3A_30 = arith.constant 2 : i32
    }
    %scan3A_4 = arith.constant 392 : i32
    %mul3A = arith.constant 3136 : i32
    %mul3A_5 = arith.muli %arg1, %mul3A : i32
    %scan3A_6 = arith.constant 0 : i32
    %scan3A_7 = arith.constant 8 : i32
    %scan3A_8 = arith.addi %scan3A_6, %scan3A_7 : i32
    %scan3A_9 = arith.constant 1 : i32
    scf.for %scan3A_21 = %scan3A_6 to %scan3A_8 step %scan3A_9  : i32 {
      %mul3A_22 = arith.constant 1 : i32
      %mul3A_23 = arith.muli %scan3A_21, %mul3A_22 : i32
      %add3A_24 = arith.constant 0 : i32
      %add3A_25 = arith.addi %add3A_24, %mul3A_23 : i32
      %mul3A_26 = arith.constant 392 : i32
      %mul3A_27 = arith.muli %add3A_25, %mul3A_26 : i32
      %add3A_28 = arith.addi %mul3A_5, %mul3A_27 : i32
      "tpu.region"() ({
        %run_scoped3A = tpu.sem_alloc : memref<!tpu.dma_semaphore, #tpu.memory_space<semaphore_mem>>
        %dma_start3A = arith.constant 0 : i32
        %dma_start3A_29 = arith.constant 0 : i32
        %dma_start3A_30 = tpu.memref_slice %arg10[%dma_start3A, %dma_start3A_29] : memref<400x32xf32, #tpu.memory_space<vmem>> -> memref<392x32xf32, #tpu.memory_space<vmem>>
        %dma_start3A_31 = arith.constant 0 : i32
        %dma_start3A_32 = tpu.memref_slice %arg16[%add3A_28, %dma_start3A_31] : memref<50176x32xf32, #tpu.memory_space<vmem_shared>> -> memref<392x32xf32, #tpu.memory_space<vmem_shared>>
        %dma_start3A_33 = arith.constant 0 : i32
        %dma_start3A_34 = tpu.memref_slice %arg16[%add3A_28, %dma_start3A_33] : memref<50176x32xf32, #tpu.memory_space<vmem_shared>> -> memref<392x32xf32, #tpu.memory_space<vmem_shared>>
        %dma_start3A_35 = arith.constant 0 : i32
        %dma_start3A_36 = arith.constant 0 : i32
        %dma_start3A_37 = tpu.memref_slice %arg10[%dma_start3A_35, %dma_start3A_36] : memref<400x32xf32, #tpu.memory_space<vmem>> -> memref<392x32xf32, #tpu.memory_space<vmem>>
        tpu.enqueue_dma source(%dma_start3A_37 : memref<392x32xf32, #tpu.memory_space<vmem>>) target(%dma_start3A_34 : memref<392x32xf32, #tpu.memory_space<vmem_shared>>) target_semaphore(%run_scoped3A : memref<!tpu.dma_semaphore, #tpu.memory_space<semaphore_mem>>)
        %dma_wait3A = arith.constant 0 : i32
        %dma_wait3A_38 = arith.constant 0 : i32
        %dma_wait3A_39 = tpu.memref_slice %arg10[%dma_wait3A, %dma_wait3A_38] : memref<400x32xf32, #tpu.memory_space<vmem>> -> memref<392x32xf32, #tpu.memory_space<vmem>>
        %dma_wait3A_40 = arith.constant 0 : i32
        %dma_wait3A_41 = tpu.memref_slice %arg16[%add3A_28, %dma_wait3A_40] : memref<50176x32xf32, #tpu.memory_space<vmem_shared>> -> memref<392x32xf32, #tpu.memory_space<vmem_shared>>
        %dma_wait3A_42 = arith.constant 0 : i32
        %dma_wait3A_43 = tpu.memref_slice %arg16[%add3A_28, %dma_wait3A_42] : memref<50176x32xf32, #tpu.memory_space<vmem_shared>> -> memref<392x32xf32, #tpu.memory_space<vmem_shared>>
        %dma_wait3A_44 = arith.constant 0 : i32
        %dma_wait3A_45 = arith.constant 0 : i32
        %dma_wait3A_46 = tpu.memref_slice %arg10[%dma_wait3A_44, %dma_wait3A_45] : memref<400x32xf32, #tpu.memory_space<vmem>> -> memref<392x32xf32, #tpu.memory_space<vmem>>
        tpu.wait_dma2 semaphore(%run_scoped3A : memref<!tpu.dma_semaphore, #tpu.memory_space<semaphore_mem>>) src(%dma_wait3A_46 : memref<392x32xf32, #tpu.memory_space<vmem>>) dst(%dma_wait3A_43 : memref<392x32xf32, #tpu.memory_space<vmem_shared>>)
        tpu.yield
      }) : () -> ()
    }
    %scan3A_10 = arith.constant 8 : i32
    %barrier3A = arith.constant 0 : index
    tpu.barrier barrier_id(%barrier3A)
    %mul3A_11 = arith.constant 51200 : i32
    %mul3A_12 = arith.muli %arg1, %mul3A_11 : i32
    %scan3A_13 = arith.constant 0 : i32
    %scan3A_14 = arith.constant 64 : i32
    %scan3A_15 = arith.addi %scan3A_13, %scan3A_14 : i32
    %scan3A_16 = arith.constant 1 : i32
    scf.for %scan3A_21 = %scan3A_13 to %scan3A_15 step %scan3A_16  : i32 {
      %mul3A_22 = arith.constant 1 : i32
      %mul3A_23 = arith.muli %scan3A_21, %mul3A_22 : i32
      %add3A_24 = arith.constant 0 : i32
      %add3A_25 = arith.addi %add3A_24, %mul3A_23 : i32
      %mul3A_26 = arith.constant 800 : i32
      %mul3A_27 = arith.muli %add3A_25, %mul3A_26 : i32
      %add3A_28 = arith.addi %mul3A_12, %mul3A_27 : i32
      "tpu.region"() ({
        %run_scoped3A = tpu.sem_alloc : memref<!tpu.dma_semaphore, #tpu.memory_space<semaphore_mem>>
        %dma_start3A_63 = tpu.memref_slice %arg3[%add3A_28] : memref<819200xi32, #tpu.memory_space<hbm>> -> memref<400xi32, #tpu.memory_space<hbm>>
        %dma_start3A_64 = tpu.memref_slice %arg3[%add3A_28] : memref<819200xi32, #tpu.memory_space<hbm>> -> memref<400xi32, #tpu.memory_space<hbm>>
        tpu.enqueue_dma source(%dma_start3A_64 : memref<400xi32, #tpu.memory_space<hbm>>) target(%arg6 : memref<400xi32, #tpu.memory_space<vmem>>) target_semaphore(%run_scoped3A : memref<!tpu.dma_semaphore, #tpu.memory_space<semaphore_mem>>)
        %dma_wait3A_65 = tpu.memref_slice %arg3[%add3A_28] : memref<819200xi32, #tpu.memory_space<hbm>> -> memref<400xi32, #tpu.memory_space<hbm>>
        %dma_wait3A_66 = tpu.memref_slice %arg3[%add3A_28] : memref<819200xi32, #tpu.memory_space<hbm>> -> memref<400xi32, #tpu.memory_space<hbm>>
        tpu.wait_dma2 semaphore(%run_scoped3A : memref<!tpu.dma_semaphore, #tpu.memory_space<semaphore_mem>>) src(%dma_wait3A_66 : memref<400xi32, #tpu.memory_space<hbm>>) dst(%arg6 : memref<400xi32, #tpu.memory_space<vmem>>)
        tpu.yield
      }) : () -> ()
      "tpu.region"() ({
        %run_scoped3A = tpu.sem_alloc : memref<!tpu.dma_semaphore, #tpu.memory_space<semaphore_mem>>
        %dma_start3A_63 = tpu.memref_slice %arg4[%add3A_28] : memref<819200xi32, #tpu.memory_space<hbm>> -> memref<400xi32, #tpu.memory_space<hbm>>
        %dma_start3A_64 = tpu.memref_slice %arg4[%add3A_28] : memref<819200xi32, #tpu.memory_space<hbm>> -> memref<400xi32, #tpu.memory_space<hbm>>
        tpu.enqueue_dma source(%dma_start3A_64 : memref<400xi32, #tpu.memory_space<hbm>>) target(%arg8 : memref<400xi32, #tpu.memory_space<vmem>>) target_semaphore(%run_scoped3A : memref<!tpu.dma_semaphore, #tpu.memory_space<semaphore_mem>>)
        %dma_wait3A_65 = tpu.memref_slice %arg4[%add3A_28] : memref<819200xi32, #tpu.memory_space<hbm>> -> memref<400xi32, #tpu.memory_space<hbm>>
        %dma_wait3A_66 = tpu.memref_slice %arg4[%add3A_28] : memref<819200xi32, #tpu.memory_space<hbm>> -> memref<400xi32, #tpu.memory_space<hbm>>
        tpu.wait_dma2 semaphore(%run_scoped3A : memref<!tpu.dma_semaphore, #tpu.memory_space<semaphore_mem>>) src(%dma_wait3A_66 : memref<400xi32, #tpu.memory_space<hbm>>) dst(%arg8 : memref<400xi32, #tpu.memory_space<vmem>>)
        tpu.yield
      }) : () -> ()
      %scan3A_29 = arith.constant 0 : i32
      %scan3A_30 = arith.constant 25 : i32
      %scan3A_31 = arith.addi %scan3A_29, %scan3A_30 : i32
      %scan3A_32 = arith.constant 1 : i32
      scf.for %scan3A_63 = %scan3A_29 to %scan3A_31 step %scan3A_32  : i32 {
        %mul3A_64 = arith.constant 1 : i32
        %mul3A_65 = arith.muli %scan3A_63, %mul3A_64 : i32
        %add3A_66 = arith.constant 0 : i32
        %add3A_67 = arith.addi %add3A_66, %mul3A_65 : i32
        %mul3A_68 = arith.constant 16 : i32
        %mul3A_69 = arith.muli %add3A_67, %mul3A_68 : i32
        %get3A = arith.index_cast %mul3A_69 : i32 to index
        %get3A_70 = tpu.vector_load %arg6[%get3A] {strides = array<i32>} : memref<400xi32, #tpu.memory_space<vmem>>, vector<16xi32>,
        %get3A_71 = vector.shape_cast %get3A_70 : vector<16xi32> to vector<16xi32>
        %mul3A_72 = arith.constant 2 : i32
        %mul3A_73 = vector.broadcast %mul3A_72 : i32 to vector<16xi32>
        %mul3A_74 = arith.muli %get3A_71, %mul3A_73 : vector<16xi32>
        %add3A_75 = vector.broadcast %arg0 : i32 to vector<16xi32>
        %add3A_76 = arith.addi %mul3A_74, %add3A_75 : vector<16xi32>
        %mul3A_77 = arith.constant 16 : i32
        %mul3A_78 = arith.muli %add3A_67, %mul3A_77 : i32
        %swap3A = arith.index_cast %mul3A_78 : i32 to index
        %swap3A_79 = tpu.vector_load %arg6[%swap3A] {strides = array<i32>} : memref<400xi32, #tpu.memory_space<vmem>>, vector<16xi32>,
        %swap3A_80 = vector.shape_cast %swap3A_79 : vector<16xi32> to vector<16xi32>
        %swap3A_81 = vector.shape_cast %add3A_76 : vector<16xi32> to vector<16xi32>
        tpu.vector_store %arg6[%swap3A], %swap3A_81 {strides = array<i32>} : memref<400xi32, #tpu.memory_space<vmem>>, vector<16xi32>,
      }
      %scan3A_33 = arith.constant 25 : i32
      %dma_start3A = arith.constant 0 : i32
      %dma_start3A_34 = arith.constant 0 : i32
      %dma_start3A_35 = tpu.memref_slice %arg2[%dma_start3A, %dma_start3A_34] : memref<100352x32xf32, #tpu.memory_space<hbm>> -> memref<100352x32xf32, #tpu.memory_space<hbm>>
      tpu.enqueue_indirect_dma source(%dma_start3A_35 : memref<100352x32xf32, #tpu.memory_space<hbm>>) target(%arg10 : memref<400x32xf32, #tpu.memory_space<vmem>>) offsets(%arg6 : memref<400xi32, #tpu.memory_space<vmem>>) semaphore(%arg12 : memref<!tpu.dma_semaphore, #tpu.memory_space<semaphore_mem>>)
      %add3A_36 = arith.constant 400 : i32
      %add3A_37 = arith.addi %add3A_28, %add3A_36 : i32
      "tpu.region"() ({
        %run_scoped3A = tpu.sem_alloc : memref<!tpu.dma_semaphore, #tpu.memory_space<semaphore_mem>>
        %dma_start3A_63 = tpu.memref_slice %arg3[%add3A_37] : memref<819200xi32, #tpu.memory_space<hbm>> -> memref<400xi32, #tpu.memory_space<hbm>>
        %dma_start3A_64 = tpu.memref_slice %arg3[%add3A_37] : memref<819200xi32, #tpu.memory_space<hbm>> -> memref<400xi32, #tpu.memory_space<hbm>>
        tpu.enqueue_dma source(%dma_start3A_64 : memref<400xi32, #tpu.memory_space<hbm>>) target(%arg7 : memref<400xi32, #tpu.memory_space<vmem>>) target_semaphore(%run_scoped3A : memref<!tpu.dma_semaphore, #tpu.memory_space<semaphore_mem>>)
        %dma_wait3A_65 = tpu.memref_slice %arg3[%add3A_37] : memref<819200xi32, #tpu.memory_space<hbm>> -> memref<400xi32, #tpu.memory_space<hbm>>
        %dma_wait3A_66 = tpu.memref_slice %arg3[%add3A_37] : memref<819200xi32, #tpu.memory_space<hbm>> -> memref<400xi32, #tpu.memory_space<hbm>>
        tpu.wait_dma2 semaphore(%run_scoped3A : memref<!tpu.dma_semaphore, #tpu.memory_space<semaphore_mem>>) src(%dma_wait3A_66 : memref<400xi32, #tpu.memory_space<hbm>>) dst(%arg7 : memref<400xi32, #tpu.memory_space<vmem>>)
        tpu.yield
      }) : () -> ()
      "tpu.region"() ({
        %run_scoped3A = tpu.sem_alloc : memref<!tpu.dma_semaphore, #tpu.memory_space<semaphore_mem>>
        %dma_start3A_63 = tpu.memref_slice %arg4[%add3A_37] : memref<819200xi32, #tpu.memory_space<hbm>> -> memref<400xi32, #tpu.memory_space<hbm>>
        %dma_start3A_64 = tpu.memref_slice %arg4[%add3A_37] : memref<819200xi32, #tpu.memory_space<hbm>> -> memref<400xi32, #tpu.memory_space<hbm>>
        tpu.enqueue_dma source(%dma_start3A_64 : memref<400xi32, #tpu.memory_space<hbm>>) target(%arg9 : memref<400xi32, #tpu.memory_space<vmem>>) target_semaphore(%run_scoped3A : memref<!tpu.dma_semaphore, #tpu.memory_space<semaphore_mem>>)
        %dma_wait3A_65 = tpu.memref_slice %arg4[%add3A_37] : memref<819200xi32, #tpu.memory_space<hbm>> -> memref<400xi32, #tpu.memory_space<hbm>>
        %dma_wait3A_66 = tpu.memref_slice %arg4[%add3A_37] : memref<819200xi32, #tpu.memory_space<hbm>> -> memref<400xi32, #tpu.memory_space<hbm>>
        tpu.wait_dma2 semaphore(%run_scoped3A : memref<!tpu.dma_semaphore, #tpu.memory_space<semaphore_mem>>) src(%dma_wait3A_66 : memref<400xi32, #tpu.memory_space<hbm>>) dst(%arg9 : memref<400xi32, #tpu.memory_space<vmem>>)
        tpu.yield
      }) : () -> ()
      %scan3A_38 = arith.constant 0 : i32
      %scan3A_39 = arith.constant 25 : i32
      %scan3A_40 = arith.addi %scan3A_38, %scan3A_39 : i32
      %scan3A_41 = arith.constant 1 : i32
      scf.for %scan3A_63 = %scan3A_38 to %scan3A_40 step %scan3A_41  : i32 {
        %mul3A_64 = arith.constant 1 : i32
        %mul3A_65 = arith.muli %scan3A_63, %mul3A_64 : i32
        %add3A_66 = arith.constant 0 : i32
        %add3A_67 = arith.addi %add3A_66, %mul3A_65 : i32
        %mul3A_68 = arith.constant 16 : i32
        %mul3A_69 = arith.muli %add3A_67, %mul3A_68 : i32
        %get3A = arith.index_cast %mul3A_69 : i32 to index
        %get3A_70 = tpu.vector_load %arg7[%get3A] {strides = array<i32>} : memref<400xi32, #tpu.memory_space<vmem>>, vector<16xi32>,
        %get3A_71 = vector.shape_cast %get3A_70 : vector<16xi32> to vector<16xi32>
        %mul3A_72 = arith.constant 2 : i32
        %mul3A_73 = vector.broadcast %mul3A_72 : i32 to vector<16xi32>
        %mul3A_74 = arith.muli %get3A_71, %mul3A_73 : vector<16xi32>
        %add3A_75 = vector.broadcast %arg0 : i32 to vector<16xi32>
        %add3A_76 = arith.addi %mul3A_74, %add3A_75 : vector<16xi32>
        %mul3A_77 = arith.constant 16 : i32
        %mul3A_78 = arith.muli %add3A_67, %mul3A_77 : i32
        %swap3A = arith.index_cast %mul3A_78 : i32 to index
        %swap3A_79 = tpu.vector_load %arg7[%swap3A] {strides = array<i32>} : memref<400xi32, #tpu.memory_space<vmem>>, vector<16xi32>,
        %swap3A_80 = vector.shape_cast %swap3A_79 : vector<16xi32> to vector<16xi32>
        %swap3A_81 = vector.shape_cast %add3A_76 : vector<16xi32> to vector<16xi32>
        tpu.vector_store %arg7[%swap3A], %swap3A_81 {strides = array<i32>} : memref<400xi32, #tpu.memory_space<vmem>>, vector<16xi32>,
      }
      %scan3A_42 = arith.constant 25 : i32
      %dma_start3A_43 = arith.constant 0 : i32
      %dma_start3A_44 = arith.constant 0 : i32
      %dma_start3A_45 = tpu.memref_slice %arg2[%dma_start3A_43, %dma_start3A_44] : memref<100352x32xf32, #tpu.memory_space<hbm>> -> memref<100352x32xf32, #tpu.memory_space<hbm>>
      tpu.enqueue_indirect_dma source(%dma_start3A_45 : memref<100352x32xf32, #tpu.memory_space<hbm>>) target(%arg11 : memref<400x32xf32, #tpu.memory_space<vmem>>) offsets(%arg7 : memref<400xi32, #tpu.memory_space<vmem>>) semaphore(%arg13 : memref<!tpu.dma_semaphore, #tpu.memory_space<semaphore_mem>>)
      %dma_wait3A = arith.constant 0 : i32
      %dma_wait3A_46 = arith.constant 0 : i32
      %dma_wait3A_47 = tpu.memref_slice %arg2[%dma_wait3A, %dma_wait3A_46] : memref<100352x32xf32, #tpu.memory_space<hbm>> -> memref<100352x32xf32, #tpu.memory_space<hbm>>
      tpu.wait_indirect_dma semaphore(%arg12 : memref<!tpu.dma_semaphore, #tpu.memory_space<semaphore_mem>>) src(%dma_wait3A_47 : memref<100352x32xf32, #tpu.memory_space<hbm>>) dst(%arg10 : memref<400x32xf32, #tpu.memory_space<vmem>>)
      %dma_start3A_48 = arith.constant 0 : i32
      %dma_start3A_49 = arith.constant 0 : i32
      %dma_start3A_50 = tpu.memref_slice %arg16[%dma_start3A_48, %dma_start3A_49] : memref<50176x32xf32, #tpu.memory_space<vmem_shared>> -> memref<50176x32xf32, #tpu.memory_space<vmem_shared>>
      tpu.enqueue_indirect_dma source(%arg10 : memref<400x32xf32, #tpu.memory_space<vmem>>) target(%dma_start3A_50 : memref<50176x32xf32, #tpu.memory_space<vmem_shared>>) offsets(%arg8 : memref<400xi32, #tpu.memory_space<vmem>>) semaphore(%arg14 : memref<!tpu.dma_semaphore, #tpu.memory_space<semaphore_mem>>) {add = true}
      %dma_wait3A_51 = arith.constant 0 : i32
      %dma_wait3A_52 = arith.constant 0 : i32
      %dma_wait3A_53 = tpu.memref_slice %arg2[%dma_wait3A_51, %dma_wait3A_52] : memref<100352x32xf32, #tpu.memory_space<hbm>> -> memref<100352x32xf32, #tpu.memory_space<hbm>>
      tpu.wait_indirect_dma semaphore(%arg13 : memref<!tpu.dma_semaphore, #tpu.memory_space<semaphore_mem>>) src(%dma_wait3A_53 : memref<100352x32xf32, #tpu.memory_space<hbm>>) dst(%arg11 : memref<400x32xf32, #tpu.memory_space<vmem>>)
      %dma_start3A_54 = arith.constant 0 : i32
      %dma_start3A_55 = arith.constant 0 : i32
      %dma_start3A_56 = tpu.memref_slice %arg16[%dma_start3A_54, %dma_start3A_55] : memref<50176x32xf32, #tpu.memory_space<vmem_shared>> -> memref<50176x32xf32, #tpu.memory_space<vmem_shared>>
      tpu.enqueue_indirect_dma source(%arg11 : memref<400x32xf32, #tpu.memory_space<vmem>>) target(%dma_start3A_56 : memref<50176x32xf32, #tpu.memory_space<vmem_shared>>) offsets(%arg9 : memref<400xi32, #tpu.memory_space<vmem>>) semaphore(%arg15 : memref<!tpu.dma_semaphore, #tpu.memory_space<semaphore_mem>>) {add = true}
      %dma_wait3A_57 = arith.constant 0 : i32
      %dma_wait3A_58 = arith.constant 0 : i32
      %dma_wait3A_59 = tpu.memref_slice %arg16[%dma_wait3A_57, %dma_wait3A_58] : memref<50176x32xf32, #tpu.memory_space<vmem_shared>> -> memref<50176x32xf32, #tpu.memory_space<vmem_shared>>
      tpu.wait_indirect_dma semaphore(%arg14 : memref<!tpu.dma_semaphore, #tpu.memory_space<semaphore_mem>>) src(%arg10 : memref<400x32xf32, #tpu.memory_space<vmem>>) dst(%dma_wait3A_59 : memref<50176x32xf32, #tpu.memory_space<vmem_shared>>)
      %dma_wait3A_60 = arith.constant 0 : i32
      %dma_wait3A_61 = arith.constant 0 : i32
      %dma_wait3A_62 = tpu.memref_slice %arg16[%dma_wait3A_60, %dma_wait3A_61] : memref<50176x32xf32, #tpu.memory_space<vmem_shared>> -> memref<50176x32xf32, #tpu.memory_space<vmem_shared>>
      tpu.wait_indirect_dma semaphore(%arg15 : memref<!tpu.dma_semaphore, #tpu.memory_space<semaphore_mem>>) src(%arg11 : memref<400x32xf32, #tpu.memory_space<vmem>>) dst(%dma_wait3A_62 : memref<50176x32xf32, #tpu.memory_space<vmem_shared>>)
    }
    %scan3A_17 = arith.constant 64 : i32
    %barrier3A_18 = arith.constant 0 : index
    tpu.barrier barrier_id(%barrier3A_18)
    %mul3A_19 = arith.constant 50176 : i32
    %mul3A_20 = arith.muli %arg0, %mul3A_19 : i32
    %add3A = arith.addi %mul3A_20, %mul3A_5 : i32
    "tpu.region"() ({
      %run_scoped3A = tpu.sem_alloc : memref<!tpu.dma_semaphore, #tpu.memory_space<semaphore_mem>>
      %dma_start3A = arith.constant 0 : i32
      %dma_start3A_21 = tpu.memref_slice %arg5[%add3A, %dma_start3A] : memref<100352x32xf32, #tpu.memory_space<hbm>> -> memref<3136x32xf32, #tpu.memory_space<hbm>>
      %dma_start3A_22 = arith.constant 0 : i32
      %dma_start3A_23 = tpu.memref_slice %arg16[%mul3A_5, %dma_start3A_22] : memref<50176x32xf32, #tpu.memory_space<vmem_shared>> -> memref<3136x32xf32, #tpu.memory_space<vmem_shared>>
      tpu.enqueue_dma source(%dma_start3A_23 : memref<3136x32xf32, #tpu.memory_space<vmem_shared>>) target(%dma_start3A_21 : memref<3136x32xf32, #tpu.memory_space<hbm>>) target_semaphore(%run_scoped3A : memref<!tpu.dma_semaphore, #tpu.memory_space<semaphore_mem>>)
      %dma_wait3A = arith.constant 0 : i32
      %dma_wait3A_24 = tpu.memref_slice %arg5[%add3A, %dma_wait3A] : memref<100352x32xf32, #tpu.memory_space<hbm>> -> memref<3136x32xf32, #tpu.memory_space<hbm>>
      %dma_wait3A_25 = arith.constant 0 : i32
      %dma_wait3A_26 = tpu.memref_slice %arg16[%mul3A_5, %dma_wait3A_25] : memref<50176x32xf32, #tpu.memory_space<vmem_shared>> -> memref<3136x32xf32, #tpu.memory_space<vmem_shared>>
      tpu.wait_dma2 semaphore(%run_scoped3A : memref<!tpu.dma_semaphore, #tpu.memory_space<semaphore_mem>>) src(%dma_wait3A_26 : memref<3136x32xf32, #tpu.memory_space<vmem_shared>>) dst(%dma_wait3A_24 : memref<3136x32xf32, #tpu.memory_space<hbm>>)
      tpu.yield
    }) : () -> ()
    return
  }
}

#map = affine_map<(d0, d1) -> (0, 0)>
#map1 = affine_map<(d0, d1) -> (0)>
module attributes {stable_mosaic.version = 14 : i64} {
  func.func @_agg64_body(%arg0: i32, %arg1: i32, %arg2: memref<100352x32xf32, #tpu.memory_space<hbm>>, %arg3: memref<819200xi32, #tpu.memory_space<hbm>>, %arg4: memref<819200xi32, #tpu.memory_space<hbm>>, %arg5: memref<100352x32xf32, #tpu.memory_space<hbm>>, %arg6: memref<400xi32, #tpu.memory_space<vmem>>, %arg7: memref<400xi32, #tpu.memory_space<vmem>>, %arg8: memref<400xi32, #tpu.memory_space<vmem>>, %arg9: memref<400xi32, #tpu.memory_space<vmem>>, %arg10: memref<400x32xf32, #tpu.memory_space<vmem>>, %arg11: memref<400x32xf32, #tpu.memory_space<vmem>>, %arg12: memref<!tpu.dma_semaphore, #tpu.memory_space<semaphore_mem>>, %arg13: memref<!tpu.dma_semaphore, #tpu.memory_space<semaphore_mem>>, %arg14: memref<!tpu.dma_semaphore, #tpu.memory_space<semaphore_mem>>, %arg15: memref<!tpu.dma_semaphore, #tpu.memory_space<semaphore_mem>>, %arg16: memref<50176x32xf32, #tpu.memory_space<vmem_shared>>) attributes {dimension_semantics = [#tpu.dimension_semantics<core_parallel>, #tpu.dimension_semantics<subcore_parallel>], iteration_bounds = array<i64: 2, 16>, scalar_prefetch = 0 : i64, scratch_operands = 11 : i64, tpu.core_type = #tpu.core_type<sc_vector_subcore>, window_params = [{transform_indices = #map}, {transform_indices = #map1}, {transform_indices = #map1}, {transform_indices = #map}]} {
    %broadcast_in_dim3A = arith.constant 0.000000e+00 : f32
    %broadcast_in_dim3A_0 = vector.broadcast %broadcast_in_dim3A : f32 to vector<16xf32>
    %scan3A = arith.constant 0 : i32
    %scan3A_1 = arith.constant 392 : i32
    %scan3A_2 = arith.addi %scan3A, %scan3A_1 : i32
    %scan3A_3 = arith.constant 1 : i32
    scf.for %scan3A_21 = %scan3A to %scan3A_2 step %scan3A_3  : i32 {
      %mul3A_22 = arith.constant 1 : i32
      %mul3A_23 = arith.muli %scan3A_21, %mul3A_22 : i32
      %add3A_24 = arith.constant 0 : i32
      %add3A_25 = arith.addi %add3A_24, %mul3A_23 : i32
      %scan3A_26 = arith.constant 0 : i32
      %scan3A_27 = arith.constant 2 : i32
      %scan3A_28 = arith.addi %scan3A_26, %scan3A_27 : i32
      %scan3A_29 = arith.constant 1 : i32
      scf.for %scan3A_31 = %scan3A_26 to %scan3A_28 step %scan3A_29  : i32 {
        %mul3A_32 = arith.constant 1 : i32
        %mul3A_33 = arith.muli %scan3A_31, %mul3A_32 : i32
        %add3A_34 = arith.constant 0 : i32
        %add3A_35 = arith.addi %add3A_34, %mul3A_33 : i32
        %mul3A_36 = arith.constant 16 : i32
        %mul3A_37 = arith.muli %add3A_35, %mul3A_36 : i32
        %swap3A = arith.index_cast %add3A_25 : i32 to index
        %swap3A_38 = arith.index_cast %mul3A_37 : i32 to index
        %swap3A_39 = tpu.vector_load %arg10[%swap3A, %swap3A_38] {strides = array<i32>} : memref<400x32xf32, #tpu.memory_space<vmem>>, vector<1x16xf32>,
        %swap3A_40 = vector.shape_cast %swap3A_39 : vector<1x16xf32> to vector<16xf32>
        %swap3A_41 = vector.shape_cast %broadcast_in_dim3A_0 : vector<16xf32> to vector<1x16xf32>
        tpu.vector_store %arg10[%swap3A, %swap3A_38], %swap3A_41 {strides = array<i32>} : memref<400x32xf32, #tpu.memory_space<vmem>>, vector<1x16xf32>,
      }
      %scan3A_30 = arith.constant 2 : i32
    }
    %scan3A_4 = arith.constant 392 : i32
    %mul3A = arith.constant 3136 : i32
    %mul3A_5 = arith.muli %arg1, %mul3A : i32
    %scan3A_6 = arith.constant 0 : i32
    %scan3A_7 = arith.constant 8 : i32
    %scan3A_8 = arith.addi %scan3A_6, %scan3A_7 : i32
    %scan3A_9 = arith.constant 1 : i32
    scf.for %scan3A_21 = %scan3A_6 to %scan3A_8 step %scan3A_9  : i32 {
      %mul3A_22 = arith.constant 1 : i32
      %mul3A_23 = arith.muli %scan3A_21, %mul3A_22 : i32
      %add3A_24 = arith.constant 0 : i32
      %add3A_25 = arith.addi %add3A_24, %mul3A_23 : i32
      %mul3A_26 = arith.constant 392 : i32
      %mul3A_27 = arith.muli %add3A_25, %mul3A_26 : i32
      %add3A_28 = arith.addi %mul3A_5, %mul3A_27 : i32
      "tpu.region"() ({
        %run_scoped3A = tpu.sem_alloc : memref<!tpu.dma_semaphore, #tpu.memory_space<semaphore_mem>>
        %dma_start3A = arith.constant 0 : i32
        %dma_start3A_29 = arith.constant 0 : i32
        %dma_start3A_30 = tpu.memref_slice %arg10[%dma_start3A, %dma_start3A_29] : memref<400x32xf32, #tpu.memory_space<vmem>> -> memref<392x32xf32, #tpu.memory_space<vmem>>
        %dma_start3A_31 = arith.constant 0 : i32
        %dma_start3A_32 = tpu.memref_slice %arg16[%add3A_28, %dma_start3A_31] : memref<50176x32xf32, #tpu.memory_space<vmem_shared>> -> memref<392x32xf32, #tpu.memory_space<vmem_shared>>
        %dma_start3A_33 = arith.constant 0 : i32
        %dma_start3A_34 = tpu.memref_slice %arg16[%add3A_28, %dma_start3A_33] : memref<50176x32xf32, #tpu.memory_space<vmem_shared>> -> memref<392x32xf32, #tpu.memory_space<vmem_shared>>
        %dma_start3A_35 = arith.constant 0 : i32
        %dma_start3A_36 = arith.constant 0 : i32
        %dma_start3A_37 = tpu.memref_slice %arg10[%dma_start3A_35, %dma_start3A_36] : memref<400x32xf32, #tpu.memory_space<vmem>> -> memref<392x32xf32, #tpu.memory_space<vmem>>
        tpu.enqueue_dma source(%dma_start3A_37 : memref<392x32xf32, #tpu.memory_space<vmem>>) target(%dma_start3A_34 : memref<392x32xf32, #tpu.memory_space<vmem_shared>>) target_semaphore(%run_scoped3A : memref<!tpu.dma_semaphore, #tpu.memory_space<semaphore_mem>>)
        %dma_wait3A = arith.constant 0 : i32
        %dma_wait3A_38 = arith.constant 0 : i32
        %dma_wait3A_39 = tpu.memref_slice %arg10[%dma_wait3A, %dma_wait3A_38] : memref<400x32xf32, #tpu.memory_space<vmem>> -> memref<392x32xf32, #tpu.memory_space<vmem>>
        %dma_wait3A_40 = arith.constant 0 : i32
        %dma_wait3A_41 = tpu.memref_slice %arg16[%add3A_28, %dma_wait3A_40] : memref<50176x32xf32, #tpu.memory_space<vmem_shared>> -> memref<392x32xf32, #tpu.memory_space<vmem_shared>>
        %dma_wait3A_42 = arith.constant 0 : i32
        %dma_wait3A_43 = tpu.memref_slice %arg16[%add3A_28, %dma_wait3A_42] : memref<50176x32xf32, #tpu.memory_space<vmem_shared>> -> memref<392x32xf32, #tpu.memory_space<vmem_shared>>
        %dma_wait3A_44 = arith.constant 0 : i32
        %dma_wait3A_45 = arith.constant 0 : i32
        %dma_wait3A_46 = tpu.memref_slice %arg10[%dma_wait3A_44, %dma_wait3A_45] : memref<400x32xf32, #tpu.memory_space<vmem>> -> memref<392x32xf32, #tpu.memory_space<vmem>>
        tpu.wait_dma2 semaphore(%run_scoped3A : memref<!tpu.dma_semaphore, #tpu.memory_space<semaphore_mem>>) src(%dma_wait3A_46 : memref<392x32xf32, #tpu.memory_space<vmem>>) dst(%dma_wait3A_43 : memref<392x32xf32, #tpu.memory_space<vmem_shared>>)
        tpu.yield
      }) : () -> ()
    }
    %scan3A_10 = arith.constant 8 : i32
    %barrier3A = arith.constant 0 : index
    tpu.barrier barrier_id(%barrier3A)
    %mul3A_11 = arith.constant 51200 : i32
    %mul3A_12 = arith.muli %arg1, %mul3A_11 : i32
    %scan3A_13 = arith.constant 0 : i32
    %scan3A_14 = arith.constant 64 : i32
    %scan3A_15 = arith.addi %scan3A_13, %scan3A_14 : i32
    %scan3A_16 = arith.constant 1 : i32
    scf.for %scan3A_21 = %scan3A_13 to %scan3A_15 step %scan3A_16  : i32 {
      %mul3A_22 = arith.constant 1 : i32
      %mul3A_23 = arith.muli %scan3A_21, %mul3A_22 : i32
      %add3A_24 = arith.constant 0 : i32
      %add3A_25 = arith.addi %add3A_24, %mul3A_23 : i32
      %mul3A_26 = arith.constant 800 : i32
      %mul3A_27 = arith.muli %add3A_25, %mul3A_26 : i32
      %add3A_28 = arith.addi %mul3A_12, %mul3A_27 : i32
      "tpu.region"() ({
        %run_scoped3A = tpu.sem_alloc : memref<!tpu.dma_semaphore, #tpu.memory_space<semaphore_mem>>
        %dma_start3A_63 = tpu.memref_slice %arg3[%add3A_28] : memref<819200xi32, #tpu.memory_space<hbm>> -> memref<400xi32, #tpu.memory_space<hbm>>
        %dma_start3A_64 = tpu.memref_slice %arg3[%add3A_28] : memref<819200xi32, #tpu.memory_space<hbm>> -> memref<400xi32, #tpu.memory_space<hbm>>
        tpu.enqueue_dma source(%dma_start3A_64 : memref<400xi32, #tpu.memory_space<hbm>>) target(%arg6 : memref<400xi32, #tpu.memory_space<vmem>>) target_semaphore(%run_scoped3A : memref<!tpu.dma_semaphore, #tpu.memory_space<semaphore_mem>>)
        %dma_wait3A_65 = tpu.memref_slice %arg3[%add3A_28] : memref<819200xi32, #tpu.memory_space<hbm>> -> memref<400xi32, #tpu.memory_space<hbm>>
        %dma_wait3A_66 = tpu.memref_slice %arg3[%add3A_28] : memref<819200xi32, #tpu.memory_space<hbm>> -> memref<400xi32, #tpu.memory_space<hbm>>
        tpu.wait_dma2 semaphore(%run_scoped3A : memref<!tpu.dma_semaphore, #tpu.memory_space<semaphore_mem>>) src(%dma_wait3A_66 : memref<400xi32, #tpu.memory_space<hbm>>) dst(%arg6 : memref<400xi32, #tpu.memory_space<vmem>>)
        tpu.yield
      }) : () -> ()
      "tpu.region"() ({
        %run_scoped3A = tpu.sem_alloc : memref<!tpu.dma_semaphore, #tpu.memory_space<semaphore_mem>>
        %dma_start3A_63 = tpu.memref_slice %arg4[%add3A_28] : memref<819200xi32, #tpu.memory_space<hbm>> -> memref<400xi32, #tpu.memory_space<hbm>>
        %dma_start3A_64 = tpu.memref_slice %arg4[%add3A_28] : memref<819200xi32, #tpu.memory_space<hbm>> -> memref<400xi32, #tpu.memory_space<hbm>>
        tpu.enqueue_dma source(%dma_start3A_64 : memref<400xi32, #tpu.memory_space<hbm>>) target(%arg8 : memref<400xi32, #tpu.memory_space<vmem>>) target_semaphore(%run_scoped3A : memref<!tpu.dma_semaphore, #tpu.memory_space<semaphore_mem>>)
        %dma_wait3A_65 = tpu.memref_slice %arg4[%add3A_28] : memref<819200xi32, #tpu.memory_space<hbm>> -> memref<400xi32, #tpu.memory_space<hbm>>
        %dma_wait3A_66 = tpu.memref_slice %arg4[%add3A_28] : memref<819200xi32, #tpu.memory_space<hbm>> -> memref<400xi32, #tpu.memory_space<hbm>>
        tpu.wait_dma2 semaphore(%run_scoped3A : memref<!tpu.dma_semaphore, #tpu.memory_space<semaphore_mem>>) src(%dma_wait3A_66 : memref<400xi32, #tpu.memory_space<hbm>>) dst(%arg8 : memref<400xi32, #tpu.memory_space<vmem>>)
        tpu.yield
      }) : () -> ()
      %scan3A_29 = arith.constant 0 : i32
      %scan3A_30 = arith.constant 25 : i32
      %scan3A_31 = arith.addi %scan3A_29, %scan3A_30 : i32
      %scan3A_32 = arith.constant 1 : i32
      scf.for %scan3A_63 = %scan3A_29 to %scan3A_31 step %scan3A_32  : i32 {
        %mul3A_64 = arith.constant 1 : i32
        %mul3A_65 = arith.muli %scan3A_63, %mul3A_64 : i32
        %add3A_66 = arith.constant 0 : i32
        %add3A_67 = arith.addi %add3A_66, %mul3A_65 : i32
        %mul3A_68 = arith.constant 16 : i32
        %mul3A_69 = arith.muli %add3A_67, %mul3A_68 : i32
        %get3A = arith.index_cast %mul3A_69 : i32 to index
        %get3A_70 = tpu.vector_load %arg6[%get3A] {strides = array<i32>} : memref<400xi32, #tpu.memory_space<vmem>>, vector<16xi32>,
        %get3A_71 = vector.shape_cast %get3A_70 : vector<16xi32> to vector<16xi32>
        %mul3A_72 = arith.constant 2 : i32
        %mul3A_73 = vector.broadcast %mul3A_72 : i32 to vector<16xi32>
        %mul3A_74 = arith.muli %get3A_71, %mul3A_73 : vector<16xi32>
        %add3A_75 = vector.broadcast %arg0 : i32 to vector<16xi32>
        %add3A_76 = arith.addi %mul3A_74, %add3A_75 : vector<16xi32>
        %mul3A_77 = arith.constant 16 : i32
        %mul3A_78 = arith.muli %add3A_67, %mul3A_77 : i32
        %swap3A = arith.index_cast %mul3A_78 : i32 to index
        %swap3A_79 = tpu.vector_load %arg6[%swap3A] {strides = array<i32>} : memref<400xi32, #tpu.memory_space<vmem>>, vector<16xi32>,
        %swap3A_80 = vector.shape_cast %swap3A_79 : vector<16xi32> to vector<16xi32>
        %swap3A_81 = vector.shape_cast %add3A_76 : vector<16xi32> to vector<16xi32>
        tpu.vector_store %arg6[%swap3A], %swap3A_81 {strides = array<i32>} : memref<400xi32, #tpu.memory_space<vmem>>, vector<16xi32>,
      }
      %scan3A_33 = arith.constant 25 : i32
      %dma_start3A = arith.constant 0 : i32
      %dma_start3A_34 = arith.constant 0 : i32
      %dma_start3A_35 = tpu.memref_slice %arg2[%dma_start3A, %dma_start3A_34] : memref<100352x32xf32, #tpu.memory_space<hbm>> -> memref<100352x32xf32, #tpu.memory_space<hbm>>
      tpu.enqueue_indirect_dma source(%dma_start3A_35 : memref<100352x32xf32, #tpu.memory_space<hbm>>) target(%arg10 : memref<400x32xf32, #tpu.memory_space<vmem>>) offsets(%arg6 : memref<400xi32, #tpu.memory_space<vmem>>) semaphore(%arg12 : memref<!tpu.dma_semaphore, #tpu.memory_space<semaphore_mem>>)
      %add3A_36 = arith.constant 400 : i32
      %add3A_37 = arith.addi %add3A_28, %add3A_36 : i32
      "tpu.region"() ({
        %run_scoped3A = tpu.sem_alloc : memref<!tpu.dma_semaphore, #tpu.memory_space<semaphore_mem>>
        %dma_start3A_63 = tpu.memref_slice %arg3[%add3A_37] : memref<819200xi32, #tpu.memory_space<hbm>> -> memref<400xi32, #tpu.memory_space<hbm>>
        %dma_start3A_64 = tpu.memref_slice %arg3[%add3A_37] : memref<819200xi32, #tpu.memory_space<hbm>> -> memref<400xi32, #tpu.memory_space<hbm>>
        tpu.enqueue_dma source(%dma_start3A_64 : memref<400xi32, #tpu.memory_space<hbm>>) target(%arg7 : memref<400xi32, #tpu.memory_space<vmem>>) target_semaphore(%run_scoped3A : memref<!tpu.dma_semaphore, #tpu.memory_space<semaphore_mem>>)
        %dma_wait3A_65 = tpu.memref_slice %arg3[%add3A_37] : memref<819200xi32, #tpu.memory_space<hbm>> -> memref<400xi32, #tpu.memory_space<hbm>>
        %dma_wait3A_66 = tpu.memref_slice %arg3[%add3A_37] : memref<819200xi32, #tpu.memory_space<hbm>> -> memref<400xi32, #tpu.memory_space<hbm>>
        tpu.wait_dma2 semaphore(%run_scoped3A : memref<!tpu.dma_semaphore, #tpu.memory_space<semaphore_mem>>) src(%dma_wait3A_66 : memref<400xi32, #tpu.memory_space<hbm>>) dst(%arg7 : memref<400xi32, #tpu.memory_space<vmem>>)
        tpu.yield
      }) : () -> ()
      "tpu.region"() ({
        %run_scoped3A = tpu.sem_alloc : memref<!tpu.dma_semaphore, #tpu.memory_space<semaphore_mem>>
        %dma_start3A_63 = tpu.memref_slice %arg4[%add3A_37] : memref<819200xi32, #tpu.memory_space<hbm>> -> memref<400xi32, #tpu.memory_space<hbm>>
        %dma_start3A_64 = tpu.memref_slice %arg4[%add3A_37] : memref<819200xi32, #tpu.memory_space<hbm>> -> memref<400xi32, #tpu.memory_space<hbm>>
        tpu.enqueue_dma source(%dma_start3A_64 : memref<400xi32, #tpu.memory_space<hbm>>) target(%arg9 : memref<400xi32, #tpu.memory_space<vmem>>) target_semaphore(%run_scoped3A : memref<!tpu.dma_semaphore, #tpu.memory_space<semaphore_mem>>)
        %dma_wait3A_65 = tpu.memref_slice %arg4[%add3A_37] : memref<819200xi32, #tpu.memory_space<hbm>> -> memref<400xi32, #tpu.memory_space<hbm>>
        %dma_wait3A_66 = tpu.memref_slice %arg4[%add3A_37] : memref<819200xi32, #tpu.memory_space<hbm>> -> memref<400xi32, #tpu.memory_space<hbm>>
        tpu.wait_dma2 semaphore(%run_scoped3A : memref<!tpu.dma_semaphore, #tpu.memory_space<semaphore_mem>>) src(%dma_wait3A_66 : memref<400xi32, #tpu.memory_space<hbm>>) dst(%arg9 : memref<400xi32, #tpu.memory_space<vmem>>)
        tpu.yield
      }) : () -> ()
      %scan3A_38 = arith.constant 0 : i32
      %scan3A_39 = arith.constant 25 : i32
      %scan3A_40 = arith.addi %scan3A_38, %scan3A_39 : i32
      %scan3A_41 = arith.constant 1 : i32
      scf.for %scan3A_63 = %scan3A_38 to %scan3A_40 step %scan3A_41  : i32 {
        %mul3A_64 = arith.constant 1 : i32
        %mul3A_65 = arith.muli %scan3A_63, %mul3A_64 : i32
        %add3A_66 = arith.constant 0 : i32
        %add3A_67 = arith.addi %add3A_66, %mul3A_65 : i32
        %mul3A_68 = arith.constant 16 : i32
        %mul3A_69 = arith.muli %add3A_67, %mul3A_68 : i32
        %get3A = arith.index_cast %mul3A_69 : i32 to index
        %get3A_70 = tpu.vector_load %arg7[%get3A] {strides = array<i32>} : memref<400xi32, #tpu.memory_space<vmem>>, vector<16xi32>,
        %get3A_71 = vector.shape_cast %get3A_70 : vector<16xi32> to vector<16xi32>
        %mul3A_72 = arith.constant 2 : i32
        %mul3A_73 = vector.broadcast %mul3A_72 : i32 to vector<16xi32>
        %mul3A_74 = arith.muli %get3A_71, %mul3A_73 : vector<16xi32>
        %add3A_75 = vector.broadcast %arg0 : i32 to vector<16xi32>
        %add3A_76 = arith.addi %mul3A_74, %add3A_75 : vector<16xi32>
        %mul3A_77 = arith.constant 16 : i32
        %mul3A_78 = arith.muli %add3A_67, %mul3A_77 : i32
        %swap3A = arith.index_cast %mul3A_78 : i32 to index
        %swap3A_79 = tpu.vector_load %arg7[%swap3A] {strides = array<i32>} : memref<400xi32, #tpu.memory_space<vmem>>, vector<16xi32>,
        %swap3A_80 = vector.shape_cast %swap3A_79 : vector<16xi32> to vector<16xi32>
        %swap3A_81 = vector.shape_cast %add3A_76 : vector<16xi32> to vector<16xi32>
        tpu.vector_store %arg7[%swap3A], %swap3A_81 {strides = array<i32>} : memref<400xi32, #tpu.memory_space<vmem>>, vector<16xi32>,
      }
      %scan3A_42 = arith.constant 25 : i32
      %dma_start3A_43 = arith.constant 0 : i32
      %dma_start3A_44 = arith.constant 0 : i32
      %dma_start3A_45 = tpu.memref_slice %arg2[%dma_start3A_43, %dma_start3A_44] : memref<100352x32xf32, #tpu.memory_space<hbm>> -> memref<100352x32xf32, #tpu.memory_space<hbm>>
      tpu.enqueue_indirect_dma source(%dma_start3A_45 : memref<100352x32xf32, #tpu.memory_space<hbm>>) target(%arg11 : memref<400x32xf32, #tpu.memory_space<vmem>>) offsets(%arg7 : memref<400xi32, #tpu.memory_space<vmem>>) semaphore(%arg13 : memref<!tpu.dma_semaphore, #tpu.memory_space<semaphore_mem>>)
      %dma_wait3A = arith.constant 0 : i32
      %dma_wait3A_46 = arith.constant 0 : i32
      %dma_wait3A_47 = tpu.memref_slice %arg2[%dma_wait3A, %dma_wait3A_46] : memref<100352x32xf32, #tpu.memory_space<hbm>> -> memref<100352x32xf32, #tpu.memory_space<hbm>>
      tpu.wait_indirect_dma semaphore(%arg12 : memref<!tpu.dma_semaphore, #tpu.memory_space<semaphore_mem>>) src(%dma_wait3A_47 : memref<100352x32xf32, #tpu.memory_space<hbm>>) dst(%arg10 : memref<400x32xf32, #tpu.memory_space<vmem>>)
      %dma_start3A_48 = arith.constant 0 : i32
      %dma_start3A_49 = arith.constant 0 : i32
      %dma_start3A_50 = tpu.memref_slice %arg16[%dma_start3A_48, %dma_start3A_49] : memref<50176x32xf32, #tpu.memory_space<vmem_shared>> -> memref<50176x32xf32, #tpu.memory_space<vmem_shared>>
      tpu.enqueue_indirect_dma source(%arg10 : memref<400x32xf32, #tpu.memory_space<vmem>>) target(%dma_start3A_50 : memref<50176x32xf32, #tpu.memory_space<vmem_shared>>) offsets(%arg8 : memref<400xi32, #tpu.memory_space<vmem>>) semaphore(%arg14 : memref<!tpu.dma_semaphore, #tpu.memory_space<semaphore_mem>>) {add = true}
      %dma_wait3A_51 = arith.constant 0 : i32
      %dma_wait3A_52 = arith.constant 0 : i32
      %dma_wait3A_53 = tpu.memref_slice %arg2[%dma_wait3A_51, %dma_wait3A_52] : memref<100352x32xf32, #tpu.memory_space<hbm>> -> memref<100352x32xf32, #tpu.memory_space<hbm>>
      tpu.wait_indirect_dma semaphore(%arg13 : memref<!tpu.dma_semaphore, #tpu.memory_space<semaphore_mem>>) src(%dma_wait3A_53 : memref<100352x32xf32, #tpu.memory_space<hbm>>) dst(%arg11 : memref<400x32xf32, #tpu.memory_space<vmem>>)
      %dma_start3A_54 = arith.constant 0 : i32
      %dma_start3A_55 = arith.constant 0 : i32
      %dma_start3A_56 = tpu.memref_slice %arg16[%dma_start3A_54, %dma_start3A_55] : memref<50176x32xf32, #tpu.memory_space<vmem_shared>> -> memref<50176x32xf32, #tpu.memory_space<vmem_shared>>
      tpu.enqueue_indirect_dma source(%arg11 : memref<400x32xf32, #tpu.memory_space<vmem>>) target(%dma_start3A_56 : memref<50176x32xf32, #tpu.memory_space<vmem_shared>>) offsets(%arg9 : memref<400xi32, #tpu.memory_space<vmem>>) semaphore(%arg15 : memref<!tpu.dma_semaphore, #tpu.memory_space<semaphore_mem>>) {add = true}
      %dma_wait3A_57 = arith.constant 0 : i32
      %dma_wait3A_58 = arith.constant 0 : i32
      %dma_wait3A_59 = tpu.memref_slice %arg16[%dma_wait3A_57, %dma_wait3A_58] : memref<50176x32xf32, #tpu.memory_space<vmem_shared>> -> memref<50176x32xf32, #tpu.memory_space<vmem_shared>>
      tpu.wait_indirect_dma semaphore(%arg14 : memref<!tpu.dma_semaphore, #tpu.memory_space<semaphore_mem>>) src(%arg10 : memref<400x32xf32, #tpu.memory_space<vmem>>) dst(%dma_wait3A_59 : memref<50176x32xf32, #tpu.memory_space<vmem_shared>>)
      %dma_wait3A_60 = arith.constant 0 : i32
      %dma_wait3A_61 = arith.constant 0 : i32
      %dma_wait3A_62 = tpu.memref_slice %arg16[%dma_wait3A_60, %dma_wait3A_61] : memref<50176x32xf32, #tpu.memory_space<vmem_shared>> -> memref<50176x32xf32, #tpu.memory_space<vmem_shared>>
      tpu.wait_indirect_dma semaphore(%arg15 : memref<!tpu.dma_semaphore, #tpu.memory_space<semaphore_mem>>) src(%arg11 : memref<400x32xf32, #tpu.memory_space<vmem>>) dst(%dma_wait3A_62 : memref<50176x32xf32, #tpu.memory_space<vmem_shared>>)
    }
    %scan3A_17 = arith.constant 64 : i32
    %barrier3A_18 = arith.constant 0 : index
    tpu.barrier barrier_id(%barrier3A_18)
    %mul3A_19 = arith.constant 50176 : i32
    %mul3A_20 = arith.muli %arg0, %mul3A_19 : i32
    %add3A = arith.addi %mul3A_20, %mul3A_5 : i32
    "tpu.region"() ({
      %run_scoped3A = tpu.sem_alloc : memref<!tpu.dma_semaphore, #tpu.memory_space<semaphore_mem>>
      %dma_start3A = arith.constant 0 : i32
      %dma_start3A_21 = tpu.memref_slice %arg5[%add3A, %dma_start3A] : memref<100352x32xf32, #tpu.memory_space<hbm>> -> memref<3136x32xf32, #tpu.memory_space<hbm>>
      %dma_start3A_22 = arith.constant 0 : i32
      %dma_start3A_23 = tpu.memref_slice %arg16[%mul3A_5, %dma_start3A_22] : memref<50176x32xf32, #tpu.memory_space<vmem_shared>> -> memref<3136x32xf32, #tpu.memory_space<vmem_shared>>
      tpu.enqueue_dma source(%dma_start3A_23 : memref<3136x32xf32, #tpu.memory_space<vmem_shared>>) target(%dma_start3A_21 : memref<3136x32xf32, #tpu.memory_space<hbm>>) target_semaphore(%run_scoped3A : memref<!tpu.dma_semaphore, #tpu.memory_space<semaphore_mem>>)
      %dma_wait3A = arith.constant 0 : i32
      %dma_wait3A_24 = tpu.memref_slice %arg5[%add3A, %dma_wait3A] : memref<100352x32xf32, #tpu.memory_space<hbm>> -> memref<3136x32xf32, #tpu.memory_space<hbm>>
      %dma_wait3A_25 = arith.constant 0 : i32
      %dma_wait3A_26 = tpu.memref_slice %arg16[%mul3A_5, %dma_wait3A_25] : memref<50176x32xf32, #tpu.memory_space<vmem_shared>> -> memref<3136x32xf32, #tpu.memory_space<vmem_shared>>
      tpu.wait_dma2 semaphore(%run_scoped3A : memref<!tpu.dma_semaphore, #tpu.memory_space<semaphore_mem>>) src(%dma_wait3A_26 : memref<3136x32xf32, #tpu.memory_space<vmem_shared>>) dst(%dma_wait3A_24 : memref<3136x32xf32, #tpu.memory_space<hbm>>)
      tpu.yield
    }) : () -> ()
    return
  }
}

#map = affine_map<(d0, d1) -> (0, 0)>
#map1 = affine_map<(d0, d1) -> (0)>
module attributes {stable_mosaic.version = 14 : i64} {
  func.func @_agg64_body(%arg0: i32, %arg1: i32, %arg2: memref<100352x32xf32, #tpu.memory_space<hbm>>, %arg3: memref<819200xi32, #tpu.memory_space<hbm>>, %arg4: memref<819200xi32, #tpu.memory_space<hbm>>, %arg5: memref<100352x32xf32, #tpu.memory_space<hbm>>, %arg6: memref<400xi32, #tpu.memory_space<vmem>>, %arg7: memref<400xi32, #tpu.memory_space<vmem>>, %arg8: memref<400xi32, #tpu.memory_space<vmem>>, %arg9: memref<400xi32, #tpu.memory_space<vmem>>, %arg10: memref<400x32xf32, #tpu.memory_space<vmem>>, %arg11: memref<400x32xf32, #tpu.memory_space<vmem>>, %arg12: memref<!tpu.dma_semaphore, #tpu.memory_space<semaphore_mem>>, %arg13: memref<!tpu.dma_semaphore, #tpu.memory_space<semaphore_mem>>, %arg14: memref<!tpu.dma_semaphore, #tpu.memory_space<semaphore_mem>>, %arg15: memref<!tpu.dma_semaphore, #tpu.memory_space<semaphore_mem>>, %arg16: memref<50176x32xf32, #tpu.memory_space<vmem_shared>>) attributes {dimension_semantics = [#tpu.dimension_semantics<core_parallel>, #tpu.dimension_semantics<subcore_parallel>], iteration_bounds = array<i64: 2, 16>, scalar_prefetch = 0 : i64, scratch_operands = 11 : i64, tpu.core_type = #tpu.core_type<sc_vector_subcore>, window_params = [{transform_indices = #map}, {transform_indices = #map1}, {transform_indices = #map1}, {transform_indices = #map}]} {
    %broadcast_in_dim3A = arith.constant 0.000000e+00 : f32
    %broadcast_in_dim3A_0 = vector.broadcast %broadcast_in_dim3A : f32 to vector<16xf32>
    %scan3A = arith.constant 0 : i32
    %scan3A_1 = arith.constant 392 : i32
    %scan3A_2 = arith.addi %scan3A, %scan3A_1 : i32
    %scan3A_3 = arith.constant 1 : i32
    scf.for %scan3A_21 = %scan3A to %scan3A_2 step %scan3A_3  : i32 {
      %mul3A_22 = arith.constant 1 : i32
      %mul3A_23 = arith.muli %scan3A_21, %mul3A_22 : i32
      %add3A_24 = arith.constant 0 : i32
      %add3A_25 = arith.addi %add3A_24, %mul3A_23 : i32
      %scan3A_26 = arith.constant 0 : i32
      %scan3A_27 = arith.constant 2 : i32
      %scan3A_28 = arith.addi %scan3A_26, %scan3A_27 : i32
      %scan3A_29 = arith.constant 1 : i32
      scf.for %scan3A_31 = %scan3A_26 to %scan3A_28 step %scan3A_29  : i32 {
        %mul3A_32 = arith.constant 1 : i32
        %mul3A_33 = arith.muli %scan3A_31, %mul3A_32 : i32
        %add3A_34 = arith.constant 0 : i32
        %add3A_35 = arith.addi %add3A_34, %mul3A_33 : i32
        %mul3A_36 = arith.constant 16 : i32
        %mul3A_37 = arith.muli %add3A_35, %mul3A_36 : i32
        %swap3A = arith.index_cast %add3A_25 : i32 to index
        %swap3A_38 = arith.index_cast %mul3A_37 : i32 to index
        %swap3A_39 = tpu.vector_load %arg10[%swap3A, %swap3A_38] {strides = array<i32>} : memref<400x32xf32, #tpu.memory_space<vmem>>, vector<1x16xf32>,
        %swap3A_40 = vector.shape_cast %swap3A_39 : vector<1x16xf32> to vector<16xf32>
        %swap3A_41 = vector.shape_cast %broadcast_in_dim3A_0 : vector<16xf32> to vector<1x16xf32>
        tpu.vector_store %arg10[%swap3A, %swap3A_38], %swap3A_41 {strides = array<i32>} : memref<400x32xf32, #tpu.memory_space<vmem>>, vector<1x16xf32>,
      }
      %scan3A_30 = arith.constant 2 : i32
    }
    %scan3A_4 = arith.constant 392 : i32
    %mul3A = arith.constant 3136 : i32
    %mul3A_5 = arith.muli %arg1, %mul3A : i32
    %scan3A_6 = arith.constant 0 : i32
    %scan3A_7 = arith.constant 8 : i32
    %scan3A_8 = arith.addi %scan3A_6, %scan3A_7 : i32
    %scan3A_9 = arith.constant 1 : i32
    scf.for %scan3A_21 = %scan3A_6 to %scan3A_8 step %scan3A_9  : i32 {
      %mul3A_22 = arith.constant 1 : i32
      %mul3A_23 = arith.muli %scan3A_21, %mul3A_22 : i32
      %add3A_24 = arith.constant 0 : i32
      %add3A_25 = arith.addi %add3A_24, %mul3A_23 : i32
      %mul3A_26 = arith.constant 392 : i32
      %mul3A_27 = arith.muli %add3A_25, %mul3A_26 : i32
      %add3A_28 = arith.addi %mul3A_5, %mul3A_27 : i32
      "tpu.region"() ({
        %run_scoped3A = tpu.sem_alloc : memref<!tpu.dma_semaphore, #tpu.memory_space<semaphore_mem>>
        %dma_start3A = arith.constant 0 : i32
        %dma_start3A_29 = arith.constant 0 : i32
        %dma_start3A_30 = tpu.memref_slice %arg10[%dma_start3A, %dma_start3A_29] : memref<400x32xf32, #tpu.memory_space<vmem>> -> memref<392x32xf32, #tpu.memory_space<vmem>>
        %dma_start3A_31 = arith.constant 0 : i32
        %dma_start3A_32 = tpu.memref_slice %arg16[%add3A_28, %dma_start3A_31] : memref<50176x32xf32, #tpu.memory_space<vmem_shared>> -> memref<392x32xf32, #tpu.memory_space<vmem_shared>>
        %dma_start3A_33 = arith.constant 0 : i32
        %dma_start3A_34 = tpu.memref_slice %arg16[%add3A_28, %dma_start3A_33] : memref<50176x32xf32, #tpu.memory_space<vmem_shared>> -> memref<392x32xf32, #tpu.memory_space<vmem_shared>>
        %dma_start3A_35 = arith.constant 0 : i32
        %dma_start3A_36 = arith.constant 0 : i32
        %dma_start3A_37 = tpu.memref_slice %arg10[%dma_start3A_35, %dma_start3A_36] : memref<400x32xf32, #tpu.memory_space<vmem>> -> memref<392x32xf32, #tpu.memory_space<vmem>>
        tpu.enqueue_dma source(%dma_start3A_37 : memref<392x32xf32, #tpu.memory_space<vmem>>) target(%dma_start3A_34 : memref<392x32xf32, #tpu.memory_space<vmem_shared>>) target_semaphore(%run_scoped3A : memref<!tpu.dma_semaphore, #tpu.memory_space<semaphore_mem>>)
        %dma_wait3A = arith.constant 0 : i32
        %dma_wait3A_38 = arith.constant 0 : i32
        %dma_wait3A_39 = tpu.memref_slice %arg10[%dma_wait3A, %dma_wait3A_38] : memref<400x32xf32, #tpu.memory_space<vmem>> -> memref<392x32xf32, #tpu.memory_space<vmem>>
        %dma_wait3A_40 = arith.constant 0 : i32
        %dma_wait3A_41 = tpu.memref_slice %arg16[%add3A_28, %dma_wait3A_40] : memref<50176x32xf32, #tpu.memory_space<vmem_shared>> -> memref<392x32xf32, #tpu.memory_space<vmem_shared>>
        %dma_wait3A_42 = arith.constant 0 : i32
        %dma_wait3A_43 = tpu.memref_slice %arg16[%add3A_28, %dma_wait3A_42] : memref<50176x32xf32, #tpu.memory_space<vmem_shared>> -> memref<392x32xf32, #tpu.memory_space<vmem_shared>>
        %dma_wait3A_44 = arith.constant 0 : i32
        %dma_wait3A_45 = arith.constant 0 : i32
        %dma_wait3A_46 = tpu.memref_slice %arg10[%dma_wait3A_44, %dma_wait3A_45] : memref<400x32xf32, #tpu.memory_space<vmem>> -> memref<392x32xf32, #tpu.memory_space<vmem>>
        tpu.wait_dma2 semaphore(%run_scoped3A : memref<!tpu.dma_semaphore, #tpu.memory_space<semaphore_mem>>) src(%dma_wait3A_46 : memref<392x32xf32, #tpu.memory_space<vmem>>) dst(%dma_wait3A_43 : memref<392x32xf32, #tpu.memory_space<vmem_shared>>)
        tpu.yield
      }) : () -> ()
    }
    %scan3A_10 = arith.constant 8 : i32
    %barrier3A = arith.constant 0 : index
    tpu.barrier barrier_id(%barrier3A)
    %mul3A_11 = arith.constant 51200 : i32
    %mul3A_12 = arith.muli %arg1, %mul3A_11 : i32
    %scan3A_13 = arith.constant 0 : i32
    %scan3A_14 = arith.constant 64 : i32
    %scan3A_15 = arith.addi %scan3A_13, %scan3A_14 : i32
    %scan3A_16 = arith.constant 1 : i32
    scf.for %scan3A_21 = %scan3A_13 to %scan3A_15 step %scan3A_16  : i32 {
      %mul3A_22 = arith.constant 1 : i32
      %mul3A_23 = arith.muli %scan3A_21, %mul3A_22 : i32
      %add3A_24 = arith.constant 0 : i32
      %add3A_25 = arith.addi %add3A_24, %mul3A_23 : i32
      %mul3A_26 = arith.constant 800 : i32
      %mul3A_27 = arith.muli %add3A_25, %mul3A_26 : i32
      %add3A_28 = arith.addi %mul3A_12, %mul3A_27 : i32
      "tpu.region"() ({
        %run_scoped3A = tpu.sem_alloc : memref<!tpu.dma_semaphore, #tpu.memory_space<semaphore_mem>>
        %dma_start3A_63 = tpu.memref_slice %arg3[%add3A_28] : memref<819200xi32, #tpu.memory_space<hbm>> -> memref<400xi32, #tpu.memory_space<hbm>>
        %dma_start3A_64 = tpu.memref_slice %arg3[%add3A_28] : memref<819200xi32, #tpu.memory_space<hbm>> -> memref<400xi32, #tpu.memory_space<hbm>>
        tpu.enqueue_dma source(%dma_start3A_64 : memref<400xi32, #tpu.memory_space<hbm>>) target(%arg6 : memref<400xi32, #tpu.memory_space<vmem>>) target_semaphore(%run_scoped3A : memref<!tpu.dma_semaphore, #tpu.memory_space<semaphore_mem>>)
        %dma_wait3A_65 = tpu.memref_slice %arg3[%add3A_28] : memref<819200xi32, #tpu.memory_space<hbm>> -> memref<400xi32, #tpu.memory_space<hbm>>
        %dma_wait3A_66 = tpu.memref_slice %arg3[%add3A_28] : memref<819200xi32, #tpu.memory_space<hbm>> -> memref<400xi32, #tpu.memory_space<hbm>>
        tpu.wait_dma2 semaphore(%run_scoped3A : memref<!tpu.dma_semaphore, #tpu.memory_space<semaphore_mem>>) src(%dma_wait3A_66 : memref<400xi32, #tpu.memory_space<hbm>>) dst(%arg6 : memref<400xi32, #tpu.memory_space<vmem>>)
        tpu.yield
      }) : () -> ()
      "tpu.region"() ({
        %run_scoped3A = tpu.sem_alloc : memref<!tpu.dma_semaphore, #tpu.memory_space<semaphore_mem>>
        %dma_start3A_63 = tpu.memref_slice %arg4[%add3A_28] : memref<819200xi32, #tpu.memory_space<hbm>> -> memref<400xi32, #tpu.memory_space<hbm>>
        %dma_start3A_64 = tpu.memref_slice %arg4[%add3A_28] : memref<819200xi32, #tpu.memory_space<hbm>> -> memref<400xi32, #tpu.memory_space<hbm>>
        tpu.enqueue_dma source(%dma_start3A_64 : memref<400xi32, #tpu.memory_space<hbm>>) target(%arg8 : memref<400xi32, #tpu.memory_space<vmem>>) target_semaphore(%run_scoped3A : memref<!tpu.dma_semaphore, #tpu.memory_space<semaphore_mem>>)
        %dma_wait3A_65 = tpu.memref_slice %arg4[%add3A_28] : memref<819200xi32, #tpu.memory_space<hbm>> -> memref<400xi32, #tpu.memory_space<hbm>>
        %dma_wait3A_66 = tpu.memref_slice %arg4[%add3A_28] : memref<819200xi32, #tpu.memory_space<hbm>> -> memref<400xi32, #tpu.memory_space<hbm>>
        tpu.wait_dma2 semaphore(%run_scoped3A : memref<!tpu.dma_semaphore, #tpu.memory_space<semaphore_mem>>) src(%dma_wait3A_66 : memref<400xi32, #tpu.memory_space<hbm>>) dst(%arg8 : memref<400xi32, #tpu.memory_space<vmem>>)
        tpu.yield
      }) : () -> ()
      %scan3A_29 = arith.constant 0 : i32
      %scan3A_30 = arith.constant 25 : i32
      %scan3A_31 = arith.addi %scan3A_29, %scan3A_30 : i32
      %scan3A_32 = arith.constant 1 : i32
      scf.for %scan3A_63 = %scan3A_29 to %scan3A_31 step %scan3A_32  : i32 {
        %mul3A_64 = arith.constant 1 : i32
        %mul3A_65 = arith.muli %scan3A_63, %mul3A_64 : i32
        %add3A_66 = arith.constant 0 : i32
        %add3A_67 = arith.addi %add3A_66, %mul3A_65 : i32
        %mul3A_68 = arith.constant 16 : i32
        %mul3A_69 = arith.muli %add3A_67, %mul3A_68 : i32
        %get3A = arith.index_cast %mul3A_69 : i32 to index
        %get3A_70 = tpu.vector_load %arg6[%get3A] {strides = array<i32>} : memref<400xi32, #tpu.memory_space<vmem>>, vector<16xi32>,
        %get3A_71 = vector.shape_cast %get3A_70 : vector<16xi32> to vector<16xi32>
        %mul3A_72 = arith.constant 2 : i32
        %mul3A_73 = vector.broadcast %mul3A_72 : i32 to vector<16xi32>
        %mul3A_74 = arith.muli %get3A_71, %mul3A_73 : vector<16xi32>
        %add3A_75 = vector.broadcast %arg0 : i32 to vector<16xi32>
        %add3A_76 = arith.addi %mul3A_74, %add3A_75 : vector<16xi32>
        %mul3A_77 = arith.constant 16 : i32
        %mul3A_78 = arith.muli %add3A_67, %mul3A_77 : i32
        %swap3A = arith.index_cast %mul3A_78 : i32 to index
        %swap3A_79 = tpu.vector_load %arg6[%swap3A] {strides = array<i32>} : memref<400xi32, #tpu.memory_space<vmem>>, vector<16xi32>,
        %swap3A_80 = vector.shape_cast %swap3A_79 : vector<16xi32> to vector<16xi32>
        %swap3A_81 = vector.shape_cast %add3A_76 : vector<16xi32> to vector<16xi32>
        tpu.vector_store %arg6[%swap3A], %swap3A_81 {strides = array<i32>} : memref<400xi32, #tpu.memory_space<vmem>>, vector<16xi32>,
      }
      %scan3A_33 = arith.constant 25 : i32
      %dma_start3A = arith.constant 0 : i32
      %dma_start3A_34 = arith.constant 0 : i32
      %dma_start3A_35 = tpu.memref_slice %arg2[%dma_start3A, %dma_start3A_34] : memref<100352x32xf32, #tpu.memory_space<hbm>> -> memref<100352x32xf32, #tpu.memory_space<hbm>>
      tpu.enqueue_indirect_dma source(%dma_start3A_35 : memref<100352x32xf32, #tpu.memory_space<hbm>>) target(%arg10 : memref<400x32xf32, #tpu.memory_space<vmem>>) offsets(%arg6 : memref<400xi32, #tpu.memory_space<vmem>>) semaphore(%arg12 : memref<!tpu.dma_semaphore, #tpu.memory_space<semaphore_mem>>)
      %add3A_36 = arith.constant 400 : i32
      %add3A_37 = arith.addi %add3A_28, %add3A_36 : i32
      "tpu.region"() ({
        %run_scoped3A = tpu.sem_alloc : memref<!tpu.dma_semaphore, #tpu.memory_space<semaphore_mem>>
        %dma_start3A_63 = tpu.memref_slice %arg3[%add3A_37] : memref<819200xi32, #tpu.memory_space<hbm>> -> memref<400xi32, #tpu.memory_space<hbm>>
        %dma_start3A_64 = tpu.memref_slice %arg3[%add3A_37] : memref<819200xi32, #tpu.memory_space<hbm>> -> memref<400xi32, #tpu.memory_space<hbm>>
        tpu.enqueue_dma source(%dma_start3A_64 : memref<400xi32, #tpu.memory_space<hbm>>) target(%arg7 : memref<400xi32, #tpu.memory_space<vmem>>) target_semaphore(%run_scoped3A : memref<!tpu.dma_semaphore, #tpu.memory_space<semaphore_mem>>)
        %dma_wait3A_65 = tpu.memref_slice %arg3[%add3A_37] : memref<819200xi32, #tpu.memory_space<hbm>> -> memref<400xi32, #tpu.memory_space<hbm>>
        %dma_wait3A_66 = tpu.memref_slice %arg3[%add3A_37] : memref<819200xi32, #tpu.memory_space<hbm>> -> memref<400xi32, #tpu.memory_space<hbm>>
        tpu.wait_dma2 semaphore(%run_scoped3A : memref<!tpu.dma_semaphore, #tpu.memory_space<semaphore_mem>>) src(%dma_wait3A_66 : memref<400xi32, #tpu.memory_space<hbm>>) dst(%arg7 : memref<400xi32, #tpu.memory_space<vmem>>)
        tpu.yield
      }) : () -> ()
      "tpu.region"() ({
        %run_scoped3A = tpu.sem_alloc : memref<!tpu.dma_semaphore, #tpu.memory_space<semaphore_mem>>
        %dma_start3A_63 = tpu.memref_slice %arg4[%add3A_37] : memref<819200xi32, #tpu.memory_space<hbm>> -> memref<400xi32, #tpu.memory_space<hbm>>
        %dma_start3A_64 = tpu.memref_slice %arg4[%add3A_37] : memref<819200xi32, #tpu.memory_space<hbm>> -> memref<400xi32, #tpu.memory_space<hbm>>
        tpu.enqueue_dma source(%dma_start3A_64 : memref<400xi32, #tpu.memory_space<hbm>>) target(%arg9 : memref<400xi32, #tpu.memory_space<vmem>>) target_semaphore(%run_scoped3A : memref<!tpu.dma_semaphore, #tpu.memory_space<semaphore_mem>>)
        %dma_wait3A_65 = tpu.memref_slice %arg4[%add3A_37] : memref<819200xi32, #tpu.memory_space<hbm>> -> memref<400xi32, #tpu.memory_space<hbm>>
        %dma_wait3A_66 = tpu.memref_slice %arg4[%add3A_37] : memref<819200xi32, #tpu.memory_space<hbm>> -> memref<400xi32, #tpu.memory_space<hbm>>
        tpu.wait_dma2 semaphore(%run_scoped3A : memref<!tpu.dma_semaphore, #tpu.memory_space<semaphore_mem>>) src(%dma_wait3A_66 : memref<400xi32, #tpu.memory_space<hbm>>) dst(%arg9 : memref<400xi32, #tpu.memory_space<vmem>>)
        tpu.yield
      }) : () -> ()
      %scan3A_38 = arith.constant 0 : i32
      %scan3A_39 = arith.constant 25 : i32
      %scan3A_40 = arith.addi %scan3A_38, %scan3A_39 : i32
      %scan3A_41 = arith.constant 1 : i32
      scf.for %scan3A_63 = %scan3A_38 to %scan3A_40 step %scan3A_41  : i32 {
        %mul3A_64 = arith.constant 1 : i32
        %mul3A_65 = arith.muli %scan3A_63, %mul3A_64 : i32
        %add3A_66 = arith.constant 0 : i32
        %add3A_67 = arith.addi %add3A_66, %mul3A_65 : i32
        %mul3A_68 = arith.constant 16 : i32
        %mul3A_69 = arith.muli %add3A_67, %mul3A_68 : i32
        %get3A = arith.index_cast %mul3A_69 : i32 to index
        %get3A_70 = tpu.vector_load %arg7[%get3A] {strides = array<i32>} : memref<400xi32, #tpu.memory_space<vmem>>, vector<16xi32>,
        %get3A_71 = vector.shape_cast %get3A_70 : vector<16xi32> to vector<16xi32>
        %mul3A_72 = arith.constant 2 : i32
        %mul3A_73 = vector.broadcast %mul3A_72 : i32 to vector<16xi32>
        %mul3A_74 = arith.muli %get3A_71, %mul3A_73 : vector<16xi32>
        %add3A_75 = vector.broadcast %arg0 : i32 to vector<16xi32>
        %add3A_76 = arith.addi %mul3A_74, %add3A_75 : vector<16xi32>
        %mul3A_77 = arith.constant 16 : i32
        %mul3A_78 = arith.muli %add3A_67, %mul3A_77 : i32
        %swap3A = arith.index_cast %mul3A_78 : i32 to index
        %swap3A_79 = tpu.vector_load %arg7[%swap3A] {strides = array<i32>} : memref<400xi32, #tpu.memory_space<vmem>>, vector<16xi32>,
        %swap3A_80 = vector.shape_cast %swap3A_79 : vector<16xi32> to vector<16xi32>
        %swap3A_81 = vector.shape_cast %add3A_76 : vector<16xi32> to vector<16xi32>
        tpu.vector_store %arg7[%swap3A], %swap3A_81 {strides = array<i32>} : memref<400xi32, #tpu.memory_space<vmem>>, vector<16xi32>,
      }
      %scan3A_42 = arith.constant 25 : i32
      %dma_start3A_43 = arith.constant 0 : i32
      %dma_start3A_44 = arith.constant 0 : i32
      %dma_start3A_45 = tpu.memref_slice %arg2[%dma_start3A_43, %dma_start3A_44] : memref<100352x32xf32, #tpu.memory_space<hbm>> -> memref<100352x32xf32, #tpu.memory_space<hbm>>
      tpu.enqueue_indirect_dma source(%dma_start3A_45 : memref<100352x32xf32, #tpu.memory_space<hbm>>) target(%arg11 : memref<400x32xf32, #tpu.memory_space<vmem>>) offsets(%arg7 : memref<400xi32, #tpu.memory_space<vmem>>) semaphore(%arg13 : memref<!tpu.dma_semaphore, #tpu.memory_space<semaphore_mem>>)
      %dma_wait3A = arith.constant 0 : i32
      %dma_wait3A_46 = arith.constant 0 : i32
      %dma_wait3A_47 = tpu.memref_slice %arg2[%dma_wait3A, %dma_wait3A_46] : memref<100352x32xf32, #tpu.memory_space<hbm>> -> memref<100352x32xf32, #tpu.memory_space<hbm>>
      tpu.wait_indirect_dma semaphore(%arg12 : memref<!tpu.dma_semaphore, #tpu.memory_space<semaphore_mem>>) src(%dma_wait3A_47 : memref<100352x32xf32, #tpu.memory_space<hbm>>) dst(%arg10 : memref<400x32xf32, #tpu.memory_space<vmem>>)
      %dma_start3A_48 = arith.constant 0 : i32
      %dma_start3A_49 = arith.constant 0 : i32
      %dma_start3A_50 = tpu.memref_slice %arg16[%dma_start3A_48, %dma_start3A_49] : memref<50176x32xf32, #tpu.memory_space<vmem_shared>> -> memref<50176x32xf32, #tpu.memory_space<vmem_shared>>
      tpu.enqueue_indirect_dma source(%arg10 : memref<400x32xf32, #tpu.memory_space<vmem>>) target(%dma_start3A_50 : memref<50176x32xf32, #tpu.memory_space<vmem_shared>>) offsets(%arg8 : memref<400xi32, #tpu.memory_space<vmem>>) semaphore(%arg14 : memref<!tpu.dma_semaphore, #tpu.memory_space<semaphore_mem>>) {add = true}
      %dma_wait3A_51 = arith.constant 0 : i32
      %dma_wait3A_52 = arith.constant 0 : i32
      %dma_wait3A_53 = tpu.memref_slice %arg2[%dma_wait3A_51, %dma_wait3A_52] : memref<100352x32xf32, #tpu.memory_space<hbm>> -> memref<100352x32xf32, #tpu.memory_space<hbm>>
      tpu.wait_indirect_dma semaphore(%arg13 : memref<!tpu.dma_semaphore, #tpu.memory_space<semaphore_mem>>) src(%dma_wait3A_53 : memref<100352x32xf32, #tpu.memory_space<hbm>>) dst(%arg11 : memref<400x32xf32, #tpu.memory_space<vmem>>)
      %dma_start3A_54 = arith.constant 0 : i32
      %dma_start3A_55 = arith.constant 0 : i32
      %dma_start3A_56 = tpu.memref_slice %arg16[%dma_start3A_54, %dma_start3A_55] : memref<50176x32xf32, #tpu.memory_space<vmem_shared>> -> memref<50176x32xf32, #tpu.memory_space<vmem_shared>>
      tpu.enqueue_indirect_dma source(%arg11 : memref<400x32xf32, #tpu.memory_space<vmem>>) target(%dma_start3A_56 : memref<50176x32xf32, #tpu.memory_space<vmem_shared>>) offsets(%arg9 : memref<400xi32, #tpu.memory_space<vmem>>) semaphore(%arg15 : memref<!tpu.dma_semaphore, #tpu.memory_space<semaphore_mem>>) {add = true}
      %dma_wait3A_57 = arith.constant 0 : i32
      %dma_wait3A_58 = arith.constant 0 : i32
      %dma_wait3A_59 = tpu.memref_slice %arg16[%dma_wait3A_57, %dma_wait3A_58] : memref<50176x32xf32, #tpu.memory_space<vmem_shared>> -> memref<50176x32xf32, #tpu.memory_space<vmem_shared>>
      tpu.wait_indirect_dma semaphore(%arg14 : memref<!tpu.dma_semaphore, #tpu.memory_space<semaphore_mem>>) src(%arg10 : memref<400x32xf32, #tpu.memory_space<vmem>>) dst(%dma_wait3A_59 : memref<50176x32xf32, #tpu.memory_space<vmem_shared>>)
      %dma_wait3A_60 = arith.constant 0 : i32
      %dma_wait3A_61 = arith.constant 0 : i32
      %dma_wait3A_62 = tpu.memref_slice %arg16[%dma_wait3A_60, %dma_wait3A_61] : memref<50176x32xf32, #tpu.memory_space<vmem_shared>> -> memref<50176x32xf32, #tpu.memory_space<vmem_shared>>
      tpu.wait_indirect_dma semaphore(%arg15 : memref<!tpu.dma_semaphore, #tpu.memory_space<semaphore_mem>>) src(%arg11 : memref<400x32xf32, #tpu.memory_space<vmem>>) dst(%dma_wait3A_62 : memref<50176x32xf32, #tpu.memory_space<vmem_shared>>)
    }
    %scan3A_17 = arith.constant 64 : i32
    %barrier3A_18 = arith.constant 0 : index
    tpu.barrier barrier_id(%barrier3A_18)
    %mul3A_19 = arith.constant 50176 : i32
    %mul3A_20 = arith.muli %arg0, %mul3A_19 : i32
    %add3A = arith.addi %mul3A_20, %mul3A_5 : i32
    "tpu.region"() ({
      %run_scoped3A = tpu.sem_alloc : memref<!tpu.dma_semaphore, #tpu.memory_space<semaphore_mem>>
      %dma_start3A = arith.constant 0 : i32
      %dma_start3A_21 = tpu.memref_slice %arg5[%add3A, %dma_start3A] : memref<100352x32xf32, #tpu.memory_space<hbm>> -> memref<3136x32xf32, #tpu.memory_space<hbm>>
      %dma_start3A_22 = arith.constant 0 : i32
      %dma_start3A_23 = tpu.memref_slice %arg16[%mul3A_5, %dma_start3A_22] : memref<50176x32xf32, #tpu.memory_space<vmem_shared>> -> memref<3136x32xf32, #tpu.memory_space<vmem_shared>>
      tpu.enqueue_dma source(%dma_start3A_23 : memref<3136x32xf32, #tpu.memory_space<vmem_shared>>) target(%dma_start3A_21 : memref<3136x32xf32, #tpu.memory_space<hbm>>) target_semaphore(%run_scoped3A : memref<!tpu.dma_semaphore, #tpu.memory_space<semaphore_mem>>)
      %dma_wait3A = arith.constant 0 : i32
      %dma_wait3A_24 = tpu.memref_slice %arg5[%add3A, %dma_wait3A] : memref<100352x32xf32, #tpu.memory_space<hbm>> -> memref<3136x32xf32, #tpu.memory_space<hbm>>
      %dma_wait3A_25 = arith.constant 0 : i32
      %dma_wait3A_26 = tpu.memref_slice %arg16[%mul3A_5, %dma_wait3A_25] : memref<50176x32xf32, #tpu.memory_space<vmem_shared>> -> memref<3136x32xf32, #tpu.memory_space<vmem_shared>>
      tpu.wait_dma2 semaphore(%run_scoped3A : memref<!tpu.dma_semaphore, #tpu.memory_space<semaphore_mem>>) src(%dma_wait3A_26 : memref<3136x32xf32, #tpu.memory_space<vmem_shared>>) dst(%dma_wait3A_24 : memref<3136x32xf32, #tpu.memory_space<hbm>>)
      tpu.yield
    }) : () -> ()
    return
  }
}

#map = affine_map<(d0, d1) -> (0, 0)>
#map1 = affine_map<(d0, d1) -> (0)>
module attributes {stable_mosaic.version = 14 : i64} {
  func.func @_agg64_body(%arg0: i32, %arg1: i32, %arg2: memref<100352x32xf32, #tpu.memory_space<hbm>>, %arg3: memref<819200xi32, #tpu.memory_space<hbm>>, %arg4: memref<819200xi32, #tpu.memory_space<hbm>>, %arg5: memref<100352x32xf32, #tpu.memory_space<hbm>>, %arg6: memref<400xi32, #tpu.memory_space<vmem>>, %arg7: memref<400xi32, #tpu.memory_space<vmem>>, %arg8: memref<400xi32, #tpu.memory_space<vmem>>, %arg9: memref<400xi32, #tpu.memory_space<vmem>>, %arg10: memref<400x32xf32, #tpu.memory_space<vmem>>, %arg11: memref<400x32xf32, #tpu.memory_space<vmem>>, %arg12: memref<!tpu.dma_semaphore, #tpu.memory_space<semaphore_mem>>, %arg13: memref<!tpu.dma_semaphore, #tpu.memory_space<semaphore_mem>>, %arg14: memref<!tpu.dma_semaphore, #tpu.memory_space<semaphore_mem>>, %arg15: memref<!tpu.dma_semaphore, #tpu.memory_space<semaphore_mem>>, %arg16: memref<50176x32xf32, #tpu.memory_space<vmem_shared>>) attributes {dimension_semantics = [#tpu.dimension_semantics<core_parallel>, #tpu.dimension_semantics<subcore_parallel>], iteration_bounds = array<i64: 2, 16>, scalar_prefetch = 0 : i64, scratch_operands = 11 : i64, tpu.core_type = #tpu.core_type<sc_vector_subcore>, window_params = [{transform_indices = #map}, {transform_indices = #map1}, {transform_indices = #map1}, {transform_indices = #map}]} {
    %broadcast_in_dim3A = arith.constant 0.000000e+00 : f32
    %broadcast_in_dim3A_0 = vector.broadcast %broadcast_in_dim3A : f32 to vector<16xf32>
    %scan3A = arith.constant 0 : i32
    %scan3A_1 = arith.constant 392 : i32
    %scan3A_2 = arith.addi %scan3A, %scan3A_1 : i32
    %scan3A_3 = arith.constant 1 : i32
    scf.for %scan3A_21 = %scan3A to %scan3A_2 step %scan3A_3  : i32 {
      %mul3A_22 = arith.constant 1 : i32
      %mul3A_23 = arith.muli %scan3A_21, %mul3A_22 : i32
      %add3A_24 = arith.constant 0 : i32
      %add3A_25 = arith.addi %add3A_24, %mul3A_23 : i32
      %scan3A_26 = arith.constant 0 : i32
      %scan3A_27 = arith.constant 2 : i32
      %scan3A_28 = arith.addi %scan3A_26, %scan3A_27 : i32
      %scan3A_29 = arith.constant 1 : i32
      scf.for %scan3A_31 = %scan3A_26 to %scan3A_28 step %scan3A_29  : i32 {
        %mul3A_32 = arith.constant 1 : i32
        %mul3A_33 = arith.muli %scan3A_31, %mul3A_32 : i32
        %add3A_34 = arith.constant 0 : i32
        %add3A_35 = arith.addi %add3A_34, %mul3A_33 : i32
        %mul3A_36 = arith.constant 16 : i32
        %mul3A_37 = arith.muli %add3A_35, %mul3A_36 : i32
        %swap3A = arith.index_cast %add3A_25 : i32 to index
        %swap3A_38 = arith.index_cast %mul3A_37 : i32 to index
        %swap3A_39 = tpu.vector_load %arg10[%swap3A, %swap3A_38] {strides = array<i32>} : memref<400x32xf32, #tpu.memory_space<vmem>>, vector<1x16xf32>,
        %swap3A_40 = vector.shape_cast %swap3A_39 : vector<1x16xf32> to vector<16xf32>
        %swap3A_41 = vector.shape_cast %broadcast_in_dim3A_0 : vector<16xf32> to vector<1x16xf32>
        tpu.vector_store %arg10[%swap3A, %swap3A_38], %swap3A_41 {strides = array<i32>} : memref<400x32xf32, #tpu.memory_space<vmem>>, vector<1x16xf32>,
      }
      %scan3A_30 = arith.constant 2 : i32
    }
    %scan3A_4 = arith.constant 392 : i32
    %mul3A = arith.constant 3136 : i32
    %mul3A_5 = arith.muli %arg1, %mul3A : i32
    %scan3A_6 = arith.constant 0 : i32
    %scan3A_7 = arith.constant 8 : i32
    %scan3A_8 = arith.addi %scan3A_6, %scan3A_7 : i32
    %scan3A_9 = arith.constant 1 : i32
    scf.for %scan3A_21 = %scan3A_6 to %scan3A_8 step %scan3A_9  : i32 {
      %mul3A_22 = arith.constant 1 : i32
      %mul3A_23 = arith.muli %scan3A_21, %mul3A_22 : i32
      %add3A_24 = arith.constant 0 : i32
      %add3A_25 = arith.addi %add3A_24, %mul3A_23 : i32
      %mul3A_26 = arith.constant 392 : i32
      %mul3A_27 = arith.muli %add3A_25, %mul3A_26 : i32
      %add3A_28 = arith.addi %mul3A_5, %mul3A_27 : i32
      "tpu.region"() ({
        %run_scoped3A = tpu.sem_alloc : memref<!tpu.dma_semaphore, #tpu.memory_space<semaphore_mem>>
        %dma_start3A = arith.constant 0 : i32
        %dma_start3A_29 = arith.constant 0 : i32
        %dma_start3A_30 = tpu.memref_slice %arg10[%dma_start3A, %dma_start3A_29] : memref<400x32xf32, #tpu.memory_space<vmem>> -> memref<392x32xf32, #tpu.memory_space<vmem>>
        %dma_start3A_31 = arith.constant 0 : i32
        %dma_start3A_32 = tpu.memref_slice %arg16[%add3A_28, %dma_start3A_31] : memref<50176x32xf32, #tpu.memory_space<vmem_shared>> -> memref<392x32xf32, #tpu.memory_space<vmem_shared>>
        %dma_start3A_33 = arith.constant 0 : i32
        %dma_start3A_34 = tpu.memref_slice %arg16[%add3A_28, %dma_start3A_33] : memref<50176x32xf32, #tpu.memory_space<vmem_shared>> -> memref<392x32xf32, #tpu.memory_space<vmem_shared>>
        %dma_start3A_35 = arith.constant 0 : i32
        %dma_start3A_36 = arith.constant 0 : i32
        %dma_start3A_37 = tpu.memref_slice %arg10[%dma_start3A_35, %dma_start3A_36] : memref<400x32xf32, #tpu.memory_space<vmem>> -> memref<392x32xf32, #tpu.memory_space<vmem>>
        tpu.enqueue_dma source(%dma_start3A_37 : memref<392x32xf32, #tpu.memory_space<vmem>>) target(%dma_start3A_34 : memref<392x32xf32, #tpu.memory_space<vmem_shared>>) target_semaphore(%run_scoped3A : memref<!tpu.dma_semaphore, #tpu.memory_space<semaphore_mem>>)
        %dma_wait3A = arith.constant 0 : i32
        %dma_wait3A_38 = arith.constant 0 : i32
        %dma_wait3A_39 = tpu.memref_slice %arg10[%dma_wait3A, %dma_wait3A_38] : memref<400x32xf32, #tpu.memory_space<vmem>> -> memref<392x32xf32, #tpu.memory_space<vmem>>
        %dma_wait3A_40 = arith.constant 0 : i32
        %dma_wait3A_41 = tpu.memref_slice %arg16[%add3A_28, %dma_wait3A_40] : memref<50176x32xf32, #tpu.memory_space<vmem_shared>> -> memref<392x32xf32, #tpu.memory_space<vmem_shared>>
        %dma_wait3A_42 = arith.constant 0 : i32
        %dma_wait3A_43 = tpu.memref_slice %arg16[%add3A_28, %dma_wait3A_42] : memref<50176x32xf32, #tpu.memory_space<vmem_shared>> -> memref<392x32xf32, #tpu.memory_space<vmem_shared>>
        %dma_wait3A_44 = arith.constant 0 : i32
        %dma_wait3A_45 = arith.constant 0 : i32
        %dma_wait3A_46 = tpu.memref_slice %arg10[%dma_wait3A_44, %dma_wait3A_45] : memref<400x32xf32, #tpu.memory_space<vmem>> -> memref<392x32xf32, #tpu.memory_space<vmem>>
        tpu.wait_dma2 semaphore(%run_scoped3A : memref<!tpu.dma_semaphore, #tpu.memory_space<semaphore_mem>>) src(%dma_wait3A_46 : memref<392x32xf32, #tpu.memory_space<vmem>>) dst(%dma_wait3A_43 : memref<392x32xf32, #tpu.memory_space<vmem_shared>>)
        tpu.yield
      }) : () -> ()
    }
    %scan3A_10 = arith.constant 8 : i32
    %barrier3A = arith.constant 0 : index
    tpu.barrier barrier_id(%barrier3A)
    %mul3A_11 = arith.constant 51200 : i32
    %mul3A_12 = arith.muli %arg1, %mul3A_11 : i32
    %scan3A_13 = arith.constant 0 : i32
    %scan3A_14 = arith.constant 64 : i32
    %scan3A_15 = arith.addi %scan3A_13, %scan3A_14 : i32
    %scan3A_16 = arith.constant 1 : i32
    scf.for %scan3A_21 = %scan3A_13 to %scan3A_15 step %scan3A_16  : i32 {
      %mul3A_22 = arith.constant 1 : i32
      %mul3A_23 = arith.muli %scan3A_21, %mul3A_22 : i32
      %add3A_24 = arith.constant 0 : i32
      %add3A_25 = arith.addi %add3A_24, %mul3A_23 : i32
      %mul3A_26 = arith.constant 800 : i32
      %mul3A_27 = arith.muli %add3A_25, %mul3A_26 : i32
      %add3A_28 = arith.addi %mul3A_12, %mul3A_27 : i32
      "tpu.region"() ({
        %run_scoped3A = tpu.sem_alloc : memref<!tpu.dma_semaphore, #tpu.memory_space<semaphore_mem>>
        %dma_start3A_63 = tpu.memref_slice %arg3[%add3A_28] : memref<819200xi32, #tpu.memory_space<hbm>> -> memref<400xi32, #tpu.memory_space<hbm>>
        %dma_start3A_64 = tpu.memref_slice %arg3[%add3A_28] : memref<819200xi32, #tpu.memory_space<hbm>> -> memref<400xi32, #tpu.memory_space<hbm>>
        tpu.enqueue_dma source(%dma_start3A_64 : memref<400xi32, #tpu.memory_space<hbm>>) target(%arg6 : memref<400xi32, #tpu.memory_space<vmem>>) target_semaphore(%run_scoped3A : memref<!tpu.dma_semaphore, #tpu.memory_space<semaphore_mem>>)
        %dma_wait3A_65 = tpu.memref_slice %arg3[%add3A_28] : memref<819200xi32, #tpu.memory_space<hbm>> -> memref<400xi32, #tpu.memory_space<hbm>>
        %dma_wait3A_66 = tpu.memref_slice %arg3[%add3A_28] : memref<819200xi32, #tpu.memory_space<hbm>> -> memref<400xi32, #tpu.memory_space<hbm>>
        tpu.wait_dma2 semaphore(%run_scoped3A : memref<!tpu.dma_semaphore, #tpu.memory_space<semaphore_mem>>) src(%dma_wait3A_66 : memref<400xi32, #tpu.memory_space<hbm>>) dst(%arg6 : memref<400xi32, #tpu.memory_space<vmem>>)
        tpu.yield
      }) : () -> ()
      "tpu.region"() ({
        %run_scoped3A = tpu.sem_alloc : memref<!tpu.dma_semaphore, #tpu.memory_space<semaphore_mem>>
        %dma_start3A_63 = tpu.memref_slice %arg4[%add3A_28] : memref<819200xi32, #tpu.memory_space<hbm>> -> memref<400xi32, #tpu.memory_space<hbm>>
        %dma_start3A_64 = tpu.memref_slice %arg4[%add3A_28] : memref<819200xi32, #tpu.memory_space<hbm>> -> memref<400xi32, #tpu.memory_space<hbm>>
        tpu.enqueue_dma source(%dma_start3A_64 : memref<400xi32, #tpu.memory_space<hbm>>) target(%arg8 : memref<400xi32, #tpu.memory_space<vmem>>) target_semaphore(%run_scoped3A : memref<!tpu.dma_semaphore, #tpu.memory_space<semaphore_mem>>)
        %dma_wait3A_65 = tpu.memref_slice %arg4[%add3A_28] : memref<819200xi32, #tpu.memory_space<hbm>> -> memref<400xi32, #tpu.memory_space<hbm>>
        %dma_wait3A_66 = tpu.memref_slice %arg4[%add3A_28] : memref<819200xi32, #tpu.memory_space<hbm>> -> memref<400xi32, #tpu.memory_space<hbm>>
        tpu.wait_dma2 semaphore(%run_scoped3A : memref<!tpu.dma_semaphore, #tpu.memory_space<semaphore_mem>>) src(%dma_wait3A_66 : memref<400xi32, #tpu.memory_space<hbm>>) dst(%arg8 : memref<400xi32, #tpu.memory_space<vmem>>)
        tpu.yield
      }) : () -> ()
      %scan3A_29 = arith.constant 0 : i32
      %scan3A_30 = arith.constant 25 : i32
      %scan3A_31 = arith.addi %scan3A_29, %scan3A_30 : i32
      %scan3A_32 = arith.constant 1 : i32
      scf.for %scan3A_63 = %scan3A_29 to %scan3A_31 step %scan3A_32  : i32 {
        %mul3A_64 = arith.constant 1 : i32
        %mul3A_65 = arith.muli %scan3A_63, %mul3A_64 : i32
        %add3A_66 = arith.constant 0 : i32
        %add3A_67 = arith.addi %add3A_66, %mul3A_65 : i32
        %mul3A_68 = arith.constant 16 : i32
        %mul3A_69 = arith.muli %add3A_67, %mul3A_68 : i32
        %get3A = arith.index_cast %mul3A_69 : i32 to index
        %get3A_70 = tpu.vector_load %arg6[%get3A] {strides = array<i32>} : memref<400xi32, #tpu.memory_space<vmem>>, vector<16xi32>,
        %get3A_71 = vector.shape_cast %get3A_70 : vector<16xi32> to vector<16xi32>
        %mul3A_72 = arith.constant 2 : i32
        %mul3A_73 = vector.broadcast %mul3A_72 : i32 to vector<16xi32>
        %mul3A_74 = arith.muli %get3A_71, %mul3A_73 : vector<16xi32>
        %add3A_75 = vector.broadcast %arg0 : i32 to vector<16xi32>
        %add3A_76 = arith.addi %mul3A_74, %add3A_75 : vector<16xi32>
        %mul3A_77 = arith.constant 16 : i32
        %mul3A_78 = arith.muli %add3A_67, %mul3A_77 : i32
        %swap3A = arith.index_cast %mul3A_78 : i32 to index
        %swap3A_79 = tpu.vector_load %arg6[%swap3A] {strides = array<i32>} : memref<400xi32, #tpu.memory_space<vmem>>, vector<16xi32>,
        %swap3A_80 = vector.shape_cast %swap3A_79 : vector<16xi32> to vector<16xi32>
        %swap3A_81 = vector.shape_cast %add3A_76 : vector<16xi32> to vector<16xi32>
        tpu.vector_store %arg6[%swap3A], %swap3A_81 {strides = array<i32>} : memref<400xi32, #tpu.memory_space<vmem>>, vector<16xi32>,
      }
      %scan3A_33 = arith.constant 25 : i32
      %dma_start3A = arith.constant 0 : i32
      %dma_start3A_34 = arith.constant 0 : i32
      %dma_start3A_35 = tpu.memref_slice %arg2[%dma_start3A, %dma_start3A_34] : memref<100352x32xf32, #tpu.memory_space<hbm>> -> memref<100352x32xf32, #tpu.memory_space<hbm>>
      tpu.enqueue_indirect_dma source(%dma_start3A_35 : memref<100352x32xf32, #tpu.memory_space<hbm>>) target(%arg10 : memref<400x32xf32, #tpu.memory_space<vmem>>) offsets(%arg6 : memref<400xi32, #tpu.memory_space<vmem>>) semaphore(%arg12 : memref<!tpu.dma_semaphore, #tpu.memory_space<semaphore_mem>>)
      %add3A_36 = arith.constant 400 : i32
      %add3A_37 = arith.addi %add3A_28, %add3A_36 : i32
      "tpu.region"() ({
        %run_scoped3A = tpu.sem_alloc : memref<!tpu.dma_semaphore, #tpu.memory_space<semaphore_mem>>
        %dma_start3A_63 = tpu.memref_slice %arg3[%add3A_37] : memref<819200xi32, #tpu.memory_space<hbm>> -> memref<400xi32, #tpu.memory_space<hbm>>
        %dma_start3A_64 = tpu.memref_slice %arg3[%add3A_37] : memref<819200xi32, #tpu.memory_space<hbm>> -> memref<400xi32, #tpu.memory_space<hbm>>
        tpu.enqueue_dma source(%dma_start3A_64 : memref<400xi32, #tpu.memory_space<hbm>>) target(%arg7 : memref<400xi32, #tpu.memory_space<vmem>>) target_semaphore(%run_scoped3A : memref<!tpu.dma_semaphore, #tpu.memory_space<semaphore_mem>>)
        %dma_wait3A_65 = tpu.memref_slice %arg3[%add3A_37] : memref<819200xi32, #tpu.memory_space<hbm>> -> memref<400xi32, #tpu.memory_space<hbm>>
        %dma_wait3A_66 = tpu.memref_slice %arg3[%add3A_37] : memref<819200xi32, #tpu.memory_space<hbm>> -> memref<400xi32, #tpu.memory_space<hbm>>
        tpu.wait_dma2 semaphore(%run_scoped3A : memref<!tpu.dma_semaphore, #tpu.memory_space<semaphore_mem>>) src(%dma_wait3A_66 : memref<400xi32, #tpu.memory_space<hbm>>) dst(%arg7 : memref<400xi32, #tpu.memory_space<vmem>>)
        tpu.yield
      }) : () -> ()
      "tpu.region"() ({
        %run_scoped3A = tpu.sem_alloc : memref<!tpu.dma_semaphore, #tpu.memory_space<semaphore_mem>>
        %dma_start3A_63 = tpu.memref_slice %arg4[%add3A_37] : memref<819200xi32, #tpu.memory_space<hbm>> -> memref<400xi32, #tpu.memory_space<hbm>>
        %dma_start3A_64 = tpu.memref_slice %arg4[%add3A_37] : memref<819200xi32, #tpu.memory_space<hbm>> -> memref<400xi32, #tpu.memory_space<hbm>>
        tpu.enqueue_dma source(%dma_start3A_64 : memref<400xi32, #tpu.memory_space<hbm>>) target(%arg9 : memref<400xi32, #tpu.memory_space<vmem>>) target_semaphore(%run_scoped3A : memref<!tpu.dma_semaphore, #tpu.memory_space<semaphore_mem>>)
        %dma_wait3A_65 = tpu.memref_slice %arg4[%add3A_37] : memref<819200xi32, #tpu.memory_space<hbm>> -> memref<400xi32, #tpu.memory_space<hbm>>
        %dma_wait3A_66 = tpu.memref_slice %arg4[%add3A_37] : memref<819200xi32, #tpu.memory_space<hbm>> -> memref<400xi32, #tpu.memory_space<hbm>>
        tpu.wait_dma2 semaphore(%run_scoped3A : memref<!tpu.dma_semaphore, #tpu.memory_space<semaphore_mem>>) src(%dma_wait3A_66 : memref<400xi32, #tpu.memory_space<hbm>>) dst(%arg9 : memref<400xi32, #tpu.memory_space<vmem>>)
        tpu.yield
      }) : () -> ()
      %scan3A_38 = arith.constant 0 : i32
      %scan3A_39 = arith.constant 25 : i32
      %scan3A_40 = arith.addi %scan3A_38, %scan3A_39 : i32
      %scan3A_41 = arith.constant 1 : i32
      scf.for %scan3A_63 = %scan3A_38 to %scan3A_40 step %scan3A_41  : i32 {
        %mul3A_64 = arith.constant 1 : i32
        %mul3A_65 = arith.muli %scan3A_63, %mul3A_64 : i32
        %add3A_66 = arith.constant 0 : i32
        %add3A_67 = arith.addi %add3A_66, %mul3A_65 : i32
        %mul3A_68 = arith.constant 16 : i32
        %mul3A_69 = arith.muli %add3A_67, %mul3A_68 : i32
        %get3A = arith.index_cast %mul3A_69 : i32 to index
        %get3A_70 = tpu.vector_load %arg7[%get3A] {strides = array<i32>} : memref<400xi32, #tpu.memory_space<vmem>>, vector<16xi32>,
        %get3A_71 = vector.shape_cast %get3A_70 : vector<16xi32> to vector<16xi32>
        %mul3A_72 = arith.constant 2 : i32
        %mul3A_73 = vector.broadcast %mul3A_72 : i32 to vector<16xi32>
        %mul3A_74 = arith.muli %get3A_71, %mul3A_73 : vector<16xi32>
        %add3A_75 = vector.broadcast %arg0 : i32 to vector<16xi32>
        %add3A_76 = arith.addi %mul3A_74, %add3A_75 : vector<16xi32>
        %mul3A_77 = arith.constant 16 : i32
        %mul3A_78 = arith.muli %add3A_67, %mul3A_77 : i32
        %swap3A = arith.index_cast %mul3A_78 : i32 to index
        %swap3A_79 = tpu.vector_load %arg7[%swap3A] {strides = array<i32>} : memref<400xi32, #tpu.memory_space<vmem>>, vector<16xi32>,
        %swap3A_80 = vector.shape_cast %swap3A_79 : vector<16xi32> to vector<16xi32>
        %swap3A_81 = vector.shape_cast %add3A_76 : vector<16xi32> to vector<16xi32>
        tpu.vector_store %arg7[%swap3A], %swap3A_81 {strides = array<i32>} : memref<400xi32, #tpu.memory_space<vmem>>, vector<16xi32>,
      }
      %scan3A_42 = arith.constant 25 : i32
      %dma_start3A_43 = arith.constant 0 : i32
      %dma_start3A_44 = arith.constant 0 : i32
      %dma_start3A_45 = tpu.memref_slice %arg2[%dma_start3A_43, %dma_start3A_44] : memref<100352x32xf32, #tpu.memory_space<hbm>> -> memref<100352x32xf32, #tpu.memory_space<hbm>>
      tpu.enqueue_indirect_dma source(%dma_start3A_45 : memref<100352x32xf32, #tpu.memory_space<hbm>>) target(%arg11 : memref<400x32xf32, #tpu.memory_space<vmem>>) offsets(%arg7 : memref<400xi32, #tpu.memory_space<vmem>>) semaphore(%arg13 : memref<!tpu.dma_semaphore, #tpu.memory_space<semaphore_mem>>)
      %dma_wait3A = arith.constant 0 : i32
      %dma_wait3A_46 = arith.constant 0 : i32
      %dma_wait3A_47 = tpu.memref_slice %arg2[%dma_wait3A, %dma_wait3A_46] : memref<100352x32xf32, #tpu.memory_space<hbm>> -> memref<100352x32xf32, #tpu.memory_space<hbm>>
      tpu.wait_indirect_dma semaphore(%arg12 : memref<!tpu.dma_semaphore, #tpu.memory_space<semaphore_mem>>) src(%dma_wait3A_47 : memref<100352x32xf32, #tpu.memory_space<hbm>>) dst(%arg10 : memref<400x32xf32, #tpu.memory_space<vmem>>)
      %dma_start3A_48 = arith.constant 0 : i32
      %dma_start3A_49 = arith.constant 0 : i32
      %dma_start3A_50 = tpu.memref_slice %arg16[%dma_start3A_48, %dma_start3A_49] : memref<50176x32xf32, #tpu.memory_space<vmem_shared>> -> memref<50176x32xf32, #tpu.memory_space<vmem_shared>>
      tpu.enqueue_indirect_dma source(%arg10 : memref<400x32xf32, #tpu.memory_space<vmem>>) target(%dma_start3A_50 : memref<50176x32xf32, #tpu.memory_space<vmem_shared>>) offsets(%arg8 : memref<400xi32, #tpu.memory_space<vmem>>) semaphore(%arg14 : memref<!tpu.dma_semaphore, #tpu.memory_space<semaphore_mem>>) {add = true}
      %dma_wait3A_51 = arith.constant 0 : i32
      %dma_wait3A_52 = arith.constant 0 : i32
      %dma_wait3A_53 = tpu.memref_slice %arg2[%dma_wait3A_51, %dma_wait3A_52] : memref<100352x32xf32, #tpu.memory_space<hbm>> -> memref<100352x32xf32, #tpu.memory_space<hbm>>
      tpu.wait_indirect_dma semaphore(%arg13 : memref<!tpu.dma_semaphore, #tpu.memory_space<semaphore_mem>>) src(%dma_wait3A_53 : memref<100352x32xf32, #tpu.memory_space<hbm>>) dst(%arg11 : memref<400x32xf32, #tpu.memory_space<vmem>>)
      %dma_start3A_54 = arith.constant 0 : i32
      %dma_start3A_55 = arith.constant 0 : i32
      %dma_start3A_56 = tpu.memref_slice %arg16[%dma_start3A_54, %dma_start3A_55] : memref<50176x32xf32, #tpu.memory_space<vmem_shared>> -> memref<50176x32xf32, #tpu.memory_space<vmem_shared>>
      tpu.enqueue_indirect_dma source(%arg11 : memref<400x32xf32, #tpu.memory_space<vmem>>) target(%dma_start3A_56 : memref<50176x32xf32, #tpu.memory_space<vmem_shared>>) offsets(%arg9 : memref<400xi32, #tpu.memory_space<vmem>>) semaphore(%arg15 : memref<!tpu.dma_semaphore, #tpu.memory_space<semaphore_mem>>) {add = true}
      %dma_wait3A_57 = arith.constant 0 : i32
      %dma_wait3A_58 = arith.constant 0 : i32
      %dma_wait3A_59 = tpu.memref_slice %arg16[%dma_wait3A_57, %dma_wait3A_58] : memref<50176x32xf32, #tpu.memory_space<vmem_shared>> -> memref<50176x32xf32, #tpu.memory_space<vmem_shared>>
      tpu.wait_indirect_dma semaphore(%arg14 : memref<!tpu.dma_semaphore, #tpu.memory_space<semaphore_mem>>) src(%arg10 : memref<400x32xf32, #tpu.memory_space<vmem>>) dst(%dma_wait3A_59 : memref<50176x32xf32, #tpu.memory_space<vmem_shared>>)
      %dma_wait3A_60 = arith.constant 0 : i32
      %dma_wait3A_61 = arith.constant 0 : i32
      %dma_wait3A_62 = tpu.memref_slice %arg16[%dma_wait3A_60, %dma_wait3A_61] : memref<50176x32xf32, #tpu.memory_space<vmem_shared>> -> memref<50176x32xf32, #tpu.memory_space<vmem_shared>>
      tpu.wait_indirect_dma semaphore(%arg15 : memref<!tpu.dma_semaphore, #tpu.memory_space<semaphore_mem>>) src(%arg11 : memref<400x32xf32, #tpu.memory_space<vmem>>) dst(%dma_wait3A_62 : memref<50176x32xf32, #tpu.memory_space<vmem_shared>>)
    }
    %scan3A_17 = arith.constant 64 : i32
    %barrier3A_18 = arith.constant 0 : index
    tpu.barrier barrier_id(%barrier3A_18)
    %mul3A_19 = arith.constant 50176 : i32
    %mul3A_20 = arith.muli %arg0, %mul3A_19 : i32
    %add3A = arith.addi %mul3A_20, %mul3A_5 : i32
    "tpu.region"() ({
      %run_scoped3A = tpu.sem_alloc : memref<!tpu.dma_semaphore, #tpu.memory_space<semaphore_mem>>
      %dma_start3A = arith.constant 0 : i32
      %dma_start3A_21 = tpu.memref_slice %arg5[%add3A, %dma_start3A] : memref<100352x32xf32, #tpu.memory_space<hbm>> -> memref<3136x32xf32, #tpu.memory_space<hbm>>
      %dma_start3A_22 = arith.constant 0 : i32
      %dma_start3A_23 = tpu.memref_slice %arg16[%mul3A_5, %dma_start3A_22] : memref<50176x32xf32, #tpu.memory_space<vmem_shared>> -> memref<3136x32xf32, #tpu.memory_space<vmem_shared>>
      tpu.enqueue_dma source(%dma_start3A_23 : memref<3136x32xf32, #tpu.memory_space<vmem_shared>>) target(%dma_start3A_21 : memref<3136x32xf32, #tpu.memory_space<hbm>>) target_semaphore(%run_scoped3A : memref<!tpu.dma_semaphore, #tpu.memory_space<semaphore_mem>>)
      %dma_wait3A = arith.constant 0 : i32
      %dma_wait3A_24 = tpu.memref_slice %arg5[%add3A, %dma_wait3A] : memref<100352x32xf32, #tpu.memory_space<hbm>> -> memref<3136x32xf32, #tpu.memory_space<hbm>>
      %dma_wait3A_25 = arith.constant 0 : i32
      %dma_wait3A_26 = tpu.memref_slice %arg16[%mul3A_5, %dma_wait3A_25] : memref<50176x32xf32, #tpu.memory_space<vmem_shared>> -> memref<3136x32xf32, #tpu.memory_space<vmem_shared>>
      tpu.wait_dma2 semaphore(%run_scoped3A : memref<!tpu.dma_semaphore, #tpu.memory_space<semaphore_mem>>) src(%dma_wait3A_26 : memref<3136x32xf32, #tpu.memory_space<vmem_shared>>) dst(%dma_wait3A_24 : memref<3136x32xf32, #tpu.memory_space<hbm>>)
      tpu.yield
    }) : () -> ()
    return
  }
}

#map = affine_map<(d0, d1) -> (0, 0)>
#map1 = affine_map<(d0, d1) -> (0)>
module attributes {stable_mosaic.version = 14 : i64} {
  func.func @_pool_body(%arg0: i32, %arg1: i32, %arg2: memref<50176x64xf32, #tpu.memory_space<hbm>>, %arg3: memref<50176xi32, #tpu.memory_space<hbm>>, %arg4: memref<1088x64xf32, #tpu.memory_space<hbm>>, %arg5: memref<784xi32, #tpu.memory_space<vmem>>, %arg6: memref<784x64xf32, #tpu.memory_space<vmem>>, %arg7: memref<34x64xf32, #tpu.memory_space<vmem>>, %arg8: memref<544x64xf32, #tpu.memory_space<vmem_shared>>) attributes {dimension_semantics = [#tpu.dimension_semantics<core_parallel>, #tpu.dimension_semantics<subcore_parallel>], iteration_bounds = array<i64: 2, 16>, scalar_prefetch = 0 : i64, scratch_operands = 4 : i64, tpu.core_type = #tpu.core_type<sc_vector_subcore>, window_params = [{transform_indices = #map}, {transform_indices = #map1}, {transform_indices = #map}]} {
    %broadcast_in_dim3A = arith.constant 0.000000e+00 : f32
    %broadcast_in_dim3A_0 = vector.broadcast %broadcast_in_dim3A : f32 to vector<16xf32>
    %scan3A = arith.constant 0 : i32
    %scan3A_1 = arith.constant 34 : i32
    %scan3A_2 = arith.addi %scan3A, %scan3A_1 : i32
    %scan3A_3 = arith.constant 1 : i32
    scf.for %scan3A_19 = %scan3A to %scan3A_2 step %scan3A_3  : i32 {
      %mul3A_20 = arith.constant 1 : i32
      %mul3A_21 = arith.muli %scan3A_19, %mul3A_20 : i32
      %add3A_22 = arith.constant 0 : i32
      %add3A_23 = arith.addi %add3A_22, %mul3A_21 : i32
      %scan3A_24 = arith.constant 0 : i32
      %scan3A_25 = arith.constant 4 : i32
      %scan3A_26 = arith.addi %scan3A_24, %scan3A_25 : i32
      %scan3A_27 = arith.constant 1 : i32
      scf.for %scan3A_29 = %scan3A_24 to %scan3A_26 step %scan3A_27  : i32 {
        %mul3A_30 = arith.constant 1 : i32
        %mul3A_31 = arith.muli %scan3A_29, %mul3A_30 : i32
        %add3A_32 = arith.constant 0 : i32
        %add3A_33 = arith.addi %add3A_32, %mul3A_31 : i32
        %mul3A_34 = arith.constant 16 : i32
        %mul3A_35 = arith.muli %add3A_33, %mul3A_34 : i32
        %swap3A = arith.index_cast %add3A_23 : i32 to index
        %swap3A_36 = arith.index_cast %mul3A_35 : i32 to index
        %swap3A_37 = tpu.vector_load %arg7[%swap3A, %swap3A_36] {strides = array<i32>} : memref<34x64xf32, #tpu.memory_space<vmem>>, vector<1x16xf32>,
        %swap3A_38 = vector.shape_cast %swap3A_37 : vector<1x16xf32> to vector<16xf32>
        %swap3A_39 = vector.shape_cast %broadcast_in_dim3A_0 : vector<16xf32> to vector<1x16xf32>
        tpu.vector_store %arg7[%swap3A, %swap3A_36], %swap3A_39 {strides = array<i32>} : memref<34x64xf32, #tpu.memory_space<vmem>>, vector<1x16xf32>,
      }
      %scan3A_28 = arith.constant 4 : i32
    }
    %scan3A_4 = arith.constant 34 : i32
    %mul3A = arith.constant 34 : i32
    %mul3A_5 = arith.muli %arg1, %mul3A : i32
    "tpu.region"() ({
      %run_scoped3A = tpu.sem_alloc : memref<!tpu.dma_semaphore, #tpu.memory_space<semaphore_mem>>
      %dma_start3A = arith.constant 0 : i32
      %dma_start3A_19 = tpu.memref_slice %arg8[%mul3A_5, %dma_start3A] : memref<544x64xf32, #tpu.memory_space<vmem_shared>> -> memref<34x64xf32, #tpu.memory_space<vmem_shared>>
      %dma_start3A_20 = arith.constant 0 : i32
      %dma_start3A_21 = tpu.memref_slice %arg8[%mul3A_5, %dma_start3A_20] : memref<544x64xf32, #tpu.memory_space<vmem_shared>> -> memref<34x64xf32, #tpu.memory_space<vmem_shared>>
      tpu.enqueue_dma source(%arg7 : memref<34x64xf32, #tpu.memory_space<vmem>>) target(%dma_start3A_21 : memref<34x64xf32, #tpu.memory_space<vmem_shared>>) target_semaphore(%run_scoped3A : memref<!tpu.dma_semaphore, #tpu.memory_space<semaphore_mem>>)
      %dma_wait3A = arith.constant 0 : i32
      %dma_wait3A_22 = tpu.memref_slice %arg8[%mul3A_5, %dma_wait3A] : memref<544x64xf32, #tpu.memory_space<vmem_shared>> -> memref<34x64xf32, #tpu.memory_space<vmem_shared>>
      %dma_wait3A_23 = arith.constant 0 : i32
      %dma_wait3A_24 = tpu.memref_slice %arg8[%mul3A_5, %dma_wait3A_23] : memref<544x64xf32, #tpu.memory_space<vmem_shared>> -> memref<34x64xf32, #tpu.memory_space<vmem_shared>>
      tpu.wait_dma2 semaphore(%run_scoped3A : memref<!tpu.dma_semaphore, #tpu.memory_space<semaphore_mem>>) src(%arg7 : memref<34x64xf32, #tpu.memory_space<vmem>>) dst(%dma_wait3A_24 : memref<34x64xf32, #tpu.memory_space<vmem_shared>>)
      tpu.yield
    }) : () -> ()
    %barrier3A = arith.constant 0 : index
    tpu.barrier barrier_id(%barrier3A)
    %mul3A_6 = arith.constant 16 : i32
    %mul3A_7 = arith.muli %arg0, %mul3A_6 : i32
    %add3A = arith.addi %mul3A_7, %arg1 : i32
    %mul3A_8 = arith.constant 1568 : i32
    %mul3A_9 = arith.muli %add3A, %mul3A_8 : i32
    %scan3A_10 = arith.constant 0 : i32
    %scan3A_11 = arith.constant 2 : i32
    %scan3A_12 = arith.addi %scan3A_10, %scan3A_11 : i32
    %scan3A_13 = arith.constant 1 : i32
    scf.for %scan3A_19 = %scan3A_10 to %scan3A_12 step %scan3A_13  : i32 {
      %mul3A_20 = arith.constant 1 : i32
      %mul3A_21 = arith.muli %scan3A_19, %mul3A_20 : i32
      %add3A_22 = arith.constant 0 : i32
      %add3A_23 = arith.addi %add3A_22, %mul3A_21 : i32
      %mul3A_24 = arith.constant 784 : i32
      %mul3A_25 = arith.muli %add3A_23, %mul3A_24 : i32
      %add3A_26 = arith.addi %mul3A_9, %mul3A_25 : i32
      "tpu.region"() ({
        %run_scoped3A = tpu.sem_alloc : memref<!tpu.dma_semaphore, #tpu.memory_space<semaphore_mem>>
        %dma_start3A = tpu.memref_slice %arg3[%add3A_26] : memref<50176xi32, #tpu.memory_space<hbm>> -> memref<784xi32, #tpu.memory_space<hbm>>
        %dma_start3A_27 = tpu.memref_slice %arg3[%add3A_26] : memref<50176xi32, #tpu.memory_space<hbm>> -> memref<784xi32, #tpu.memory_space<hbm>>
        tpu.enqueue_dma source(%dma_start3A_27 : memref<784xi32, #tpu.memory_space<hbm>>) target(%arg5 : memref<784xi32, #tpu.memory_space<vmem>>) target_semaphore(%run_scoped3A : memref<!tpu.dma_semaphore, #tpu.memory_space<semaphore_mem>>)
        %dma_wait3A = tpu.memref_slice %arg3[%add3A_26] : memref<50176xi32, #tpu.memory_space<hbm>> -> memref<784xi32, #tpu.memory_space<hbm>>
        %dma_wait3A_28 = tpu.memref_slice %arg3[%add3A_26] : memref<50176xi32, #tpu.memory_space<hbm>> -> memref<784xi32, #tpu.memory_space<hbm>>
        tpu.wait_dma2 semaphore(%run_scoped3A : memref<!tpu.dma_semaphore, #tpu.memory_space<semaphore_mem>>) src(%dma_wait3A_28 : memref<784xi32, #tpu.memory_space<hbm>>) dst(%arg5 : memref<784xi32, #tpu.memory_space<vmem>>)
        tpu.yield
      }) : () -> ()
      "tpu.region"() ({
        %run_scoped3A = tpu.sem_alloc : memref<!tpu.dma_semaphore, #tpu.memory_space<semaphore_mem>>
        %dma_start3A = arith.constant 0 : i32
        %dma_start3A_27 = tpu.memref_slice %arg2[%add3A_26, %dma_start3A] : memref<50176x64xf32, #tpu.memory_space<hbm>> -> memref<784x64xf32, #tpu.memory_space<hbm>>
        %dma_start3A_28 = arith.constant 0 : i32
        %dma_start3A_29 = tpu.memref_slice %arg2[%add3A_26, %dma_start3A_28] : memref<50176x64xf32, #tpu.memory_space<hbm>> -> memref<784x64xf32, #tpu.memory_space<hbm>>
        tpu.enqueue_dma source(%dma_start3A_29 : memref<784x64xf32, #tpu.memory_space<hbm>>) target(%arg6 : memref<784x64xf32, #tpu.memory_space<vmem>>) target_semaphore(%run_scoped3A : memref<!tpu.dma_semaphore, #tpu.memory_space<semaphore_mem>>)
        %dma_wait3A = arith.constant 0 : i32
        %dma_wait3A_30 = tpu.memref_slice %arg2[%add3A_26, %dma_wait3A] : memref<50176x64xf32, #tpu.memory_space<hbm>> -> memref<784x64xf32, #tpu.memory_space<hbm>>
        %dma_wait3A_31 = arith.constant 0 : i32
        %dma_wait3A_32 = tpu.memref_slice %arg2[%add3A_26, %dma_wait3A_31] : memref<50176x64xf32, #tpu.memory_space<hbm>> -> memref<784x64xf32, #tpu.memory_space<hbm>>
        tpu.wait_dma2 semaphore(%run_scoped3A : memref<!tpu.dma_semaphore, #tpu.memory_space<semaphore_mem>>) src(%dma_wait3A_32 : memref<784x64xf32, #tpu.memory_space<hbm>>) dst(%arg6 : memref<784x64xf32, #tpu.memory_space<vmem>>)
        tpu.yield
      }) : () -> ()
      "tpu.region"() ({
        %run_scoped3A = tpu.sem_alloc : memref<!tpu.dma_semaphore, #tpu.memory_space<semaphore_mem>>
        %dma_start3A = arith.constant 0 : i32
        %dma_start3A_27 = arith.constant 0 : i32
        %dma_start3A_28 = tpu.memref_slice %arg8[%dma_start3A, %dma_start3A_27] : memref<544x64xf32, #tpu.memory_space<vmem_shared>> -> memref<544x64xf32, #tpu.memory_space<vmem_shared>>
        tpu.enqueue_indirect_dma source(%arg6 : memref<784x64xf32, #tpu.memory_space<vmem>>) target(%dma_start3A_28 : memref<544x64xf32, #tpu.memory_space<vmem_shared>>) offsets(%arg5 : memref<784xi32, #tpu.memory_space<vmem>>) semaphore(%run_scoped3A : memref<!tpu.dma_semaphore, #tpu.memory_space<semaphore_mem>>) {add = true}
        %dma_wait3A = arith.constant 0 : i32
        %dma_wait3A_29 = arith.constant 0 : i32
        %dma_wait3A_30 = tpu.memref_slice %arg8[%dma_wait3A, %dma_wait3A_29] : memref<544x64xf32, #tpu.memory_space<vmem_shared>> -> memref<544x64xf32, #tpu.memory_space<vmem_shared>>
        tpu.wait_indirect_dma semaphore(%run_scoped3A : memref<!tpu.dma_semaphore, #tpu.memory_space<semaphore_mem>>) src(%arg6 : memref<784x64xf32, #tpu.memory_space<vmem>>) dst(%dma_wait3A_30 : memref<544x64xf32, #tpu.memory_space<vmem_shared>>)
        tpu.yield
      }) : () -> ()
    }
    %scan3A_14 = arith.constant 2 : i32
    %barrier3A_15 = arith.constant 0 : index
    tpu.barrier barrier_id(%barrier3A_15)
    %mul3A_16 = arith.constant 544 : i32
    %mul3A_17 = arith.muli %arg0, %mul3A_16 : i32
    %add3A_18 = arith.addi %mul3A_17, %mul3A_5 : i32
    "tpu.region"() ({
      %run_scoped3A = tpu.sem_alloc : memref<!tpu.dma_semaphore, #tpu.memory_space<semaphore_mem>>
      %dma_start3A = arith.constant 0 : i32
      %dma_start3A_19 = tpu.memref_slice %arg4[%add3A_18, %dma_start3A] : memref<1088x64xf32, #tpu.memory_space<hbm>> -> memref<34x64xf32, #tpu.memory_space<hbm>>
      %dma_start3A_20 = arith.constant 0 : i32
      %dma_start3A_21 = tpu.memref_slice %arg8[%mul3A_5, %dma_start3A_20] : memref<544x64xf32, #tpu.memory_space<vmem_shared>> -> memref<34x64xf32, #tpu.memory_space<vmem_shared>>
      tpu.enqueue_dma source(%dma_start3A_21 : memref<34x64xf32, #tpu.memory_space<vmem_shared>>) target(%dma_start3A_19 : memref<34x64xf32, #tpu.memory_space<hbm>>) target_semaphore(%run_scoped3A : memref<!tpu.dma_semaphore, #tpu.memory_space<semaphore_mem>>)
      %dma_wait3A = arith.constant 0 : i32
      %dma_wait3A_22 = tpu.memref_slice %arg4[%add3A_18, %dma_wait3A] : memref<1088x64xf32, #tpu.memory_space<hbm>> -> memref<34x64xf32, #tpu.memory_space<hbm>>
      %dma_wait3A_23 = arith.constant 0 : i32
      %dma_wait3A_24 = tpu.memref_slice %arg8[%mul3A_5, %dma_wait3A_23] : memref<544x64xf32, #tpu.memory_space<vmem_shared>> -> memref<34x64xf32, #tpu.memory_space<vmem_shared>>
      tpu.wait_dma2 semaphore(%run_scoped3A : memref<!tpu.dma_semaphore, #tpu.memory_space<semaphore_mem>>) src(%dma_wait3A_24 : memref<34x64xf32, #tpu.memory_space<vmem_shared>>) dst(%dma_wait3A_22 : memref<34x64xf32, #tpu.memory_space<hbm>>)
      tpu.yield
    }) : () -> ()
    return
  }
}

#map = affine_map<(d0, d1) -> (0, 0)>
#map1 = affine_map<(d0, d1) -> (0)>
module attributes {stable_mosaic.version = 14 : i64} {
  func.func @_pool_body(%arg0: i32, %arg1: i32, %arg2: memref<50176x64xf32, #tpu.memory_space<hbm>>, %arg3: memref<50176xi32, #tpu.memory_space<hbm>>, %arg4: memref<1088x64xf32, #tpu.memory_space<hbm>>, %arg5: memref<784xi32, #tpu.memory_space<vmem>>, %arg6: memref<784x64xf32, #tpu.memory_space<vmem>>, %arg7: memref<34x64xf32, #tpu.memory_space<vmem>>, %arg8: memref<544x64xf32, #tpu.memory_space<vmem_shared>>) attributes {dimension_semantics = [#tpu.dimension_semantics<core_parallel>, #tpu.dimension_semantics<subcore_parallel>], iteration_bounds = array<i64: 2, 16>, scalar_prefetch = 0 : i64, scratch_operands = 4 : i64, tpu.core_type = #tpu.core_type<sc_vector_subcore>, window_params = [{transform_indices = #map}, {transform_indices = #map1}, {transform_indices = #map}]} {
    %broadcast_in_dim3A = arith.constant 0.000000e+00 : f32
    %broadcast_in_dim3A_0 = vector.broadcast %broadcast_in_dim3A : f32 to vector<16xf32>
    %scan3A = arith.constant 0 : i32
    %scan3A_1 = arith.constant 34 : i32
    %scan3A_2 = arith.addi %scan3A, %scan3A_1 : i32
    %scan3A_3 = arith.constant 1 : i32
    scf.for %scan3A_19 = %scan3A to %scan3A_2 step %scan3A_3  : i32 {
      %mul3A_20 = arith.constant 1 : i32
      %mul3A_21 = arith.muli %scan3A_19, %mul3A_20 : i32
      %add3A_22 = arith.constant 0 : i32
      %add3A_23 = arith.addi %add3A_22, %mul3A_21 : i32
      %scan3A_24 = arith.constant 0 : i32
      %scan3A_25 = arith.constant 4 : i32
      %scan3A_26 = arith.addi %scan3A_24, %scan3A_25 : i32
      %scan3A_27 = arith.constant 1 : i32
      scf.for %scan3A_29 = %scan3A_24 to %scan3A_26 step %scan3A_27  : i32 {
        %mul3A_30 = arith.constant 1 : i32
        %mul3A_31 = arith.muli %scan3A_29, %mul3A_30 : i32
        %add3A_32 = arith.constant 0 : i32
        %add3A_33 = arith.addi %add3A_32, %mul3A_31 : i32
        %mul3A_34 = arith.constant 16 : i32
        %mul3A_35 = arith.muli %add3A_33, %mul3A_34 : i32
        %swap3A = arith.index_cast %add3A_23 : i32 to index
        %swap3A_36 = arith.index_cast %mul3A_35 : i32 to index
        %swap3A_37 = tpu.vector_load %arg7[%swap3A, %swap3A_36] {strides = array<i32>} : memref<34x64xf32, #tpu.memory_space<vmem>>, vector<1x16xf32>,
        %swap3A_38 = vector.shape_cast %swap3A_37 : vector<1x16xf32> to vector<16xf32>
        %swap3A_39 = vector.shape_cast %broadcast_in_dim3A_0 : vector<16xf32> to vector<1x16xf32>
        tpu.vector_store %arg7[%swap3A, %swap3A_36], %swap3A_39 {strides = array<i32>} : memref<34x64xf32, #tpu.memory_space<vmem>>, vector<1x16xf32>,
      }
      %scan3A_28 = arith.constant 4 : i32
    }
    %scan3A_4 = arith.constant 34 : i32
    %mul3A = arith.constant 34 : i32
    %mul3A_5 = arith.muli %arg1, %mul3A : i32
    "tpu.region"() ({
      %run_scoped3A = tpu.sem_alloc : memref<!tpu.dma_semaphore, #tpu.memory_space<semaphore_mem>>
      %dma_start3A = arith.constant 0 : i32
      %dma_start3A_19 = tpu.memref_slice %arg8[%mul3A_5, %dma_start3A] : memref<544x64xf32, #tpu.memory_space<vmem_shared>> -> memref<34x64xf32, #tpu.memory_space<vmem_shared>>
      %dma_start3A_20 = arith.constant 0 : i32
      %dma_start3A_21 = tpu.memref_slice %arg8[%mul3A_5, %dma_start3A_20] : memref<544x64xf32, #tpu.memory_space<vmem_shared>> -> memref<34x64xf32, #tpu.memory_space<vmem_shared>>
      tpu.enqueue_dma source(%arg7 : memref<34x64xf32, #tpu.memory_space<vmem>>) target(%dma_start3A_21 : memref<34x64xf32, #tpu.memory_space<vmem_shared>>) target_semaphore(%run_scoped3A : memref<!tpu.dma_semaphore, #tpu.memory_space<semaphore_mem>>)
      %dma_wait3A = arith.constant 0 : i32
      %dma_wait3A_22 = tpu.memref_slice %arg8[%mul3A_5, %dma_wait3A] : memref<544x64xf32, #tpu.memory_space<vmem_shared>> -> memref<34x64xf32, #tpu.memory_space<vmem_shared>>
      %dma_wait3A_23 = arith.constant 0 : i32
      %dma_wait3A_24 = tpu.memref_slice %arg8[%mul3A_5, %dma_wait3A_23] : memref<544x64xf32, #tpu.memory_space<vmem_shared>> -> memref<34x64xf32, #tpu.memory_space<vmem_shared>>
      tpu.wait_dma2 semaphore(%run_scoped3A : memref<!tpu.dma_semaphore, #tpu.memory_space<semaphore_mem>>) src(%arg7 : memref<34x64xf32, #tpu.memory_space<vmem>>) dst(%dma_wait3A_24 : memref<34x64xf32, #tpu.memory_space<vmem_shared>>)
      tpu.yield
    }) : () -> ()
    %barrier3A = arith.constant 0 : index
    tpu.barrier barrier_id(%barrier3A)
    %mul3A_6 = arith.constant 16 : i32
    %mul3A_7 = arith.muli %arg0, %mul3A_6 : i32
    %add3A = arith.addi %mul3A_7, %arg1 : i32
    %mul3A_8 = arith.constant 1568 : i32
    %mul3A_9 = arith.muli %add3A, %mul3A_8 : i32
    %scan3A_10 = arith.constant 0 : i32
    %scan3A_11 = arith.constant 2 : i32
    %scan3A_12 = arith.addi %scan3A_10, %scan3A_11 : i32
    %scan3A_13 = arith.constant 1 : i32
    scf.for %scan3A_19 = %scan3A_10 to %scan3A_12 step %scan3A_13  : i32 {
      %mul3A_20 = arith.constant 1 : i32
      %mul3A_21 = arith.muli %scan3A_19, %mul3A_20 : i32
      %add3A_22 = arith.constant 0 : i32
      %add3A_23 = arith.addi %add3A_22, %mul3A_21 : i32
      %mul3A_24 = arith.constant 784 : i32
      %mul3A_25 = arith.muli %add3A_23, %mul3A_24 : i32
      %add3A_26 = arith.addi %mul3A_9, %mul3A_25 : i32
      "tpu.region"() ({
        %run_scoped3A = tpu.sem_alloc : memref<!tpu.dma_semaphore, #tpu.memory_space<semaphore_mem>>
        %dma_start3A = tpu.memref_slice %arg3[%add3A_26] : memref<50176xi32, #tpu.memory_space<hbm>> -> memref<784xi32, #tpu.memory_space<hbm>>
        %dma_start3A_27 = tpu.memref_slice %arg3[%add3A_26] : memref<50176xi32, #tpu.memory_space<hbm>> -> memref<784xi32, #tpu.memory_space<hbm>>
        tpu.enqueue_dma source(%dma_start3A_27 : memref<784xi32, #tpu.memory_space<hbm>>) target(%arg5 : memref<784xi32, #tpu.memory_space<vmem>>) target_semaphore(%run_scoped3A : memref<!tpu.dma_semaphore, #tpu.memory_space<semaphore_mem>>)
        %dma_wait3A = tpu.memref_slice %arg3[%add3A_26] : memref<50176xi32, #tpu.memory_space<hbm>> -> memref<784xi32, #tpu.memory_space<hbm>>
        %dma_wait3A_28 = tpu.memref_slice %arg3[%add3A_26] : memref<50176xi32, #tpu.memory_space<hbm>> -> memref<784xi32, #tpu.memory_space<hbm>>
        tpu.wait_dma2 semaphore(%run_scoped3A : memref<!tpu.dma_semaphore, #tpu.memory_space<semaphore_mem>>) src(%dma_wait3A_28 : memref<784xi32, #tpu.memory_space<hbm>>) dst(%arg5 : memref<784xi32, #tpu.memory_space<vmem>>)
        tpu.yield
      }) : () -> ()
      "tpu.region"() ({
        %run_scoped3A = tpu.sem_alloc : memref<!tpu.dma_semaphore, #tpu.memory_space<semaphore_mem>>
        %dma_start3A = arith.constant 0 : i32
        %dma_start3A_27 = tpu.memref_slice %arg2[%add3A_26, %dma_start3A] : memref<50176x64xf32, #tpu.memory_space<hbm>> -> memref<784x64xf32, #tpu.memory_space<hbm>>
        %dma_start3A_28 = arith.constant 0 : i32
        %dma_start3A_29 = tpu.memref_slice %arg2[%add3A_26, %dma_start3A_28] : memref<50176x64xf32, #tpu.memory_space<hbm>> -> memref<784x64xf32, #tpu.memory_space<hbm>>
        tpu.enqueue_dma source(%dma_start3A_29 : memref<784x64xf32, #tpu.memory_space<hbm>>) target(%arg6 : memref<784x64xf32, #tpu.memory_space<vmem>>) target_semaphore(%run_scoped3A : memref<!tpu.dma_semaphore, #tpu.memory_space<semaphore_mem>>)
        %dma_wait3A = arith.constant 0 : i32
        %dma_wait3A_30 = tpu.memref_slice %arg2[%add3A_26, %dma_wait3A] : memref<50176x64xf32, #tpu.memory_space<hbm>> -> memref<784x64xf32, #tpu.memory_space<hbm>>
        %dma_wait3A_31 = arith.constant 0 : i32
        %dma_wait3A_32 = tpu.memref_slice %arg2[%add3A_26, %dma_wait3A_31] : memref<50176x64xf32, #tpu.memory_space<hbm>> -> memref<784x64xf32, #tpu.memory_space<hbm>>
        tpu.wait_dma2 semaphore(%run_scoped3A : memref<!tpu.dma_semaphore, #tpu.memory_space<semaphore_mem>>) src(%dma_wait3A_32 : memref<784x64xf32, #tpu.memory_space<hbm>>) dst(%arg6 : memref<784x64xf32, #tpu.memory_space<vmem>>)
        tpu.yield
      }) : () -> ()
      "tpu.region"() ({
        %run_scoped3A = tpu.sem_alloc : memref<!tpu.dma_semaphore, #tpu.memory_space<semaphore_mem>>
        %dma_start3A = arith.constant 0 : i32
        %dma_start3A_27 = arith.constant 0 : i32
        %dma_start3A_28 = tpu.memref_slice %arg8[%dma_start3A, %dma_start3A_27] : memref<544x64xf32, #tpu.memory_space<vmem_shared>> -> memref<544x64xf32, #tpu.memory_space<vmem_shared>>
        tpu.enqueue_indirect_dma source(%arg6 : memref<784x64xf32, #tpu.memory_space<vmem>>) target(%dma_start3A_28 : memref<544x64xf32, #tpu.memory_space<vmem_shared>>) offsets(%arg5 : memref<784xi32, #tpu.memory_space<vmem>>) semaphore(%run_scoped3A : memref<!tpu.dma_semaphore, #tpu.memory_space<semaphore_mem>>) {add = true}
        %dma_wait3A = arith.constant 0 : i32
        %dma_wait3A_29 = arith.constant 0 : i32
        %dma_wait3A_30 = tpu.memref_slice %arg8[%dma_wait3A, %dma_wait3A_29] : memref<544x64xf32, #tpu.memory_space<vmem_shared>> -> memref<544x64xf32, #tpu.memory_space<vmem_shared>>
        tpu.wait_indirect_dma semaphore(%run_scoped3A : memref<!tpu.dma_semaphore, #tpu.memory_space<semaphore_mem>>) src(%arg6 : memref<784x64xf32, #tpu.memory_space<vmem>>) dst(%dma_wait3A_30 : memref<544x64xf32, #tpu.memory_space<vmem_shared>>)
        tpu.yield
      }) : () -> ()
    }
    %scan3A_14 = arith.constant 2 : i32
    %barrier3A_15 = arith.constant 0 : index
    tpu.barrier barrier_id(%barrier3A_15)
    %mul3A_16 = arith.constant 544 : i32
    %mul3A_17 = arith.muli %arg0, %mul3A_16 : i32
    %add3A_18 = arith.addi %mul3A_17, %mul3A_5 : i32
    "tpu.region"() ({
      %run_scoped3A = tpu.sem_alloc : memref<!tpu.dma_semaphore, #tpu.memory_space<semaphore_mem>>
      %dma_start3A = arith.constant 0 : i32
      %dma_start3A_19 = tpu.memref_slice %arg4[%add3A_18, %dma_start3A] : memref<1088x64xf32, #tpu.memory_space<hbm>> -> memref<34x64xf32, #tpu.memory_space<hbm>>
      %dma_start3A_20 = arith.constant 0 : i32
      %dma_start3A_21 = tpu.memref_slice %arg8[%mul3A_5, %dma_start3A_20] : memref<544x64xf32, #tpu.memory_space<vmem_shared>> -> memref<34x64xf32, #tpu.memory_space<vmem_shared>>
      tpu.enqueue_dma source(%dma_start3A_21 : memref<34x64xf32, #tpu.memory_space<vmem_shared>>) target(%dma_start3A_19 : memref<34x64xf32, #tpu.memory_space<hbm>>) target_semaphore(%run_scoped3A : memref<!tpu.dma_semaphore, #tpu.memory_space<semaphore_mem>>)
      %dma_wait3A = arith.constant 0 : i32
      %dma_wait3A_22 = tpu.memref_slice %arg4[%add3A_18, %dma_wait3A] : memref<1088x64xf32, #tpu.memory_space<hbm>> -> memref<34x64xf32, #tpu.memory_space<hbm>>
      %dma_wait3A_23 = arith.constant 0 : i32
      %dma_wait3A_24 = tpu.memref_slice %arg8[%mul3A_5, %dma_wait3A_23] : memref<544x64xf32, #tpu.memory_space<vmem_shared>> -> memref<34x64xf32, #tpu.memory_space<vmem_shared>>
      tpu.wait_dma2 semaphore(%run_scoped3A : memref<!tpu.dma_semaphore, #tpu.memory_space<semaphore_mem>>) src(%dma_wait3A_24 : memref<34x64xf32, #tpu.memory_space<vmem_shared>>) dst(%dma_wait3A_22 : memref<34x64xf32, #tpu.memory_space<hbm>>)
      tpu.yield
    }) : () -> ()
    return
  }
}

#map = affine_map<(d0, d1) -> (0, 0)>
#map1 = affine_map<(d0, d1) -> (0)>
module attributes {stable_mosaic.version = 14 : i64} {
  func.func @_pool_body(%arg0: i32, %arg1: i32, %arg2: memref<50176x64xf32, #tpu.memory_space<hbm>>, %arg3: memref<50176xi32, #tpu.memory_space<hbm>>, %arg4: memref<1088x64xf32, #tpu.memory_space<hbm>>, %arg5: memref<784xi32, #tpu.memory_space<vmem>>, %arg6: memref<784x64xf32, #tpu.memory_space<vmem>>, %arg7: memref<34x64xf32, #tpu.memory_space<vmem>>, %arg8: memref<544x64xf32, #tpu.memory_space<vmem_shared>>) attributes {dimension_semantics = [#tpu.dimension_semantics<core_parallel>, #tpu.dimension_semantics<subcore_parallel>], iteration_bounds = array<i64: 2, 16>, scalar_prefetch = 0 : i64, scratch_operands = 4 : i64, tpu.core_type = #tpu.core_type<sc_vector_subcore>, window_params = [{transform_indices = #map}, {transform_indices = #map1}, {transform_indices = #map}]} {
    %broadcast_in_dim3A = arith.constant 0.000000e+00 : f32
    %broadcast_in_dim3A_0 = vector.broadcast %broadcast_in_dim3A : f32 to vector<16xf32>
    %scan3A = arith.constant 0 : i32
    %scan3A_1 = arith.constant 34 : i32
    %scan3A_2 = arith.addi %scan3A, %scan3A_1 : i32
    %scan3A_3 = arith.constant 1 : i32
    scf.for %scan3A_19 = %scan3A to %scan3A_2 step %scan3A_3  : i32 {
      %mul3A_20 = arith.constant 1 : i32
      %mul3A_21 = arith.muli %scan3A_19, %mul3A_20 : i32
      %add3A_22 = arith.constant 0 : i32
      %add3A_23 = arith.addi %add3A_22, %mul3A_21 : i32
      %scan3A_24 = arith.constant 0 : i32
      %scan3A_25 = arith.constant 4 : i32
      %scan3A_26 = arith.addi %scan3A_24, %scan3A_25 : i32
      %scan3A_27 = arith.constant 1 : i32
      scf.for %scan3A_29 = %scan3A_24 to %scan3A_26 step %scan3A_27  : i32 {
        %mul3A_30 = arith.constant 1 : i32
        %mul3A_31 = arith.muli %scan3A_29, %mul3A_30 : i32
        %add3A_32 = arith.constant 0 : i32
        %add3A_33 = arith.addi %add3A_32, %mul3A_31 : i32
        %mul3A_34 = arith.constant 16 : i32
        %mul3A_35 = arith.muli %add3A_33, %mul3A_34 : i32
        %swap3A = arith.index_cast %add3A_23 : i32 to index
        %swap3A_36 = arith.index_cast %mul3A_35 : i32 to index
        %swap3A_37 = tpu.vector_load %arg7[%swap3A, %swap3A_36] {strides = array<i32>} : memref<34x64xf32, #tpu.memory_space<vmem>>, vector<1x16xf32>,
        %swap3A_38 = vector.shape_cast %swap3A_37 : vector<1x16xf32> to vector<16xf32>
        %swap3A_39 = vector.shape_cast %broadcast_in_dim3A_0 : vector<16xf32> to vector<1x16xf32>
        tpu.vector_store %arg7[%swap3A, %swap3A_36], %swap3A_39 {strides = array<i32>} : memref<34x64xf32, #tpu.memory_space<vmem>>, vector<1x16xf32>,
      }
      %scan3A_28 = arith.constant 4 : i32
    }
    %scan3A_4 = arith.constant 34 : i32
    %mul3A = arith.constant 34 : i32
    %mul3A_5 = arith.muli %arg1, %mul3A : i32
    "tpu.region"() ({
      %run_scoped3A = tpu.sem_alloc : memref<!tpu.dma_semaphore, #tpu.memory_space<semaphore_mem>>
      %dma_start3A = arith.constant 0 : i32
      %dma_start3A_19 = tpu.memref_slice %arg8[%mul3A_5, %dma_start3A] : memref<544x64xf32, #tpu.memory_space<vmem_shared>> -> memref<34x64xf32, #tpu.memory_space<vmem_shared>>
      %dma_start3A_20 = arith.constant 0 : i32
      %dma_start3A_21 = tpu.memref_slice %arg8[%mul3A_5, %dma_start3A_20] : memref<544x64xf32, #tpu.memory_space<vmem_shared>> -> memref<34x64xf32, #tpu.memory_space<vmem_shared>>
      tpu.enqueue_dma source(%arg7 : memref<34x64xf32, #tpu.memory_space<vmem>>) target(%dma_start3A_21 : memref<34x64xf32, #tpu.memory_space<vmem_shared>>) target_semaphore(%run_scoped3A : memref<!tpu.dma_semaphore, #tpu.memory_space<semaphore_mem>>)
      %dma_wait3A = arith.constant 0 : i32
      %dma_wait3A_22 = tpu.memref_slice %arg8[%mul3A_5, %dma_wait3A] : memref<544x64xf32, #tpu.memory_space<vmem_shared>> -> memref<34x64xf32, #tpu.memory_space<vmem_shared>>
      %dma_wait3A_23 = arith.constant 0 : i32
      %dma_wait3A_24 = tpu.memref_slice %arg8[%mul3A_5, %dma_wait3A_23] : memref<544x64xf32, #tpu.memory_space<vmem_shared>> -> memref<34x64xf32, #tpu.memory_space<vmem_shared>>
      tpu.wait_dma2 semaphore(%run_scoped3A : memref<!tpu.dma_semaphore, #tpu.memory_space<semaphore_mem>>) src(%arg7 : memref<34x64xf32, #tpu.memory_space<vmem>>) dst(%dma_wait3A_24 : memref<34x64xf32, #tpu.memory_space<vmem_shared>>)
      tpu.yield
    }) : () -> ()
    %barrier3A = arith.constant 0 : index
    tpu.barrier barrier_id(%barrier3A)
    %mul3A_6 = arith.constant 16 : i32
    %mul3A_7 = arith.muli %arg0, %mul3A_6 : i32
    %add3A = arith.addi %mul3A_7, %arg1 : i32
    %mul3A_8 = arith.constant 1568 : i32
    %mul3A_9 = arith.muli %add3A, %mul3A_8 : i32
    %scan3A_10 = arith.constant 0 : i32
    %scan3A_11 = arith.constant 2 : i32
    %scan3A_12 = arith.addi %scan3A_10, %scan3A_11 : i32
    %scan3A_13 = arith.constant 1 : i32
    scf.for %scan3A_19 = %scan3A_10 to %scan3A_12 step %scan3A_13  : i32 {
      %mul3A_20 = arith.constant 1 : i32
      %mul3A_21 = arith.muli %scan3A_19, %mul3A_20 : i32
      %add3A_22 = arith.constant 0 : i32
      %add3A_23 = arith.addi %add3A_22, %mul3A_21 : i32
      %mul3A_24 = arith.constant 784 : i32
      %mul3A_25 = arith.muli %add3A_23, %mul3A_24 : i32
      %add3A_26 = arith.addi %mul3A_9, %mul3A_25 : i32
      "tpu.region"() ({
        %run_scoped3A = tpu.sem_alloc : memref<!tpu.dma_semaphore, #tpu.memory_space<semaphore_mem>>
        %dma_start3A = tpu.memref_slice %arg3[%add3A_26] : memref<50176xi32, #tpu.memory_space<hbm>> -> memref<784xi32, #tpu.memory_space<hbm>>
        %dma_start3A_27 = tpu.memref_slice %arg3[%add3A_26] : memref<50176xi32, #tpu.memory_space<hbm>> -> memref<784xi32, #tpu.memory_space<hbm>>
        tpu.enqueue_dma source(%dma_start3A_27 : memref<784xi32, #tpu.memory_space<hbm>>) target(%arg5 : memref<784xi32, #tpu.memory_space<vmem>>) target_semaphore(%run_scoped3A : memref<!tpu.dma_semaphore, #tpu.memory_space<semaphore_mem>>)
        %dma_wait3A = tpu.memref_slice %arg3[%add3A_26] : memref<50176xi32, #tpu.memory_space<hbm>> -> memref<784xi32, #tpu.memory_space<hbm>>
        %dma_wait3A_28 = tpu.memref_slice %arg3[%add3A_26] : memref<50176xi32, #tpu.memory_space<hbm>> -> memref<784xi32, #tpu.memory_space<hbm>>
        tpu.wait_dma2 semaphore(%run_scoped3A : memref<!tpu.dma_semaphore, #tpu.memory_space<semaphore_mem>>) src(%dma_wait3A_28 : memref<784xi32, #tpu.memory_space<hbm>>) dst(%arg5 : memref<784xi32, #tpu.memory_space<vmem>>)
        tpu.yield
      }) : () -> ()
      "tpu.region"() ({
        %run_scoped3A = tpu.sem_alloc : memref<!tpu.dma_semaphore, #tpu.memory_space<semaphore_mem>>
        %dma_start3A = arith.constant 0 : i32
        %dma_start3A_27 = tpu.memref_slice %arg2[%add3A_26, %dma_start3A] : memref<50176x64xf32, #tpu.memory_space<hbm>> -> memref<784x64xf32, #tpu.memory_space<hbm>>
        %dma_start3A_28 = arith.constant 0 : i32
        %dma_start3A_29 = tpu.memref_slice %arg2[%add3A_26, %dma_start3A_28] : memref<50176x64xf32, #tpu.memory_space<hbm>> -> memref<784x64xf32, #tpu.memory_space<hbm>>
        tpu.enqueue_dma source(%dma_start3A_29 : memref<784x64xf32, #tpu.memory_space<hbm>>) target(%arg6 : memref<784x64xf32, #tpu.memory_space<vmem>>) target_semaphore(%run_scoped3A : memref<!tpu.dma_semaphore, #tpu.memory_space<semaphore_mem>>)
        %dma_wait3A = arith.constant 0 : i32
        %dma_wait3A_30 = tpu.memref_slice %arg2[%add3A_26, %dma_wait3A] : memref<50176x64xf32, #tpu.memory_space<hbm>> -> memref<784x64xf32, #tpu.memory_space<hbm>>
        %dma_wait3A_31 = arith.constant 0 : i32
        %dma_wait3A_32 = tpu.memref_slice %arg2[%add3A_26, %dma_wait3A_31] : memref<50176x64xf32, #tpu.memory_space<hbm>> -> memref<784x64xf32, #tpu.memory_space<hbm>>
        tpu.wait_dma2 semaphore(%run_scoped3A : memref<!tpu.dma_semaphore, #tpu.memory_space<semaphore_mem>>) src(%dma_wait3A_32 : memref<784x64xf32, #tpu.memory_space<hbm>>) dst(%arg6 : memref<784x64xf32, #tpu.memory_space<vmem>>)
        tpu.yield
      }) : () -> ()
      "tpu.region"() ({
        %run_scoped3A = tpu.sem_alloc : memref<!tpu.dma_semaphore, #tpu.memory_space<semaphore_mem>>
        %dma_start3A = arith.constant 0 : i32
        %dma_start3A_27 = arith.constant 0 : i32
        %dma_start3A_28 = tpu.memref_slice %arg8[%dma_start3A, %dma_start3A_27] : memref<544x64xf32, #tpu.memory_space<vmem_shared>> -> memref<544x64xf32, #tpu.memory_space<vmem_shared>>
        tpu.enqueue_indirect_dma source(%arg6 : memref<784x64xf32, #tpu.memory_space<vmem>>) target(%dma_start3A_28 : memref<544x64xf32, #tpu.memory_space<vmem_shared>>) offsets(%arg5 : memref<784xi32, #tpu.memory_space<vmem>>) semaphore(%run_scoped3A : memref<!tpu.dma_semaphore, #tpu.memory_space<semaphore_mem>>) {add = true}
        %dma_wait3A = arith.constant 0 : i32
        %dma_wait3A_29 = arith.constant 0 : i32
        %dma_wait3A_30 = tpu.memref_slice %arg8[%dma_wait3A, %dma_wait3A_29] : memref<544x64xf32, #tpu.memory_space<vmem_shared>> -> memref<544x64xf32, #tpu.memory_space<vmem_shared>>
        tpu.wait_indirect_dma semaphore(%run_scoped3A : memref<!tpu.dma_semaphore, #tpu.memory_space<semaphore_mem>>) src(%arg6 : memref<784x64xf32, #tpu.memory_space<vmem>>) dst(%dma_wait3A_30 : memref<544x64xf32, #tpu.memory_space<vmem_shared>>)
        tpu.yield
      }) : () -> ()
    }
    %scan3A_14 = arith.constant 2 : i32
    %barrier3A_15 = arith.constant 0 : index
    tpu.barrier barrier_id(%barrier3A_15)
    %mul3A_16 = arith.constant 544 : i32
    %mul3A_17 = arith.muli %arg0, %mul3A_16 : i32
    %add3A_18 = arith.addi %mul3A_17, %mul3A_5 : i32
    "tpu.region"() ({
      %run_scoped3A = tpu.sem_alloc : memref<!tpu.dma_semaphore, #tpu.memory_space<semaphore_mem>>
      %dma_start3A = arith.constant 0 : i32
      %dma_start3A_19 = tpu.memref_slice %arg4[%add3A_18, %dma_start3A] : memref<1088x64xf32, #tpu.memory_space<hbm>> -> memref<34x64xf32, #tpu.memory_space<hbm>>
      %dma_start3A_20 = arith.constant 0 : i32
      %dma_start3A_21 = tpu.memref_slice %arg8[%mul3A_5, %dma_start3A_20] : memref<544x64xf32, #tpu.memory_space<vmem_shared>> -> memref<34x64xf32, #tpu.memory_space<vmem_shared>>
      tpu.enqueue_dma source(%dma_start3A_21 : memref<34x64xf32, #tpu.memory_space<vmem_shared>>) target(%dma_start3A_19 : memref<34x64xf32, #tpu.memory_space<hbm>>) target_semaphore(%run_scoped3A : memref<!tpu.dma_semaphore, #tpu.memory_space<semaphore_mem>>)
      %dma_wait3A = arith.constant 0 : i32
      %dma_wait3A_22 = tpu.memref_slice %arg4[%add3A_18, %dma_wait3A] : memref<1088x64xf32, #tpu.memory_space<hbm>> -> memref<34x64xf32, #tpu.memory_space<hbm>>
      %dma_wait3A_23 = arith.constant 0 : i32
      %dma_wait3A_24 = tpu.memref_slice %arg8[%mul3A_5, %dma_wait3A_23] : memref<544x64xf32, #tpu.memory_space<vmem_shared>> -> memref<34x64xf32, #tpu.memory_space<vmem_shared>>
      tpu.wait_dma2 semaphore(%run_scoped3A : memref<!tpu.dma_semaphore, #tpu.memory_space<semaphore_mem>>) src(%dma_wait3A_24 : memref<34x64xf32, #tpu.memory_space<vmem_shared>>) dst(%dma_wait3A_22 : memref<34x64xf32, #tpu.memory_space<hbm>>)
      tpu.yield
    }) : () -> ()
    return
  }
}

module attributes {stable_mosaic.version = 14 : i64} {
  func.func @_mlp1_tc(%arg0: i32, %arg1: memref<1024x1xf32, #tpu.memory_space<vmem>>, %arg2: memref<1024x16xf32, #tpu.memory_space<vmem>>, %arg3: memref<1024x16xf32, #tpu.memory_space<vmem>>, %arg4: memref<1x64xf32, #tpu.memory_space<vmem>>, %arg5: memref<1x64xf32, #tpu.memory_space<vmem>>, %arg6: memref<64x64xf32, #tpu.memory_space<vmem>>, %arg7: memref<1x64xf32, #tpu.memory_space<vmem>>, %arg8: memref<1024x64xf32, #tpu.memory_space<vmem>>) attributes {dimension_semantics = [#tpu.dimension_semantics<arbitrary>], iteration_bounds = array<i64: 49>, scalar_prefetch = 0 : i64, scratch_operands = 0 : i64, tpu.core_type = #tpu.core_type<tc>, window_params = [{transform_indices = @transform_0, window_bounds = array<i64: 1024, 1>}, {transform_indices = @transform_1, window_bounds = array<i64: 1024, 16>}, {transform_indices = @transform_2, window_bounds = array<i64: 1024, 16>}, {pipeline_mode = #tpu.pipeline_mode<synchronous>, transform_indices = @transform_3, window_bounds = array<i64: 1, 64>}, {pipeline_mode = #tpu.pipeline_mode<synchronous>, transform_indices = @transform_4, window_bounds = array<i64: 1, 64>}, {pipeline_mode = #tpu.pipeline_mode<synchronous>, transform_indices = @transform_5, window_bounds = array<i64: 64, 64>}, {pipeline_mode = #tpu.pipeline_mode<synchronous>, transform_indices = @transform_6, window_bounds = array<i64: 1, 64>}, {transform_indices = @transform_7, window_bounds = array<i64: 1024, 64>}]} {
    %get3A = arith.constant 0 : index
    %get3A_0 = arith.constant 0 : index
    %get3A_1 = vector.load %arg1[%get3A, %get3A_0] : memref<1024x1xf32, #tpu.memory_space<vmem>>, vector<1024x1xf32>
    %get3A_2 = arith.constant 0 : index
    %get3A_3 = arith.constant 0 : index
    %get3A_4 = vector.load %arg2[%get3A_2, %get3A_3] : memref<1024x16xf32, #tpu.memory_space<vmem>>, vector<1024x1xf32>
    %add3A = arith.addf %get3A_1, %get3A_4 : vector<1024x1xf32>
    %get3A_5 = arith.constant 0 : index
    %get3A_6 = arith.constant 0 : index
    %get3A_7 = vector.load %arg3[%get3A_5, %get3A_6] : memref<1024x16xf32, #tpu.memory_space<vmem>>, vector<1024x1xf32>
    %add3A_8 = arith.addf %add3A, %get3A_7 : vector<1024x1xf32>
    %get3A_9 = arith.constant 0 : index
    %get3A_10 = arith.constant 0 : index
    %get3A_11 = vector.load %arg4[%get3A_9, %get3A_10] : memref<1x64xf32, #tpu.memory_space<vmem>>, vector<1x64xf32>
    %mul3A = vector.broadcast %add3A_8 : vector<1024x1xf32> to vector<1024x64xf32>
    %mul3A_12 = vector.broadcast %get3A_11 : vector<1x64xf32> to vector<1024x64xf32>
    %mul3A_13 = arith.mulf %mul3A, %mul3A_12 : vector<1024x64xf32>
    %get3A_14 = arith.constant 0 : index
    %get3A_15 = arith.constant 0 : index
    %get3A_16 = vector.load %arg5[%get3A_14, %get3A_15] : memref<1x64xf32, #tpu.memory_space<vmem>>, vector<1x64xf32>
    %add3A_17 = vector.broadcast %get3A_16 : vector<1x64xf32> to vector<1024x64xf32>
    %add3A_18 = arith.addf %mul3A_13, %add3A_17 : vector<1024x64xf32>
    %max3A = arith.constant 0.000000e+00 : f32
    %max3A_19 = vector.broadcast %max3A : f32 to vector<1024x64xf32>
    %max3A_20 = arith.maximumf %add3A_18, %max3A_19 : vector<1024x64xf32>
    %get3A_21 = arith.constant 0 : index
    %get3A_22 = arith.constant 0 : index
    %get3A_23 = vector.load %arg6[%get3A_21, %get3A_22] : memref<64x64xf32, #tpu.memory_space<vmem>>, vector<64x64xf32>
    %dot_general3A = arith.constant dense<0.000000e+00> : vector<1024x64xf32>
    %dot_general3A_24 = tpu.matmul %max3A_20, %get3A_23, %dot_general3A {dimension_numbers = #tpu.dot_dimension_numbers<[1], [0], [0], [1], [0, 0, 1, 1], [], []>, transpose_lhs_hint = false} : vector<1024x64xf32>, vector<64x64xf32>, vector<1024x64xf32> -> vector<1024x64xf32>
    %get3A_25 = arith.constant 0 : index
    %get3A_26 = arith.constant 0 : index
    %get3A_27 = vector.load %arg7[%get3A_25, %get3A_26] : memref<1x64xf32, #tpu.memory_space<vmem>>, vector<1x64xf32>
    %add3A_28 = vector.broadcast %get3A_27 : vector<1x64xf32> to vector<1024x64xf32>
    %add3A_29 = arith.addf %dot_general3A_24, %add3A_28 : vector<1024x64xf32>
    %max3A_30 = arith.constant 0.000000e+00 : f32
    %max3A_31 = vector.broadcast %max3A_30 : f32 to vector<1024x64xf32>
    %max3A_32 = arith.maximumf %add3A_29, %max3A_31 : vector<1024x64xf32>
    %swap3A = arith.constant 0 : index
    %swap3A_33 = arith.constant 0 : index
    %swap3A_34 = vector.load %arg8[%swap3A, %swap3A_33] : memref<1024x64xf32, #tpu.memory_space<vmem>>, vector<1024x64xf32>
    tpu.vector_store %arg8[%swap3A, %swap3A_33], %max3A_32 {strides = array<i32>} : memref<1024x64xf32, #tpu.memory_space<vmem>>, vector<1024x64xf32>,
    return
  }
  func.func @transform_0(%arg0: i32) -> (i32, i32) {
    %c0_i32 = arith.constant 0 : i32
    %c0_i32_0 = arith.constant 0 : i32
    return %arg0, %c0_i32 : i32, i32
  }
  func.func @transform_1(%arg0: i32) -> (i32, i32) {
    %c0_i32 = arith.constant 0 : i32
    %c0_i32_0 = arith.constant 0 : i32
    return %arg0, %c0_i32 : i32, i32
  }
  func.func @transform_2(%arg0: i32) -> (i32, i32) {
    %add3A = arith.constant 49 : i32
    %add3A_0 = arith.addi %arg0, %add3A : i32
    %c0_i32 = arith.constant 0 : i32
    %c0_i32_1 = arith.constant 0 : i32
    return %add3A_0, %c0_i32 : i32, i32
  }
  func.func @transform_3(%arg0: i32) -> (i32, i32) {
    %c0_i32 = arith.constant 0 : i32
    %c0_i32_0 = arith.constant 0 : i32
    %c0_i32_1 = arith.constant 0 : i32
    return %c0_i32, %c0_i32_0 : i32, i32
  }
  func.func @transform_4(%arg0: i32) -> (i32, i32) {
    %c0_i32 = arith.constant 0 : i32
    %c0_i32_0 = arith.constant 0 : i32
    %c0_i32_1 = arith.constant 0 : i32
    return %c0_i32, %c0_i32_0 : i32, i32
  }
  func.func @transform_5(%arg0: i32) -> (i32, i32) {
    %c0_i32 = arith.constant 0 : i32
    %c0_i32_0 = arith.constant 0 : i32
    %c0_i32_1 = arith.constant 0 : i32
    return %c0_i32, %c0_i32_0 : i32, i32
  }
  func.func @transform_6(%arg0: i32) -> (i32, i32) {
    %c0_i32 = arith.constant 0 : i32
    %c0_i32_0 = arith.constant 0 : i32
    %c0_i32_1 = arith.constant 0 : i32
    return %c0_i32, %c0_i32_0 : i32, i32
  }
  func.func @transform_7(%arg0: i32) -> (i32, i32) {
    %c0_i32 = arith.constant 0 : i32
    %c0_i32_0 = arith.constant 0 : i32
    return %arg0, %c0_i32 : i32, i32
  }
}

module attributes {stable_mosaic.version = 14 : i64} {
  func.func @_mlp23_tc(%arg0: i32, %arg1: memref<1024x64xf32, #tpu.memory_space<vmem>>, %arg2: memref<1024x32xf32, #tpu.memory_space<vmem>>, %arg3: memref<1024x32xf32, #tpu.memory_space<vmem>>, %arg4: memref<128x64xf32, #tpu.memory_space<vmem>>, %arg5: memref<1x64xf32, #tpu.memory_space<vmem>>, %arg6: memref<64x64xf32, #tpu.memory_space<vmem>>, %arg7: memref<1x64xf32, #tpu.memory_space<vmem>>, %arg8: memref<1024x64xf32, #tpu.memory_space<vmem>>) attributes {dimension_semantics = [#tpu.dimension_semantics<arbitrary>], iteration_bounds = array<i64: 49>, scalar_prefetch = 0 : i64, scratch_operands = 0 : i64, tpu.core_type = #tpu.core_type<tc>, window_params = [{transform_indices = @transform_0, window_bounds = array<i64: 1024, 64>}, {transform_indices = @transform_1, window_bounds = array<i64: 1024, 32>}, {transform_indices = @transform_2, window_bounds = array<i64: 1024, 32>}, {pipeline_mode = #tpu.pipeline_mode<synchronous>, transform_indices = @transform_3, window_bounds = array<i64: 128, 64>}, {pipeline_mode = #tpu.pipeline_mode<synchronous>, transform_indices = @transform_4, window_bounds = array<i64: 1, 64>}, {pipeline_mode = #tpu.pipeline_mode<synchronous>, transform_indices = @transform_5, window_bounds = array<i64: 64, 64>}, {pipeline_mode = #tpu.pipeline_mode<synchronous>, transform_indices = @transform_6, window_bounds = array<i64: 1, 64>}, {transform_indices = @transform_7, window_bounds = array<i64: 1024, 64>}]} {
    %get3A = arith.constant 0 : index
    %get3A_0 = arith.constant 0 : index
    %get3A_1 = vector.load %arg1[%get3A, %get3A_0] : memref<1024x64xf32, #tpu.memory_space<vmem>>, vector<1024x64xf32>
    %get3A_2 = arith.constant 0 : index
    %get3A_3 = arith.constant 0 : index
    %get3A_4 = vector.load %arg2[%get3A_2, %get3A_3] : memref<1024x32xf32, #tpu.memory_space<vmem>>, vector<1024x32xf32>
    %get3A_5 = arith.constant 0 : index
    %get3A_6 = arith.constant 0 : index
    %get3A_7 = vector.load %arg3[%get3A_5, %get3A_6] : memref<1024x32xf32, #tpu.memory_space<vmem>>, vector<1024x32xf32>
    %concatenate3A = tpu.concatenate %get3A_1, %get3A_4, %get3A_7 in 1 : vector<1024x64xf32>, vector<1024x32xf32>, vector<1024x32xf32> -> vector<1024x128xf32>
    %get3A_8 = arith.constant 0 : index
    %get3A_9 = arith.constant 0 : index
    %get3A_10 = vector.load %arg4[%get3A_8, %get3A_9] : memref<128x64xf32, #tpu.memory_space<vmem>>, vector<128x64xf32>
    %dot_general3A = arith.constant dense<0.000000e+00> : vector<1024x64xf32>
    %dot_general3A_11 = tpu.matmul %concatenate3A, %get3A_10, %dot_general3A {dimension_numbers = #tpu.dot_dimension_numbers<[1], [0], [0], [1], [0, 0, 1, 1], [], []>, transpose_lhs_hint = false} : vector<1024x128xf32>, vector<128x64xf32>, vector<1024x64xf32> -> vector<1024x64xf32>
    %get3A_12 = arith.constant 0 : index
    %get3A_13 = arith.constant 0 : index
    %get3A_14 = vector.load %arg5[%get3A_12, %get3A_13] : memref<1x64xf32, #tpu.memory_space<vmem>>, vector<1x64xf32>
    %add3A = vector.broadcast %get3A_14 : vector<1x64xf32> to vector<1024x64xf32>
    %add3A_15 = arith.addf %dot_general3A_11, %add3A : vector<1024x64xf32>
    %max3A = arith.constant 0.000000e+00 : f32
    %max3A_16 = vector.broadcast %max3A : f32 to vector<1024x64xf32>
    %max3A_17 = arith.maximumf %add3A_15, %max3A_16 : vector<1024x64xf32>
    %get3A_18 = arith.constant 0 : index
    %get3A_19 = arith.constant 0 : index
    %get3A_20 = vector.load %arg6[%get3A_18, %get3A_19] : memref<64x64xf32, #tpu.memory_space<vmem>>, vector<64x64xf32>
    %dot_general3A_21 = arith.constant dense<0.000000e+00> : vector<1024x64xf32>
    %dot_general3A_22 = tpu.matmul %max3A_17, %get3A_20, %dot_general3A_21 {dimension_numbers = #tpu.dot_dimension_numbers<[1], [0], [0], [1], [0, 0, 1, 1], [], []>, transpose_lhs_hint = false} : vector<1024x64xf32>, vector<64x64xf32>, vector<1024x64xf32> -> vector<1024x64xf32>
    %get3A_23 = arith.constant 0 : index
    %get3A_24 = arith.constant 0 : index
    %get3A_25 = vector.load %arg7[%get3A_23, %get3A_24] : memref<1x64xf32, #tpu.memory_space<vmem>>, vector<1x64xf32>
    %add3A_26 = vector.broadcast %get3A_25 : vector<1x64xf32> to vector<1024x64xf32>
    %add3A_27 = arith.addf %dot_general3A_22, %add3A_26 : vector<1024x64xf32>
    %max3A_28 = arith.constant 0.000000e+00 : f32
    %max3A_29 = vector.broadcast %max3A_28 : f32 to vector<1024x64xf32>
    %max3A_30 = arith.maximumf %add3A_27, %max3A_29 : vector<1024x64xf32>
    %swap3A = arith.constant 0 : index
    %swap3A_31 = arith.constant 0 : index
    %swap3A_32 = vector.load %arg8[%swap3A, %swap3A_31] : memref<1024x64xf32, #tpu.memory_space<vmem>>, vector<1024x64xf32>
    tpu.vector_store %arg8[%swap3A, %swap3A_31], %max3A_30 {strides = array<i32>} : memref<1024x64xf32, #tpu.memory_space<vmem>>, vector<1024x64xf32>,
    return
  }
  func.func @transform_0(%arg0: i32) -> (i32, i32) {
    %c0_i32 = arith.constant 0 : i32
    %c0_i32_0 = arith.constant 0 : i32
    return %arg0, %c0_i32 : i32, i32
  }
  func.func @transform_1(%arg0: i32) -> (i32, i32) {
    %c0_i32 = arith.constant 0 : i32
    %c0_i32_0 = arith.constant 0 : i32
    return %arg0, %c0_i32 : i32, i32
  }
  func.func @transform_2(%arg0: i32) -> (i32, i32) {
    %add3A = arith.constant 49 : i32
    %add3A_0 = arith.addi %arg0, %add3A : i32
    %c0_i32 = arith.constant 0 : i32
    %c0_i32_1 = arith.constant 0 : i32
    return %add3A_0, %c0_i32 : i32, i32
  }
  func.func @transform_3(%arg0: i32) -> (i32, i32) {
    %c0_i32 = arith.constant 0 : i32
    %c0_i32_0 = arith.constant 0 : i32
    %c0_i32_1 = arith.constant 0 : i32
    return %c0_i32, %c0_i32_0 : i32, i32
  }
  func.func @transform_4(%arg0: i32) -> (i32, i32) {
    %c0_i32 = arith.constant 0 : i32
    %c0_i32_0 = arith.constant 0 : i32
    %c0_i32_1 = arith.constant 0 : i32
    return %c0_i32, %c0_i32_0 : i32, i32
  }
  func.func @transform_5(%arg0: i32) -> (i32, i32) {
    %c0_i32 = arith.constant 0 : i32
    %c0_i32_0 = arith.constant 0 : i32
    %c0_i32_1 = arith.constant 0 : i32
    return %c0_i32, %c0_i32_0 : i32, i32
  }
  func.func @transform_6(%arg0: i32) -> (i32, i32) {
    %c0_i32 = arith.constant 0 : i32
    %c0_i32_0 = arith.constant 0 : i32
    %c0_i32_1 = arith.constant 0 : i32
    return %c0_i32, %c0_i32_0 : i32, i32
  }
  func.func @transform_7(%arg0: i32) -> (i32, i32) {
    %c0_i32 = arith.constant 0 : i32
    %c0_i32_0 = arith.constant 0 : i32
    return %arg0, %c0_i32 : i32, i32
  }
}

module attributes {stable_mosaic.version = 14 : i64} {
  func.func @_fc_tc(%arg0: i32, %arg1: memref<544x64xf32, #tpu.memory_space<vmem>>, %arg2: memref<544x64xf32, #tpu.memory_space<vmem>>, %arg3: memref<64x128xf32, #tpu.memory_space<vmem>>, %arg4: memref<1x128xf32, #tpu.memory_space<vmem>>, %arg5: memref<512x128xf32, #tpu.memory_space<vmem>>) attributes {dimension_semantics = [#tpu.dimension_semantics<arbitrary>], iteration_bounds = array<i64: 1>, scalar_prefetch = 0 : i64, scratch_operands = 0 : i64, tpu.core_type = #tpu.core_type<tc>, window_params = [{transform_indices = @transform_0, window_bounds = array<i64: 544, 64>}, {transform_indices = @transform_1, window_bounds = array<i64: 544, 64>}, {pipeline_mode = #tpu.pipeline_mode<synchronous>, transform_indices = @transform_2, window_bounds = array<i64: 64, 128>}, {pipeline_mode = #tpu.pipeline_mode<synchronous>, transform_indices = @transform_3, window_bounds = array<i64: 1, 128>}, {pipeline_mode = #tpu.pipeline_mode<synchronous>, transform_indices = @transform_4, window_bounds = array<i64: 512, 128>}]} {
    %get3A = arith.constant 0 : index
    %get3A_0 = arith.constant 0 : index
    %get3A_1 = vector.load %arg1[%get3A, %get3A_0] : memref<544x64xf32, #tpu.memory_space<vmem>>, vector<512x64xf32>
    %get3A_2 = arith.constant 0 : index
    %get3A_3 = arith.constant 0 : index
    %get3A_4 = vector.load %arg2[%get3A_2, %get3A_3] : memref<544x64xf32, #tpu.memory_space<vmem>>, vector<512x64xf32>
    %add3A = arith.addf %get3A_1, %get3A_4 : vector<512x64xf32>
    %get3A_5 = arith.constant 0 : index
    %get3A_6 = arith.constant 0 : index
    %get3A_7 = vector.load %arg3[%get3A_5, %get3A_6] : memref<64x128xf32, #tpu.memory_space<vmem>>, vector<64x128xf32>
    %dot_general3A = arith.constant dense<0.000000e+00> : vector<512x128xf32>
    %dot_general3A_8 = tpu.matmul %add3A, %get3A_7, %dot_general3A {dimension_numbers = #tpu.dot_dimension_numbers<[1], [0], [0], [1], [0, 0, 1, 1], [], []>, transpose_lhs_hint = false} : vector<512x64xf32>, vector<64x128xf32>, vector<512x128xf32> -> vector<512x128xf32>
    %get3A_9 = arith.constant 0 : index
    %get3A_10 = arith.constant 0 : index
    %get3A_11 = vector.load %arg4[%get3A_9, %get3A_10] : memref<1x128xf32, #tpu.memory_space<vmem>>, vector<1x128xf32>
    %add3A_12 = vector.broadcast %get3A_11 : vector<1x128xf32> to vector<512x128xf32>
    %add3A_13 = arith.addf %dot_general3A_8, %add3A_12 : vector<512x128xf32>
    %swap3A = arith.constant 0 : index
    %swap3A_14 = arith.constant 0 : index
    %swap3A_15 = vector.load %arg5[%swap3A, %swap3A_14] : memref<512x128xf32, #tpu.memory_space<vmem>>, vector<512x128xf32>
    tpu.vector_store %arg5[%swap3A, %swap3A_14], %add3A_13 {strides = array<i32>} : memref<512x128xf32, #tpu.memory_space<vmem>>, vector<512x128xf32>,
    return
  }
  func.func @transform_0(%arg0: i32) -> (i32, i32) {
    %c0_i32 = arith.constant 0 : i32
    %c0_i32_0 = arith.constant 0 : i32
    %c0_i32_1 = arith.constant 0 : i32
    return %c0_i32, %c0_i32_0 : i32, i32
  }
  func.func @transform_1(%arg0: i32) -> (i32, i32) {
    %c1_i32 = arith.constant 1 : i32
    %c0_i32 = arith.constant 0 : i32
    %c0_i32_0 = arith.constant 0 : i32
    return %c1_i32, %c0_i32 : i32, i32
  }
  func.func @transform_2(%arg0: i32) -> (i32, i32) {
    %c0_i32 = arith.constant 0 : i32
    %c0_i32_0 = arith.constant 0 : i32
    %c0_i32_1 = arith.constant 0 : i32
    return %c0_i32, %c0_i32_0 : i32, i32
  }
  func.func @transform_3(%arg0: i32) -> (i32, i32) {
    %c0_i32 = arith.constant 0 : i32
    %c0_i32_0 = arith.constant 0 : i32
    %c0_i32_1 = arith.constant 0 : i32
    return %c0_i32, %c0_i32_0 : i32, i32
  }
  func.func @transform_4(%arg0: i32) -> (i32, i32) {
    %c0_i32 = arith.constant 0 : i32
    %c0_i32_0 = arith.constant 0 : i32
    %c0_i32_1 = arith.constant 0 : i32
    return %c0_i32, %c0_i32_0 : i32, i32
  }
}

</mosaic_0001>

<sc_bundles>
// kernel: kernel.26.cloned.1.call-start
scs
__scs_entry_jumppad:
0x0: {  	(pc) =	sbr.rel $0x88, $3  }
0x1: {  	(tag) =	ssettag $0x0;
	lr =	simm.s32 $0x1  }
0x2: {  	[smem:$0x3F8A] =	sst lr;
	_ =	strace $0xD0000000  }
0x3: {  	_ = 	snop  }
0x4: {  	_ = 	snop  }
0x5: {  	_ = 	snop  }
0x6: {  	_ = 	snop  }
0x7: {  	_ = 	snop  }
__scs_overlays_trampoline_lowered:
0x8: {  	[smem:$0x3F99] =	sst s0  }
0x9: {  	[smem:$0x3F9A] =	sst s1  }
0xa: {  	[smem:$0x3F9B] =	sst s2  }
0xb: {  	[smem:$0x3F9C] =	sst s3  }
0xc: {  	[smem:$0x3F9D] =	sst s4  }
0xd: {  	[smem:$0x3F9E] =	sst s5  }
0xe: {  	[smem:$0x3F9F] =	sst s6  }
0xf: {  	[smem:$0x3FA0] =	sst s7  }
0x10: {  	[smem:$0x3FA1] =	sst s8  }
0x11: {  	[smem:$0x3FA2] =	sst s9;
	s0 =	simm.s32 @!p0 $0x0  }
0x12: {  	s1 =	sld [smem:$0x3F88];
	s0 =	simm.s32 @p0 $0x1  }
0x13: {  	[smem:$0x3FA3] =	sst s0;
	s0 =	simm.s32 @!p1 $0x0  }
0x14: {  	s2 =	sld [smem:$0x3F87];
	s0 =	simm.s32 @p1 $0x1  }
0x15: {  	[smem:$0x3FA4] =	sst s0;
	s0 =	simm.s32 @!p2 $0x0  }
0x16: {  	s3 =	sld [smem:$0x3FDB];
	s0 =	simm.s32 @p2 $0x1  }
0x17: {  	s4 =	simm.s32 $0x1BF5;
	[smem:$0x3FA6] =	sst s0  }
0x18: {  	s0 =	sld [smem:$0x3F89];
	_ =	swait.ge [sflag:s4], $0x0  }
0x19: {  	s7 =	sld [smem:$0x3F8A]  }
0x1a: {  	s8 =	sadd.s32 $0xFFFFE003, lr  }
0x1b: {  	s9 =	sadd.s32 $0xFFFFFEF7, lr;
	s5 =	simm.s32 $0xFFFFFFFF;
	p2 =	slt.u32 s8, $0xFFFFF086  }
0x1c: {  	p1 =	slt.u32 s9, $0xF7A;
	s5 =	simm.s32 @!p2 $0x0  }
0x1d: {  	s5 =	simm.s32 @p1 $0x1;
	p0 =	seq.s32 s7, s2  }
0x1e: {  	s7 =	smul.u32 @!p0 $0xF7A, s2;
	p2 =	seq.s32 @!p0 s5, $0x0  }
0x1f: {  	s9 =	smul.u32 $0xF7A, s1;
	s8 =	simm.s32 @!p0 $0x1BF5;
	p2 =	por !p2, p0  }
0x20: {  	[sflag:s8] =	ssyncset.s32 @!p0 $0xFFFFF086;
	s6 =	sadd.s32 @!p0 s3, s7;
	s7 =	simm.s32 @!p0 $0x108  }
0x21: {  	s3 =	sadd.s32 s3, s9;
	s6 =	sadd.s32 @!p0 $0x88, s6;
	s7 =	simm.s32 @p2 $0x1082  }
0x22: {  	[simem:s7], [sflag:s8] =	dma.local @!p0 [hbm:s6], $0xF7A  }
0x23: {  	s9 =	sor.u32 $0xD0000000, s2;
	s6 =	simm.s32 $0x108;
	_ =	swait.ge @!p0 [sflag:s8], $0x0  }
0x24: {  	s3 =	sadd.s32 $0x88, s3;
	s6 =	simm.s32 @!p1 $0x1082;
	[sflag:s4] =	ssyncset.s32 $0xFFFFF086  }
0x25: {  	[simem:s6], [sflag:s4] =	dma.local [hbm:s3], $0xF7A  }
0x26: {  	[smem:$0x3F8A] =	sst s1;
	(tag) =	ssettag s2;
	_ =	strace s9  }
0x27: {  	s1 =	sld [smem:$0x3F9A]  }
0x28: {  	s2 =	sld [smem:$0x3F9B]  }
0x29: {  	s4 =	sld [smem:$0x3F9D]  }
0x2a: {  	p0 =	seq.s32 s5, $0x0;
	s5 =	sld [smem:$0x3F9E]  }
0x2b: {  	s6 =	sld [smem:$0x3F9F]  }
0x2c: {  	s7 =	sld [smem:$0x3FA0]  }
0x2d: {  	s3 =	simm.s32 $0x108;
	s8 =	sld [smem:$0x3FA1]  }
0x2e: {  	s3 =	simm.s32 @!p0 $0x1082;
	s9 =	sld [smem:$0x3FA2]  }
0x2f: {  	lr =	sadd.s32 s0, s3;
	s0 =	sld [smem:$0x3F99]  }
0x30: {  	s3 =	sld [smem:$0x3F9C]  }
0x31: {  	[smem:$0x3FA5] =	sst s10  }
0x32: {  	s10 =	sld [smem:$0x3FA3];
	_ =	sdelay $0x3  }
0x33: {  	p0 =	seq.s32 s10, $0x1;
	s10 =	sld [smem:$0x3FA5];
	_ =	sdelay $0x3  }
0x34: {  	[smem:$0x3FA5] =	sst s10  }
0x35: {  	s10 =	sld [smem:$0x3FA4];
	_ =	sdelay $0x3  }
0x36: {  	p1 =	seq.s32 s10, $0x1;
	s10 =	sld [smem:$0x3FA5];
	_ =	sdelay $0x3  }
0x37: {  	[smem:$0x3FA5] =	sst s10  }
0x38: {  	s10 =	sld [smem:$0x3FA6]  }
0x39: {  	_ = 	snop;
	(pc) =	sbr.ind lr, $3  }
0x3a: {  	_ = 	snop  }
0x3b: {  	_ = 	snop  }
0x3c: {  	p2 =	seq.s32 s10, $0x1;
	s10 =	sld [smem:$0x3FA5]  }
0x3d: {  	_ =	shalt  }
0x3e: {  	_ =	shalt  }
0x3f: {  	_ =	shalt  }
0x40: {  	_ =	shalt  }
0x41: {  	_ =	shalt  }
0x42: {  	_ =	shalt  }
0x43: {  	_ =	shalt  }
0x44: {  	_ =	shalt  }
0x45: {  	_ =	shalt  }
0x46: {  	_ =	shalt  }
0x47: {  	_ =	shalt  }
0x48: {  	_ =	shalt  }
0x49: {  	_ =	shalt  }
0x4a: {  	_ =	shalt  }
0x4b: {  	_ =	shalt  }
0x4c: {  	_ =	shalt  }
0x4d: {  	_ =	shalt  }
0x4e: {  	_ =	shalt  }
0x4f: {  	_ =	shalt  }
0x50: {  	_ =	shalt  }
0x51: {  	_ =	shalt  }
0x52: {  	_ =	shalt  }
0x53: {  	_ =	shalt  }
0x54: {  	_ =	shalt  }
0x55: {  	_ =	shalt  }
0x56: {  	_ =	shalt  }
0x57: {  	_ =	shalt  }
0x58: {  	_ =	shalt  }
0x59: {  	_ =	shalt  }
0x5a: {  	_ =	shalt  }
0x5b: {  	_ =	shalt  }
0x5c: {  	_ =	shalt  }
0x5d: {  	_ =	shalt  }
0x5e: {  	_ =	shalt  }
0x5f: {  	_ =	shalt  }
0x60: {  	_ =	shalt  }
0x61: {  	_ =	shalt  }
0x62: {  	_ =	shalt  }
0x63: {  	_ =	shalt  }
0x64: {  	_ =	shalt  }
0x65: {  	_ =	shalt  }
0x66: {  	_ =	shalt  }
0x67: {  	_ =	shalt  }
0x68: {  	_ =	shalt  }
0x69: {  	_ =	shalt  }
0x6a: {  	_ =	shalt  }
0x6b: {  	_ =	shalt  }
0x6c: {  	_ =	shalt  }
0x6d: {  	_ =	shalt  }
0x6e: {  	_ =	shalt  }
0x6f: {  	_ =	shalt  }
0x70: {  	_ =	shalt  }
0x71: {  	_ =	shalt  }
0x72: {  	_ =	shalt  }
0x73: {  	_ =	shalt  }
0x74: {  	_ =	shalt  }
0x75: {  	_ =	shalt  }
0x76: {  	_ =	shalt  }
0x77: {  	_ =	shalt  }
0x78: {  	_ =	shalt  }
0x79: {  	_ =	shalt  }
0x7a: {  	_ =	shalt  }
0x7b: {  	_ =	shalt  }
0x7c: {  	_ =	shalt  }
0x7d: {  	_ =	shalt  }
0x7e: {  	_ =	shalt  }
0x7f: {  	_ =	shalt  }
0x80: {  	_ =	shalt  }
0x81: {  	_ =	shalt  }
0x82: {  	_ =	shalt  }
0x83: {  	_ =	shalt  }
0x84: {  	_ =	shalt  }
0x85: {  	_ =	shalt  }
0x86: {  	_ =	shalt  }
0x87: {  	_ =	shalt  }
.Lfunc_end0:
.L_simem_size_0:
called_computation_lowered:
.L_overlay_start_0:
0x88: {  	s2 =	sld [smem:$0x3FD9]  }
0x89: {  	s3 =	sld [smem:$0x3FFE];
	_ =	sdelay $0x1  }
0x8a: {  	s1 =	srdreg.scid  }
0x8b: {  	s0 =	sand.u32 $0x1, s1  }
0x8c: {  	s17 =	sshll.u32 s0, $0xA;
	s2 =	sadd.s32 s3, s2  }
0x8d: {  	s2 =	sadd.s32 s2, s17  }
0x8e: {  	[smem:$0x3FB1] =	sst s2  }
0x8f: {  	_ = 	snop  }
0x90: {  	(tm) =	ssettm $0x1  }
0x91: {  	s18 =	sld [smem:$0x3FFB];
	_ =	sdelay $0x3  }
0x92: {  	_ =	strace s18  }
0x93: {  	s2 =	sld [smem:$0x3FFC];
	_ =	sdelay $0x3  }
0x94: {  	_ =	strace s2  }
0x95: {  	s2 =	sld [smem:$0x3FFD];
	_ =	sdelay $0x3  }
0x96: {  	_ =	strace s2  }
0x97: {  	_ =	strace $0x8FFFFFFF  }
0x98: {  	s19 =	sld [smem:$0x3FDB];
	_ =	sdelay $0x1  }
0x99: {  	s20 =	simm.s32 $_scs_section_size  }
0x9a: {  	s4 =	simm.s32 $_size__tile_overlayer_lowered;
	s5 =	simm.s32 $_tile_overlayer_lowered  }
0x9b: {  	s6 =	simm.s32 $0x1BFF;
	s21 =	sshll.u32 s5, $0x1;
	s3 =	sadd.s32 s20, s19  }
0x9c: {  	s22 =	simm.s32 $0x0;
	s4 =	sshll.u32 s4, $0x1;
	s5 =	sadd.s32 s21, s3  }
0x9d: {  	[timem:s22], [sflag:s6] =	dma.local [hbm:s5], s4  }
0x9e: {  	_ =	swait.ge [sflag:s6], s4  }
0x9f: {  	s4 =	ssub.s32 $0x0, s4;
	[sflag:s6] =	ssyncset.done $0x0  }
0xa0: {  	[sflag:s6] =	ssyncadd.s32 s4;
	_ =	sdelay $0x1  }
0xa1: {  	s23 =	simm.s32 $0x1B8B  }
0xa2: {  	_ =	swait.ge [sflag:s23], $0x1  }
0xa3: {  	[sflag:s23] =	ssyncset.done $0x0  }
0xa4: {  	[sflag:s23] =	ssyncadd.s32 $0xFFFFFFFF  }
0xa5: {  	s4 =	sld [smem:$0x0]  }
0xa6: {  	s5 =	sand.u32 $0xFFFFFFFE, s1  }
0xa7: {  	p0 =	sne.s32 s1, s5  }
0xa8: {  	s5 =	sshll.u32 @p0 s5, $0xE  }
0xa9: {  	s5 =	sadd.s32 @p0 $0x11B8D, s5;
	s6 =	sshll.u32 @p0 s4, $0x11  }
0xaa: {  	s5 =	sor.u32 @p0 s6, s5  }
0xab: {  	[sflag:s5] =	ssyncadd.remote.s32 @p0 $0x1;
	_ =	sdelay $0x1  }
0xac: {  	s5 =	simm.s32 @p0 $0x1B8D  }
0xad: {  	_ =	swait.eq @p0 [sflag:s5], $0x1  }
0xae: {  	[sflag:s5] =	ssyncadd.s32 @p0 $0xFFFFFFFF  }
0xaf: {  	s6 =	sshll.u32 @!p0 s1, $0xE  }
0xb0: {  	s6 =	sor.u32 @!p0 $0x4000, s6;
	s5 =	simm.s32 @!p0 $0x1B8D  }
0xb1: {  	s4 =	sshll.u32 @!p0 s4, $0x11;
	s6 =	sadd.s32 @!p0 $0x11B8D, s6;
	_ =	swait.eq @!p0 [sflag:s5], $0x1  }
0xb2: {  	s4 =	sor.u32 @!p0 s4, s6;
	[sflag:s5] =	ssyncadd.s32 @!p0 $0xFFFFFFFF  }
0xb3: {  	s25 =	simm.s32 $0x1B8E;
	s24 =	sld [smem:$0x3FFE];
	[sflag:s4] =	ssyncadd.remote.s32 @!p0 $0x1  }
0xb4: {  	s26 =	simm.s32 $execute0_lowered;
	[smem:$0x3FD2] =	sst s25  }
0xb5: {  	s5 =	sshll.u32 s26, $0x1;
	_ =	strace $0x8000004C;
	[dreg:$0x1] =	wrdreg $0xFFFFFFFF  }
0xb6: {  	s28 =	simm.s32 $_size_execute0_lowered;
	s3 =	sadd.s32 s3, s5;
	[dreg:$0x0] =	wrdreg $0x0  }
0xb7: {  	s5 =	sshll.u32 s28, $0x1;
	[dreg:$0x2] =	wrdreg s3  }
0xb8: {  	[dreg:$0x3] =	wrdreg s5  }
0xb9: {  	[dreg:$0x4] =	wrdreg $0xC0  }
0xba: {  	_ =	task [dreg:s22], $0x5FFFF  }
0xbb: {  	[dreg:$0x1] =	wrdreg $0xFFFFFFFF  }
0xbc: {  	[dreg:$0x0] =	wrdreg $0x60  }
0xbd: {  	[dreg:$0x2] =	wrdreg s24  }
0xbe: {  	[dreg:$0x3] =	wrdreg $0x70800  }
0xbf: {  	[dreg:$0x4] =	wrdreg $0x9  }
0xc0: {  	_ =	task.clear_ibuf [dreg:s22], $0x5FFFF;
	_ =	strace $0x9000004C  }
0xc1: {  	s29 =	simm.s32 $0x9;
	_ =	strace $0x8000004E  }
0xc2: {  	_ =	swait.ge [sflag:s29], $0x1  }
0xc3: {  	[sflag:s29] =	ssyncadd.s32 $0xFFFFFFFF  }
0xc4: {  	_ =	strace $0x9000004E  }
0xc5: {  	_ =	sfence  }
0xc6: {  	s30 =	sld [smem:$0x0];
	_ =	sdelay $0x2  }
0xc7: {  	s31 =	sshll.u32 s1, $0xD;
	s1 =	sshrl.u32 s1, $0x2  }
0xc8: {  	s4 =	sand.u32 $0x4000, s31;
	s1 =	sadd.s32 s1, s30  }
0xc9: {  	s0 =	sor.u32 s4, s0;
	s1 =	sshll.u32 s1, $0x11  }
0xca: {  	s0 =	sor.u32 s1, s0  }
0xcb: {  	s0 =	sadd.s32 $0x8F2B, s0  }
0xcc: {  	[sflag:s0] =	ssyncadd.remote.s32 $0x1  }
0xcd: {  	_ =	sfence.sel $0xFFFF  }
0xce: {  	[dreg:$0x0] =	wrdreg $0xFFFFFFFF;
	(pc) =	sbr.abs _section_cstart, $3  }
0xcf: {  	[dreg:$0x1] =	wrdreg $0xFFFFFFFF  }
0xd0: {  	_ =	task.clear_ibuf [dreg:s22], $0x2FFFF;
	_ =	strace $0x9FFFFFFF  }
0xd1: {  	(tm) =	ssettm $0x7FFFFFFF  }
tec
execute0_lowered:
.L_overlay_start_1:
0x0: {  	(tag) =	ssettag $0x1  }
0x1: {  	s0 =	rddreg [dreg:$0x0]  }
0x2: {  	s2 =	rddreg [dreg:$0x1];
	s1 =	srdreg.scid  }
0x3: {  	s9 =	stileid.u32;
	s3 =	simm.s32 $0x0;
	s19 =	simm.s32 $0xC80  }
0x4: {  	s20 =	simm.s32 $0x5;
	s21 =	simm.s32 $0x640;
	s22 =	simm.s32 $0x320  }
0x5: {  	s23 =	simm.s32 $0x960;
	s28 =	simm.s32 $0x3;
	s29 =	simm.s32 $0x4  }
0x6: {  	s30 =	simm.s32 $0x0;
	s5 =	smul.u32 $0xC40, s9;
	s4 =	sadd.s32 $0x392800, s0  }
0x7: {  	s1 =	sand.u32 $0x1, s1;
	s18 =	sadd.s32 $0x1F2200, s0;
	s7 =	smul.u32 $0x31000, s9  }
0x8: {  	[smem:$0x7FF] =	sst s3;
	s17 =	sadd.s32 $0x1D9200, s0;
	s31 =	smul.u32 $0x6400, s9  }
0x9: {  	s6 =	smul.u32 $0xC400, s1;
	_ =	strace $0x8000004D;
	s24 =	ssub.s32 $0x2, s1  }
0xa: {  	s1 =	smul.u32 $0x64000, s1;
	s25 =	sshrl.u32 s24, $0x1;
	s26 =	sshrl.u32 s7, $0x2  }
0xb: {  	s5 =	sadd.s32 s5, s6;
	s8 =	ssub.s32 s24, s25;
	s6 =	sadd.s32 s26, s2  }
0xc: {  	s24 =	simm.s32 $0x3E80;
	s25 =	simm.s32 $0x1;
	s26 =	simm.s32 $0x2  }
0xd: {  	s5 =	sshll.u32 s5, $0x1;
	s9 =	sadd.s32 $0x3100, s6;
	s10 =	sadd.s32 $0x4980, s6  }
0xe: {  	s11 =	sadd.s32 $0x6200, s6;
	s12 =	sadd.s32 $0x7A80, s6;
	s0 =	sadd.s32 s5, s0  }
0xf: {  	s13 =	sadd.s32 $0x9300, s6;
	s14 =	sadd.s32 $0xAB80, s6;
	s0 =	sadd.s32 $0x2CE800, s0  }
0x10: {  	s5 =	smax.u32 s8, $0x1;
	[dreg:$0x3] =	wrdreg s0;
	s0 =	sadd.s32 s31, s1  }
0x11: {  	s8 =	sadd.s32 $0x1880, s6;
	s1 =	sor.u32 $0x320, s0;
	s0 =	sshrl.u32 s0, $0x3  }
0x12: {  	[dreg:$0x4] =	wrdreg s5;
	s1 =	sshrl.u32 s1, $0x3;
	s15 =	sadd.s32 s0, s17  }
0x13: {  	v0 =	vimm.f32 $0.0e+00;
	s16 =	sadd.s32 s0, s18;
	s17 =	sadd.s32 s1, s17;
	s18 =	sadd.s32 s1, s18  }
.LBB2_1:
0x14: {  	s0 =	simm.s32 $0x40;
	s1 =	simm.s32 $0x0  }
.LBB2_2:
0x15: {  	p0 =	sne.s32 s0, $0x61C0;
	[tilespmem:s1+$0xC80] =	vst v0;
	s1 =	smov.u32 s0;
	s0 =	sadd.s32 $0x40, s0  }
.Ltmp0:
0x16: {  	(pc) =	sbr.rel @p0 .LBB2_2-.Ltmp0, $2  }
0x17: {  	_ =	sdelay $0x2  }
0x18: {  	s1 =	sshra.s32 s1, $0x2  }
0x19: {  	[tilespmem:s1+$0xC80] =	vst v0  }
0x1a: {  	[spmem:s6] =	stream.linear.scatter [tilespmem:s19], [sflag:$0x5], $0x1880, $0x38;
	[tilespmem:$0x13480] =	vst v63  }
0x1b: {  	_ =	swait.ge [sflag:s20], $0x1880  }
0x1c: {  	[sflag:s20] =	ssyncset.done $0x0  }
0x1d: {  	[sflag:s20] =	ssyncadd.s32 $0xFFFFE780  }
0x1e: {  	[spmem:s8] =	stream.linear.scatter [tilespmem:s19], [sflag:$0x5], $0x1880, $0x38;
	[tilespmem:$0x13480] =	vst v63  }
0x1f: {  	_ =	swait.ge [sflag:s20], $0x1880  }
0x20: {  	[sflag:s20] =	ssyncset.done $0x0  }
0x21: {  	[sflag:s20] =	ssyncadd.s32 $0xFFFFE780  }
0x22: {  	[spmem:s9] =	stream.linear.scatter [tilespmem:s19], [sflag:$0x5], $0x1880, $0x38;
	[tilespmem:$0x13480] =	vst v63  }
0x23: {  	_ =	swait.ge [sflag:s20], $0x1880  }
0x24: {  	[sflag:s20] =	ssyncset.done $0x0  }
0x25: {  	[sflag:s20] =	ssyncadd.s32 $0xFFFFE780  }
0x26: {  	[spmem:s10] =	stream.linear.scatter [tilespmem:s19], [sflag:$0x5], $0x1880, $0x38;
	[tilespmem:$0x13480] =	vst v63  }
0x27: {  	_ =	swait.ge [sflag:s20], $0x1880  }
0x28: {  	[sflag:s20] =	ssyncset.done $0x0  }
0x29: {  	[sflag:s20] =	ssyncadd.s32 $0xFFFFE780  }
0x2a: {  	[spmem:s11] =	stream.linear.scatter [tilespmem:s19], [sflag:$0x5], $0x1880, $0x38;
	[tilespmem:$0x13480] =	vst v63  }
0x2b: {  	_ =	swait.ge [sflag:s20], $0x1880  }
0x2c: {  	[sflag:s20] =	ssyncset.done $0x0  }
0x2d: {  	[sflag:s20] =	ssyncadd.s32 $0xFFFFE780  }
0x2e: {  	[spmem:s12] =	stream.linear.scatter [tilespmem:s19], [sflag:$0x5], $0x1880, $0x38;
	[tilespmem:$0x13480] =	vst v63  }
0x2f: {  	_ =	swait.ge [sflag:s20], $0x1880  }
0x30: {  	[sflag:s20] =	ssyncset.done $0x0  }
0x31: {  	[sflag:s20] =	ssyncadd.s32 $0xFFFFE780  }
0x32: {  	[spmem:s13] =	stream.linear.scatter [tilespmem:s19], [sflag:$0x5], $0x1880, $0x38;
	[tilespmem:$0x13480] =	vst v63  }
0x33: {  	_ =	swait.ge [sflag:s20], $0x1880  }
0x34: {  	[sflag:s20] =	ssyncset.done $0x0  }
0x35: {  	[sflag:s20] =	ssyncadd.s32 $0xFFFFE780  }
0x36: {  	[spmem:s14] =	stream.linear.scatter [tilespmem:s19], [sflag:$0x5], $0x1880, $0x38;
	[tilespmem:$0x13480] =	vst v63  }
0x37: {  	_ =	swait.ge [sflag:s20], $0x1880  }
0x38: {  	[sflag:s20] =	ssyncset.done $0x0  }
0x39: {  	[sflag:s20] =	ssyncadd.s32 $0xFFFFE780  }
0x3a: {  	s0 =	sadd.s32 $0x0, s16;
	[bflag:$0x0] =	sbarrier.arrive $0xFFFF  }
0x3b: {  	[tilespmem:s3], [sflag:$0x5] =	stream.linear.gather [hbm4b:s0+s3], $0x320, $0x38;
	[tilespmem:$0x13480] =	vst v63  }
0x3c: {  	_ =	swait.ge [sflag:s20], $0x320  }
0x3d: {  	[sflag:s20] =	ssyncset.done $0x0  }
0x3e: {  	s1 =	sadd.s32 $0x0, s15;
	[sflag:s20] =	ssyncadd.s32 $0xFFFFFCE0  }
0x3f: {  	[tilespmem:s21], [sflag:$0x5] =	stream.linear.gather [hbm4b:s1+s3], $0x320, $0x38;
	[tilespmem:$0x13480] =	vst v63  }
0x40: {  	_ =	swait.ge [sflag:s20], $0x320  }
0x41: {  	[sflag:s20] =	ssyncset.done $0x0  }
0x42: {  	[sflag:s20] =	ssyncadd.s32 $0xFFFFFCE0  }
0x43: {  	[tilespmem:s19], [sflag:$0x1] =	stream.indirect.gather [hbm4b:s4+s22], $0x10, s3, s22, $0xb8;
	[tilespmem:$0x13480] =	vst v63  }
0x44: {  	s5 =	sadd.s32 $0x0, s18  }
0x45: {  	[tilespmem:s22], [sflag:$0x5] =	stream.linear.gather [hbm4b:s5+s3], $0x320, $0x38;
	[tilespmem:$0x13480] =	vst v63  }
0x46: {  	_ =	swait.ge [sflag:s20], $0x320  }
0x47: {  	[sflag:s20] =	ssyncset.done $0x0  }
0x48: {  	s7 =	sadd.s32 $0x0, s17;
	[sflag:s20] =	ssyncadd.s32 $0xFFFFFCE0  }
0x49: {  	[tilespmem:s23], [sflag:$0x5] =	stream.linear.gather [hbm4b:s7+s3], $0x320, $0x38;
	[tilespmem:$0x13480] =	vst v63  }
0x4a: {  	_ =	swait.ge [sflag:s20], $0x320  }
0x4b: {  	[sflag:s20] =	ssyncset.done $0x0  }
0x4c: {  	[sflag:s20] =	ssyncadd.s32 $0xFFFFFCE0  }
0x4d: {  	[tilespmem:s24], [sflag:$0x2] =	stream.indirect.gather [hbm4b:s4+s22], $0x10, s22, s22, $0xb8;
	[tilespmem:$0x13480] =	vst v63  }
0x4e: {  	_ =	swait.ge [sflag:s25], $0x3200  }
0x4f: {  	[sflag:s25] =	ssyncset.done $0x0  }
0x50: {  	[sflag:s25] =	ssyncadd.s32 $0xFFFFCE00  }
0x51: {  	[spmem:s2] =	stream.indirect.scatter.add.f32 [tilespmem:s19], [sflag:$0x3], $0x10, s21, s22, $0xb8;
	[tilespmem:$0x13480] =	vst v63  }
0x52: {  	_ =	swait.ge [sflag:s26], $0x3200  }
0x53: {  	[sflag:s26] =	ssyncset.done $0x0  }
0x54: {  	[sflag:s26] =	ssyncadd.s32 $0xFFFFCE00  }
0x55: {  	[spmem:s2] =	stream.indirect.scatter.add.f32 [tilespmem:s24], [sflag:$0x4], $0x10, s23, s22, $0xb8;
	[tilespmem:$0x13480] =	vst v63  }
0x56: {  	_ =	swait.ge [sflag:s28], $0x3200  }
0x57: {  	[sflag:s28] =	ssyncset.done $0x0  }
0x58: {  	[sflag:s28] =	ssyncadd.s32 $0xFFFFCE00  }
0x59: {  	_ =	swait.ge [sflag:s29], $0x3200  }
0x5a: {  	s31 =	simm.s32 $0xC8;
	s0 =	simm.s32 $0x190;
	[sflag:s29] =	ssyncset.done $0x0  }
.LBB2_4:
0x5b: {  	s5 =	sadd.s32 s31, s16  }
0x5c: {  	[sflag:s29] =	ssyncadd.s32 $0xFFFFCE00;
	s7 =	smov.u32 s0;
	s1 =	sadd.s32 $0xC8, s0  }
0x5d: {  	[tilespmem:s3], [sflag:$0x5] =	stream.linear.gather [hbm4b:s5+s3], $0x320, $0x38;
	[tilespmem:$0x13480] =	vst v63  }
0x5e: {  	p0 =	sne.s32 s0, $0xBB8;
	_ =	swait.ge [sflag:s20], $0x320  }
0x5f: {  	[sflag:s20] =	ssyncset.done $0x0  }
0x60: {  	s0 =	sadd.s32 s31, s15;
	[sflag:s20] =	ssyncadd.s32 $0xFFFFFCE0  }
0x61: {  	[tilespmem:s21], [sflag:$0x5] =	stream.linear.gather [hbm4b:s0+s3], $0x320, $0x38;
	[tilespmem:$0x13480] =	vst v63  }
0x62: {  	_ =	swait.ge [sflag:s20], $0x320  }
0x63: {  	[sflag:s20] =	ssyncset.done $0x0  }
0x64: {  	[sflag:s20] =	ssyncadd.s32 $0xFFFFFCE0  }
0x65: {  	[tilespmem:s19], [sflag:$0x1] =	stream.indirect.gather [hbm4b:s4+s22], $0x10, s3, s22, $0xb8;
	[tilespmem:$0x13480] =	vst v63  }
0x66: {  	s0 =	sadd.s32 s31, s18  }
0x67: {  	[tilespmem:s22], [sflag:$0x5] =	stream.linear.gather [hbm4b:s0+s3], $0x320, $0x38;
	[tilespmem:$0x13480] =	vst v63  }
0x68: {  	_ =	swait.ge [sflag:s20], $0x320  }
0x69: {  	[sflag:s20] =	ssyncset.done $0x0  }
0x6a: {  	s0 =	sadd.s32 s31, s17;
	s31 =	smov.u32 s7;
	[sflag:s20] =	ssyncadd.s32 $0xFFFFFCE0  }
0x6b: {  	[tilespmem:s23], [sflag:$0x5] =	stream.linear.gather [hbm4b:s0+s3], $0x320, $0x38;
	[tilespmem:$0x13480] =	vst v63  }
0x6c: {  	_ =	swait.ge [sflag:s20], $0x320  }
0x6d: {  	[sflag:s20] =	ssyncset.done $0x0  }
0x6e: {  	[sflag:s20] =	ssyncadd.s32 $0xFFFFFCE0  }
0x6f: {  	[tilespmem:s24], [sflag:$0x2] =	stream.indirect.gather [hbm4b:s4+s22], $0x10, s22, s22, $0xb8;
	[tilespmem:$0x13480] =	vst v63  }
0x70: {  	_ =	swait.ge [sflag:s25], $0x3200  }
0x71: {  	[sflag:s25] =	ssyncset.done $0x0  }
0x72: {  	[sflag:s25] =	ssyncadd.s32 $0xFFFFCE00  }
0x73: {  	[spmem:s2] =	stream.indirect.scatter.add.f32 [tilespmem:s19], [sflag:$0x3], $0x10, s21, s22, $0xb8;
	[tilespmem:$0x13480] =	vst v63  }
0x74: {  	_ =	swait.ge [sflag:s26], $0x3200  }
0x75: {  	[sflag:s26] =	ssyncset.done $0x0  }
0x76: {  	[sflag:s26] =	ssyncadd.s32 $0xFFFFCE00  }
0x77: {  	[spmem:s2] =	stream.indirect.scatter.add.f32 [tilespmem:s24], [sflag:$0x4], $0x10, s23, s22, $0xb8;
	[tilespmem:$0x13480] =	vst v63  }
.Ltmp1:
0x78: {  	_ =	swait.ge [sflag:s28], $0x3200;
	(pc) =	sbr.rel @p0 .LBB2_4-.Ltmp1, $4  }
0x79: {  	[sflag:s28] =	ssyncset.done $0x0  }
0x7a: {  	[sflag:s28] =	ssyncadd.s32 $0xFFFFCE00  }
0x7b: {  	_ =	swait.ge [sflag:s29], $0x3200  }
0x7c: {  	s0 =	smov.u32 s1;
	[sflag:s29] =	ssyncset.done $0x0  }
0x7d: {  	s0 =	sadd.s32 s31, s16;
	[sflag:s29] =	ssyncadd.s32 $0xFFFFCE00  }
0x7e: {  	[tilespmem:s3], [sflag:$0x5] =	stream.linear.gather [hbm4b:s0+s3], $0x320, $0x38;
	[tilespmem:$0x13480] =	vst v63  }
0x7f: {  	_ =	swait.ge [sflag:s20], $0x320  }
0x80: {  	[sflag:s20] =	ssyncset.done $0x0  }
0x81: {  	s7 =	sadd.s32 s31, s15;
	[sflag:s20] =	ssyncadd.s32 $0xFFFFFCE0  }
0x82: {  	[tilespmem:s21], [sflag:$0x5] =	stream.linear.gather [hbm4b:s7+s3], $0x320, $0x38;
	[tilespmem:$0x13480] =	vst v63  }
0x83: {  	_ =	swait.ge [sflag:s20], $0x320  }
0x84: {  	[sflag:s20] =	ssyncset.done $0x0  }
0x85: {  	[sflag:s20] =	ssyncadd.s32 $0xFFFFFCE0  }
0x86: {  	[tilespmem:s19], [sflag:$0x1] =	stream.indirect.gather [hbm4b:s4+s22], $0x10, s3, s22, $0xb8;
	[tilespmem:$0x13480] =	vst v63  }
0x87: {  	s1 =	sadd.s32 s31, s18  }
0x88: {  	[tilespmem:s22], [sflag:$0x5] =	stream.linear.gather [hbm4b:s1+s3], $0x320, $0x38;
	[tilespmem:$0x13480] =	vst v63  }
0x89: {  	_ =	swait.ge [sflag:s20], $0x320  }
0x8a: {  	[sflag:s20] =	ssyncset.done $0x0  }
0x8b: {  	s5 =	sadd.s32 s31, s17;
	[sflag:s20] =	ssyncadd.s32 $0xFFFFFCE0  }
0x8c: {  	[tilespmem:s23], [sflag:$0x5] =	stream.linear.gather [hbm4b:s5+s3], $0x320, $0x38;
	[tilespmem:$0x13480] =	vst v63  }
0x8d: {  	_ =	swait.ge [sflag:s20], $0x320  }
0x8e: {  	[sflag:s20] =	ssyncset.done $0x0  }
0x8f: {  	[sflag:s20] =	ssyncadd.s32 $0xFFFFFCE0  }
0x90: {  	[tilespmem:s24], [sflag:$0x2] =	stream.indirect.gather [hbm4b:s4+s22], $0x10, s22, s22, $0xb8;
	[tilespmem:$0x13480] =	vst v63  }
0x91: {  	_ =	swait.ge [sflag:s25], $0x3200  }
0x92: {  	[sflag:s25] =	ssyncset.done $0x0  }
0x93: {  	[sflag:s25] =	ssyncadd.s32 $0xFFFFCE00  }
0x94: {  	[spmem:s2] =	stream.indirect.scatter.add.f32 [tilespmem:s19], [sflag:$0x3], $0x10, s21, s22, $0xb8;
	[tilespmem:$0x13480] =	vst v63  }
0x95: {  	_ =	swait.ge [sflag:s26], $0x3200  }
0x96: {  	[sflag:s26] =	ssyncset.done $0x0  }
0x97: {  	[sflag:s26] =	ssyncadd.s32 $0xFFFFCE00  }
0x98: {  	[spmem:s2] =	stream.indirect.scatter.add.f32 [tilespmem:s24], [sflag:$0x4], $0x10, s23, s22, $0xb8;
	[tilespmem:$0x13480] =	vst v63  }
0x99: {  	_ =	swait.ge [sflag:s28], $0x3200  }
0x9a: {  	[sflag:s28] =	ssyncset.done $0x0  }
0x9b: {  	[sflag:s28] =	ssyncadd.s32 $0xFFFFCE00  }
0x9c: {  	_ =	swait.ge [sflag:s29], $0x3200  }
0x9d: {  	[sflag:s29] =	ssyncset.done $0x0  }
0x9e: {  	s7 =	stileid.u32;
	[sflag:s29] =	ssyncadd.s32 $0xFFFFCE00  }
0x9f: {  	s0 =	sshll.u32 s7, $0x6;
	[bflag:$0x0] =	sbarrier.arrive $0xFFFF  }
0xa0: {  	s0 =	sor.u32 $0x1C05, s0;
	s1 =	sshrl.u32 s6, $0x3;
	s5 =	rddreg [dreg:$0x3]  }
0xa1: {  	[hbm:s5], [sflag:s0] =	dma.local [spmem:s1], $0x1880  }
0xa2: {  	_ =	swait.ge [sflag:s20], $0x1880  }
0xa3: {  	s30 =	sadd.s32 $0x1, s30;
	s31 =	rddreg [dreg:$0x4]  }
0xa4: {  	p0 =	sne.s32 s30, s31  }
.Ltmp2:
0xa5: {  	_ = 	snop;
	(pc) =	sbr.rel @p0 .LBB2_1-.Ltmp2, $3  }
0xa6: {  	_ =	sdelay $0x1  }
0xa7: {  	[sflag:s20] =	ssyncset.done $0x0  }
0xa8: {  	[sflag:s20] =	ssyncadd.s32 $0xFFFFE780  }
0xa9: {  	_ =	sfence.sel $0x180000  }
0xaa: {  	[bflag:$0x0] =	sbarrier.arrive $0xFFFF  }
0xab: {  	_ =	strace $0x9000004D  }
0xac: {  	s0 =	stileid.u32;
	[bflag:$0x2] =	sbarrier.arrive $0xFFFF  }
0xad: {  	p0 =	sne.s32 s0, $0x0;
	s0 =	rddreg [dreg:$0x2]  }
0xae: {  	s0 =	sadd.s32 @!p0 $0x100000, s0  }
0xaf: {  	[sflag:s0] =	ssyncadd.tile.s32 @!p0 $0x1;
	_ =	shalt  }
.Lfunc_end2:
_tile_overlayer_lowered:
.L_overlay_start_2:
0xb0: {  	(tag) =	ssettag $0x2  }
0xb1: {  	s0 =	rddreg [dreg:$0x0];
	s2 =	stileid.u32  }
0xb2: {  	s1 =	rddreg [dreg:$0x1];
	p0 =	sne.s32 s2, $0x0  }
0xb3: {  	s3 =	rddreg [dreg:$0x2];
	[bflag:$0x3] =	sbarrier.arrive $0xFFFF;
	s2 =	simm.s32 @!p0 $0x1C05  }
0xb4: {  	[timem:s3], [sflag:s2] =	dma.local @!p0 [hbm:s0], s1  }
0xb5: {  	s0 =	simm.s32 @!p0 $0x5  }
0xb6: {  	_ =	swait.ge @!p0 [sflag:s0], s1  }
0xb7: {  	s1 =	ssub.s32 @!p0 $0x0, s1;
	[sflag:s0] =	ssyncset.done @!p0 $0x0  }
0xb8: {  	[sflag:s0] =	ssyncadd.s32 @!p0 s1  }
0xb9: {  	[bflag:$0x3] =	sbarrier.arrive $0xFFFF  }
0xba: {  	_ =	shalt  }

// kernel: kernel.29.cloned.1.call-start
scs
__scs_entry_jumppad:
0x0: {  	(pc) =	sbr.rel $0x88, $3  }
0x1: {  	(tag) =	ssettag $0x0;
	lr =	simm.s32 $0x1  }
0x2: {  	[smem:$0x3F8A] =	sst lr;
	_ =	strace $0xD0000000  }
0x3: {  	_ = 	snop  }
0x4: {  	_ = 	snop  }
0x5: {  	_ = 	snop  }
0x6: {  	_ = 	snop  }
0x7: {  	_ = 	snop  }
__scs_overlays_trampoline_lowered:
0x8: {  	[smem:$0x3F99] =	sst s0  }
0x9: {  	[smem:$0x3F9A] =	sst s1  }
0xa: {  	[smem:$0x3F9B] =	sst s2  }
0xb: {  	[smem:$0x3F9C] =	sst s3  }
0xc: {  	[smem:$0x3F9D] =	sst s4  }
0xd: {  	[smem:$0x3F9E] =	sst s5  }
0xe: {  	[smem:$0x3F9F] =	sst s6  }
0xf: {  	[smem:$0x3FA0] =	sst s7  }
0x10: {  	[smem:$0x3FA1] =	sst s8  }
0x11: {  	[smem:$0x3FA2] =	sst s9;
	s0 =	simm.s32 @!p0 $0x0  }
0x12: {  	s1 =	sld [smem:$0x3F88];
	s0 =	simm.s32 @p0 $0x1  }
0x13: {  	[smem:$0x3FA3] =	sst s0;
	s0 =	simm.s32 @!p1 $0x0  }
0x14: {  	s2 =	sld [smem:$0x3F87];
	s0 =	simm.s32 @p1 $0x1  }
0x15: {  	[smem:$0x3FA4] =	sst s0;
	s0 =	simm.s32 @!p2 $0x0  }
0x16: {  	s3 =	sld [smem:$0x3FDB];
	s0 =	simm.s32 @p2 $0x1  }
0x17: {  	s4 =	simm.s32 $0x1BF5;
	[smem:$0x3FA6] =	sst s0  }
0x18: {  	s0 =	sld [smem:$0x3F89];
	_ =	swait.ge [sflag:s4], $0x0  }
0x19: {  	s7 =	sld [smem:$0x3F8A]  }
0x1a: {  	s8 =	sadd.s32 $0xFFFFE003, lr  }
0x1b: {  	s9 =	sadd.s32 $0xFFFFFEF7, lr;
	s5 =	simm.s32 $0xFFFFFFFF;
	p2 =	slt.u32 s8, $0xFFFFF086  }
0x1c: {  	p1 =	slt.u32 s9, $0xF7A;
	s5 =	simm.s32 @!p2 $0x0  }
0x1d: {  	s5 =	simm.s32 @p1 $0x1;
	p0 =	seq.s32 s7, s2  }
0x1e: {  	s7 =	smul.u32 @!p0 $0xF7A, s2;
	p2 =	seq.s32 @!p0 s5, $0x0  }
0x1f: {  	s9 =	smul.u32 $0xF7A, s1;
	s8 =	simm.s32 @!p0 $0x1BF5;
	p2 =	por !p2, p0  }
0x20: {  	[sflag:s8] =	ssyncset.s32 @!p0 $0xFFFFF086;
	s6 =	sadd.s32 @!p0 s3, s7;
	s7 =	simm.s32 @!p0 $0x108  }
0x21: {  	s3 =	sadd.s32 s3, s9;
	s6 =	sadd.s32 @!p0 $0x88, s6;
	s7 =	simm.s32 @p2 $0x1082  }
0x22: {  	[simem:s7], [sflag:s8] =	dma.local @!p0 [hbm:s6], $0xF7A  }
0x23: {  	s9 =	sor.u32 $0xD0000000, s2;
	s6 =	simm.s32 $0x108;
	_ =	swait.ge @!p0 [sflag:s8], $0x0  }
0x24: {  	s3 =	sadd.s32 $0x88, s3;
	s6 =	simm.s32 @!p1 $0x1082;
	[sflag:s4] =	ssyncset.s32 $0xFFFFF086  }
0x25: {  	[simem:s6], [sflag:s4] =	dma.local [hbm:s3], $0xF7A  }
0x26: {  	[smem:$0x3F8A] =	sst s1;
	(tag) =	ssettag s2;
	_ =	strace s9  }
0x27: {  	s1 =	sld [smem:$0x3F9A]  }
0x28: {  	s2 =	sld [smem:$0x3F9B]  }
0x29: {  	s4 =	sld [smem:$0x3F9D]  }
0x2a: {  	p0 =	seq.s32 s5, $0x0;
	s5 =	sld [smem:$0x3F9E]  }
0x2b: {  	s6 =	sld [smem:$0x3F9F]  }
0x2c: {  	s7 =	sld [smem:$0x3FA0]  }
0x2d: {  	s3 =	simm.s32 $0x108;
	s8 =	sld [smem:$0x3FA1]  }
0x2e: {  	s3 =	simm.s32 @!p0 $0x1082;
	s9 =	sld [smem:$0x3FA2]  }
0x2f: {  	lr =	sadd.s32 s0, s3;
	s0 =	sld [smem:$0x3F99]  }
0x30: {  	s3 =	sld [smem:$0x3F9C]  }
0x31: {  	[smem:$0x3FA5] =	sst s10  }
0x32: {  	s10 =	sld [smem:$0x3FA3];
	_ =	sdelay $0x3  }
0x33: {  	p0 =	seq.s32 s10, $0x1;
	s10 =	sld [smem:$0x3FA5];
	_ =	sdelay $0x3  }
0x34: {  	[smem:$0x3FA5] =	sst s10  }
0x35: {  	s10 =	sld [smem:$0x3FA4];
	_ =	sdelay $0x3  }
0x36: {  	p1 =	seq.s32 s10, $0x1;
	s10 =	sld [smem:$0x3FA5];
	_ =	sdelay $0x3  }
0x37: {  	[smem:$0x3FA5] =	sst s10  }
0x38: {  	s10 =	sld [smem:$0x3FA6]  }
0x39: {  	_ = 	snop;
	(pc) =	sbr.ind lr, $3  }
0x3a: {  	_ = 	snop  }
0x3b: {  	_ = 	snop  }
0x3c: {  	p2 =	seq.s32 s10, $0x1;
	s10 =	sld [smem:$0x3FA5]  }
0x3d: {  	_ =	shalt  }
0x3e: {  	_ =	shalt  }
0x3f: {  	_ =	shalt  }
0x40: {  	_ =	shalt  }
0x41: {  	_ =	shalt  }
0x42: {  	_ =	shalt  }
0x43: {  	_ =	shalt  }
0x44: {  	_ =	shalt  }
0x45: {  	_ =	shalt  }
0x46: {  	_ =	shalt  }
0x47: {  	_ =	shalt  }
0x48: {  	_ =	shalt  }
0x49: {  	_ =	shalt  }
0x4a: {  	_ =	shalt  }
0x4b: {  	_ =	shalt  }
0x4c: {  	_ =	shalt  }
0x4d: {  	_ =	shalt  }
0x4e: {  	_ =	shalt  }
0x4f: {  	_ =	shalt  }
0x50: {  	_ =	shalt  }
0x51: {  	_ =	shalt  }
0x52: {  	_ =	shalt  }
0x53: {  	_ =	shalt  }
0x54: {  	_ =	shalt  }
0x55: {  	_ =	shalt  }
0x56: {  	_ =	shalt  }
0x57: {  	_ =	shalt  }
0x58: {  	_ =	shalt  }
0x59: {  	_ =	shalt  }
0x5a: {  	_ =	shalt  }
0x5b: {  	_ =	shalt  }
0x5c: {  	_ =	shalt  }
0x5d: {  	_ =	shalt  }
0x5e: {  	_ =	shalt  }
0x5f: {  	_ =	shalt  }
0x60: {  	_ =	shalt  }
0x61: {  	_ =	shalt  }
0x62: {  	_ =	shalt  }
0x63: {  	_ =	shalt  }
0x64: {  	_ =	shalt  }
0x65: {  	_ =	shalt  }
0x66: {  	_ =	shalt  }
0x67: {  	_ =	shalt  }
0x68: {  	_ =	shalt  }
0x69: {  	_ =	shalt  }
0x6a: {  	_ =	shalt  }
0x6b: {  	_ =	shalt  }
0x6c: {  	_ =	shalt  }
0x6d: {  	_ =	shalt  }
0x6e: {  	_ =	shalt  }
0x6f: {  	_ =	shalt  }
0x70: {  	_ =	shalt  }
0x71: {  	_ =	shalt  }
0x72: {  	_ =	shalt  }
0x73: {  	_ =	shalt  }
0x74: {  	_ =	shalt  }
0x75: {  	_ =	shalt  }
0x76: {  	_ =	shalt  }
0x77: {  	_ =	shalt  }
0x78: {  	_ =	shalt  }
0x79: {  	_ =	shalt  }
0x7a: {  	_ =	shalt  }
0x7b: {  	_ =	shalt  }
0x7c: {  	_ =	shalt  }
0x7d: {  	_ =	shalt  }
0x7e: {  	_ =	shalt  }
0x7f: {  	_ =	shalt  }
0x80: {  	_ =	shalt  }
0x81: {  	_ =	shalt  }
0x82: {  	_ =	shalt  }
0x83: {  	_ =	shalt  }
0x84: {  	_ =	shalt  }
0x85: {  	_ =	shalt  }
0x86: {  	_ =	shalt  }
0x87: {  	_ =	shalt  }
.Lfunc_end0:
.L_simem_size_0:
called_computation.1_lowered:
.L_overlay_start_0:
0x88: {  	s2 =	sld [smem:$0x3FD9]  }
0x89: {  	s3 =	sld [smem:$0x3FFE];
	_ =	sdelay $0x1  }
0x8a: {  	s1 =	srdreg.scid  }
0x8b: {  	s0 =	sand.u32 $0x1, s1  }
0x8c: {  	s17 =	sshll.u32 s0, $0xA;
	s2 =	sadd.s32 s3, s2  }
0x8d: {  	s2 =	sadd.s32 s2, s17  }
0x8e: {  	[smem:$0x3FB1] =	sst s2  }
0x8f: {  	_ = 	snop  }
0x90: {  	(tm) =	ssettm $0x1  }
0x91: {  	s18 =	sld [smem:$0x3FFB];
	_ =	sdelay $0x3  }
0x92: {  	_ =	strace s18  }
0x93: {  	s2 =	sld [smem:$0x3FFC];
	_ =	sdelay $0x3  }
0x94: {  	_ =	strace s2  }
0x95: {  	s2 =	sld [smem:$0x3FFD];
	_ =	sdelay $0x3  }
0x96: {  	_ =	strace s2  }
0x97: {  	_ =	strace $0x8FFFFFFF  }
0x98: {  	s19 =	sld [smem:$0x3FDB];
	_ =	sdelay $0x1  }
0x99: {  	s20 =	simm.s32 $_scs_section_size  }
0x9a: {  	s4 =	simm.s32 $_size__tile_overlayer_lowered;
	s5 =	simm.s32 $_tile_overlayer_lowered  }
0x9b: {  	s6 =	simm.s32 $0x1BFF;
	s21 =	sshll.u32 s5, $0x1;
	s3 =	sadd.s32 s20, s19  }
0x9c: {  	s22 =	simm.s32 $0x0;
	s4 =	sshll.u32 s4, $0x1;
	s5 =	sadd.s32 s21, s3  }
0x9d: {  	[timem:s22], [sflag:s6] =	dma.local [hbm:s5], s4  }
0x9e: {  	_ =	swait.ge [sflag:s6], s4  }
0x9f: {  	s4 =	ssub.s32 $0x0, s4;
	[sflag:s6] =	ssyncset.done $0x0  }
0xa0: {  	[sflag:s6] =	ssyncadd.s32 s4;
	_ =	sdelay $0x1  }
0xa1: {  	s23 =	simm.s32 $0x1B8B  }
0xa2: {  	_ =	swait.ge [sflag:s23], $0x1  }
0xa3: {  	[sflag:s23] =	ssyncset.done $0x0  }
0xa4: {  	[sflag:s23] =	ssyncadd.s32 $0xFFFFFFFF  }
0xa5: {  	s4 =	sld [smem:$0x0]  }
0xa6: {  	s5 =	sand.u32 $0xFFFFFFFE, s1  }
0xa7: {  	p0 =	sne.s32 s1, s5  }
0xa8: {  	s5 =	sshll.u32 @p0 s5, $0xE  }
0xa9: {  	s5 =	sadd.s32 @p0 $0x11B8D, s5;
	s6 =	sshll.u32 @p0 s4, $0x11  }
0xaa: {  	s5 =	sor.u32 @p0 s6, s5  }
0xab: {  	[sflag:s5] =	ssyncadd.remote.s32 @p0 $0x1;
	_ =	sdelay $0x1  }
0xac: {  	s5 =	simm.s32 @p0 $0x1B8D  }
0xad: {  	_ =	swait.eq @p0 [sflag:s5], $0x1  }
0xae: {  	[sflag:s5] =	ssyncadd.s32 @p0 $0xFFFFFFFF  }
0xaf: {  	s6 =	sshll.u32 @!p0 s1, $0xE  }
0xb0: {  	s6 =	sor.u32 @!p0 $0x4000, s6;
	s5 =	simm.s32 @!p0 $0x1B8D  }
0xb1: {  	s4 =	sshll.u32 @!p0 s4, $0x11;
	s6 =	sadd.s32 @!p0 $0x11B8D, s6;
	_ =	swait.eq @!p0 [sflag:s5], $0x1  }
0xb2: {  	s4 =	sor.u32 @!p0 s4, s6;
	[sflag:s5] =	ssyncadd.s32 @!p0 $0xFFFFFFFF  }
0xb3: {  	s25 =	simm.s32 $0x1B8E;
	s24 =	sld [smem:$0x3FFE];
	[sflag:s4] =	ssyncadd.remote.s32 @!p0 $0x1  }
0xb4: {  	s26 =	simm.s32 $execute0_lowered;
	[smem:$0x3FD2] =	sst s25  }
0xb5: {  	s5 =	sshll.u32 s26, $0x1;
	_ =	strace $0x80000055;
	[dreg:$0x1] =	wrdreg $0xFFFFFFFF  }
0xb6: {  	s28 =	simm.s32 $_size_execute0_lowered;
	s3 =	sadd.s32 s3, s5;
	[dreg:$0x0] =	wrdreg $0x0  }
0xb7: {  	s5 =	sshll.u32 s28, $0x1;
	[dreg:$0x2] =	wrdreg s3  }
0xb8: {  	[dreg:$0x3] =	wrdreg s5  }
0xb9: {  	[dreg:$0x4] =	wrdreg $0xC0  }
0xba: {  	_ =	task [dreg:s22], $0x5FFFF  }
0xbb: {  	[dreg:$0x1] =	wrdreg $0xFFFFFFFF  }
0xbc: {  	[dreg:$0x0] =	wrdreg $0x60  }
0xbd: {  	[dreg:$0x2] =	wrdreg s24  }
0xbe: {  	[dreg:$0x3] =	wrdreg $0x6A400  }
0xbf: {  	[dreg:$0x4] =	wrdreg $0x9  }
0xc0: {  	_ =	task.clear_ibuf [dreg:s22], $0x5FFFF;
	_ =	strace $0x90000055  }
0xc1: {  	s29 =	simm.s32 $0x9;
	_ =	strace $0x80000057  }
0xc2: {  	_ =	swait.ge [sflag:s29], $0x1  }
0xc3: {  	[sflag:s29] =	ssyncadd.s32 $0xFFFFFFFF  }
0xc4: {  	_ =	strace $0x90000057  }
0xc5: {  	_ =	sfence  }
0xc6: {  	s30 =	sld [smem:$0x0];
	_ =	sdelay $0x2  }
0xc7: {  	s31 =	sshll.u32 s1, $0xD;
	s1 =	sshrl.u32 s1, $0x2  }
0xc8: {  	s4 =	sand.u32 $0x4000, s31;
	s1 =	sadd.s32 s1, s30  }
0xc9: {  	s0 =	sor.u32 s4, s0;
	s1 =	sshll.u32 s1, $0x11  }
0xca: {  	s0 =	sor.u32 s1, s0  }
0xcb: {  	s0 =	sadd.s32 $0x8F2B, s0  }
0xcc: {  	[sflag:s0] =	ssyncadd.remote.s32 $0x1  }
0xcd: {  	_ =	sfence.sel $0xFFFF  }
0xce: {  	[dreg:$0x0] =	wrdreg $0xFFFFFFFF;
	(pc) =	sbr.abs _section_cstart, $3  }
0xcf: {  	[dreg:$0x1] =	wrdreg $0xFFFFFFFF  }
0xd0: {  	_ =	task.clear_ibuf [dreg:s22], $0x2FFFF;
	_ =	strace $0x9FFFFFFF  }
0xd1: {  	(tm) =	ssettm $0x7FFFFFFF  }
tec
execute0_lowered:
.L_overlay_start_1:
0x0: {  	(tag) =	ssettag $0x1  }
0x1: {  	s0 =	rddreg [dreg:$0x0]  }
0x2: {  	s2 =	rddreg [dreg:$0x1];
	s3 =	simm.s32 $0x0  }
0x3: {  	s1 =	srdreg.scid;
	s11 =	stileid.u32;
	s18 =	simm.s32 $0x640  }
0x4: {  	s19 =	simm.s32 $0x5;
	s20 =	simm.s32 $0x320;
	s21 =	simm.s32 $0x190  }
0x5: {  	s22 =	simm.s32 $0x4B0;
	s23 =	simm.s32 $0x3840;
	s24 =	simm.s32 $0x1  }
0x6: {  	s25 =	simm.s32 $0x2;
	s26 =	simm.s32 $0x3;
	s6 =	smul.u32 $0xC40, s11  }
0x7: {  	s28 =	simm.s32 $0x4;
	s1 =	sand.u32 $0x1, s1;
	s9 =	smul.u32 $0x62000, s11  }
0x8: {  	[smem:$0x7FF] =	sst s3;
	s4 =	sadd.s32 $0x161400, s0;
	s7 =	smul.u32 $0xC400, s1  }
0x9: {  	s5 =	sadd.s32 $0x1F2200, s0;
	_ =	strace $0x80000056;
	s8 =	ssub.s32 $0x2, s1  }
0xa: {  	s10 =	sshrl.u32 s8, $0x1;
	s9 =	sshrl.u32 s9, $0x2;
	s7 =	sadd.s32 s6, s7  }
0xb: {  	s6 =	sadd.s32 $0x1D9200, s0;
	s10 =	ssub.s32 s8, s10;
	s9 =	sadd.s32 s9, s2  }
0xc: {  	s7 =	sshll.u32 s7, $0x2;
	s10 =	smax.u32 s10, $0x1;
	s12 =	sadd.s32 $0x6200, s9  }
0xd: {  	s13 =	sadd.s32 $0x9300, s9;
	s14 =	sadd.s32 $0xC400, s9;
	s15 =	sadd.s32 $0xF500, s9  }
0xe: {  	s16 =	sadd.s32 $0x12600, s9;
	s17 =	sadd.s32 $0x15700, s9;
	s0 =	sadd.s32 s7, s0  }
0xf: {  	v1 =	vimm.f32 $0.0e+00;
	v0 =	vmov s1;
	s7 =	smul.u32 $0xC800, s11;
	s11 =	sadd.s32 $0x3100, s9;
	s8 =	sadd.s32 $0x40D000, s0  }
.LBB2_1:
0x10: {  	s0 =	simm.s32 $0x80;
	s1 =	simm.s32 $0x0  }
.LBB2_2:
0x11: {  	p0 =	sne.s32 s0, $0xC380;
	[tilespmem:s1+$0x640] =	vst v1;
	s29 =	smov.u32 s0;
	s0 =	sadd.s32 $0x80, s0  }
.Ltmp0:
0x12: {  	[tilespmem:s1+$0x650] =	vst v1;
	(pc) =	sbr.rel @p0 .LBB2_2-.Ltmp0, $2  }
0x13: {  	_ =	sdelay $0x2  }
0x14: {  	s1 =	sshra.s32 s29, $0x2  }
0x15: {  	[tilespmem:s1+$0x640] =	vst v1  }
0x16: {  	[tilespmem:s1+$0x650] =	vst v1  }
0x17: {  	[spmem:s9] =	stream.linear.scatter [tilespmem:s18], [sflag:$0x5], $0x3100, $0x38;
	[tilespmem:$0x1F240] =	vst v63  }
0x18: {  	_ =	swait.ge [sflag:s19], $0x3100  }
0x19: {  	[sflag:s19] =	ssyncset.done $0x0  }
0x1a: {  	[sflag:s19] =	ssyncadd.s32 $0xFFFFCF00  }
0x1b: {  	[spmem:s11] =	stream.linear.scatter [tilespmem:s18], [sflag:$0x5], $0x3100, $0x38;
	[tilespmem:$0x1F240] =	vst v63  }
0x1c: {  	_ =	swait.ge [sflag:s19], $0x3100  }
0x1d: {  	[sflag:s19] =	ssyncset.done $0x0  }
0x1e: {  	[sflag:s19] =	ssyncadd.s32 $0xFFFFCF00  }
0x1f: {  	[spmem:s12] =	stream.linear.scatter [tilespmem:s18], [sflag:$0x5], $0x3100, $0x38;
	[tilespmem:$0x1F240] =	vst v63  }
0x20: {  	_ =	swait.ge [sflag:s19], $0x3100  }
0x21: {  	[sflag:s19] =	ssyncset.done $0x0  }
0x22: {  	[sflag:s19] =	ssyncadd.s32 $0xFFFFCF00  }
0x23: {  	[spmem:s13] =	stream.linear.scatter [tilespmem:s18], [sflag:$0x5], $0x3100, $0x38;
	[tilespmem:$0x1F240] =	vst v63  }
0x24: {  	_ =	swait.ge [sflag:s19], $0x3100  }
0x25: {  	[sflag:s19] =	ssyncset.done $0x0  }
0x26: {  	[sflag:s19] =	ssyncadd.s32 $0xFFFFCF00  }
0x27: {  	[spmem:s14] =	stream.linear.scatter [tilespmem:s18], [sflag:$0x5], $0x3100, $0x38;
	[tilespmem:$0x1F240] =	vst v63  }
0x28: {  	_ =	swait.ge [sflag:s19], $0x3100  }
0x29: {  	[sflag:s19] =	ssyncset.done $0x0  }
0x2a: {  	[sflag:s19] =	ssyncadd.s32 $0xFFFFCF00  }
0x2b: {  	[spmem:s15] =	stream.linear.scatter [tilespmem:s18], [sflag:$0x5], $0x3100, $0x38;
	[tilespmem:$0x1F240] =	vst v63  }
0x2c: {  	_ =	swait.ge [sflag:s19], $0x3100  }
0x2d: {  	[sflag:s19] =	ssyncset.done $0x0  }
0x2e: {  	[sflag:s19] =	ssyncadd.s32 $0xFFFFCF00  }
0x2f: {  	[spmem:s16] =	stream.linear.scatter [tilespmem:s18], [sflag:$0x5], $0x3100, $0x38;
	[tilespmem:$0x1F240] =	vst v63  }
0x30: {  	_ =	swait.ge [sflag:s19], $0x3100  }
0x31: {  	[sflag:s19] =	ssyncset.done $0x0  }
0x32: {  	[sflag:s19] =	ssyncadd.s32 $0xFFFFCF00  }
0x33: {  	[spmem:s17] =	stream.linear.scatter [tilespmem:s18], [sflag:$0x5], $0x3100, $0x38;
	[tilespmem:$0x1F240] =	vst v63  }
0x34: {  	_ =	swait.ge [sflag:s19], $0x3100  }
0x35: {  	[sflag:s19] =	ssyncset.done $0x0  }
0x36: {  	[sflag:s19] =	ssyncadd.s32 $0xFFFFCF00  }
0x37: {  	s29 =	simm.s32 $0x0;
	s30 =	simm.s32 $0x0;
	[bflag:$0x0] =	sbarrier.arrive $0xFFFF  }
.LBB2_4:
0x38: {  	s0 =	smul.u32 $0x320, s30;
	_ =	sdelay $0x1  }
0x39: {  	s0 =	sadd.s32 s7, s0  }
0x3a: {  	s31 =	sshrl.u32 s0, $0x3  }
0x3b: {  	s0 =	sadd.s32 s5, s31  }
0x3c: {  	[tilespmem:s29], [sflag:$0x5] =	stream.linear.gather [hbm4b:s0+s29], $0x190, $0x38;
	[tilespmem:$0x1F240] =	vst v63  }
0x3d: {  	_ =	swait.ge [sflag:s19], $0x190  }
0x3e: {  	[sflag:s19] =	ssyncset.done $0x0  }
0x3f: {  	s1 =	sadd.s32 s6, s31;
	[sflag:s19] =	ssyncadd.s32 $0xFFFFFE70  }
0x40: {  	[tilespmem:s20], [sflag:$0x5] =	stream.linear.gather [hbm4b:s1+s29], $0x190, $0x38;
	[tilespmem:$0x1F240] =	vst v63  }
0x41: {  	_ =	swait.ge [sflag:s19], $0x190  }
0x42: {  	[sflag:s19] =	ssyncset.done $0x0  }
0x43: {  	s0 =	simm.s32 $0x0;
	s1 =	simm.s32 $0x40;
	[sflag:s19] =	ssyncadd.s32 $0xFFFFFE70  }
.LBB2_5:
0x44: {  	p0 =	sne.s32 s1, $0x600;
	v2 =	vld [tilespmem:s0+$0x0];
	_ =	sdelay $0x2  }
.Ltmp1:
0x45: {  	(pc) =	sbr.rel @p0 .LBB2_5-.Ltmp1, $4  }
0x46: {  	_ = 	snop  }
0x47: {  	v2 =	vshll.u32 v2, $0x1  }
0x48: {  	v2 =	vor.u32 v0, v2  }
0x49: {  	[tilespmem:s0+$0x0] =	vst v2;
	s0 =	sshra.s32 s1, $0x2;
	s1 =	sadd.s32 $0x40, s1  }
0x4a: {  	v2 =	vld [tilespmem:s0+$0x0];
	_ =	sdelay $0x4  }
0x4b: {  	v2 =	vshll.u32 v2, $0x1  }
0x4c: {  	v2 =	vor.u32 v0, v2  }
0x4d: {  	s1 =	sadd.s32 $0x32, s31;
	[tilespmem:s0+$0x0] =	vst v2;
	s0 =	simm.s32 $0x0  }
0x4e: {  	[tilespmem:s18], [sflag:$0x1] =	stream.indirect.gather [hbm4b:s4+s21], $0x20, s0, s21, $0xb8;
	[tilespmem:$0x1F240] =	vst v63  }
0x4f: {  	s31 =	sadd.s32 s5, s1  }
0x50: {  	[tilespmem:s21], [sflag:$0x5] =	stream.linear.gather [hbm4b:s31+s0], $0x190, $0x38;
	[tilespmem:$0x1F240] =	vst v63  }
0x51: {  	_ =	swait.ge [sflag:s19], $0x190  }
0x52: {  	[sflag:s19] =	ssyncset.done $0x0  }
0x53: {  	s1 =	sadd.s32 s6, s1;
	[sflag:s19] =	ssyncadd.s32 $0xFFFFFE70  }
0x54: {  	[tilespmem:s22], [sflag:$0x5] =	stream.linear.gather [hbm4b:s1+s0], $0x190, $0x38;
	[tilespmem:$0x1F240] =	vst v63  }
0x55: {  	_ =	swait.ge [sflag:s19], $0x190  }
0x56: {  	[sflag:s19] =	ssyncset.done $0x0  }
0x57: {  	s0 =	simm.s32 $0x0;
	s1 =	simm.s32 $0x40;
	[sflag:s19] =	ssyncadd.s32 $0xFFFFFE70  }
.LBB2_7:
0x58: {  	p0 =	sne.s32 s1, $0x600;
	v2 =	vld [tilespmem:s0+$0x190];
	_ =	sdelay $0x2  }
.Ltmp2:
0x59: {  	(pc) =	sbr.rel @p0 .LBB2_7-.Ltmp2, $4  }
0x5a: {  	_ = 	snop  }
0x5b: {  	v2 =	vshll.u32 v2, $0x1  }
0x5c: {  	v2 =	vor.u32 v0, v2  }
0x5d: {  	[tilespmem:s0+$0x190] =	vst v2;
	s0 =	sshra.s32 s1, $0x2;
	s1 =	sadd.s32 $0x40, s1  }
0x5e: {  	v2 =	vld [tilespmem:s0+$0x190];
	_ =	sdelay $0x4  }
0x5f: {  	v2 =	vshll.u32 v2, $0x1  }
0x60: {  	v2 =	vor.u32 v0, v2  }
0x61: {  	[tilespmem:s0+$0x190] =	vst v2  }
0x62: {  	[tilespmem:s23], [sflag:$0x2] =	stream.indirect.gather [hbm4b:s4+s21], $0x20, s21, s21, $0xb8;
	[tilespmem:$0x1F240] =	vst v63  }
0x63: {  	_ =	swait.ge [sflag:s24], $0x3200  }
0x64: {  	[sflag:s24] =	ssyncset.done $0x0  }
0x65: {  	[sflag:s24] =	ssyncadd.s32 $0xFFFFCE00  }
0x66: {  	[spmem:s2] =	stream.indirect.scatter.add.f32 [tilespmem:s18], [sflag:$0x3], $0x20, s20, s21, $0xb8;
	[tilespmem:$0x1F240] =	vst v63  }
0x67: {  	_ =	swait.ge [sflag:s25], $0x3200  }
0x68: {  	[sflag:s25] =	ssyncset.done $0x0  }
0x69: {  	s30 =	sadd.s32 $0x1, s30;
	[sflag:s25] =	ssyncadd.s32 $0xFFFFCE00  }
0x6a: {  	[spmem:s2] =	stream.indirect.scatter.add.f32 [tilespmem:s23], [sflag:$0x4], $0x20, s22, s21, $0xb8;
	[tilespmem:$0x1F240] =	vst v63  }
0x6b: {  	p0 =	sne.s32 s30, $0x40;
	_ =	swait.ge [sflag:s26], $0x3200  }
.Ltmp3:
0x6c: {  	[sflag:s26] =	ssyncset.done $0x0;
	(pc) =	sbr.rel @p0 .LBB2_4-.Ltmp3, $4  }
0x6d: {  	[sflag:s26] =	ssyncadd.s32 $0xFFFFCE00  }
0x6e: {  	_ =	swait.ge [sflag:s28], $0x3200  }
0x6f: {  	[sflag:s28] =	ssyncset.done $0x0  }
0x70: {  	[sflag:s28] =	ssyncadd.s32 $0xFFFFCE00  }
0x71: {  	s0 =	stileid.u32;
	s3 =	sadd.s32 $0x1, s3  }
0x72: {  	[bflag:$0x0] =	sbarrier.arrive $0xFFFF;
	s0 =	sshll.u32 s0, $0x6;
	p0 =	sne.s32 s3, s10  }
.Ltmp4:
0x73: {  	s1 =	sshrl.u32 s9, $0x3;
	s0 =	sor.u32 $0x1C05, s0;
	(pc) =	sbr.rel @p0 .LBB2_1-.Ltmp4, $4  }
0x74: {  	[hbm:s8], [sflag:s0] =	dma.local [spmem:s1], $0x3100  }
0x75: {  	_ =	swait.ge [sflag:s19], $0x3100  }
0x76: {  	[sflag:s19] =	ssyncset.done $0x0  }
0x77: {  	[sflag:s19] =	ssyncadd.s32 $0xFFFFCF00  }
0x78: {  	_ =	sfence.sel $0x180000  }
0x79: {  	[bflag:$0x0] =	sbarrier.arrive $0xFFFF  }
0x7a: {  	_ =	strace $0x90000056  }
0x7b: {  	s0 =	stileid.u32;
	[bflag:$0x2] =	sbarrier.arrive $0xFFFF  }
0x7c: {  	p0 =	sne.s32 s0, $0x0;
	s0 =	rddreg [dreg:$0x2]  }
0x7d: {  	s0 =	sadd.s32 @!p0 $0x100000, s0  }
0x7e: {  	[sflag:s0] =	ssyncadd.tile.s32 @!p0 $0x1;
	_ =	shalt  }
.Lfunc_end2:
_tile_overlayer_lowered:
.L_overlay_start_2:
0x7f: {  	(tag) =	ssettag $0x2  }
0x80: {  	s0 =	rddreg [dreg:$0x0];
	s2 =	stileid.u32  }
0x81: {  	s1 =	rddreg [dreg:$0x1];
	p0 =	sne.s32 s2, $0x0  }
0x82: {  	s3 =	rddreg [dreg:$0x2];
	[bflag:$0x3] =	sbarrier.arrive $0xFFFF;
	s2 =	simm.s32 @!p0 $0x1C05  }
0x83: {  	[timem:s3], [sflag:s2] =	dma.local @!p0 [hbm:s0], s1  }
0x84: {  	s0 =	simm.s32 @!p0 $0x5  }
0x85: {  	_ =	swait.ge @!p0 [sflag:s0], s1  }
0x86: {  	s1 =	ssub.s32 @!p0 $0x0, s1;
	[sflag:s0] =	ssyncset.done @!p0 $0x0  }
0x87: {  	[sflag:s0] =	ssyncadd.s32 @!p0 s1  }
0x88: {  	[bflag:$0x3] =	sbarrier.arrive $0xFFFF  }
0x89: {  	_ =	shalt  }

// kernel: kernel.32.cloned.1.call-start
scs
__scs_entry_jumppad:
0x0: {  	(pc) =	sbr.rel $0x88, $3  }
0x1: {  	(tag) =	ssettag $0x0;
	lr =	simm.s32 $0x1  }
0x2: {  	[smem:$0x3F8A] =	sst lr;
	_ =	strace $0xD0000000  }
0x3: {  	_ = 	snop  }
0x4: {  	_ = 	snop  }
0x5: {  	_ = 	snop  }
0x6: {  	_ = 	snop  }
0x7: {  	_ = 	snop  }
__scs_overlays_trampoline_lowered:
0x8: {  	[smem:$0x3F99] =	sst s0  }
0x9: {  	[smem:$0x3F9A] =	sst s1  }
0xa: {  	[smem:$0x3F9B] =	sst s2  }
0xb: {  	[smem:$0x3F9C] =	sst s3  }
0xc: {  	[smem:$0x3F9D] =	sst s4  }
0xd: {  	[smem:$0x3F9E] =	sst s5  }
0xe: {  	[smem:$0x3F9F] =	sst s6  }
0xf: {  	[smem:$0x3FA0] =	sst s7  }
0x10: {  	[smem:$0x3FA1] =	sst s8  }
0x11: {  	[smem:$0x3FA2] =	sst s9;
	s0 =	simm.s32 @!p0 $0x0  }
0x12: {  	s1 =	sld [smem:$0x3F88];
	s0 =	simm.s32 @p0 $0x1  }
0x13: {  	[smem:$0x3FA3] =	sst s0;
	s0 =	simm.s32 @!p1 $0x0  }
0x14: {  	s2 =	sld [smem:$0x3F87];
	s0 =	simm.s32 @p1 $0x1  }
0x15: {  	[smem:$0x3FA4] =	sst s0;
	s0 =	simm.s32 @!p2 $0x0  }
0x16: {  	s3 =	sld [smem:$0x3FDB];
	s0 =	simm.s32 @p2 $0x1  }
0x17: {  	s4 =	simm.s32 $0x1BF5;
	[smem:$0x3FA6] =	sst s0  }
0x18: {  	s0 =	sld [smem:$0x3F89];
	_ =	swait.ge [sflag:s4], $0x0  }
0x19: {  	s7 =	sld [smem:$0x3F8A]  }
0x1a: {  	s8 =	sadd.s32 $0xFFFFE003, lr  }
0x1b: {  	s9 =	sadd.s32 $0xFFFFFEF7, lr;
	s5 =	simm.s32 $0xFFFFFFFF;
	p2 =	slt.u32 s8, $0xFFFFF086  }
0x1c: {  	p1 =	slt.u32 s9, $0xF7A;
	s5 =	simm.s32 @!p2 $0x0  }
0x1d: {  	s5 =	simm.s32 @p1 $0x1;
	p0 =	seq.s32 s7, s2  }
0x1e: {  	s7 =	smul.u32 @!p0 $0xF7A, s2;
	p2 =	seq.s32 @!p0 s5, $0x0  }
0x1f: {  	s9 =	smul.u32 $0xF7A, s1;
	s8 =	simm.s32 @!p0 $0x1BF5;
	p2 =	por !p2, p0  }
0x20: {  	[sflag:s8] =	ssyncset.s32 @!p0 $0xFFFFF086;
	s6 =	sadd.s32 @!p0 s3, s7;
	s7 =	simm.s32 @!p0 $0x108  }
0x21: {  	s3 =	sadd.s32 s3, s9;
	s6 =	sadd.s32 @!p0 $0x88, s6;
	s7 =	simm.s32 @p2 $0x1082  }
0x22: {  	[simem:s7], [sflag:s8] =	dma.local @!p0 [hbm:s6], $0xF7A  }
0x23: {  	s9 =	sor.u32 $0xD0000000, s2;
	s6 =	simm.s32 $0x108;
	_ =	swait.ge @!p0 [sflag:s8], $0x0  }
0x24: {  	s3 =	sadd.s32 $0x88, s3;
	s6 =	simm.s32 @!p1 $0x1082;
	[sflag:s4] =	ssyncset.s32 $0xFFFFF086  }
0x25: {  	[simem:s6], [sflag:s4] =	dma.local [hbm:s3], $0xF7A  }
0x26: {  	[smem:$0x3F8A] =	sst s1;
	(tag) =	ssettag s2;
	_ =	strace s9  }
0x27: {  	s1 =	sld [smem:$0x3F9A]  }
0x28: {  	s2 =	sld [smem:$0x3F9B]  }
0x29: {  	s4 =	sld [smem:$0x3F9D]  }
0x2a: {  	p0 =	seq.s32 s5, $0x0;
	s5 =	sld [smem:$0x3F9E]  }
0x2b: {  	s6 =	sld [smem:$0x3F9F]  }
0x2c: {  	s7 =	sld [smem:$0x3FA0]  }
0x2d: {  	s3 =	simm.s32 $0x108;
	s8 =	sld [smem:$0x3FA1]  }
0x2e: {  	s3 =	simm.s32 @!p0 $0x1082;
	s9 =	sld [smem:$0x3FA2]  }
0x2f: {  	lr =	sadd.s32 s0, s3;
	s0 =	sld [smem:$0x3F99]  }
0x30: {  	s3 =	sld [smem:$0x3F9C]  }
0x31: {  	[smem:$0x3FA5] =	sst s10  }
0x32: {  	s10 =	sld [smem:$0x3FA3];
	_ =	sdelay $0x3  }
0x33: {  	p0 =	seq.s32 s10, $0x1;
	s10 =	sld [smem:$0x3FA5];
	_ =	sdelay $0x3  }
0x34: {  	[smem:$0x3FA5] =	sst s10  }
0x35: {  	s10 =	sld [smem:$0x3FA4];
	_ =	sdelay $0x3  }
0x36: {  	p1 =	seq.s32 s10, $0x1;
	s10 =	sld [smem:$0x3FA5];
	_ =	sdelay $0x3  }
0x37: {  	[smem:$0x3FA5] =	sst s10  }
0x38: {  	s10 =	sld [smem:$0x3FA6]  }
0x39: {  	_ = 	snop;
	(pc) =	sbr.ind lr, $3  }
0x3a: {  	_ = 	snop  }
0x3b: {  	_ = 	snop  }
0x3c: {  	p2 =	seq.s32 s10, $0x1;
	s10 =	sld [smem:$0x3FA5]  }
0x3d: {  	_ =	shalt  }
0x3e: {  	_ =	shalt  }
0x3f: {  	_ =	shalt  }
0x40: {  	_ =	shalt  }
0x41: {  	_ =	shalt  }
0x42: {  	_ =	shalt  }
0x43: {  	_ =	shalt  }
0x44: {  	_ =	shalt  }
0x45: {  	_ =	shalt  }
0x46: {  	_ =	shalt  }
0x47: {  	_ =	shalt  }
0x48: {  	_ =	shalt  }
0x49: {  	_ =	shalt  }
0x4a: {  	_ =	shalt  }
0x4b: {  	_ =	shalt  }
0x4c: {  	_ =	shalt  }
0x4d: {  	_ =	shalt  }
0x4e: {  	_ =	shalt  }
0x4f: {  	_ =	shalt  }
0x50: {  	_ =	shalt  }
0x51: {  	_ =	shalt  }
0x52: {  	_ =	shalt  }
0x53: {  	_ =	shalt  }
0x54: {  	_ =	shalt  }
0x55: {  	_ =	shalt  }
0x56: {  	_ =	shalt  }
0x57: {  	_ =	shalt  }
0x58: {  	_ =	shalt  }
0x59: {  	_ =	shalt  }
0x5a: {  	_ =	shalt  }
0x5b: {  	_ =	shalt  }
0x5c: {  	_ =	shalt  }
0x5d: {  	_ =	shalt  }
0x5e: {  	_ =	shalt  }
0x5f: {  	_ =	shalt  }
0x60: {  	_ =	shalt  }
0x61: {  	_ =	shalt  }
0x62: {  	_ =	shalt  }
0x63: {  	_ =	shalt  }
0x64: {  	_ =	shalt  }
0x65: {  	_ =	shalt  }
0x66: {  	_ =	shalt  }
0x67: {  	_ =	shalt  }
0x68: {  	_ =	shalt  }
0x69: {  	_ =	shalt  }
0x6a: {  	_ =	shalt  }
0x6b: {  	_ =	shalt  }
0x6c: {  	_ =	shalt  }
0x6d: {  	_ =	shalt  }
0x6e: {  	_ =	shalt  }
0x6f: {  	_ =	shalt  }
0x70: {  	_ =	shalt  }
0x71: {  	_ =	shalt  }
0x72: {  	_ =	shalt  }
0x73: {  	_ =	shalt  }
0x74: {  	_ =	shalt  }
0x75: {  	_ =	shalt  }
0x76: {  	_ =	shalt  }
0x77: {  	_ =	shalt  }
0x78: {  	_ =	shalt  }
0x79: {  	_ =	shalt  }
0x7a: {  	_ =	shalt  }
0x7b: {  	_ =	shalt  }
0x7c: {  	_ =	shalt  }
0x7d: {  	_ =	shalt  }
0x7e: {  	_ =	shalt  }
0x7f: {  	_ =	shalt  }
0x80: {  	_ =	shalt  }
0x81: {  	_ =	shalt  }
0x82: {  	_ =	shalt  }
0x83: {  	_ =	shalt  }
0x84: {  	_ =	shalt  }
0x85: {  	_ =	shalt  }
0x86: {  	_ =	shalt  }
0x87: {  	_ =	shalt  }
.Lfunc_end0:
.L_simem_size_0:
called_computation.2_lowered:
.L_overlay_start_0:
0x88: {  	s2 =	sld [smem:$0x3FD9]  }
0x89: {  	s3 =	sld [smem:$0x3FFE];
	_ =	sdelay $0x1  }
0x8a: {  	s1 =	srdreg.scid  }
0x8b: {  	s0 =	sand.u32 $0x1, s1  }
0x8c: {  	s17 =	sshll.u32 s0, $0xA;
	s2 =	sadd.s32 s3, s2  }
0x8d: {  	s2 =	sadd.s32 s2, s17  }
0x8e: {  	[smem:$0x3FB1] =	sst s2  }
0x8f: {  	_ = 	snop  }
0x90: {  	(tm) =	ssettm $0x1  }
0x91: {  	s18 =	sld [smem:$0x3FFB];
	_ =	sdelay $0x3  }
0x92: {  	_ =	strace s18  }
0x93: {  	s2 =	sld [smem:$0x3FFC];
	_ =	sdelay $0x3  }
0x94: {  	_ =	strace s2  }
0x95: {  	s2 =	sld [smem:$0x3FFD];
	_ =	sdelay $0x3  }
0x96: {  	_ =	strace s2  }
0x97: {  	_ =	strace $0x8FFFFFFF  }
0x98: {  	s19 =	sld [smem:$0x3FDB];
	_ =	sdelay $0x1  }
0x99: {  	s20 =	simm.s32 $_scs_section_size  }
0x9a: {  	s4 =	simm.s32 $_size__tile_overlayer_lowered;
	s5 =	simm.s32 $_tile_overlayer_lowered  }
0x9b: {  	s6 =	simm.s32 $0x1BFF;
	s21 =	sshll.u32 s5, $0x1;
	s3 =	sadd.s32 s20, s19  }
0x9c: {  	s22 =	simm.s32 $0x0;
	s4 =	sshll.u32 s4, $0x1;
	s5 =	sadd.s32 s21, s3  }
0x9d: {  	[timem:s22], [sflag:s6] =	dma.local [hbm:s5], s4  }
0x9e: {  	_ =	swait.ge [sflag:s6], s4  }
0x9f: {  	s4 =	ssub.s32 $0x0, s4;
	[sflag:s6] =	ssyncset.done $0x0  }
0xa0: {  	[sflag:s6] =	ssyncadd.s32 s4;
	_ =	sdelay $0x1  }
0xa1: {  	s23 =	simm.s32 $0x1B8B  }
0xa2: {  	_ =	swait.ge [sflag:s23], $0x1  }
0xa3: {  	[sflag:s23] =	ssyncset.done $0x0  }
0xa4: {  	[sflag:s23] =	ssyncadd.s32 $0xFFFFFFFF  }
0xa5: {  	s4 =	sld [smem:$0x0]  }
0xa6: {  	s5 =	sand.u32 $0xFFFFFFFE, s1  }
0xa7: {  	p0 =	sne.s32 s1, s5  }
0xa8: {  	s5 =	sshll.u32 @p0 s5, $0xE  }
0xa9: {  	s5 =	sadd.s32 @p0 $0x11B8D, s5;
	s6 =	sshll.u32 @p0 s4, $0x11  }
0xaa: {  	s5 =	sor.u32 @p0 s6, s5  }
0xab: {  	[sflag:s5] =	ssyncadd.remote.s32 @p0 $0x1;
	_ =	sdelay $0x1  }
0xac: {  	s5 =	simm.s32 @p0 $0x1B8D  }
0xad: {  	_ =	swait.eq @p0 [sflag:s5], $0x1  }
0xae: {  	[sflag:s5] =	ssyncadd.s32 @p0 $0xFFFFFFFF  }
0xaf: {  	s6 =	sshll.u32 @!p0 s1, $0xE  }
0xb0: {  	s6 =	sor.u32 @!p0 $0x4000, s6;
	s5 =	simm.s32 @!p0 $0x1B8D  }
0xb1: {  	s4 =	sshll.u32 @!p0 s4, $0x11;
	s6 =	sadd.s32 @!p0 $0x11B8D, s6;
	_ =	swait.eq @!p0 [sflag:s5], $0x1  }
0xb2: {  	s4 =	sor.u32 @!p0 s4, s6;
	[sflag:s5] =	ssyncadd.s32 @!p0 $0xFFFFFFFF  }
0xb3: {  	s25 =	simm.s32 $0x1B8E;
	s24 =	sld [smem:$0x3FFE];
	[sflag:s4] =	ssyncadd.remote.s32 @!p0 $0x1  }
0xb4: {  	s26 =	simm.s32 $execute0_lowered;
	[smem:$0x3FD2] =	sst s25  }
0xb5: {  	s5 =	sshll.u32 s26, $0x1;
	_ =	strace $0x8000005E;
	[dreg:$0x1] =	wrdreg $0xFFFFFFFF  }
0xb6: {  	s28 =	simm.s32 $_size_execute0_lowered;
	s3 =	sadd.s32 s3, s5;
	[dreg:$0x0] =	wrdreg $0x0  }
0xb7: {  	s5 =	sshll.u32 s28, $0x1;
	[dreg:$0x2] =	wrdreg s3  }
0xb8: {  	[dreg:$0x3] =	wrdreg s5  }
0xb9: {  	[dreg:$0x4] =	wrdreg $0xC0  }
0xba: {  	_ =	task [dreg:s22], $0x5FFFF  }
0xbb: {  	[dreg:$0x1] =	wrdreg $0xFFFFFFFF  }
0xbc: {  	[dreg:$0x0] =	wrdreg $0x60  }
0xbd: {  	[dreg:$0x2] =	wrdreg s24  }
0xbe: {  	[dreg:$0x3] =	wrdreg $0x6A400  }
0xbf: {  	[dreg:$0x4] =	wrdreg $0x9  }
0xc0: {  	_ =	task.clear_ibuf [dreg:s22], $0x5FFFF;
	_ =	strace $0x9000005E  }
0xc1: {  	s29 =	simm.s32 $0x9;
	_ =	strace $0x80000060  }
0xc2: {  	_ =	swait.ge [sflag:s29], $0x1  }
0xc3: {  	[sflag:s29] =	ssyncadd.s32 $0xFFFFFFFF  }
0xc4: {  	_ =	strace $0x90000060  }
0xc5: {  	_ =	sfence  }
0xc6: {  	s30 =	sld [smem:$0x0];
	_ =	sdelay $0x2  }
0xc7: {  	s31 =	sshll.u32 s1, $0xD;
	s1 =	sshrl.u32 s1, $0x2  }
0xc8: {  	s4 =	sand.u32 $0x4000, s31;
	s1 =	sadd.s32 s1, s30  }
0xc9: {  	s0 =	sor.u32 s4, s0;
	s1 =	sshll.u32 s1, $0x11  }
0xca: {  	s0 =	sor.u32 s1, s0  }
0xcb: {  	s0 =	sadd.s32 $0x8F2B, s0  }
0xcc: {  	[sflag:s0] =	ssyncadd.remote.s32 $0x1  }
0xcd: {  	_ =	sfence.sel $0xFFFF  }
0xce: {  	[dreg:$0x0] =	wrdreg $0xFFFFFFFF;
	(pc) =	sbr.abs _section_cstart, $3  }
0xcf: {  	[dreg:$0x1] =	wrdreg $0xFFFFFFFF  }
0xd0: {  	_ =	task.clear_ibuf [dreg:s22], $0x2FFFF;
	_ =	strace $0x9FFFFFFF  }
0xd1: {  	(tm) =	ssettm $0x7FFFFFFF  }
tec
execute0_lowered:
.L_overlay_start_1:
0x0: {  	(tag) =	ssettag $0x1  }
0x1: {  	s0 =	rddreg [dreg:$0x0]  }
0x2: {  	s2 =	rddreg [dreg:$0x1];
	s3 =	simm.s32 $0x0  }
0x3: {  	s1 =	srdreg.scid;
	s11 =	stileid.u32;
	s18 =	simm.s32 $0x640  }
0x4: {  	s19 =	simm.s32 $0x5;
	s20 =	simm.s32 $0x320;
	s21 =	simm.s32 $0x190  }
0x5: {  	s22 =	simm.s32 $0x4B0;
	s23 =	simm.s32 $0x3840;
	s24 =	simm.s32 $0x1  }
0x6: {  	s25 =	simm.s32 $0x2;
	s26 =	simm.s32 $0x3;
	s6 =	smul.u32 $0xC40, s11  }
0x7: {  	s28 =	simm.s32 $0x4;
	s1 =	sand.u32 $0x1, s1;
	s9 =	smul.u32 $0x62000, s11  }
0x8: {  	[smem:$0x7FF] =	sst s3;
	s4 =	sadd.s32 $0x161400, s0;
	s7 =	smul.u32 $0xC400, s1  }
0x9: {  	s5 =	sadd.s32 $0x1F2200, s0;
	_ =	strace $0x8000005F;
	s8 =	ssub.s32 $0x2, s1  }
0xa: {  	s10 =	sshrl.u32 s8, $0x1;
	s9 =	sshrl.u32 s9, $0x2;
	s7 =	sadd.s32 s6, s7  }
0xb: {  	s6 =	sadd.s32 $0x1D9200, s0;
	s10 =	ssub.s32 s8, s10;
	s9 =	sadd.s32 s9, s2  }
0xc: {  	s7 =	sshll.u32 s7, $0x2;
	s10 =	smax.u32 s10, $0x1;
	s12 =	sadd.s32 $0x6200, s9  }
0xd: {  	s13 =	sadd.s32 $0x9300, s9;
	s14 =	sadd.s32 $0xC400, s9;
	s15 =	sadd.s32 $0xF500, s9  }
0xe: {  	s16 =	sadd.s32 $0x12600, s9;
	s17 =	sadd.s32 $0x15700, s9;
	s0 =	sadd.s32 s7, s0  }
0xf: {  	v1 =	vimm.f32 $0.0e+00;
	v0 =	vmov s1;
	s7 =	smul.u32 $0xC800, s11;
	s11 =	sadd.s32 $0x3100, s9;
	s8 =	sadd.s32 $0x3F5200, s0  }
.LBB2_1:
0x10: {  	s0 =	simm.s32 $0x80;
	s1 =	simm.s32 $0x0  }
.LBB2_2:
0x11: {  	p0 =	sne.s32 s0, $0xC380;
	[tilespmem:s1+$0x640] =	vst v1;
	s29 =	smov.u32 s0;
	s0 =	sadd.s32 $0x80, s0  }
.Ltmp0:
0x12: {  	[tilespmem:s1+$0x650] =	vst v1;
	(pc) =	sbr.rel @p0 .LBB2_2-.Ltmp0, $2  }
0x13: {  	_ =	sdelay $0x2  }
0x14: {  	s1 =	sshra.s32 s29, $0x2  }
0x15: {  	[tilespmem:s1+$0x640] =	vst v1  }
0x16: {  	[tilespmem:s1+$0x650] =	vst v1  }
0x17: {  	[spmem:s9] =	stream.linear.scatter [tilespmem:s18], [sflag:$0x5], $0x3100, $0x38;
	[tilespmem:$0x1F240] =	vst v63  }
0x18: {  	_ =	swait.ge [sflag:s19], $0x3100  }
0x19: {  	[sflag:s19] =	ssyncset.done $0x0  }
0x1a: {  	[sflag:s19] =	ssyncadd.s32 $0xFFFFCF00  }
0x1b: {  	[spmem:s11] =	stream.linear.scatter [tilespmem:s18], [sflag:$0x5], $0x3100, $0x38;
	[tilespmem:$0x1F240] =	vst v63  }
0x1c: {  	_ =	swait.ge [sflag:s19], $0x3100  }
0x1d: {  	[sflag:s19] =	ssyncset.done $0x0  }
0x1e: {  	[sflag:s19] =	ssyncadd.s32 $0xFFFFCF00  }
0x1f: {  	[spmem:s12] =	stream.linear.scatter [tilespmem:s18], [sflag:$0x5], $0x3100, $0x38;
	[tilespmem:$0x1F240] =	vst v63  }
0x20: {  	_ =	swait.ge [sflag:s19], $0x3100  }
0x21: {  	[sflag:s19] =	ssyncset.done $0x0  }
0x22: {  	[sflag:s19] =	ssyncadd.s32 $0xFFFFCF00  }
0x23: {  	[spmem:s13] =	stream.linear.scatter [tilespmem:s18], [sflag:$0x5], $0x3100, $0x38;
	[tilespmem:$0x1F240] =	vst v63  }
0x24: {  	_ =	swait.ge [sflag:s19], $0x3100  }
0x25: {  	[sflag:s19] =	ssyncset.done $0x0  }
0x26: {  	[sflag:s19] =	ssyncadd.s32 $0xFFFFCF00  }
0x27: {  	[spmem:s14] =	stream.linear.scatter [tilespmem:s18], [sflag:$0x5], $0x3100, $0x38;
	[tilespmem:$0x1F240] =	vst v63  }
0x28: {  	_ =	swait.ge [sflag:s19], $0x3100  }
0x29: {  	[sflag:s19] =	ssyncset.done $0x0  }
0x2a: {  	[sflag:s19] =	ssyncadd.s32 $0xFFFFCF00  }
0x2b: {  	[spmem:s15] =	stream.linear.scatter [tilespmem:s18], [sflag:$0x5], $0x3100, $0x38;
	[tilespmem:$0x1F240] =	vst v63  }
0x2c: {  	_ =	swait.ge [sflag:s19], $0x3100  }
0x2d: {  	[sflag:s19] =	ssyncset.done $0x0  }
0x2e: {  	[sflag:s19] =	ssyncadd.s32 $0xFFFFCF00  }
0x2f: {  	[spmem:s16] =	stream.linear.scatter [tilespmem:s18], [sflag:$0x5], $0x3100, $0x38;
	[tilespmem:$0x1F240] =	vst v63  }
0x30: {  	_ =	swait.ge [sflag:s19], $0x3100  }
0x31: {  	[sflag:s19] =	ssyncset.done $0x0  }
0x32: {  	[sflag:s19] =	ssyncadd.s32 $0xFFFFCF00  }
0x33: {  	[spmem:s17] =	stream.linear.scatter [tilespmem:s18], [sflag:$0x5], $0x3100, $0x38;
	[tilespmem:$0x1F240] =	vst v63  }
0x34: {  	_ =	swait.ge [sflag:s19], $0x3100  }
0x35: {  	[sflag:s19] =	ssyncset.done $0x0  }
0x36: {  	[sflag:s19] =	ssyncadd.s32 $0xFFFFCF00  }
0x37: {  	s29 =	simm.s32 $0x0;
	s30 =	simm.s32 $0x0;
	[bflag:$0x0] =	sbarrier.arrive $0xFFFF  }
.LBB2_4:
0x38: {  	s0 =	smul.u32 $0x320, s30;
	_ =	sdelay $0x1  }
0x39: {  	s0 =	sadd.s32 s7, s0  }
0x3a: {  	s31 =	sshrl.u32 s0, $0x3  }
0x3b: {  	s0 =	sadd.s32 s5, s31  }
0x3c: {  	[tilespmem:s29], [sflag:$0x5] =	stream.linear.gather [hbm4b:s0+s29], $0x190, $0x38;
	[tilespmem:$0x1F240] =	vst v63  }
0x3d: {  	_ =	swait.ge [sflag:s19], $0x190  }
0x3e: {  	[sflag:s19] =	ssyncset.done $0x0  }
0x3f: {  	s1 =	sadd.s32 s6, s31;
	[sflag:s19] =	ssyncadd.s32 $0xFFFFFE70  }
0x40: {  	[tilespmem:s20], [sflag:$0x5] =	stream.linear.gather [hbm4b:s1+s29], $0x190, $0x38;
	[tilespmem:$0x1F240] =	vst v63  }
0x41: {  	_ =	swait.ge [sflag:s19], $0x190  }
0x42: {  	[sflag:s19] =	ssyncset.done $0x0  }
0x43: {  	s0 =	simm.s32 $0x0;
	s1 =	simm.s32 $0x40;
	[sflag:s19] =	ssyncadd.s32 $0xFFFFFE70  }
.LBB2_5:
0x44: {  	p0 =	sne.s32 s1, $0x600;
	v2 =	vld [tilespmem:s0+$0x0];
	_ =	sdelay $0x2  }
.Ltmp1:
0x45: {  	(pc) =	sbr.rel @p0 .LBB2_5-.Ltmp1, $4  }
0x46: {  	_ = 	snop  }
0x47: {  	v2 =	vshll.u32 v2, $0x1  }
0x48: {  	v2 =	vor.u32 v0, v2  }
0x49: {  	[tilespmem:s0+$0x0] =	vst v2;
	s0 =	sshra.s32 s1, $0x2;
	s1 =	sadd.s32 $0x40, s1  }
0x4a: {  	v2 =	vld [tilespmem:s0+$0x0];
	_ =	sdelay $0x4  }
0x4b: {  	v2 =	vshll.u32 v2, $0x1  }
0x4c: {  	v2 =	vor.u32 v0, v2  }
0x4d: {  	s1 =	sadd.s32 $0x32, s31;
	[tilespmem:s0+$0x0] =	vst v2;
	s0 =	simm.s32 $0x0  }
0x4e: {  	[tilespmem:s18], [sflag:$0x1] =	stream.indirect.gather [hbm4b:s4+s21], $0x20, s0, s21, $0xb8;
	[tilespmem:$0x1F240] =	vst v63  }
0x4f: {  	s31 =	sadd.s32 s5, s1  }
0x50: {  	[tilespmem:s21], [sflag:$0x5] =	stream.linear.gather [hbm4b:s31+s0], $0x190, $0x38;
	[tilespmem:$0x1F240] =	vst v63  }
0x51: {  	_ =	swait.ge [sflag:s19], $0x190  }
0x52: {  	[sflag:s19] =	ssyncset.done $0x0  }
0x53: {  	s1 =	sadd.s32 s6, s1;
	[sflag:s19] =	ssyncadd.s32 $0xFFFFFE70  }
0x54: {  	[tilespmem:s22], [sflag:$0x5] =	stream.linear.gather [hbm4b:s1+s0], $0x190, $0x38;
	[tilespmem:$0x1F240] =	vst v63  }
0x55: {  	_ =	swait.ge [sflag:s19], $0x190  }
0x56: {  	[sflag:s19] =	ssyncset.done $0x0  }
0x57: {  	s0 =	simm.s32 $0x0;
	s1 =	simm.s32 $0x40;
	[sflag:s19] =	ssyncadd.s32 $0xFFFFFE70  }
.LBB2_7:
0x58: {  	p0 =	sne.s32 s1, $0x600;
	v2 =	vld [tilespmem:s0+$0x190];
	_ =	sdelay $0x2  }
.Ltmp2:
0x59: {  	(pc) =	sbr.rel @p0 .LBB2_7-.Ltmp2, $4  }
0x5a: {  	_ = 	snop  }
0x5b: {  	v2 =	vshll.u32 v2, $0x1  }
0x5c: {  	v2 =	vor.u32 v0, v2  }
0x5d: {  	[tilespmem:s0+$0x190] =	vst v2;
	s0 =	sshra.s32 s1, $0x2;
	s1 =	sadd.s32 $0x40, s1  }
0x5e: {  	v2 =	vld [tilespmem:s0+$0x190];
	_ =	sdelay $0x4  }
0x5f: {  	v2 =	vshll.u32 v2, $0x1  }
0x60: {  	v2 =	vor.u32 v0, v2  }
0x61: {  	[tilespmem:s0+$0x190] =	vst v2  }
0x62: {  	[tilespmem:s23], [sflag:$0x2] =	stream.indirect.gather [hbm4b:s4+s21], $0x20, s21, s21, $0xb8;
	[tilespmem:$0x1F240] =	vst v63  }
0x63: {  	_ =	swait.ge [sflag:s24], $0x3200  }
0x64: {  	[sflag:s24] =	ssyncset.done $0x0  }
0x65: {  	[sflag:s24] =	ssyncadd.s32 $0xFFFFCE00  }
0x66: {  	[spmem:s2] =	stream.indirect.scatter.add.f32 [tilespmem:s18], [sflag:$0x3], $0x20, s20, s21, $0xb8;
	[tilespmem:$0x1F240] =	vst v63  }
0x67: {  	_ =	swait.ge [sflag:s25], $0x3200  }
0x68: {  	[sflag:s25] =	ssyncset.done $0x0  }
0x69: {  	s30 =	sadd.s32 $0x1, s30;
	[sflag:s25] =	ssyncadd.s32 $0xFFFFCE00  }
0x6a: {  	[spmem:s2] =	stream.indirect.scatter.add.f32 [tilespmem:s23], [sflag:$0x4], $0x20, s22, s21, $0xb8;
	[tilespmem:$0x1F240] =	vst v63  }
0x6b: {  	p0 =	sne.s32 s30, $0x40;
	_ =	swait.ge [sflag:s26], $0x3200  }
.Ltmp3:
0x6c: {  	[sflag:s26] =	ssyncset.done $0x0;
	(pc) =	sbr.rel @p0 .LBB2_4-.Ltmp3, $4  }
0x6d: {  	[sflag:s26] =	ssyncadd.s32 $0xFFFFCE00  }
0x6e: {  	_ =	swait.ge [sflag:s28], $0x3200  }
0x6f: {  	[sflag:s28] =	ssyncset.done $0x0  }
0x70: {  	[sflag:s28] =	ssyncadd.s32 $0xFFFFCE00  }
0x71: {  	s0 =	stileid.u32;
	s3 =	sadd.s32 $0x1, s3  }
0x72: {  	[bflag:$0x0] =	sbarrier.arrive $0xFFFF;
	s0 =	sshll.u32 s0, $0x6;
	p0 =	sne.s32 s3, s10  }
.Ltmp4:
0x73: {  	s1 =	sshrl.u32 s9, $0x3;
	s0 =	sor.u32 $0x1C05, s0;
	(pc) =	sbr.rel @p0 .LBB2_1-.Ltmp4, $4  }
0x74: {  	[hbm:s8], [sflag:s0] =	dma.local [spmem:s1], $0x3100  }
0x75: {  	_ =	swait.ge [sflag:s19], $0x3100  }
0x76: {  	[sflag:s19] =	ssyncset.done $0x0  }
0x77: {  	[sflag:s19] =	ssyncadd.s32 $0xFFFFCF00  }
0x78: {  	_ =	sfence.sel $0x180000  }
0x79: {  	[bflag:$0x0] =	sbarrier.arrive $0xFFFF  }
0x7a: {  	_ =	strace $0x9000005F  }
0x7b: {  	s0 =	stileid.u32;
	[bflag:$0x2] =	sbarrier.arrive $0xFFFF  }
0x7c: {  	p0 =	sne.s32 s0, $0x0;
	s0 =	rddreg [dreg:$0x2]  }
0x7d: {  	s0 =	sadd.s32 @!p0 $0x100000, s0  }
0x7e: {  	[sflag:s0] =	ssyncadd.tile.s32 @!p0 $0x1;
	_ =	shalt  }
.Lfunc_end2:
_tile_overlayer_lowered:
.L_overlay_start_2:
0x7f: {  	(tag) =	ssettag $0x2  }
0x80: {  	s0 =	rddreg [dreg:$0x0];
	s2 =	stileid.u32  }
0x81: {  	s1 =	rddreg [dreg:$0x1];
	p0 =	sne.s32 s2, $0x0  }
0x82: {  	s3 =	rddreg [dreg:$0x2];
	[bflag:$0x3] =	sbarrier.arrive $0xFFFF;
	s2 =	simm.s32 @!p0 $0x1C05  }
0x83: {  	[timem:s3], [sflag:s2] =	dma.local @!p0 [hbm:s0], s1  }
0x84: {  	s0 =	simm.s32 @!p0 $0x5  }
0x85: {  	_ =	swait.ge @!p0 [sflag:s0], s1  }
0x86: {  	s1 =	ssub.s32 @!p0 $0x0, s1;
	[sflag:s0] =	ssyncset.done @!p0 $0x0  }
0x87: {  	[sflag:s0] =	ssyncadd.s32 @!p0 s1  }
0x88: {  	[bflag:$0x3] =	sbarrier.arrive $0xFFFF  }
0x89: {  	_ =	shalt  }

// kernel: kernel.35.cloned.1.call-start
scs
__scs_entry_jumppad:
0x0: {  	(pc) =	sbr.rel $0x88, $3  }
0x1: {  	(tag) =	ssettag $0x0;
	lr =	simm.s32 $0x1  }
0x2: {  	[smem:$0x3F8A] =	sst lr;
	_ =	strace $0xD0000000  }
0x3: {  	_ = 	snop  }
0x4: {  	_ = 	snop  }
0x5: {  	_ = 	snop  }
0x6: {  	_ = 	snop  }
0x7: {  	_ = 	snop  }
__scs_overlays_trampoline_lowered:
0x8: {  	[smem:$0x3F99] =	sst s0  }
0x9: {  	[smem:$0x3F9A] =	sst s1  }
0xa: {  	[smem:$0x3F9B] =	sst s2  }
0xb: {  	[smem:$0x3F9C] =	sst s3  }
0xc: {  	[smem:$0x3F9D] =	sst s4  }
0xd: {  	[smem:$0x3F9E] =	sst s5  }
0xe: {  	[smem:$0x3F9F] =	sst s6  }
0xf: {  	[smem:$0x3FA0] =	sst s7  }
0x10: {  	[smem:$0x3FA1] =	sst s8  }
0x11: {  	[smem:$0x3FA2] =	sst s9;
	s0 =	simm.s32 @!p0 $0x0  }
0x12: {  	s1 =	sld [smem:$0x3F88];
	s0 =	simm.s32 @p0 $0x1  }
0x13: {  	[smem:$0x3FA3] =	sst s0;
	s0 =	simm.s32 @!p1 $0x0  }
0x14: {  	s2 =	sld [smem:$0x3F87];
	s0 =	simm.s32 @p1 $0x1  }
0x15: {  	[smem:$0x3FA4] =	sst s0;
	s0 =	simm.s32 @!p2 $0x0  }
0x16: {  	s3 =	sld [smem:$0x3FDB];
	s0 =	simm.s32 @p2 $0x1  }
0x17: {  	s4 =	simm.s32 $0x1BF5;
	[smem:$0x3FA6] =	sst s0  }
0x18: {  	s0 =	sld [smem:$0x3F89];
	_ =	swait.ge [sflag:s4], $0x0  }
0x19: {  	s7 =	sld [smem:$0x3F8A]  }
0x1a: {  	s8 =	sadd.s32 $0xFFFFE003, lr  }
0x1b: {  	s9 =	sadd.s32 $0xFFFFFEF7, lr;
	s5 =	simm.s32 $0xFFFFFFFF;
	p2 =	slt.u32 s8, $0xFFFFF086  }
0x1c: {  	p1 =	slt.u32 s9, $0xF7A;
	s5 =	simm.s32 @!p2 $0x0  }
0x1d: {  	s5 =	simm.s32 @p1 $0x1;
	p0 =	seq.s32 s7, s2  }
0x1e: {  	s7 =	smul.u32 @!p0 $0xF7A, s2;
	p2 =	seq.s32 @!p0 s5, $0x0  }
0x1f: {  	s9 =	smul.u32 $0xF7A, s1;
	s8 =	simm.s32 @!p0 $0x1BF5;
	p2 =	por !p2, p0  }
0x20: {  	[sflag:s8] =	ssyncset.s32 @!p0 $0xFFFFF086;
	s6 =	sadd.s32 @!p0 s3, s7;
	s7 =	simm.s32 @!p0 $0x108  }
0x21: {  	s3 =	sadd.s32 s3, s9;
	s6 =	sadd.s32 @!p0 $0x88, s6;
	s7 =	simm.s32 @p2 $0x1082  }
0x22: {  	[simem:s7], [sflag:s8] =	dma.local @!p0 [hbm:s6], $0xF7A  }
0x23: {  	s9 =	sor.u32 $0xD0000000, s2;
	s6 =	simm.s32 $0x108;
	_ =	swait.ge @!p0 [sflag:s8], $0x0  }
0x24: {  	s3 =	sadd.s32 $0x88, s3;
	s6 =	simm.s32 @!p1 $0x1082;
	[sflag:s4] =	ssyncset.s32 $0xFFFFF086  }
0x25: {  	[simem:s6], [sflag:s4] =	dma.local [hbm:s3], $0xF7A  }
0x26: {  	[smem:$0x3F8A] =	sst s1;
	(tag) =	ssettag s2;
	_ =	strace s9  }
0x27: {  	s1 =	sld [smem:$0x3F9A]  }
0x28: {  	s2 =	sld [smem:$0x3F9B]  }
0x29: {  	s4 =	sld [smem:$0x3F9D]  }
0x2a: {  	p0 =	seq.s32 s5, $0x0;
	s5 =	sld [smem:$0x3F9E]  }
0x2b: {  	s6 =	sld [smem:$0x3F9F]  }
0x2c: {  	s7 =	sld [smem:$0x3FA0]  }
0x2d: {  	s3 =	simm.s32 $0x108;
	s8 =	sld [smem:$0x3FA1]  }
0x2e: {  	s3 =	simm.s32 @!p0 $0x1082;
	s9 =	sld [smem:$0x3FA2]  }
0x2f: {  	lr =	sadd.s32 s0, s3;
	s0 =	sld [smem:$0x3F99]  }
0x30: {  	s3 =	sld [smem:$0x3F9C]  }
0x31: {  	[smem:$0x3FA5] =	sst s10  }
0x32: {  	s10 =	sld [smem:$0x3FA3];
	_ =	sdelay $0x3  }
0x33: {  	p0 =	seq.s32 s10, $0x1;
	s10 =	sld [smem:$0x3FA5];
	_ =	sdelay $0x3  }
0x34: {  	[smem:$0x3FA5] =	sst s10  }
0x35: {  	s10 =	sld [smem:$0x3FA4];
	_ =	sdelay $0x3  }
0x36: {  	p1 =	seq.s32 s10, $0x1;
	s10 =	sld [smem:$0x3FA5];
	_ =	sdelay $0x3  }
0x37: {  	[smem:$0x3FA5] =	sst s10  }
0x38: {  	s10 =	sld [smem:$0x3FA6]  }
0x39: {  	_ = 	snop;
	(pc) =	sbr.ind lr, $3  }
0x3a: {  	_ = 	snop  }
0x3b: {  	_ = 	snop  }
0x3c: {  	p2 =	seq.s32 s10, $0x1;
	s10 =	sld [smem:$0x3FA5]  }
0x3d: {  	_ =	shalt  }
0x3e: {  	_ =	shalt  }
0x3f: {  	_ =	shalt  }
0x40: {  	_ =	shalt  }
0x41: {  	_ =	shalt  }
0x42: {  	_ =	shalt  }
0x43: {  	_ =	shalt  }
0x44: {  	_ =	shalt  }
0x45: {  	_ =	shalt  }
0x46: {  	_ =	shalt  }
0x47: {  	_ =	shalt  }
0x48: {  	_ =	shalt  }
0x49: {  	_ =	shalt  }
0x4a: {  	_ =	shalt  }
0x4b: {  	_ =	shalt  }
0x4c: {  	_ =	shalt  }
0x4d: {  	_ =	shalt  }
0x4e: {  	_ =	shalt  }
0x4f: {  	_ =	shalt  }
0x50: {  	_ =	shalt  }
0x51: {  	_ =	shalt  }
0x52: {  	_ =	shalt  }
0x53: {  	_ =	shalt  }
0x54: {  	_ =	shalt  }
0x55: {  	_ =	shalt  }
0x56: {  	_ =	shalt  }
0x57: {  	_ =	shalt  }
0x58: {  	_ =	shalt  }
0x59: {  	_ =	shalt  }
0x5a: {  	_ =	shalt  }
0x5b: {  	_ =	shalt  }
0x5c: {  	_ =	shalt  }
0x5d: {  	_ =	shalt  }
0x5e: {  	_ =	shalt  }
0x5f: {  	_ =	shalt  }
0x60: {  	_ =	shalt  }
0x61: {  	_ =	shalt  }
0x62: {  	_ =	shalt  }
0x63: {  	_ =	shalt  }
0x64: {  	_ =	shalt  }
0x65: {  	_ =	shalt  }
0x66: {  	_ =	shalt  }
0x67: {  	_ =	shalt  }
0x68: {  	_ =	shalt  }
0x69: {  	_ =	shalt  }
0x6a: {  	_ =	shalt  }
0x6b: {  	_ =	shalt  }
0x6c: {  	_ =	shalt  }
0x6d: {  	_ =	shalt  }
0x6e: {  	_ =	shalt  }
0x6f: {  	_ =	shalt  }
0x70: {  	_ =	shalt  }
0x71: {  	_ =	shalt  }
0x72: {  	_ =	shalt  }
0x73: {  	_ =	shalt  }
0x74: {  	_ =	shalt  }
0x75: {  	_ =	shalt  }
0x76: {  	_ =	shalt  }
0x77: {  	_ =	shalt  }
0x78: {  	_ =	shalt  }
0x79: {  	_ =	shalt  }
0x7a: {  	_ =	shalt  }
0x7b: {  	_ =	shalt  }
0x7c: {  	_ =	shalt  }
0x7d: {  	_ =	shalt  }
0x7e: {  	_ =	shalt  }
0x7f: {  	_ =	shalt  }
0x80: {  	_ =	shalt  }
0x81: {  	_ =	shalt  }
0x82: {  	_ =	shalt  }
0x83: {  	_ =	shalt  }
0x84: {  	_ =	shalt  }
0x85: {  	_ =	shalt  }
0x86: {  	_ =	shalt  }
0x87: {  	_ =	shalt  }
.Lfunc_end0:
.L_simem_size_0:
called_computation.3_lowered:
.L_overlay_start_0:
0x88: {  	s2 =	sld [smem:$0x3FD9]  }
0x89: {  	s3 =	sld [smem:$0x3FFE];
	_ =	sdelay $0x1  }
0x8a: {  	s1 =	srdreg.scid  }
0x8b: {  	s0 =	sand.u32 $0x1, s1  }
0x8c: {  	s15 =	sshll.u32 s0, $0xA;
	s2 =	sadd.s32 s3, s2  }
0x8d: {  	s2 =	sadd.s32 s2, s15  }
0x8e: {  	[smem:$0x3FB1] =	sst s2  }
0x8f: {  	_ = 	snop  }
0x90: {  	s2 =	sld [smem:$0x3FD0];
	_ =	sdelay $0x2  }
0x91: {  	s16 =	simm.s32 $0xC;
	s4 =	simm.s32 $0x10  }
0x92: {  	[smem:s4], [sflag:s16] =	dma.local [hbm:s2], $0x1  }
0x93: {  	_ =	swait.eq [sflag:s16], $0x1  }
0x94: {  	[sflag:s16] =	ssyncset.done $0x0  }
0x95: {  	[sflag:s16] =	ssyncadd.s32 $0xFFFFFFFF  }
0x96: {  	s17 =	sld [smem:$0x10];
	(tm) =	ssettm $0x1  }
0x97: {  	s18 =	sld [smem:$0x3FFB];
	_ =	sdelay $0x3  }
0x98: {  	_ =	strace s18  }
0x99: {  	s2 =	sld [smem:$0x3FFC];
	_ =	sdelay $0x3  }
0x9a: {  	_ =	strace s2  }
0x9b: {  	s2 =	sld [smem:$0x3FFD];
	_ =	sdelay $0x3  }
0x9c: {  	_ =	strace s2  }
0x9d: {  	_ =	strace $0x8FFFFFFF  }
0x9e: {  	s19 =	sld [smem:$0x3FDB];
	_ =	sdelay $0x1  }
0x9f: {  	s20 =	simm.s32 $_scs_section_size  }
0xa0: {  	s5 =	simm.s32 $_size__tile_overlayer_lowered;
	s6 =	simm.s32 $_tile_overlayer_lowered  }
0xa1: {  	s7 =	simm.s32 $0x1BFF;
	s21 =	sshll.u32 s6, $0x1;
	s4 =	sadd.s32 s20, s19  }
0xa2: {  	s22 =	simm.s32 $0x0;
	s5 =	sshll.u32 s5, $0x1;
	s6 =	sadd.s32 s21, s4  }
0xa3: {  	[timem:s22], [sflag:s7] =	dma.local [hbm:s6], s5  }
0xa4: {  	_ =	swait.ge [sflag:s7], s5  }
0xa5: {  	s5 =	ssub.s32 $0x0, s5;
	[sflag:s7] =	ssyncset.done $0x0  }
0xa6: {  	[sflag:s7] =	ssyncadd.s32 s5;
	_ =	sdelay $0x1  }
0xa7: {  	s23 =	simm.s32 $0x1B8B  }
0xa8: {  	_ =	swait.ge [sflag:s23], $0x1  }
0xa9: {  	[sflag:s23] =	ssyncset.done $0x0  }
0xaa: {  	[sflag:s23] =	ssyncadd.s32 $0xFFFFFFFF  }
0xab: {  	s5 =	sld [smem:$0x0]  }
0xac: {  	s6 =	sand.u32 $0xFFFFFFFE, s1  }
0xad: {  	p0 =	sne.s32 s1, s6  }
0xae: {  	s6 =	sshll.u32 @p0 s6, $0xE  }
0xaf: {  	s6 =	sadd.s32 @p0 $0x11B8D, s6;
	s7 =	sshll.u32 @p0 s5, $0x11  }
0xb0: {  	s6 =	sor.u32 @p0 s7, s6  }
0xb1: {  	[sflag:s6] =	ssyncadd.remote.s32 @p0 $0x1;
	_ =	sdelay $0x1  }
0xb2: {  	s6 =	simm.s32 @p0 $0x1B8D  }
0xb3: {  	_ =	swait.eq @p0 [sflag:s6], $0x1  }
0xb4: {  	[sflag:s6] =	ssyncadd.s32 @p0 $0xFFFFFFFF  }
0xb5: {  	s7 =	sshll.u32 @!p0 s1, $0xE  }
0xb6: {  	s7 =	sor.u32 @!p0 $0x4000, s7;
	s6 =	simm.s32 @!p0 $0x1B8D  }
0xb7: {  	s5 =	sshll.u32 @!p0 s5, $0x11;
	s7 =	sadd.s32 @!p0 $0x11B8D, s7;
	_ =	swait.eq @!p0 [sflag:s6], $0x1  }
0xb8: {  	s5 =	sor.u32 @!p0 s5, s7;
	[sflag:s6] =	ssyncadd.s32 @!p0 $0xFFFFFFFF  }
0xb9: {  	s25 =	simm.s32 $0x1B8E;
	s24 =	sld [smem:$0x3FFE];
	[sflag:s5] =	ssyncadd.remote.s32 @!p0 $0x1  }
0xba: {  	s26 =	simm.s32 $execute0_lowered;
	[smem:$0x3FD2] =	sst s25  }
0xbb: {  	s6 =	sshll.u32 s26, $0x1;
	_ =	strace $0x80000067;
	[dreg:$0x1] =	wrdreg $0xFFFFFFFF  }
0xbc: {  	s28 =	simm.s32 $_size_execute0_lowered;
	s4 =	sadd.s32 s4, s6;
	[dreg:$0x0] =	wrdreg $0x0  }
0xbd: {  	s6 =	sshll.u32 s28, $0x1;
	[dreg:$0x2] =	wrdreg s4  }
0xbe: {  	[dreg:$0x3] =	wrdreg s6  }
0xbf: {  	[dreg:$0x4] =	wrdreg $0xC0  }
0xc0: {  	_ =	task [dreg:s22], $0x5FFFF  }
0xc1: {  	[dreg:$0x1] =	wrdreg $0xFFFFFFFF  }
0xc2: {  	[dreg:$0x0] =	wrdreg $0x60  }
0xc3: {  	[dreg:$0x2] =	wrdreg s24  }
0xc4: {  	[dreg:$0x3] =	wrdreg s17  }
0xc5: {  	[dreg:$0x4] =	wrdreg $0xCF900  }
0xc6: {  	[dreg:$0x5] =	wrdreg $0x9  }
0xc7: {  	_ =	task.clear_ibuf [dreg:s22], $0x6FFFF;
	_ =	strace $0x90000067  }
0xc8: {  	s29 =	simm.s32 $0x9;
	_ =	strace $0x80000069  }
0xc9: {  	_ =	swait.ge [sflag:s29], $0x1  }
0xca: {  	[sflag:s29] =	ssyncadd.s32 $0xFFFFFFFF  }
0xcb: {  	_ =	strace $0x90000069  }
0xcc: {  	_ =	sfence  }
0xcd: {  	s30 =	sld [smem:$0x0];
	_ =	sdelay $0x2  }
0xce: {  	s31 =	sshll.u32 s1, $0xD;
	s1 =	sshrl.u32 s1, $0x2  }
0xcf: {  	s4 =	sand.u32 $0x4000, s31;
	s1 =	sadd.s32 s1, s30  }
0xd0: {  	s0 =	sor.u32 s4, s0;
	s1 =	sshll.u32 s1, $0x11  }
0xd1: {  	s0 =	sor.u32 s1, s0  }
0xd2: {  	s0 =	sadd.s32 $0x8F2B, s0  }
0xd3: {  	[sflag:s0] =	ssyncadd.remote.s32 $0x1  }
0xd4: {  	_ =	sfence.sel $0xFFFF  }
0xd5: {  	[dreg:$0x0] =	wrdreg $0xFFFFFFFF;
	(pc) =	sbr.abs _section_cstart, $3  }
0xd6: {  	[dreg:$0x1] =	wrdreg $0xFFFFFFFF  }
0xd7: {  	_ =	task.clear_ibuf [dreg:s22], $0x2FFFF;
	_ =	strace $0x9FFFFFFF  }
0xd8: {  	(tm) =	ssettm $0x7FFFFFFF  }
0xd9: {  	_ =	shalt  }
tec
execute0_lowered:
.L_overlay_start_1:
0x0: {  	(tag) =	ssettag $0x1  }
0x1: {  	s4 =	rddreg [dreg:$0x0]  }
0x2: {  	s9 =	rddreg [dreg:$0x1]  }
0x3: {  	s2 =	rddreg [dreg:$0x2]  }
0x4: {  	s0 =	rddreg [dreg:$0x3];
	s3 =	simm.s32 $0x0;
	s5 =	srdreg.scid  }
0x5: {  	s1 =	stileid.u32;
	s13 =	simm.s32 $0x310;
	s16 =	simm.s32 $0x0  }
0x6: {  	[smem:$0x7FF] =	sst s3;
	s5 =	sand.u32 $0x1, s5;
	s6 =	smul.u32 $0x110, s1  }
0x7: {  	s10 =	sadd.s32 $0x1C7800, s4;
	s8 =	smul.u32 $0x2200, s1;
	s14 =	sshll.u32 s1, $0x6  }
0x8: {  	_ =	strace $0x80000068;
	s7 =	smul.u32 $0x1100, s5;
	s11 =	sshll.u32 s5, $0x4  }
0x9: {  	s5 =	ssub.s32 $0x2, s5;
	s14 =	sor.u32 $0x1C01, s14;
	s26 =	sor.u32 s1, s11  }
0xa: {  	s28 =	sshrl.u32 s5, $0x1;
	s8 =	sshrl.u32 s8, $0x2;
	s12 =	smul.u32 $0x620, s26  }
0xb: {  	s6 =	sadd.s32 s6, s7;
	s11 =	ssub.s32 s5, s28;
	s30 =	smul.u32 $0x3100, s26  }
0xc: {  	s6 =	sadd.s32 s6, s4;
	s4 =	sadd.s32 s8, s2;
	s7 =	smax.u32 s11, $0x1  }
0xd: {  	s5 =	sadd.s32 $0xCC400, s6;
	s29 =	sshrl.u32 s12, $0x3;
	s31 =	sadd.s32 $0x310, s12  }
0xe: {  	s8 =	sadd.s32 s10, s30;
	s15 =	sshrl.u32 s4, $0x3;
	s12 =	sshrl.u32 s31, $0x3  }
0xf: {  	s6 =	sadd.s32 s9, s29;
	s11 =	sshll.u32 s31, $0x3;
	s9 =	sadd.s32 s9, s12  }
0x10: {  	v0 =	vimm.f32 $0.0e+00;
	s10 =	sadd.s32 s10, s11;
	s11 =	simm.s32 $0xC710;
	s12 =	simm.s32 $0x1  }
.LBB2_1:
0x11: {  	s18 =	simm.s32 $0x100;
	s17 =	simm.s32 $0x0  }
.LBB2_2:
0x12: {  	p0 =	sne.s32 s18, $0x2100;
	[tilespmem:s17+$0xC740] =	vst v0;
	s19 =	smov.u32 s18;
	s18 =	sadd.s32 $0x100, s18  }
.Ltmp0:
0x13: {  	[tilespmem:s17+$0xC730] =	vst v0;
	(pc) =	sbr.rel @p0 .LBB2_2-.Ltmp0, $3  }
0x14: {  	[tilespmem:s17+$0xC710] =	vst v0  }
0x15: {  	[tilespmem:s17+$0xC720] =	vst v0;
	_ =	sdelay $0x1  }
0x16: {  	s17 =	sshra.s32 s19, $0x2  }
0x17: {  	[tilespmem:s17+$0xC740] =	vst v0  }
0x18: {  	[tilespmem:s17+$0xC730] =	vst v0  }
0x19: {  	[tilespmem:s17+$0xC710] =	vst v0  }
0x1a: {  	[tilespmem:s17+$0xC720] =	vst v0  }
0x1b: {  	[spmem:s4] =	stream.linear.scatter [tilespmem:s11], [sflag:$0x1], $0x880, $0x38;
	[tilespmem:$0xD810] =	vst v63  }
0x1c: {  	_ =	swait.ge [sflag:s12], $0x880  }
0x1d: {  	[sflag:s12] =	ssyncset.done $0x0  }
0x1e: {  	[sflag:s12] =	ssyncadd.s32 $0xFFFFF780  }
0x1f: {  	[bflag:$0x0] =	sbarrier.arrive $0xFFFF  }
0x20: {  	[tilespmem:s3], [sflag:$0x1] =	stream.linear.gather [hbm4b:s6+s3], $0x310, $0x38;
	[tilespmem:$0xD810] =	vst v63  }
0x21: {  	_ =	swait.ge [sflag:s12], $0x310  }
0x22: {  	[sflag:s12] =	ssyncset.done $0x0  }
0x23: {  	[sflag:s12] =	ssyncadd.s32 $0xFFFFFCF0  }
0x24: {  	[tilespmem:s13], [sflag:$0x1] =	stream.linear.gather [hbm4b:s8+s3], $0xC400, $0x38;
	[tilespmem:$0xD810] =	vst v63  }
0x25: {  	_ =	swait.ge [sflag:s12], $0xC400  }
0x26: {  	[sflag:s12] =	ssyncset.done $0x0  }
0x27: {  	[sflag:s12] =	ssyncadd.s32 $0xFFFF3C00  }
0x28: {  	[spmem:s2] =	stream.indirect.scatter.add.f32 [tilespmem:s13], [sflag:$0x1], $0x40, s3, s13, $0xb8;
	[tilespmem:$0xD810] =	vst v63  }
0x29: {  	_ =	swait.ge [sflag:s12], $0xC400  }
0x2a: {  	[sflag:s12] =	ssyncset.done $0x0  }
0x2b: {  	[sflag:s12] =	ssyncadd.s32 $0xFFFF3C00  }
0x2c: {  	[tilespmem:s3], [sflag:$0x1] =	stream.linear.gather [hbm4b:s9+s3], $0x310, $0x38;
	[tilespmem:$0xD810] =	vst v63  }
0x2d: {  	_ =	swait.ge [sflag:s12], $0x310  }
0x2e: {  	[sflag:s12] =	ssyncset.done $0x0  }
0x2f: {  	[sflag:s12] =	ssyncadd.s32 $0xFFFFFCF0  }
0x30: {  	[tilespmem:s13], [sflag:$0x1] =	stream.linear.gather [hbm4b:s10+s3], $0xC400, $0x38;
	[tilespmem:$0xD810] =	vst v63  }
0x31: {  	_ =	swait.ge [sflag:s12], $0xC400  }
0x32: {  	[sflag:s12] =	ssyncset.done $0x0  }
0x33: {  	[sflag:s12] =	ssyncadd.s32 $0xFFFF3C00  }
0x34: {  	[spmem:s2] =	stream.indirect.scatter.add.f32 [tilespmem:s13], [sflag:$0x1], $0x40, s3, s13, $0xb8;
	[tilespmem:$0xD810] =	vst v63  }
0x35: {  	_ =	swait.ge [sflag:s12], $0xC400  }
0x36: {  	s16 =	sadd.s32 $0x1, s16;
	[sflag:s12] =	ssyncset.done $0x0  }
0x37: {  	p0 =	sne.s32 s16, s7;
	[sflag:s12] =	ssyncadd.s32 $0xFFFF3C00  }
.Ltmp1:
0x38: {  	[bflag:$0x0] =	sbarrier.arrive $0xFFFF;
	(pc) =	sbr.rel @p0 .LBB2_1-.Ltmp1, $4  }
0x39: {  	[hbm:s5], [sflag:s14] =	dma.local [spmem:s15], $0x110  }
0x3a: {  	_ =	swait.ge [sflag:s12], $0x110  }
0x3b: {  	[sflag:s12] =	ssyncset.done $0x0  }
0x3c: {  	[sflag:s12] =	ssyncadd.s32 $0xFFFFFEF0  }
0x3d: {  	_ =	sfence.sel $0x180000  }
0x3e: {  	[bflag:$0x0] =	sbarrier.arrive $0xFFFF  }
0x3f: {  	p0 =	sne.s32 s1, $0x0;
	_ =	strace $0x90000068  }
0x40: {  	s0 =	sadd.s32 @!p0 $0x100000, s0;
	[bflag:$0x2] =	sbarrier.arrive $0xFFFF  }
0x41: {  	[sflag:s0] =	ssyncadd.tile.s32 @!p0 $0x1;
	_ =	shalt  }
.Lfunc_end2:
_tile_overlayer_lowered:
.L_overlay_start_2:
0x42: {  	(tag) =	ssettag $0x2  }
0x43: {  	s0 =	rddreg [dreg:$0x0];
	s2 =	stileid.u32  }
0x44: {  	s1 =	rddreg [dreg:$0x1];
	p0 =	sne.s32 s2, $0x0  }
0x45: {  	s3 =	rddreg [dreg:$0x2];
	[bflag:$0x3] =	sbarrier.arrive $0xFFFF;
	s2 =	simm.s32 @!p0 $0x1C01  }
0x46: {  	[timem:s3], [sflag:s2] =	dma.local @!p0 [hbm:s0], s1  }
0x47: {  	s0 =	simm.s32 @!p0 $0x1  }
0x48: {  	_ =	swait.ge @!p0 [sflag:s0], s1  }
0x49: {  	s1 =	ssub.s32 @!p0 $0x0, s1;
	[sflag:s0] =	ssyncset.done @!p0 $0x0  }
0x4a: {  	[sflag:s0] =	ssyncadd.s32 @!p0 s1  }
0x4b: {  	[bflag:$0x3] =	sbarrier.arrive $0xFFFF  }
0x4c: {  	_ =	shalt  }

// kernel: kernel.38.cloned.1.call-start
scs
__scs_entry_jumppad:
0x0: {  	(pc) =	sbr.rel $0x88, $3  }
0x1: {  	(tag) =	ssettag $0x0;
	lr =	simm.s32 $0x1  }
0x2: {  	[smem:$0x3F8A] =	sst lr;
	_ =	strace $0xD0000000  }
0x3: {  	_ = 	snop  }
0x4: {  	_ = 	snop  }
0x5: {  	_ = 	snop  }
0x6: {  	_ = 	snop  }
0x7: {  	_ = 	snop  }
__scs_overlays_trampoline_lowered:
0x8: {  	[smem:$0x3F99] =	sst s0  }
0x9: {  	[smem:$0x3F9A] =	sst s1  }
0xa: {  	[smem:$0x3F9B] =	sst s2  }
0xb: {  	[smem:$0x3F9C] =	sst s3  }
0xc: {  	[smem:$0x3F9D] =	sst s4  }
0xd: {  	[smem:$0x3F9E] =	sst s5  }
0xe: {  	[smem:$0x3F9F] =	sst s6  }
0xf: {  	[smem:$0x3FA0] =	sst s7  }
0x10: {  	[smem:$0x3FA1] =	sst s8  }
0x11: {  	[smem:$0x3FA2] =	sst s9;
	s0 =	simm.s32 @!p0 $0x0  }
0x12: {  	s1 =	sld [smem:$0x3F88];
	s0 =	simm.s32 @p0 $0x1  }
0x13: {  	[smem:$0x3FA3] =	sst s0;
	s0 =	simm.s32 @!p1 $0x0  }
0x14: {  	s2 =	sld [smem:$0x3F87];
	s0 =	simm.s32 @p1 $0x1  }
0x15: {  	[smem:$0x3FA4] =	sst s0;
	s0 =	simm.s32 @!p2 $0x0  }
0x16: {  	s3 =	sld [smem:$0x3FDB];
	s0 =	simm.s32 @p2 $0x1  }
0x17: {  	s4 =	simm.s32 $0x1BF5;
	[smem:$0x3FA6] =	sst s0  }
0x18: {  	s0 =	sld [smem:$0x3F89];
	_ =	swait.ge [sflag:s4], $0x0  }
0x19: {  	s7 =	sld [smem:$0x3F8A]  }
0x1a: {  	s8 =	sadd.s32 $0xFFFFE003, lr  }
0x1b: {  	s9 =	sadd.s32 $0xFFFFFEF7, lr;
	s5 =	simm.s32 $0xFFFFFFFF;
	p2 =	slt.u32 s8, $0xFFFFF086  }
0x1c: {  	p1 =	slt.u32 s9, $0xF7A;
	s5 =	simm.s32 @!p2 $0x0  }
0x1d: {  	s5 =	simm.s32 @p1 $0x1;
	p0 =	seq.s32 s7, s2  }
0x1e: {  	s7 =	smul.u32 @!p0 $0xF7A, s2;
	p2 =	seq.s32 @!p0 s5, $0x0  }
0x1f: {  	s9 =	smul.u32 $0xF7A, s1;
	s8 =	simm.s32 @!p0 $0x1BF5;
	p2 =	por !p2, p0  }
0x20: {  	[sflag:s8] =	ssyncset.s32 @!p0 $0xFFFFF086;
	s6 =	sadd.s32 @!p0 s3, s7;
	s7 =	simm.s32 @!p0 $0x108  }
0x21: {  	s3 =	sadd.s32 s3, s9;
	s6 =	sadd.s32 @!p0 $0x88, s6;
	s7 =	simm.s32 @p2 $0x1082  }
0x22: {  	[simem:s7], [sflag:s8] =	dma.local @!p0 [hbm:s6], $0xF7A  }
0x23: {  	s9 =	sor.u32 $0xD0000000, s2;
	s6 =	simm.s32 $0x108;
	_ =	swait.ge @!p0 [sflag:s8], $0x0  }
0x24: {  	s3 =	sadd.s32 $0x88, s3;
	s6 =	simm.s32 @!p1 $0x1082;
	[sflag:s4] =	ssyncset.s32 $0xFFFFF086  }
0x25: {  	[simem:s6], [sflag:s4] =	dma.local [hbm:s3], $0xF7A  }
0x26: {  	[smem:$0x3F8A] =	sst s1;
	(tag) =	ssettag s2;
	_ =	strace s9  }
0x27: {  	s1 =	sld [smem:$0x3F9A]  }
0x28: {  	s2 =	sld [smem:$0x3F9B]  }
0x29: {  	s4 =	sld [smem:$0x3F9D]  }
0x2a: {  	p0 =	seq.s32 s5, $0x0;
	s5 =	sld [smem:$0x3F9E]  }
0x2b: {  	s6 =	sld [smem:$0x3F9F]  }
0x2c: {  	s7 =	sld [smem:$0x3FA0]  }
0x2d: {  	s3 =	simm.s32 $0x108;
	s8 =	sld [smem:$0x3FA1]  }
0x2e: {  	s3 =	simm.s32 @!p0 $0x1082;
	s9 =	sld [smem:$0x3FA2]  }
0x2f: {  	lr =	sadd.s32 s0, s3;
	s0 =	sld [smem:$0x3F99]  }
0x30: {  	s3 =	sld [smem:$0x3F9C]  }
0x31: {  	[smem:$0x3FA5] =	sst s10  }
0x32: {  	s10 =	sld [smem:$0x3FA3];
	_ =	sdelay $0x3  }
0x33: {  	p0 =	seq.s32 s10, $0x1;
	s10 =	sld [smem:$0x3FA5];
	_ =	sdelay $0x3  }
0x34: {  	[smem:$0x3FA5] =	sst s10  }
0x35: {  	s10 =	sld [smem:$0x3FA4];
	_ =	sdelay $0x3  }
0x36: {  	p1 =	seq.s32 s10, $0x1;
	s10 =	sld [smem:$0x3FA5];
	_ =	sdelay $0x3  }
0x37: {  	[smem:$0x3FA5] =	sst s10  }
0x38: {  	s10 =	sld [smem:$0x3FA6]  }
0x39: {  	_ = 	snop;
	(pc) =	sbr.ind lr, $3  }
0x3a: {  	_ = 	snop  }
0x3b: {  	_ = 	snop  }
0x3c: {  	p2 =	seq.s32 s10, $0x1;
	s10 =	sld [smem:$0x3FA5]  }
0x3d: {  	_ =	shalt  }
0x3e: {  	_ =	shalt  }
0x3f: {  	_ =	shalt  }
0x40: {  	_ =	shalt  }
0x41: {  	_ =	shalt  }
0x42: {  	_ =	shalt  }
0x43: {  	_ =	shalt  }
0x44: {  	_ =	shalt  }
0x45: {  	_ =	shalt  }
0x46: {  	_ =	shalt  }
0x47: {  	_ =	shalt  }
0x48: {  	_ =	shalt  }
0x49: {  	_ =	shalt  }
0x4a: {  	_ =	shalt  }
0x4b: {  	_ =	shalt  }
0x4c: {  	_ =	shalt  }
0x4d: {  	_ =	shalt  }
0x4e: {  	_ =	shalt  }
0x4f: {  	_ =	shalt  }
0x50: {  	_ =	shalt  }
0x51: {  	_ =	shalt  }
0x52: {  	_ =	shalt  }
0x53: {  	_ =	shalt  }
0x54: {  	_ =	shalt  }
0x55: {  	_ =	shalt  }
0x56: {  	_ =	shalt  }
0x57: {  	_ =	shalt  }
0x58: {  	_ =	shalt  }
0x59: {  	_ =	shalt  }
0x5a: {  	_ =	shalt  }
0x5b: {  	_ =	shalt  }
0x5c: {  	_ =	shalt  }
0x5d: {  	_ =	shalt  }
0x5e: {  	_ =	shalt  }
0x5f: {  	_ =	shalt  }
0x60: {  	_ =	shalt  }
0x61: {  	_ =	shalt  }
0x62: {  	_ =	shalt  }
0x63: {  	_ =	shalt  }
0x64: {  	_ =	shalt  }
0x65: {  	_ =	shalt  }
0x66: {  	_ =	shalt  }
0x67: {  	_ =	shalt  }
0x68: {  	_ =	shalt  }
0x69: {  	_ =	shalt  }
0x6a: {  	_ =	shalt  }
0x6b: {  	_ =	shalt  }
0x6c: {  	_ =	shalt  }
0x6d: {  	_ =	shalt  }
0x6e: {  	_ =	shalt  }
0x6f: {  	_ =	shalt  }
0x70: {  	_ =	shalt  }
0x71: {  	_ =	shalt  }
0x72: {  	_ =	shalt  }
0x73: {  	_ =	shalt  }
0x74: {  	_ =	shalt  }
0x75: {  	_ =	shalt  }
0x76: {  	_ =	shalt  }
0x77: {  	_ =	shalt  }
0x78: {  	_ =	shalt  }
0x79: {  	_ =	shalt  }
0x7a: {  	_ =	shalt  }
0x7b: {  	_ =	shalt  }
0x7c: {  	_ =	shalt  }
0x7d: {  	_ =	shalt  }
0x7e: {  	_ =	shalt  }
0x7f: {  	_ =	shalt  }
0x80: {  	_ =	shalt  }
0x81: {  	_ =	shalt  }
0x82: {  	_ =	shalt  }
0x83: {  	_ =	shalt  }
0x84: {  	_ =	shalt  }
0x85: {  	_ =	shalt  }
0x86: {  	_ =	shalt  }
0x87: {  	_ =	shalt  }
.Lfunc_end0:
.L_simem_size_0:
called_computation.4_lowered:
.L_overlay_start_0:
0x88: {  	s2 =	sld [smem:$0x3FD9]  }
0x89: {  	s3 =	sld [smem:$0x3FFE];
	_ =	sdelay $0x1  }
0x8a: {  	s1 =	srdreg.scid  }
0x8b: {  	s0 =	sand.u32 $0x1, s1  }
0x8c: {  	s17 =	sshll.u32 s0, $0xA;
	s2 =	sadd.s32 s3, s2  }
0x8d: {  	s2 =	sadd.s32 s2, s17  }
0x8e: {  	[smem:$0x3FB1] =	sst s2  }
0x8f: {  	_ = 	snop  }
0x90: {  	(tm) =	ssettm $0x1  }
0x91: {  	s18 =	sld [smem:$0x3FFB];
	_ =	sdelay $0x3  }
0x92: {  	_ =	strace s18  }
0x93: {  	s2 =	sld [smem:$0x3FFC];
	_ =	sdelay $0x3  }
0x94: {  	_ =	strace s2  }
0x95: {  	s2 =	sld [smem:$0x3FFD];
	_ =	sdelay $0x3  }
0x96: {  	_ =	strace s2  }
0x97: {  	_ =	strace $0x8FFFFFFF  }
0x98: {  	s19 =	sld [smem:$0x3FDB];
	_ =	sdelay $0x1  }
0x99: {  	s20 =	simm.s32 $_scs_section_size  }
0x9a: {  	s4 =	simm.s32 $_size__tile_overlayer_lowered;
	s5 =	simm.s32 $_tile_overlayer_lowered  }
0x9b: {  	s6 =	simm.s32 $0x1BFF;
	s21 =	sshll.u32 s5, $0x1;
	s3 =	sadd.s32 s20, s19  }
0x9c: {  	s22 =	simm.s32 $0x0;
	s4 =	sshll.u32 s4, $0x1;
	s5 =	sadd.s32 s21, s3  }
0x9d: {  	[timem:s22], [sflag:s6] =	dma.local [hbm:s5], s4  }
0x9e: {  	_ =	swait.ge [sflag:s6], s4  }
0x9f: {  	s4 =	ssub.s32 $0x0, s4;
	[sflag:s6] =	ssyncset.done $0x0  }
0xa0: {  	[sflag:s6] =	ssyncadd.s32 s4;
	_ =	sdelay $0x1  }
0xa1: {  	s23 =	simm.s32 $0x1B8B  }
0xa2: {  	_ =	swait.ge [sflag:s23], $0x1  }
0xa3: {  	[sflag:s23] =	ssyncset.done $0x0  }
0xa4: {  	[sflag:s23] =	ssyncadd.s32 $0xFFFFFFFF  }
0xa5: {  	s4 =	sld [smem:$0x0]  }
0xa6: {  	s5 =	sand.u32 $0xFFFFFFFE, s1  }
0xa7: {  	p0 =	sne.s32 s1, s5  }
0xa8: {  	s5 =	sshll.u32 @p0 s5, $0xE  }
0xa9: {  	s5 =	sadd.s32 @p0 $0x11B8D, s5;
	s6 =	sshll.u32 @p0 s4, $0x11  }
0xaa: {  	s5 =	sor.u32 @p0 s6, s5  }
0xab: {  	[sflag:s5] =	ssyncadd.remote.s32 @p0 $0x1;
	_ =	sdelay $0x1  }
0xac: {  	s5 =	simm.s32 @p0 $0x1B8D  }
0xad: {  	_ =	swait.eq @p0 [sflag:s5], $0x1  }
0xae: {  	[sflag:s5] =	ssyncadd.s32 @p0 $0xFFFFFFFF  }
0xaf: {  	s6 =	sshll.u32 @!p0 s1, $0xE  }
0xb0: {  	s6 =	sor.u32 @!p0 $0x4000, s6;
	s5 =	simm.s32 @!p0 $0x1B8D  }
0xb1: {  	s4 =	sshll.u32 @!p0 s4, $0x11;
	s6 =	sadd.s32 @!p0 $0x11B8D, s6;
	_ =	swait.eq @!p0 [sflag:s5], $0x1  }
0xb2: {  	s4 =	sor.u32 @!p0 s4, s6;
	[sflag:s5] =	ssyncadd.s32 @!p0 $0xFFFFFFFF  }
0xb3: {  	s25 =	simm.s32 $0x1B8E;
	s24 =	sld [smem:$0x3FFE];
	[sflag:s4] =	ssyncadd.remote.s32 @!p0 $0x1  }
0xb4: {  	s26 =	simm.s32 $execute0_lowered;
	[smem:$0x3FD2] =	sst s25  }
0xb5: {  	s5 =	sshll.u32 s26, $0x1;
	_ =	strace $0x80000049;
	[dreg:$0x1] =	wrdreg $0xFFFFFFFF  }
0xb6: {  	s28 =	simm.s32 $_size_execute0_lowered;
	s3 =	sadd.s32 s3, s5;
	[dreg:$0x0] =	wrdreg $0x0  }
0xb7: {  	s5 =	sshll.u32 s28, $0x1;
	[dreg:$0x2] =	wrdreg s3  }
0xb8: {  	[dreg:$0x3] =	wrdreg s5  }
0xb9: {  	[dreg:$0x4] =	wrdreg $0xC0  }
0xba: {  	_ =	task [dreg:s22], $0x5FFFF  }
0xbb: {  	[dreg:$0x1] =	wrdreg $0xFFFFFFFF  }
0xbc: {  	[dreg:$0x0] =	wrdreg $0x60  }
0xbd: {  	[dreg:$0x2] =	wrdreg s24  }
0xbe: {  	[dreg:$0x3] =	wrdreg $0x70800  }
0xbf: {  	[dreg:$0x4] =	wrdreg $0xA  }
0xc0: {  	_ =	task.clear_ibuf [dreg:s22], $0x5FFFF;
	_ =	strace $0x90000049  }
0xc1: {  	s29 =	simm.s32 $0xA;
	_ =	strace $0x8000004B  }
0xc2: {  	_ =	swait.ge [sflag:s29], $0x1  }
0xc3: {  	[sflag:s29] =	ssyncadd.s32 $0xFFFFFFFF  }
0xc4: {  	_ =	strace $0x9000004B  }
0xc5: {  	_ =	sfence  }
0xc6: {  	s30 =	sld [smem:$0x0];
	_ =	sdelay $0x2  }
0xc7: {  	s31 =	sshll.u32 s1, $0xD;
	s1 =	sshrl.u32 s1, $0x2  }
0xc8: {  	s4 =	sand.u32 $0x4000, s31;
	s1 =	sadd.s32 s1, s30  }
0xc9: {  	s0 =	sor.u32 s4, s0;
	s1 =	sshll.u32 s1, $0x11  }
0xca: {  	s0 =	sor.u32 s1, s0  }
0xcb: {  	s0 =	sadd.s32 $0x8F2B, s0  }
0xcc: {  	[sflag:s0] =	ssyncadd.remote.s32 $0x1  }
0xcd: {  	_ =	sfence.sel $0xFFFF  }
0xce: {  	[dreg:$0x0] =	wrdreg $0xFFFFFFFF;
	(pc) =	sbr.abs _section_cstart, $3  }
0xcf: {  	[dreg:$0x1] =	wrdreg $0xFFFFFFFF  }
0xd0: {  	_ =	task.clear_ibuf [dreg:s22], $0x2FFFF;
	_ =	strace $0x9FFFFFFF  }
0xd1: {  	(tm) =	ssettm $0x7FFFFFFF  }
tec
execute0_lowered:
.L_overlay_start_1:
0x0: {  	(tag) =	ssettag $0x1  }
0x1: {  	s0 =	rddreg [dreg:$0x0]  }
0x2: {  	s2 =	rddreg [dreg:$0x1];
	s1 =	srdreg.scid  }
0x3: {  	s9 =	stileid.u32;
	s3 =	simm.s32 $0x0;
	s19 =	simm.s32 $0xC80  }
0x4: {  	s20 =	simm.s32 $0x5;
	s21 =	simm.s32 $0x640;
	s22 =	simm.s32 $0x320  }
0x5: {  	s23 =	simm.s32 $0x960;
	s28 =	simm.s32 $0x3;
	s29 =	simm.s32 $0x4  }
0x6: {  	s30 =	simm.s32 $0x0;
	s1 =	sand.u32 $0x1, s1;
	s5 =	smul.u32 $0xC40, s9  }
0x7: {  	[smem:$0x7FF] =	sst s3;
	s4 =	sadd.s32 $0x9D400, s0;
	s7 =	smul.u32 $0x31000, s9  }
0x8: {  	s18 =	sadd.s32 $0x84400, s0;
	s17 =	sadd.s32 $0x6B400, s0;
	s31 =	smul.u32 $0x6400, s9  }
0x9: {  	s6 =	smul.u32 $0xC400, s1;
	_ =	strace $0x8000004A;
	s24 =	ssub.s32 $0x2, s1  }
0xa: {  	s1 =	smul.u32 $0x64000, s1;
	s25 =	sshrl.u32 s24, $0x1;
	s26 =	sshrl.u32 s7, $0x2  }
0xb: {  	s5 =	sadd.s32 s5, s6;
	s8 =	ssub.s32 s24, s25;
	s6 =	sadd.s32 s26, s2  }
0xc: {  	s24 =	simm.s32 $0x3E80;
	s25 =	simm.s32 $0x1;
	s26 =	simm.s32 $0x2  }
0xd: {  	s5 =	sshll.u32 s5, $0x1;
	s9 =	sadd.s32 $0x3100, s6;
	s10 =	sadd.s32 $0x4980, s6  }
0xe: {  	s11 =	sadd.s32 $0x6200, s6;
	s12 =	sadd.s32 $0x7A80, s6;
	s0 =	sadd.s32 s5, s0  }
0xf: {  	s13 =	sadd.s32 $0x9300, s6;
	s14 =	sadd.s32 $0xAB80, s6;
	s0 =	sadd.s32 $0x1A8200, s0  }
0x10: {  	s5 =	smax.u32 s8, $0x1;
	[dreg:$0x3] =	wrdreg s0;
	s0 =	sadd.s32 s31, s1  }
0x11: {  	s8 =	sadd.s32 $0x1880, s6;
	s1 =	sor.u32 $0x320, s0;
	s0 =	sshrl.u32 s0, $0x3  }
0x12: {  	[dreg:$0x4] =	wrdreg s5;
	s1 =	sshrl.u32 s1, $0x3;
	s15 =	sadd.s32 s0, s17  }
0x13: {  	v0 =	vimm.f32 $0.0e+00;
	s16 =	sadd.s32 s0, s18;
	s17 =	sadd.s32 s1, s17;
	s18 =	sadd.s32 s1, s18  }
.LBB2_1:
0x14: {  	s0 =	simm.s32 $0x40;
	s1 =	simm.s32 $0x0  }
.LBB2_2:
0x15: {  	p0 =	sne.s32 s0, $0x61C0;
	[tilespmem:s1+$0xC80] =	vst v0;
	s1 =	smov.u32 s0;
	s0 =	sadd.s32 $0x40, s0  }
.Ltmp0:
0x16: {  	(pc) =	sbr.rel @p0 .LBB2_2-.Ltmp0, $2  }
0x17: {  	_ =	sdelay $0x2  }
0x18: {  	s1 =	sshra.s32 s1, $0x2  }
0x19: {  	[tilespmem:s1+$0xC80] =	vst v0  }
0x1a: {  	[spmem:s6] =	stream.linear.scatter [tilespmem:s19], [sflag:$0x5], $0x1880, $0x38;
	[tilespmem:$0x13480] =	vst v63  }
0x1b: {  	_ =	swait.ge [sflag:s20], $0x1880  }
0x1c: {  	[sflag:s20] =	ssyncset.done $0x0  }
0x1d: {  	[sflag:s20] =	ssyncadd.s32 $0xFFFFE780  }
0x1e: {  	[spmem:s8] =	stream.linear.scatter [tilespmem:s19], [sflag:$0x5], $0x1880, $0x38;
	[tilespmem:$0x13480] =	vst v63  }
0x1f: {  	_ =	swait.ge [sflag:s20], $0x1880  }
0x20: {  	[sflag:s20] =	ssyncset.done $0x0  }
0x21: {  	[sflag:s20] =	ssyncadd.s32 $0xFFFFE780  }
0x22: {  	[spmem:s9] =	stream.linear.scatter [tilespmem:s19], [sflag:$0x5], $0x1880, $0x38;
	[tilespmem:$0x13480] =	vst v63  }
0x23: {  	_ =	swait.ge [sflag:s20], $0x1880  }
0x24: {  	[sflag:s20] =	ssyncset.done $0x0  }
0x25: {  	[sflag:s20] =	ssyncadd.s32 $0xFFFFE780  }
0x26: {  	[spmem:s10] =	stream.linear.scatter [tilespmem:s19], [sflag:$0x5], $0x1880, $0x38;
	[tilespmem:$0x13480] =	vst v63  }
0x27: {  	_ =	swait.ge [sflag:s20], $0x1880  }
0x28: {  	[sflag:s20] =	ssyncset.done $0x0  }
0x29: {  	[sflag:s20] =	ssyncadd.s32 $0xFFFFE780  }
0x2a: {  	[spmem:s11] =	stream.linear.scatter [tilespmem:s19], [sflag:$0x5], $0x1880, $0x38;
	[tilespmem:$0x13480] =	vst v63  }
0x2b: {  	_ =	swait.ge [sflag:s20], $0x1880  }
0x2c: {  	[sflag:s20] =	ssyncset.done $0x0  }
0x2d: {  	[sflag:s20] =	ssyncadd.s32 $0xFFFFE780  }
0x2e: {  	[spmem:s12] =	stream.linear.scatter [tilespmem:s19], [sflag:$0x5], $0x1880, $0x38;
	[tilespmem:$0x13480] =	vst v63  }
0x2f: {  	_ =	swait.ge [sflag:s20], $0x1880  }
0x30: {  	[sflag:s20] =	ssyncset.done $0x0  }
0x31: {  	[sflag:s20] =	ssyncadd.s32 $0xFFFFE780  }
0x32: {  	[spmem:s13] =	stream.linear.scatter [tilespmem:s19], [sflag:$0x5], $0x1880, $0x38;
	[tilespmem:$0x13480] =	vst v63  }
0x33: {  	_ =	swait.ge [sflag:s20], $0x1880  }
0x34: {  	[sflag:s20] =	ssyncset.done $0x0  }
0x35: {  	[sflag:s20] =	ssyncadd.s32 $0xFFFFE780  }
0x36: {  	[spmem:s14] =	stream.linear.scatter [tilespmem:s19], [sflag:$0x5], $0x1880, $0x38;
	[tilespmem:$0x13480] =	vst v63  }
0x37: {  	_ =	swait.ge [sflag:s20], $0x1880  }
0x38: {  	[sflag:s20] =	ssyncset.done $0x0  }
0x39: {  	[sflag:s20] =	ssyncadd.s32 $0xFFFFE780  }
0x3a: {  	s0 =	sadd.s32 $0x0, s16;
	[bflag:$0x0] =	sbarrier.arrive $0xFFFF  }
0x3b: {  	[tilespmem:s3], [sflag:$0x5] =	stream.linear.gather [hbm4b:s0+s3], $0x320, $0x38;
	[tilespmem:$0x13480] =	vst v63  }
0x3c: {  	_ =	swait.ge [sflag:s20], $0x320  }
0x3d: {  	[sflag:s20] =	ssyncset.done $0x0  }
0x3e: {  	s1 =	sadd.s32 $0x0, s15;
	[sflag:s20] =	ssyncadd.s32 $0xFFFFFCE0  }
0x3f: {  	[tilespmem:s21], [sflag:$0x5] =	stream.linear.gather [hbm4b:s1+s3], $0x320, $0x38;
	[tilespmem:$0x13480] =	vst v63  }
0x40: {  	_ =	swait.ge [sflag:s20], $0x320  }
0x41: {  	[sflag:s20] =	ssyncset.done $0x0  }
0x42: {  	[sflag:s20] =	ssyncadd.s32 $0xFFFFFCE0  }
0x43: {  	[tilespmem:s19], [sflag:$0x1] =	stream.indirect.gather [hbm4b:s4+s22], $0x10, s3, s22, $0xb8;
	[tilespmem:$0x13480] =	vst v63  }
0x44: {  	s5 =	sadd.s32 $0x0, s18  }
0x45: {  	[tilespmem:s22], [sflag:$0x5] =	stream.linear.gather [hbm4b:s5+s3], $0x320, $0x38;
	[tilespmem:$0x13480] =	vst v63  }
0x46: {  	_ =	swait.ge [sflag:s20], $0x320  }
0x47: {  	[sflag:s20] =	ssyncset.done $0x0  }
0x48: {  	s7 =	sadd.s32 $0x0, s17;
	[sflag:s20] =	ssyncadd.s32 $0xFFFFFCE0  }
0x49: {  	[tilespmem:s23], [sflag:$0x5] =	stream.linear.gather [hbm4b:s7+s3], $0x320, $0x38;
	[tilespmem:$0x13480] =	vst v63  }
0x4a: {  	_ =	swait.ge [sflag:s20], $0x320  }
0x4b: {  	[sflag:s20] =	ssyncset.done $0x0  }
0x4c: {  	[sflag:s20] =	ssyncadd.s32 $0xFFFFFCE0  }
0x4d: {  	[tilespmem:s24], [sflag:$0x2] =	stream.indirect.gather [hbm4b:s4+s22], $0x10, s22, s22, $0xb8;
	[tilespmem:$0x13480] =	vst v63  }
0x4e: {  	_ =	swait.ge [sflag:s25], $0x3200  }
0x4f: {  	[sflag:s25] =	ssyncset.done $0x0  }
0x50: {  	[sflag:s25] =	ssyncadd.s32 $0xFFFFCE00  }
0x51: {  	[spmem:s2] =	stream.indirect.scatter.add.f32 [tilespmem:s19], [sflag:$0x3], $0x10, s21, s22, $0xb8;
	[tilespmem:$0x13480] =	vst v63  }
0x52: {  	_ =	swait.ge [sflag:s26], $0x3200  }
0x53: {  	[sflag:s26] =	ssyncset.done $0x0  }
0x54: {  	[sflag:s26] =	ssyncadd.s32 $0xFFFFCE00  }
0x55: {  	[spmem:s2] =	stream.indirect.scatter.add.f32 [tilespmem:s24], [sflag:$0x4], $0x10, s23, s22, $0xb8;
	[tilespmem:$0x13480] =	vst v63  }
0x56: {  	_ =	swait.ge [sflag:s28], $0x3200  }
0x57: {  	[sflag:s28] =	ssyncset.done $0x0  }
0x58: {  	[sflag:s28] =	ssyncadd.s32 $0xFFFFCE00  }
0x59: {  	_ =	swait.ge [sflag:s29], $0x3200  }
0x5a: {  	s31 =	simm.s32 $0xC8;
	s0 =	simm.s32 $0x190;
	[sflag:s29] =	ssyncset.done $0x0  }
.LBB2_4:
0x5b: {  	s5 =	sadd.s32 s31, s16  }
0x5c: {  	[sflag:s29] =	ssyncadd.s32 $0xFFFFCE00;
	s7 =	smov.u32 s0;
	s1 =	sadd.s32 $0xC8, s0  }
0x5d: {  	[tilespmem:s3], [sflag:$0x5] =	stream.linear.gather [hbm4b:s5+s3], $0x320, $0x38;
	[tilespmem:$0x13480] =	vst v63  }
0x5e: {  	p0 =	sne.s32 s0, $0xBB8;
	_ =	swait.ge [sflag:s20], $0x320  }
0x5f: {  	[sflag:s20] =	ssyncset.done $0x0  }
0x60: {  	s0 =	sadd.s32 s31, s15;
	[sflag:s20] =	ssyncadd.s32 $0xFFFFFCE0  }
0x61: {  	[tilespmem:s21], [sflag:$0x5] =	stream.linear.gather [hbm4b:s0+s3], $0x320, $0x38;
	[tilespmem:$0x13480] =	vst v63  }
0x62: {  	_ =	swait.ge [sflag:s20], $0x320  }
0x63: {  	[sflag:s20] =	ssyncset.done $0x0  }
0x64: {  	[sflag:s20] =	ssyncadd.s32 $0xFFFFFCE0  }
0x65: {  	[tilespmem:s19], [sflag:$0x1] =	stream.indirect.gather [hbm4b:s4+s22], $0x10, s3, s22, $0xb8;
	[tilespmem:$0x13480] =	vst v63  }
0x66: {  	s0 =	sadd.s32 s31, s18  }
0x67: {  	[tilespmem:s22], [sflag:$0x5] =	stream.linear.gather [hbm4b:s0+s3], $0x320, $0x38;
	[tilespmem:$0x13480] =	vst v63  }
0x68: {  	_ =	swait.ge [sflag:s20], $0x320  }
0x69: {  	[sflag:s20] =	ssyncset.done $0x0  }
0x6a: {  	s0 =	sadd.s32 s31, s17;
	s31 =	smov.u32 s7;
	[sflag:s20] =	ssyncadd.s32 $0xFFFFFCE0  }
0x6b: {  	[tilespmem:s23], [sflag:$0x5] =	stream.linear.gather [hbm4b:s0+s3], $0x320, $0x38;
	[tilespmem:$0x13480] =	vst v63  }
0x6c: {  	_ =	swait.ge [sflag:s20], $0x320  }
0x6d: {  	[sflag:s20] =	ssyncset.done $0x0  }
0x6e: {  	[sflag:s20] =	ssyncadd.s32 $0xFFFFFCE0  }
0x6f: {  	[tilespmem:s24], [sflag:$0x2] =	stream.indirect.gather [hbm4b:s4+s22], $0x10, s22, s22, $0xb8;
	[tilespmem:$0x13480] =	vst v63  }
0x70: {  	_ =	swait.ge [sflag:s25], $0x3200  }
0x71: {  	[sflag:s25] =	ssyncset.done $0x0  }
0x72: {  	[sflag:s25] =	ssyncadd.s32 $0xFFFFCE00  }
0x73: {  	[spmem:s2] =	stream.indirect.scatter.add.f32 [tilespmem:s19], [sflag:$0x3], $0x10, s21, s22, $0xb8;
	[tilespmem:$0x13480] =	vst v63  }
0x74: {  	_ =	swait.ge [sflag:s26], $0x3200  }
0x75: {  	[sflag:s26] =	ssyncset.done $0x0  }
0x76: {  	[sflag:s26] =	ssyncadd.s32 $0xFFFFCE00  }
0x77: {  	[spmem:s2] =	stream.indirect.scatter.add.f32 [tilespmem:s24], [sflag:$0x4], $0x10, s23, s22, $0xb8;
	[tilespmem:$0x13480] =	vst v63  }
.Ltmp1:
0x78: {  	_ =	swait.ge [sflag:s28], $0x3200;
	(pc) =	sbr.rel @p0 .LBB2_4-.Ltmp1, $4  }
0x79: {  	[sflag:s28] =	ssyncset.done $0x0  }
0x7a: {  	[sflag:s28] =	ssyncadd.s32 $0xFFFFCE00  }
0x7b: {  	_ =	swait.ge [sflag:s29], $0x3200  }
0x7c: {  	s0 =	smov.u32 s1;
	[sflag:s29] =	ssyncset.done $0x0  }
0x7d: {  	s0 =	sadd.s32 s31, s16;
	[sflag:s29] =	ssyncadd.s32 $0xFFFFCE00  }
0x7e: {  	[tilespmem:s3], [sflag:$0x5] =	stream.linear.gather [hbm4b:s0+s3], $0x320, $0x38;
	[tilespmem:$0x13480] =	vst v63  }
0x7f: {  	_ =	swait.ge [sflag:s20], $0x320  }
0x80: {  	[sflag:s20] =	ssyncset.done $0x0  }
0x81: {  	s7 =	sadd.s32 s31, s15;
	[sflag:s20] =	ssyncadd.s32 $0xFFFFFCE0  }
0x82: {  	[tilespmem:s21], [sflag:$0x5] =	stream.linear.gather [hbm4b:s7+s3], $0x320, $0x38;
	[tilespmem:$0x13480] =	vst v63  }
0x83: {  	_ =	swait.ge [sflag:s20], $0x320  }
0x84: {  	[sflag:s20] =	ssyncset.done $0x0  }
0x85: {  	[sflag:s20] =	ssyncadd.s32 $0xFFFFFCE0  }
0x86: {  	[tilespmem:s19], [sflag:$0x1] =	stream.indirect.gather [hbm4b:s4+s22], $0x10, s3, s22, $0xb8;
	[tilespmem:$0x13480] =	vst v63  }
0x87: {  	s1 =	sadd.s32 s31, s18  }
0x88: {  	[tilespmem:s22], [sflag:$0x5] =	stream.linear.gather [hbm4b:s1+s3], $0x320, $0x38;
	[tilespmem:$0x13480] =	vst v63  }
0x89: {  	_ =	swait.ge [sflag:s20], $0x320  }
0x8a: {  	[sflag:s20] =	ssyncset.done $0x0  }
0x8b: {  	s5 =	sadd.s32 s31, s17;
	[sflag:s20] =	ssyncadd.s32 $0xFFFFFCE0  }
0x8c: {  	[tilespmem:s23], [sflag:$0x5] =	stream.linear.gather [hbm4b:s5+s3], $0x320, $0x38;
	[tilespmem:$0x13480] =	vst v63  }
0x8d: {  	_ =	swait.ge [sflag:s20], $0x320  }
0x8e: {  	[sflag:s20] =	ssyncset.done $0x0  }
0x8f: {  	[sflag:s20] =	ssyncadd.s32 $0xFFFFFCE0  }
0x90: {  	[tilespmem:s24], [sflag:$0x2] =	stream.indirect.gather [hbm4b:s4+s22], $0x10, s22, s22, $0xb8;
	[tilespmem:$0x13480] =	vst v63  }
0x91: {  	_ =	swait.ge [sflag:s25], $0x3200  }
0x92: {  	[sflag:s25] =	ssyncset.done $0x0  }
0x93: {  	[sflag:s25] =	ssyncadd.s32 $0xFFFFCE00  }
0x94: {  	[spmem:s2] =	stream.indirect.scatter.add.f32 [tilespmem:s19], [sflag:$0x3], $0x10, s21, s22, $0xb8;
	[tilespmem:$0x13480] =	vst v63  }
0x95: {  	_ =	swait.ge [sflag:s26], $0x3200  }
0x96: {  	[sflag:s26] =	ssyncset.done $0x0  }
0x97: {  	[sflag:s26] =	ssyncadd.s32 $0xFFFFCE00  }
0x98: {  	[spmem:s2] =	stream.indirect.scatter.add.f32 [tilespmem:s24], [sflag:$0x4], $0x10, s23, s22, $0xb8;
	[tilespmem:$0x13480] =	vst v63  }
0x99: {  	_ =	swait.ge [sflag:s28], $0x3200  }
0x9a: {  	[sflag:s28] =	ssyncset.done $0x0  }
0x9b: {  	[sflag:s28] =	ssyncadd.s32 $0xFFFFCE00  }
0x9c: {  	_ =	swait.ge [sflag:s29], $0x3200  }
0x9d: {  	[sflag:s29] =	ssyncset.done $0x0  }
0x9e: {  	s7 =	stileid.u32;
	[sflag:s29] =	ssyncadd.s32 $0xFFFFCE00  }
0x9f: {  	s0 =	sshll.u32 s7, $0x6;
	[bflag:$0x0] =	sbarrier.arrive $0xFFFF  }
0xa0: {  	s0 =	sor.u32 $0x1C05, s0;
	s1 =	sshrl.u32 s6, $0x3;
	s5 =	rddreg [dreg:$0x3]  }
0xa1: {  	[hbm:s5], [sflag:s0] =	dma.local [spmem:s1], $0x1880  }
0xa2: {  	_ =	swait.ge [sflag:s20], $0x1880  }
0xa3: {  	s30 =	sadd.s32 $0x1, s30;
	s31 =	rddreg [dreg:$0x4]  }
0xa4: {  	p0 =	sne.s32 s30, s31  }
.Ltmp2:
0xa5: {  	_ = 	snop;
	(pc) =	sbr.rel @p0 .LBB2_1-.Ltmp2, $3  }
0xa6: {  	_ =	sdelay $0x1  }
0xa7: {  	[sflag:s20] =	ssyncset.done $0x0  }
0xa8: {  	[sflag:s20] =	ssyncadd.s32 $0xFFFFE780  }
0xa9: {  	_ =	sfence.sel $0x180000  }
0xaa: {  	[bflag:$0x0] =	sbarrier.arrive $0xFFFF  }
0xab: {  	_ =	strace $0x9000004A  }
0xac: {  	s0 =	stileid.u32;
	[bflag:$0x2] =	sbarrier.arrive $0xFFFF  }
0xad: {  	p0 =	sne.s32 s0, $0x0;
	s0 =	rddreg [dreg:$0x2]  }
0xae: {  	s0 =	sadd.s32 @!p0 $0x100000, s0  }
0xaf: {  	[sflag:s0] =	ssyncadd.tile.s32 @!p0 $0x1;
	_ =	shalt  }
.Lfunc_end2:
_tile_overlayer_lowered:
.L_overlay_start_2:
0xb0: {  	(tag) =	ssettag $0x2  }
0xb1: {  	s0 =	rddreg [dreg:$0x0];
	s2 =	stileid.u32  }
0xb2: {  	s1 =	rddreg [dreg:$0x1];
	p0 =	sne.s32 s2, $0x0  }
0xb3: {  	s3 =	rddreg [dreg:$0x2];
	[bflag:$0x3] =	sbarrier.arrive $0xFFFF;
	s2 =	simm.s32 @!p0 $0x1C05  }
0xb4: {  	[timem:s3], [sflag:s2] =	dma.local @!p0 [hbm:s0], s1  }
0xb5: {  	s0 =	simm.s32 @!p0 $0x5  }
0xb6: {  	_ =	swait.ge @!p0 [sflag:s0], s1  }
0xb7: {  	s1 =	ssub.s32 @!p0 $0x0, s1;
	[sflag:s0] =	ssyncset.done @!p0 $0x0  }
0xb8: {  	[sflag:s0] =	ssyncadd.s32 @!p0 s1  }
0xb9: {  	[bflag:$0x3] =	sbarrier.arrive $0xFFFF  }
0xba: {  	_ =	shalt  }

// kernel: kernel.41.cloned.1.call-start
scs
__scs_entry_jumppad:
0x0: {  	(pc) =	sbr.rel $0x88, $3  }
0x1: {  	(tag) =	ssettag $0x0;
	lr =	simm.s32 $0x1  }
0x2: {  	[smem:$0x3F8A] =	sst lr;
	_ =	strace $0xD0000000  }
0x3: {  	_ = 	snop  }
0x4: {  	_ = 	snop  }
0x5: {  	_ = 	snop  }
0x6: {  	_ = 	snop  }
0x7: {  	_ = 	snop  }
__scs_overlays_trampoline_lowered:
0x8: {  	[smem:$0x3F99] =	sst s0  }
0x9: {  	[smem:$0x3F9A] =	sst s1  }
0xa: {  	[smem:$0x3F9B] =	sst s2  }
0xb: {  	[smem:$0x3F9C] =	sst s3  }
0xc: {  	[smem:$0x3F9D] =	sst s4  }
0xd: {  	[smem:$0x3F9E] =	sst s5  }
0xe: {  	[smem:$0x3F9F] =	sst s6  }
0xf: {  	[smem:$0x3FA0] =	sst s7  }
0x10: {  	[smem:$0x3FA1] =	sst s8  }
0x11: {  	[smem:$0x3FA2] =	sst s9;
	s0 =	simm.s32 @!p0 $0x0  }
0x12: {  	s1 =	sld [smem:$0x3F88];
	s0 =	simm.s32 @p0 $0x1  }
0x13: {  	[smem:$0x3FA3] =	sst s0;
	s0 =	simm.s32 @!p1 $0x0  }
0x14: {  	s2 =	sld [smem:$0x3F87];
	s0 =	simm.s32 @p1 $0x1  }
0x15: {  	[smem:$0x3FA4] =	sst s0;
	s0 =	simm.s32 @!p2 $0x0  }
0x16: {  	s3 =	sld [smem:$0x3FDB];
	s0 =	simm.s32 @p2 $0x1  }
0x17: {  	s4 =	simm.s32 $0x1BF5;
	[smem:$0x3FA6] =	sst s0  }
0x18: {  	s0 =	sld [smem:$0x3F89];
	_ =	swait.ge [sflag:s4], $0x0  }
0x19: {  	s7 =	sld [smem:$0x3F8A]  }
0x1a: {  	s8 =	sadd.s32 $0xFFFFE003, lr  }
0x1b: {  	s9 =	sadd.s32 $0xFFFFFEF7, lr;
	s5 =	simm.s32 $0xFFFFFFFF;
	p2 =	slt.u32 s8, $0xFFFFF086  }
0x1c: {  	p1 =	slt.u32 s9, $0xF7A;
	s5 =	simm.s32 @!p2 $0x0  }
0x1d: {  	s5 =	simm.s32 @p1 $0x1;
	p0 =	seq.s32 s7, s2  }
0x1e: {  	s7 =	smul.u32 @!p0 $0xF7A, s2;
	p2 =	seq.s32 @!p0 s5, $0x0  }
0x1f: {  	s9 =	smul.u32 $0xF7A, s1;
	s8 =	simm.s32 @!p0 $0x1BF5;
	p2 =	por !p2, p0  }
0x20: {  	[sflag:s8] =	ssyncset.s32 @!p0 $0xFFFFF086;
	s6 =	sadd.s32 @!p0 s3, s7;
	s7 =	simm.s32 @!p0 $0x108  }
0x21: {  	s3 =	sadd.s32 s3, s9;
	s6 =	sadd.s32 @!p0 $0x88, s6;
	s7 =	simm.s32 @p2 $0x1082  }
0x22: {  	[simem:s7], [sflag:s8] =	dma.local @!p0 [hbm:s6], $0xF7A  }
0x23: {  	s9 =	sor.u32 $0xD0000000, s2;
	s6 =	simm.s32 $0x108;
	_ =	swait.ge @!p0 [sflag:s8], $0x0  }
0x24: {  	s3 =	sadd.s32 $0x88, s3;
	s6 =	simm.s32 @!p1 $0x1082;
	[sflag:s4] =	ssyncset.s32 $0xFFFFF086  }
0x25: {  	[simem:s6], [sflag:s4] =	dma.local [hbm:s3], $0xF7A  }
0x26: {  	[smem:$0x3F8A] =	sst s1;
	(tag) =	ssettag s2;
	_ =	strace s9  }
0x27: {  	s1 =	sld [smem:$0x3F9A]  }
0x28: {  	s2 =	sld [smem:$0x3F9B]  }
0x29: {  	s4 =	sld [smem:$0x3F9D]  }
0x2a: {  	p0 =	seq.s32 s5, $0x0;
	s5 =	sld [smem:$0x3F9E]  }
0x2b: {  	s6 =	sld [smem:$0x3F9F]  }
0x2c: {  	s7 =	sld [smem:$0x3FA0]  }
0x2d: {  	s3 =	simm.s32 $0x108;
	s8 =	sld [smem:$0x3FA1]  }
0x2e: {  	s3 =	simm.s32 @!p0 $0x1082;
	s9 =	sld [smem:$0x3FA2]  }
0x2f: {  	lr =	sadd.s32 s0, s3;
	s0 =	sld [smem:$0x3F99]  }
0x30: {  	s3 =	sld [smem:$0x3F9C]  }
0x31: {  	[smem:$0x3FA5] =	sst s10  }
0x32: {  	s10 =	sld [smem:$0x3FA3];
	_ =	sdelay $0x3  }
0x33: {  	p0 =	seq.s32 s10, $0x1;
	s10 =	sld [smem:$0x3FA5];
	_ =	sdelay $0x3  }
0x34: {  	[smem:$0x3FA5] =	sst s10  }
0x35: {  	s10 =	sld [smem:$0x3FA4];
	_ =	sdelay $0x3  }
0x36: {  	p1 =	seq.s32 s10, $0x1;
	s10 =	sld [smem:$0x3FA5];
	_ =	sdelay $0x3  }
0x37: {  	[smem:$0x3FA5] =	sst s10  }
0x38: {  	s10 =	sld [smem:$0x3FA6]  }
0x39: {  	_ = 	snop;
	(pc) =	sbr.ind lr, $3  }
0x3a: {  	_ = 	snop  }
0x3b: {  	_ = 	snop  }
0x3c: {  	p2 =	seq.s32 s10, $0x1;
	s10 =	sld [smem:$0x3FA5]  }
0x3d: {  	_ =	shalt  }
0x3e: {  	_ =	shalt  }
0x3f: {  	_ =	shalt  }
0x40: {  	_ =	shalt  }
0x41: {  	_ =	shalt  }
0x42: {  	_ =	shalt  }
0x43: {  	_ =	shalt  }
0x44: {  	_ =	shalt  }
0x45: {  	_ =	shalt  }
0x46: {  	_ =	shalt  }
0x47: {  	_ =	shalt  }
0x48: {  	_ =	shalt  }
0x49: {  	_ =	shalt  }
0x4a: {  	_ =	shalt  }
0x4b: {  	_ =	shalt  }
0x4c: {  	_ =	shalt  }
0x4d: {  	_ =	shalt  }
0x4e: {  	_ =	shalt  }
0x4f: {  	_ =	shalt  }
0x50: {  	_ =	shalt  }
0x51: {  	_ =	shalt  }
0x52: {  	_ =	shalt  }
0x53: {  	_ =	shalt  }
0x54: {  	_ =	shalt  }
0x55: {  	_ =	shalt  }
0x56: {  	_ =	shalt  }
0x57: {  	_ =	shalt  }
0x58: {  	_ =	shalt  }
0x59: {  	_ =	shalt  }
0x5a: {  	_ =	shalt  }
0x5b: {  	_ =	shalt  }
0x5c: {  	_ =	shalt  }
0x5d: {  	_ =	shalt  }
0x5e: {  	_ =	shalt  }
0x5f: {  	_ =	shalt  }
0x60: {  	_ =	shalt  }
0x61: {  	_ =	shalt  }
0x62: {  	_ =	shalt  }
0x63: {  	_ =	shalt  }
0x64: {  	_ =	shalt  }
0x65: {  	_ =	shalt  }
0x66: {  	_ =	shalt  }
0x67: {  	_ =	shalt  }
0x68: {  	_ =	shalt  }
0x69: {  	_ =	shalt  }
0x6a: {  	_ =	shalt  }
0x6b: {  	_ =	shalt  }
0x6c: {  	_ =	shalt  }
0x6d: {  	_ =	shalt  }
0x6e: {  	_ =	shalt  }
0x6f: {  	_ =	shalt  }
0x70: {  	_ =	shalt  }
0x71: {  	_ =	shalt  }
0x72: {  	_ =	shalt  }
0x73: {  	_ =	shalt  }
0x74: {  	_ =	shalt  }
0x75: {  	_ =	shalt  }
0x76: {  	_ =	shalt  }
0x77: {  	_ =	shalt  }
0x78: {  	_ =	shalt  }
0x79: {  	_ =	shalt  }
0x7a: {  	_ =	shalt  }
0x7b: {  	_ =	shalt  }
0x7c: {  	_ =	shalt  }
0x7d: {  	_ =	shalt  }
0x7e: {  	_ =	shalt  }
0x7f: {  	_ =	shalt  }
0x80: {  	_ =	shalt  }
0x81: {  	_ =	shalt  }
0x82: {  	_ =	shalt  }
0x83: {  	_ =	shalt  }
0x84: {  	_ =	shalt  }
0x85: {  	_ =	shalt  }
0x86: {  	_ =	shalt  }
0x87: {  	_ =	shalt  }
.Lfunc_end0:
.L_simem_size_0:
called_computation.5_lowered:
.L_overlay_start_0:
0x88: {  	s2 =	sld [smem:$0x3FD9]  }
0x89: {  	s3 =	sld [smem:$0x3FFE];
	_ =	sdelay $0x1  }
0x8a: {  	s1 =	srdreg.scid  }
0x8b: {  	s0 =	sand.u32 $0x1, s1  }
0x8c: {  	s17 =	sshll.u32 s0, $0xA;
	s2 =	sadd.s32 s3, s2  }
0x8d: {  	s2 =	sadd.s32 s2, s17  }
0x8e: {  	[smem:$0x3FB1] =	sst s2  }
0x8f: {  	_ = 	snop  }
0x90: {  	(tm) =	ssettm $0x1  }
0x91: {  	s18 =	sld [smem:$0x3FFB];
	_ =	sdelay $0x3  }
0x92: {  	_ =	strace s18  }
0x93: {  	s2 =	sld [smem:$0x3FFC];
	_ =	sdelay $0x3  }
0x94: {  	_ =	strace s2  }
0x95: {  	s2 =	sld [smem:$0x3FFD];
	_ =	sdelay $0x3  }
0x96: {  	_ =	strace s2  }
0x97: {  	_ =	strace $0x8FFFFFFF  }
0x98: {  	s19 =	sld [smem:$0x3FDB];
	_ =	sdelay $0x1  }
0x99: {  	s20 =	simm.s32 $_scs_section_size  }
0x9a: {  	s4 =	simm.s32 $_size__tile_overlayer_lowered;
	s5 =	simm.s32 $_tile_overlayer_lowered  }
0x9b: {  	s6 =	simm.s32 $0x1BFF;
	s21 =	sshll.u32 s5, $0x1;
	s3 =	sadd.s32 s20, s19  }
0x9c: {  	s22 =	simm.s32 $0x0;
	s4 =	sshll.u32 s4, $0x1;
	s5 =	sadd.s32 s21, s3  }
0x9d: {  	[timem:s22], [sflag:s6] =	dma.local [hbm:s5], s4  }
0x9e: {  	_ =	swait.ge [sflag:s6], s4  }
0x9f: {  	s4 =	ssub.s32 $0x0, s4;
	[sflag:s6] =	ssyncset.done $0x0  }
0xa0: {  	[sflag:s6] =	ssyncadd.s32 s4;
	_ =	sdelay $0x1  }
0xa1: {  	s23 =	simm.s32 $0x1B8B  }
0xa2: {  	_ =	swait.ge [sflag:s23], $0x1  }
0xa3: {  	[sflag:s23] =	ssyncset.done $0x0  }
0xa4: {  	[sflag:s23] =	ssyncadd.s32 $0xFFFFFFFF  }
0xa5: {  	s4 =	sld [smem:$0x0]  }
0xa6: {  	s5 =	sand.u32 $0xFFFFFFFE, s1  }
0xa7: {  	p0 =	sne.s32 s1, s5  }
0xa8: {  	s5 =	sshll.u32 @p0 s5, $0xE  }
0xa9: {  	s5 =	sadd.s32 @p0 $0x11B8D, s5;
	s6 =	sshll.u32 @p0 s4, $0x11  }
0xaa: {  	s5 =	sor.u32 @p0 s6, s5  }
0xab: {  	[sflag:s5] =	ssyncadd.remote.s32 @p0 $0x1;
	_ =	sdelay $0x1  }
0xac: {  	s5 =	simm.s32 @p0 $0x1B8D  }
0xad: {  	_ =	swait.eq @p0 [sflag:s5], $0x1  }
0xae: {  	[sflag:s5] =	ssyncadd.s32 @p0 $0xFFFFFFFF  }
0xaf: {  	s6 =	sshll.u32 @!p0 s1, $0xE  }
0xb0: {  	s6 =	sor.u32 @!p0 $0x4000, s6;
	s5 =	simm.s32 @!p0 $0x1B8D  }
0xb1: {  	s4 =	sshll.u32 @!p0 s4, $0x11;
	s6 =	sadd.s32 @!p0 $0x11B8D, s6;
	_ =	swait.eq @!p0 [sflag:s5], $0x1  }
0xb2: {  	s4 =	sor.u32 @!p0 s4, s6;
	[sflag:s5] =	ssyncadd.s32 @!p0 $0xFFFFFFFF  }
0xb3: {  	s25 =	simm.s32 $0x1B8E;
	s24 =	sld [smem:$0x3FFE];
	[sflag:s4] =	ssyncadd.remote.s32 @!p0 $0x1  }
0xb4: {  	s26 =	simm.s32 $execute0_lowered;
	[smem:$0x3FD2] =	sst s25  }
0xb5: {  	s5 =	sshll.u32 s26, $0x1;
	_ =	strace $0x80000052;
	[dreg:$0x1] =	wrdreg $0xFFFFFFFF  }
0xb6: {  	s28 =	simm.s32 $_size_execute0_lowered;
	s3 =	sadd.s32 s3, s5;
	[dreg:$0x0] =	wrdreg $0x0  }
0xb7: {  	s5 =	sshll.u32 s28, $0x1;
	[dreg:$0x2] =	wrdreg s3  }
0xb8: {  	[dreg:$0x3] =	wrdreg s5  }
0xb9: {  	[dreg:$0x4] =	wrdreg $0xC0  }
0xba: {  	_ =	task [dreg:s22], $0x5FFFF  }
0xbb: {  	[dreg:$0x1] =	wrdreg $0xFFFFFFFF  }
0xbc: {  	[dreg:$0x0] =	wrdreg $0x60  }
0xbd: {  	[dreg:$0x2] =	wrdreg s24  }
0xbe: {  	[dreg:$0x3] =	wrdreg $0x6A400  }
0xbf: {  	[dreg:$0x4] =	wrdreg $0xA  }
0xc0: {  	_ =	task.clear_ibuf [dreg:s22], $0x5FFFF;
	_ =	strace $0x90000052  }
0xc1: {  	s29 =	simm.s32 $0xA;
	_ =	strace $0x80000054  }
0xc2: {  	_ =	swait.ge [sflag:s29], $0x1  }
0xc3: {  	[sflag:s29] =	ssyncadd.s32 $0xFFFFFFFF  }
0xc4: {  	_ =	strace $0x90000054  }
0xc5: {  	_ =	sfence  }
0xc6: {  	s30 =	sld [smem:$0x0];
	_ =	sdelay $0x2  }
0xc7: {  	s31 =	sshll.u32 s1, $0xD;
	s1 =	sshrl.u32 s1, $0x2  }
0xc8: {  	s4 =	sand.u32 $0x4000, s31;
	s1 =	sadd.s32 s1, s30  }
0xc9: {  	s0 =	sor.u32 s4, s0;
	s1 =	sshll.u32 s1, $0x11  }
0xca: {  	s0 =	sor.u32 s1, s0  }
0xcb: {  	s0 =	sadd.s32 $0x8F2B, s0  }
0xcc: {  	[sflag:s0] =	ssyncadd.remote.s32 $0x1  }
0xcd: {  	_ =	sfence.sel $0xFFFF  }
0xce: {  	[dreg:$0x0] =	wrdreg $0xFFFFFFFF;
	(pc) =	sbr.abs _section_cstart, $3  }
0xcf: {  	[dreg:$0x1] =	wrdreg $0xFFFFFFFF  }
0xd0: {  	_ =	task.clear_ibuf [dreg:s22], $0x2FFFF;
	_ =	strace $0x9FFFFFFF  }
0xd1: {  	(tm) =	ssettm $0x7FFFFFFF  }
tec
execute0_lowered:
.L_overlay_start_1:
0x0: {  	(tag) =	ssettag $0x1  }
0x1: {  	s0 =	rddreg [dreg:$0x0]  }
0x2: {  	s2 =	rddreg [dreg:$0x1];
	s1 =	srdreg.scid  }
0x3: {  	s11 =	stileid.u32;
	s3 =	simm.s32 $0x0;
	s18 =	simm.s32 $0x640  }
0x4: {  	s19 =	simm.s32 $0x5;
	s20 =	simm.s32 $0x320;
	s21 =	simm.s32 $0x190  }
0x5: {  	s22 =	simm.s32 $0x4B0;
	s23 =	simm.s32 $0x3840;
	s24 =	simm.s32 $0x1  }
0x6: {  	s25 =	simm.s32 $0x2;
	s26 =	simm.s32 $0x3;
	s6 =	smul.u32 $0xC40, s11  }
0x7: {  	s28 =	simm.s32 $0x4;
	s1 =	sand.u32 $0x1, s1;
	s9 =	smul.u32 $0x62000, s11  }
0x8: {  	[smem:$0x7FF] =	sst s3;
	s4 =	sadd.s32 $0x9D400, s0;
	s7 =	smul.u32 $0xC400, s1  }
0x9: {  	s5 =	sadd.s32 $0x84400, s0;
	_ =	strace $0x80000053;
	s8 =	ssub.s32 $0x2, s1  }
0xa: {  	s10 =	sshrl.u32 s8, $0x1;
	s9 =	sshrl.u32 s9, $0x2;
	s7 =	sadd.s32 s6, s7  }
0xb: {  	s6 =	sadd.s32 $0x6B400, s0;
	s10 =	ssub.s32 s8, s10;
	s9 =	sadd.s32 s9, s2  }
0xc: {  	s7 =	sshll.u32 s7, $0x2;
	s10 =	smax.u32 s10, $0x1;
	s12 =	sadd.s32 $0x6200, s9  }
0xd: {  	s13 =	sadd.s32 $0x9300, s9;
	s14 =	sadd.s32 $0xC400, s9;
	s15 =	sadd.s32 $0xF500, s9  }
0xe: {  	s16 =	sadd.s32 $0x12600, s9;
	s17 =	sadd.s32 $0x15700, s9;
	s0 =	sadd.s32 s7, s0  }
0xf: {  	v1 =	vimm.f32 $0.0e+00;
	v0 =	vmov s1;
	s7 =	smul.u32 $0xC800, s11;
	s11 =	sadd.s32 $0x3100, s9;
	s8 =	sadd.s32 $0xFF400, s0  }
.LBB2_1:
0x10: {  	s0 =	simm.s32 $0x80;
	s1 =	simm.s32 $0x0  }
.LBB2_2:
0x11: {  	p0 =	sne.s32 s0, $0xC380;
	[tilespmem:s1+$0x640] =	vst v1;
	s29 =	smov.u32 s0;
	s0 =	sadd.s32 $0x80, s0  }
.Ltmp0:
0x12: {  	[tilespmem:s1+$0x650] =	vst v1;
	(pc) =	sbr.rel @p0 .LBB2_2-.Ltmp0, $2  }
0x13: {  	_ =	sdelay $0x2  }
0x14: {  	s1 =	sshra.s32 s29, $0x2  }
0x15: {  	[tilespmem:s1+$0x640] =	vst v1  }
0x16: {  	[tilespmem:s1+$0x650] =	vst v1  }
0x17: {  	[spmem:s9] =	stream.linear.scatter [tilespmem:s18], [sflag:$0x5], $0x3100, $0x38;
	[tilespmem:$0x1F240] =	vst v63  }
0x18: {  	_ =	swait.ge [sflag:s19], $0x3100  }
0x19: {  	[sflag:s19] =	ssyncset.done $0x0  }
0x1a: {  	[sflag:s19] =	ssyncadd.s32 $0xFFFFCF00  }
0x1b: {  	[spmem:s11] =	stream.linear.scatter [tilespmem:s18], [sflag:$0x5], $0x3100, $0x38;
	[tilespmem:$0x1F240] =	vst v63  }
0x1c: {  	_ =	swait.ge [sflag:s19], $0x3100  }
0x1d: {  	[sflag:s19] =	ssyncset.done $0x0  }
0x1e: {  	[sflag:s19] =	ssyncadd.s32 $0xFFFFCF00  }
0x1f: {  	[spmem:s12] =	stream.linear.scatter [tilespmem:s18], [sflag:$0x5], $0x3100, $0x38;
	[tilespmem:$0x1F240] =	vst v63  }
0x20: {  	_ =	swait.ge [sflag:s19], $0x3100  }
0x21: {  	[sflag:s19] =	ssyncset.done $0x0  }
0x22: {  	[sflag:s19] =	ssyncadd.s32 $0xFFFFCF00  }
0x23: {  	[spmem:s13] =	stream.linear.scatter [tilespmem:s18], [sflag:$0x5], $0x3100, $0x38;
	[tilespmem:$0x1F240] =	vst v63  }
0x24: {  	_ =	swait.ge [sflag:s19], $0x3100  }
0x25: {  	[sflag:s19] =	ssyncset.done $0x0  }
0x26: {  	[sflag:s19] =	ssyncadd.s32 $0xFFFFCF00  }
0x27: {  	[spmem:s14] =	stream.linear.scatter [tilespmem:s18], [sflag:$0x5], $0x3100, $0x38;
	[tilespmem:$0x1F240] =	vst v63  }
0x28: {  	_ =	swait.ge [sflag:s19], $0x3100  }
0x29: {  	[sflag:s19] =	ssyncset.done $0x0  }
0x2a: {  	[sflag:s19] =	ssyncadd.s32 $0xFFFFCF00  }
0x2b: {  	[spmem:s15] =	stream.linear.scatter [tilespmem:s18], [sflag:$0x5], $0x3100, $0x38;
	[tilespmem:$0x1F240] =	vst v63  }
0x2c: {  	_ =	swait.ge [sflag:s19], $0x3100  }
0x2d: {  	[sflag:s19] =	ssyncset.done $0x0  }
0x2e: {  	[sflag:s19] =	ssyncadd.s32 $0xFFFFCF00  }
0x2f: {  	[spmem:s16] =	stream.linear.scatter [tilespmem:s18], [sflag:$0x5], $0x3100, $0x38;
	[tilespmem:$0x1F240] =	vst v63  }
0x30: {  	_ =	swait.ge [sflag:s19], $0x3100  }
0x31: {  	[sflag:s19] =	ssyncset.done $0x0  }
0x32: {  	[sflag:s19] =	ssyncadd.s32 $0xFFFFCF00  }
0x33: {  	[spmem:s17] =	stream.linear.scatter [tilespmem:s18], [sflag:$0x5], $0x3100, $0x38;
	[tilespmem:$0x1F240] =	vst v63  }
0x34: {  	_ =	swait.ge [sflag:s19], $0x3100  }
0x35: {  	[sflag:s19] =	ssyncset.done $0x0  }
0x36: {  	[sflag:s19] =	ssyncadd.s32 $0xFFFFCF00  }
0x37: {  	s29 =	simm.s32 $0x0;
	s30 =	simm.s32 $0x0;
	[bflag:$0x0] =	sbarrier.arrive $0xFFFF  }
.LBB2_4:
0x38: {  	s0 =	smul.u32 $0x320, s30;
	_ =	sdelay $0x1  }
0x39: {  	s0 =	sadd.s32 s7, s0  }
0x3a: {  	s31 =	sshrl.u32 s0, $0x3  }
0x3b: {  	s0 =	sadd.s32 s5, s31  }
0x3c: {  	[tilespmem:s29], [sflag:$0x5] =	stream.linear.gather [hbm4b:s0+s29], $0x190, $0x38;
	[tilespmem:$0x1F240] =	vst v63  }
0x3d: {  	_ =	swait.ge [sflag:s19], $0x190  }
0x3e: {  	[sflag:s19] =	ssyncset.done $0x0  }
0x3f: {  	s1 =	sadd.s32 s6, s31;
	[sflag:s19] =	ssyncadd.s32 $0xFFFFFE70  }
0x40: {  	[tilespmem:s20], [sflag:$0x5] =	stream.linear.gather [hbm4b:s1+s29], $0x190, $0x38;
	[tilespmem:$0x1F240] =	vst v63  }
0x41: {  	_ =	swait.ge [sflag:s19], $0x190  }
0x42: {  	[sflag:s19] =	ssyncset.done $0x0  }
0x43: {  	s0 =	simm.s32 $0x0;
	s1 =	simm.s32 $0x40;
	[sflag:s19] =	ssyncadd.s32 $0xFFFFFE70  }
.LBB2_5:
0x44: {  	p0 =	sne.s32 s1, $0x600;
	v2 =	vld [tilespmem:s0+$0x0];
	_ =	sdelay $0x2  }
.Ltmp1:
0x45: {  	(pc) =	sbr.rel @p0 .LBB2_5-.Ltmp1, $4  }
0x46: {  	_ = 	snop  }
0x47: {  	v2 =	vshll.u32 v2, $0x1  }
0x48: {  	v2 =	vor.u32 v0, v2  }
0x49: {  	[tilespmem:s0+$0x0] =	vst v2;
	s0 =	sshra.s32 s1, $0x2;
	s1 =	sadd.s32 $0x40, s1  }
0x4a: {  	v2 =	vld [tilespmem:s0+$0x0];
	_ =	sdelay $0x4  }
0x4b: {  	v2 =	vshll.u32 v2, $0x1  }
0x4c: {  	v2 =	vor.u32 v0, v2  }
0x4d: {  	s1 =	sadd.s32 $0x32, s31;
	[tilespmem:s0+$0x0] =	vst v2;
	s0 =	simm.s32 $0x0  }
0x4e: {  	[tilespmem:s18], [sflag:$0x1] =	stream.indirect.gather [hbm4b:s4+s21], $0x20, s0, s21, $0xb8;
	[tilespmem:$0x1F240] =	vst v63  }
0x4f: {  	s31 =	sadd.s32 s5, s1  }
0x50: {  	[tilespmem:s21], [sflag:$0x5] =	stream.linear.gather [hbm4b:s31+s0], $0x190, $0x38;
	[tilespmem:$0x1F240] =	vst v63  }
0x51: {  	_ =	swait.ge [sflag:s19], $0x190  }
0x52: {  	[sflag:s19] =	ssyncset.done $0x0  }
0x53: {  	s1 =	sadd.s32 s6, s1;
	[sflag:s19] =	ssyncadd.s32 $0xFFFFFE70  }
0x54: {  	[tilespmem:s22], [sflag:$0x5] =	stream.linear.gather [hbm4b:s1+s0], $0x190, $0x38;
	[tilespmem:$0x1F240] =	vst v63  }
0x55: {  	_ =	swait.ge [sflag:s19], $0x190  }
0x56: {  	[sflag:s19] =	ssyncset.done $0x0  }
0x57: {  	s0 =	simm.s32 $0x0;
	s1 =	simm.s32 $0x40;
	[sflag:s19] =	ssyncadd.s32 $0xFFFFFE70  }
.LBB2_7:
0x58: {  	p0 =	sne.s32 s1, $0x600;
	v2 =	vld [tilespmem:s0+$0x190];
	_ =	sdelay $0x2  }
.Ltmp2:
0x59: {  	(pc) =	sbr.rel @p0 .LBB2_7-.Ltmp2, $4  }
0x5a: {  	_ = 	snop  }
0x5b: {  	v2 =	vshll.u32 v2, $0x1  }
0x5c: {  	v2 =	vor.u32 v0, v2  }
0x5d: {  	[tilespmem:s0+$0x190] =	vst v2;
	s0 =	sshra.s32 s1, $0x2;
	s1 =	sadd.s32 $0x40, s1  }
0x5e: {  	v2 =	vld [tilespmem:s0+$0x190];
	_ =	sdelay $0x4  }
0x5f: {  	v2 =	vshll.u32 v2, $0x1  }
0x60: {  	v2 =	vor.u32 v0, v2  }
0x61: {  	[tilespmem:s0+$0x190] =	vst v2  }
0x62: {  	[tilespmem:s23], [sflag:$0x2] =	stream.indirect.gather [hbm4b:s4+s21], $0x20, s21, s21, $0xb8;
	[tilespmem:$0x1F240] =	vst v63  }
0x63: {  	_ =	swait.ge [sflag:s24], $0x3200  }
0x64: {  	[sflag:s24] =	ssyncset.done $0x0  }
0x65: {  	[sflag:s24] =	ssyncadd.s32 $0xFFFFCE00  }
0x66: {  	[spmem:s2] =	stream.indirect.scatter.add.f32 [tilespmem:s18], [sflag:$0x3], $0x20, s20, s21, $0xb8;
	[tilespmem:$0x1F240] =	vst v63  }
0x67: {  	_ =	swait.ge [sflag:s25], $0x3200  }
0x68: {  	[sflag:s25] =	ssyncset.done $0x0  }
0x69: {  	s30 =	sadd.s32 $0x1, s30;
	[sflag:s25] =	ssyncadd.s32 $0xFFFFCE00  }
0x6a: {  	[spmem:s2] =	stream.indirect.scatter.add.f32 [tilespmem:s23], [sflag:$0x4], $0x20, s22, s21, $0xb8;
	[tilespmem:$0x1F240] =	vst v63  }
0x6b: {  	p0 =	sne.s32 s30, $0x40;
	_ =	swait.ge [sflag:s26], $0x3200  }
.Ltmp3:
0x6c: {  	[sflag:s26] =	ssyncset.done $0x0;
	(pc) =	sbr.rel @p0 .LBB2_4-.Ltmp3, $4  }
0x6d: {  	[sflag:s26] =	ssyncadd.s32 $0xFFFFCE00  }
0x6e: {  	_ =	swait.ge [sflag:s28], $0x3200  }
0x6f: {  	[sflag:s28] =	ssyncset.done $0x0  }
0x70: {  	[sflag:s28] =	ssyncadd.s32 $0xFFFFCE00  }
0x71: {  	s0 =	stileid.u32;
	s3 =	sadd.s32 $0x1, s3  }
0x72: {  	[bflag:$0x0] =	sbarrier.arrive $0xFFFF;
	s0 =	sshll.u32 s0, $0x6;
	p0 =	sne.s32 s3, s10  }
.Ltmp4:
0x73: {  	s1 =	sshrl.u32 s9, $0x3;
	s0 =	sor.u32 $0x1C05, s0;
	(pc) =	sbr.rel @p0 .LBB2_1-.Ltmp4, $4  }
0x74: {  	[hbm:s8], [sflag:s0] =	dma.local [spmem:s1], $0x3100  }
0x75: {  	_ =	swait.ge [sflag:s19], $0x3100  }
0x76: {  	[sflag:s19] =	ssyncset.done $0x0  }
0x77: {  	[sflag:s19] =	ssyncadd.s32 $0xFFFFCF00  }
0x78: {  	_ =	sfence.sel $0x180000  }
0x79: {  	[bflag:$0x0] =	sbarrier.arrive $0xFFFF  }
0x7a: {  	_ =	strace $0x90000053  }
0x7b: {  	s0 =	stileid.u32;
	[bflag:$0x2] =	sbarrier.arrive $0xFFFF  }
0x7c: {  	p0 =	sne.s32 s0, $0x0;
	s0 =	rddreg [dreg:$0x2]  }
0x7d: {  	s0 =	sadd.s32 @!p0 $0x100000, s0  }
0x7e: {  	[sflag:s0] =	ssyncadd.tile.s32 @!p0 $0x1;
	_ =	shalt  }
.Lfunc_end2:
_tile_overlayer_lowered:
.L_overlay_start_2:
0x7f: {  	(tag) =	ssettag $0x2  }
0x80: {  	s0 =	rddreg [dreg:$0x0];
	s2 =	stileid.u32  }
0x81: {  	s1 =	rddreg [dreg:$0x1];
	p0 =	sne.s32 s2, $0x0  }
0x82: {  	s3 =	rddreg [dreg:$0x2];
	[bflag:$0x3] =	sbarrier.arrive $0xFFFF;
	s2 =	simm.s32 @!p0 $0x1C05  }
0x83: {  	[timem:s3], [sflag:s2] =	dma.local @!p0 [hbm:s0], s1  }
0x84: {  	s0 =	simm.s32 @!p0 $0x5  }
0x85: {  	_ =	swait.ge @!p0 [sflag:s0], s1  }
0x86: {  	s1 =	ssub.s32 @!p0 $0x0, s1;
	[sflag:s0] =	ssyncset.done @!p0 $0x0  }
0x87: {  	[sflag:s0] =	ssyncadd.s32 @!p0 s1  }
0x88: {  	[bflag:$0x3] =	sbarrier.arrive $0xFFFF  }
0x89: {  	_ =	shalt  }

// kernel: kernel.44.cloned.1.call-start
scs
__scs_entry_jumppad:
0x0: {  	(pc) =	sbr.rel $0x88, $3  }
0x1: {  	(tag) =	ssettag $0x0;
	lr =	simm.s32 $0x1  }
0x2: {  	[smem:$0x3F8A] =	sst lr;
	_ =	strace $0xD0000000  }
0x3: {  	_ = 	snop  }
0x4: {  	_ = 	snop  }
0x5: {  	_ = 	snop  }
0x6: {  	_ = 	snop  }
0x7: {  	_ = 	snop  }
__scs_overlays_trampoline_lowered:
0x8: {  	[smem:$0x3F99] =	sst s0  }
0x9: {  	[smem:$0x3F9A] =	sst s1  }
0xa: {  	[smem:$0x3F9B] =	sst s2  }
0xb: {  	[smem:$0x3F9C] =	sst s3  }
0xc: {  	[smem:$0x3F9D] =	sst s4  }
0xd: {  	[smem:$0x3F9E] =	sst s5  }
0xe: {  	[smem:$0x3F9F] =	sst s6  }
0xf: {  	[smem:$0x3FA0] =	sst s7  }
0x10: {  	[smem:$0x3FA1] =	sst s8  }
0x11: {  	[smem:$0x3FA2] =	sst s9;
	s0 =	simm.s32 @!p0 $0x0  }
0x12: {  	s1 =	sld [smem:$0x3F88];
	s0 =	simm.s32 @p0 $0x1  }
0x13: {  	[smem:$0x3FA3] =	sst s0;
	s0 =	simm.s32 @!p1 $0x0  }
0x14: {  	s2 =	sld [smem:$0x3F87];
	s0 =	simm.s32 @p1 $0x1  }
0x15: {  	[smem:$0x3FA4] =	sst s0;
	s0 =	simm.s32 @!p2 $0x0  }
0x16: {  	s3 =	sld [smem:$0x3FDB];
	s0 =	simm.s32 @p2 $0x1  }
0x17: {  	s4 =	simm.s32 $0x1BF5;
	[smem:$0x3FA6] =	sst s0  }
0x18: {  	s0 =	sld [smem:$0x3F89];
	_ =	swait.ge [sflag:s4], $0x0  }
0x19: {  	s7 =	sld [smem:$0x3F8A]  }
0x1a: {  	s8 =	sadd.s32 $0xFFFFE003, lr  }
0x1b: {  	s9 =	sadd.s32 $0xFFFFFEF7, lr;
	s5 =	simm.s32 $0xFFFFFFFF;
	p2 =	slt.u32 s8, $0xFFFFF086  }
0x1c: {  	p1 =	slt.u32 s9, $0xF7A;
	s5 =	simm.s32 @!p2 $0x0  }
0x1d: {  	s5 =	simm.s32 @p1 $0x1;
	p0 =	seq.s32 s7, s2  }
0x1e: {  	s7 =	smul.u32 @!p0 $0xF7A, s2;
	p2 =	seq.s32 @!p0 s5, $0x0  }
0x1f: {  	s9 =	smul.u32 $0xF7A, s1;
	s8 =	simm.s32 @!p0 $0x1BF5;
	p2 =	por !p2, p0  }
0x20: {  	[sflag:s8] =	ssyncset.s32 @!p0 $0xFFFFF086;
	s6 =	sadd.s32 @!p0 s3, s7;
	s7 =	simm.s32 @!p0 $0x108  }
0x21: {  	s3 =	sadd.s32 s3, s9;
	s6 =	sadd.s32 @!p0 $0x88, s6;
	s7 =	simm.s32 @p2 $0x1082  }
0x22: {  	[simem:s7], [sflag:s8] =	dma.local @!p0 [hbm:s6], $0xF7A  }
0x23: {  	s9 =	sor.u32 $0xD0000000, s2;
	s6 =	simm.s32 $0x108;
	_ =	swait.ge @!p0 [sflag:s8], $0x0  }
0x24: {  	s3 =	sadd.s32 $0x88, s3;
	s6 =	simm.s32 @!p1 $0x1082;
	[sflag:s4] =	ssyncset.s32 $0xFFFFF086  }
0x25: {  	[simem:s6], [sflag:s4] =	dma.local [hbm:s3], $0xF7A  }
0x26: {  	[smem:$0x3F8A] =	sst s1;
	(tag) =	ssettag s2;
	_ =	strace s9  }
0x27: {  	s1 =	sld [smem:$0x3F9A]  }
0x28: {  	s2 =	sld [smem:$0x3F9B]  }
0x29: {  	s4 =	sld [smem:$0x3F9D]  }
0x2a: {  	p0 =	seq.s32 s5, $0x0;
	s5 =	sld [smem:$0x3F9E]  }
0x2b: {  	s6 =	sld [smem:$0x3F9F]  }
0x2c: {  	s7 =	sld [smem:$0x3FA0]  }
0x2d: {  	s3 =	simm.s32 $0x108;
	s8 =	sld [smem:$0x3FA1]  }
0x2e: {  	s3 =	simm.s32 @!p0 $0x1082;
	s9 =	sld [smem:$0x3FA2]  }
0x2f: {  	lr =	sadd.s32 s0, s3;
	s0 =	sld [smem:$0x3F99]  }
0x30: {  	s3 =	sld [smem:$0x3F9C]  }
0x31: {  	[smem:$0x3FA5] =	sst s10  }
0x32: {  	s10 =	sld [smem:$0x3FA3];
	_ =	sdelay $0x3  }
0x33: {  	p0 =	seq.s32 s10, $0x1;
	s10 =	sld [smem:$0x3FA5];
	_ =	sdelay $0x3  }
0x34: {  	[smem:$0x3FA5] =	sst s10  }
0x35: {  	s10 =	sld [smem:$0x3FA4];
	_ =	sdelay $0x3  }
0x36: {  	p1 =	seq.s32 s10, $0x1;
	s10 =	sld [smem:$0x3FA5];
	_ =	sdelay $0x3  }
0x37: {  	[smem:$0x3FA5] =	sst s10  }
0x38: {  	s10 =	sld [smem:$0x3FA6]  }
0x39: {  	_ = 	snop;
	(pc) =	sbr.ind lr, $3  }
0x3a: {  	_ = 	snop  }
0x3b: {  	_ = 	snop  }
0x3c: {  	p2 =	seq.s32 s10, $0x1;
	s10 =	sld [smem:$0x3FA5]  }
0x3d: {  	_ =	shalt  }
0x3e: {  	_ =	shalt  }
0x3f: {  	_ =	shalt  }
0x40: {  	_ =	shalt  }
0x41: {  	_ =	shalt  }
0x42: {  	_ =	shalt  }
0x43: {  	_ =	shalt  }
0x44: {  	_ =	shalt  }
0x45: {  	_ =	shalt  }
0x46: {  	_ =	shalt  }
0x47: {  	_ =	shalt  }
0x48: {  	_ =	shalt  }
0x49: {  	_ =	shalt  }
0x4a: {  	_ =	shalt  }
0x4b: {  	_ =	shalt  }
0x4c: {  	_ =	shalt  }
0x4d: {  	_ =	shalt  }
0x4e: {  	_ =	shalt  }
0x4f: {  	_ =	shalt  }
0x50: {  	_ =	shalt  }
0x51: {  	_ =	shalt  }
0x52: {  	_ =	shalt  }
0x53: {  	_ =	shalt  }
0x54: {  	_ =	shalt  }
0x55: {  	_ =	shalt  }
0x56: {  	_ =	shalt  }
0x57: {  	_ =	shalt  }
0x58: {  	_ =	shalt  }
0x59: {  	_ =	shalt  }
0x5a: {  	_ =	shalt  }
0x5b: {  	_ =	shalt  }
0x5c: {  	_ =	shalt  }
0x5d: {  	_ =	shalt  }
0x5e: {  	_ =	shalt  }
0x5f: {  	_ =	shalt  }
0x60: {  	_ =	shalt  }
0x61: {  	_ =	shalt  }
0x62: {  	_ =	shalt  }
0x63: {  	_ =	shalt  }
0x64: {  	_ =	shalt  }
0x65: {  	_ =	shalt  }
0x66: {  	_ =	shalt  }
0x67: {  	_ =	shalt  }
0x68: {  	_ =	shalt  }
0x69: {  	_ =	shalt  }
0x6a: {  	_ =	shalt  }
0x6b: {  	_ =	shalt  }
0x6c: {  	_ =	shalt  }
0x6d: {  	_ =	shalt  }
0x6e: {  	_ =	shalt  }
0x6f: {  	_ =	shalt  }
0x70: {  	_ =	shalt  }
0x71: {  	_ =	shalt  }
0x72: {  	_ =	shalt  }
0x73: {  	_ =	shalt  }
0x74: {  	_ =	shalt  }
0x75: {  	_ =	shalt  }
0x76: {  	_ =	shalt  }
0x77: {  	_ =	shalt  }
0x78: {  	_ =	shalt  }
0x79: {  	_ =	shalt  }
0x7a: {  	_ =	shalt  }
0x7b: {  	_ =	shalt  }
0x7c: {  	_ =	shalt  }
0x7d: {  	_ =	shalt  }
0x7e: {  	_ =	shalt  }
0x7f: {  	_ =	shalt  }
0x80: {  	_ =	shalt  }
0x81: {  	_ =	shalt  }
0x82: {  	_ =	shalt  }
0x83: {  	_ =	shalt  }
0x84: {  	_ =	shalt  }
0x85: {  	_ =	shalt  }
0x86: {  	_ =	shalt  }
0x87: {  	_ =	shalt  }
.Lfunc_end0:
.L_simem_size_0:
called_computation.6_lowered:
.L_overlay_start_0:
0x88: {  	s2 =	sld [smem:$0x3FD9]  }
0x89: {  	s3 =	sld [smem:$0x3FFE];
	_ =	sdelay $0x1  }
0x8a: {  	s1 =	srdreg.scid  }
0x8b: {  	s0 =	sand.u32 $0x1, s1  }
0x8c: {  	s17 =	sshll.u32 s0, $0xA;
	s2 =	sadd.s32 s3, s2  }
0x8d: {  	s2 =	sadd.s32 s2, s17  }
0x8e: {  	[smem:$0x3FB1] =	sst s2  }
0x8f: {  	_ = 	snop  }
0x90: {  	(tm) =	ssettm $0x1  }
0x91: {  	s18 =	sld [smem:$0x3FFB];
	_ =	sdelay $0x3  }
0x92: {  	_ =	strace s18  }
0x93: {  	s2 =	sld [smem:$0x3FFC];
	_ =	sdelay $0x3  }
0x94: {  	_ =	strace s2  }
0x95: {  	s2 =	sld [smem:$0x3FFD];
	_ =	sdelay $0x3  }
0x96: {  	_ =	strace s2  }
0x97: {  	_ =	strace $0x8FFFFFFF  }
0x98: {  	s19 =	sld [smem:$0x3FDB];
	_ =	sdelay $0x1  }
0x99: {  	s20 =	simm.s32 $_scs_section_size  }
0x9a: {  	s4 =	simm.s32 $_size__tile_overlayer_lowered;
	s5 =	simm.s32 $_tile_overlayer_lowered  }
0x9b: {  	s6 =	simm.s32 $0x1BFF;
	s21 =	sshll.u32 s5, $0x1;
	s3 =	sadd.s32 s20, s19  }
0x9c: {  	s22 =	simm.s32 $0x0;
	s4 =	sshll.u32 s4, $0x1;
	s5 =	sadd.s32 s21, s3  }
0x9d: {  	[timem:s22], [sflag:s6] =	dma.local [hbm:s5], s4  }
0x9e: {  	_ =	swait.ge [sflag:s6], s4  }
0x9f: {  	s4 =	ssub.s32 $0x0, s4;
	[sflag:s6] =	ssyncset.done $0x0  }
0xa0: {  	[sflag:s6] =	ssyncadd.s32 s4;
	_ =	sdelay $0x1  }
0xa1: {  	s23 =	simm.s32 $0x1B8B  }
0xa2: {  	_ =	swait.ge [sflag:s23], $0x1  }
0xa3: {  	[sflag:s23] =	ssyncset.done $0x0  }
0xa4: {  	[sflag:s23] =	ssyncadd.s32 $0xFFFFFFFF  }
0xa5: {  	s4 =	sld [smem:$0x0]  }
0xa6: {  	s5 =	sand.u32 $0xFFFFFFFE, s1  }
0xa7: {  	p0 =	sne.s32 s1, s5  }
0xa8: {  	s5 =	sshll.u32 @p0 s5, $0xE  }
0xa9: {  	s5 =	sadd.s32 @p0 $0x11B8D, s5;
	s6 =	sshll.u32 @p0 s4, $0x11  }
0xaa: {  	s5 =	sor.u32 @p0 s6, s5  }
0xab: {  	[sflag:s5] =	ssyncadd.remote.s32 @p0 $0x1;
	_ =	sdelay $0x1  }
0xac: {  	s5 =	simm.s32 @p0 $0x1B8D  }
0xad: {  	_ =	swait.eq @p0 [sflag:s5], $0x1  }
0xae: {  	[sflag:s5] =	ssyncadd.s32 @p0 $0xFFFFFFFF  }
0xaf: {  	s6 =	sshll.u32 @!p0 s1, $0xE  }
0xb0: {  	s6 =	sor.u32 @!p0 $0x4000, s6;
	s5 =	simm.s32 @!p0 $0x1B8D  }
0xb1: {  	s4 =	sshll.u32 @!p0 s4, $0x11;
	s6 =	sadd.s32 @!p0 $0x11B8D, s6;
	_ =	swait.eq @!p0 [sflag:s5], $0x1  }
0xb2: {  	s4 =	sor.u32 @!p0 s4, s6;
	[sflag:s5] =	ssyncadd.s32 @!p0 $0xFFFFFFFF  }
0xb3: {  	s25 =	simm.s32 $0x1B8E;
	s24 =	sld [smem:$0x3FFE];
	[sflag:s4] =	ssyncadd.remote.s32 @!p0 $0x1  }
0xb4: {  	s26 =	simm.s32 $execute0_lowered;
	[smem:$0x3FD2] =	sst s25  }
0xb5: {  	s5 =	sshll.u32 s26, $0x1;
	_ =	strace $0x8000005B;
	[dreg:$0x1] =	wrdreg $0xFFFFFFFF  }
0xb6: {  	s28 =	simm.s32 $_size_execute0_lowered;
	s3 =	sadd.s32 s3, s5;
	[dreg:$0x0] =	wrdreg $0x0  }
0xb7: {  	s5 =	sshll.u32 s28, $0x1;
	[dreg:$0x2] =	wrdreg s3  }
0xb8: {  	[dreg:$0x3] =	wrdreg s5  }
0xb9: {  	[dreg:$0x4] =	wrdreg $0xC0  }
0xba: {  	_ =	task [dreg:s22], $0x5FFFF  }
0xbb: {  	[dreg:$0x1] =	wrdreg $0xFFFFFFFF  }
0xbc: {  	[dreg:$0x0] =	wrdreg $0x60  }
0xbd: {  	[dreg:$0x2] =	wrdreg s24  }
0xbe: {  	[dreg:$0x3] =	wrdreg $0x6A400  }
0xbf: {  	[dreg:$0x4] =	wrdreg $0xA  }
0xc0: {  	_ =	task.clear_ibuf [dreg:s22], $0x5FFFF;
	_ =	strace $0x9000005B  }
0xc1: {  	s29 =	simm.s32 $0xA;
	_ =	strace $0x8000005D  }
0xc2: {  	_ =	swait.ge [sflag:s29], $0x1  }
0xc3: {  	[sflag:s29] =	ssyncadd.s32 $0xFFFFFFFF  }
0xc4: {  	_ =	strace $0x9000005D  }
0xc5: {  	_ =	sfence  }
0xc6: {  	s30 =	sld [smem:$0x0];
	_ =	sdelay $0x2  }
0xc7: {  	s31 =	sshll.u32 s1, $0xD;
	s1 =	sshrl.u32 s1, $0x2  }
0xc8: {  	s4 =	sand.u32 $0x4000, s31;
	s1 =	sadd.s32 s1, s30  }
0xc9: {  	s0 =	sor.u32 s4, s0;
	s1 =	sshll.u32 s1, $0x11  }
0xca: {  	s0 =	sor.u32 s1, s0  }
0xcb: {  	s0 =	sadd.s32 $0x8F2B, s0  }
0xcc: {  	[sflag:s0] =	ssyncadd.remote.s32 $0x1  }
0xcd: {  	_ =	sfence.sel $0xFFFF  }
0xce: {  	[dreg:$0x0] =	wrdreg $0xFFFFFFFF;
	(pc) =	sbr.abs _section_cstart, $3  }
0xcf: {  	[dreg:$0x1] =	wrdreg $0xFFFFFFFF  }
0xd0: {  	_ =	task.clear_ibuf [dreg:s22], $0x2FFFF;
	_ =	strace $0x9FFFFFFF  }
0xd1: {  	(tm) =	ssettm $0x7FFFFFFF  }
tec
execute0_lowered:
.L_overlay_start_1:
0x0: {  	(tag) =	ssettag $0x1  }
0x1: {  	s0 =	rddreg [dreg:$0x0]  }
0x2: {  	s2 =	rddreg [dreg:$0x1];
	s1 =	srdreg.scid  }
0x3: {  	s11 =	stileid.u32;
	s3 =	simm.s32 $0x0;
	s18 =	simm.s32 $0x640  }
0x4: {  	s19 =	simm.s32 $0x5;
	s20 =	simm.s32 $0x320;
	s21 =	simm.s32 $0x190  }
0x5: {  	s22 =	simm.s32 $0x4B0;
	s23 =	simm.s32 $0x3840;
	s24 =	simm.s32 $0x1  }
0x6: {  	s25 =	simm.s32 $0x2;
	s26 =	simm.s32 $0x3;
	s6 =	smul.u32 $0xC40, s11  }
0x7: {  	s28 =	simm.s32 $0x4;
	s1 =	sand.u32 $0x1, s1;
	s9 =	smul.u32 $0x62000, s11  }
0x8: {  	[smem:$0x7FF] =	sst s3;
	s4 =	sadd.s32 $0x4D1000, s0;
	s7 =	smul.u32 $0xC400, s1  }
0x9: {  	s5 =	sadd.s32 $0x84400, s0;
	_ =	strace $0x8000005C;
	s8 =	ssub.s32 $0x2, s1  }
0xa: {  	s10 =	sshrl.u32 s8, $0x1;
	s9 =	sshrl.u32 s9, $0x2;
	s7 =	sadd.s32 s6, s7  }
0xb: {  	s6 =	sadd.s32 $0x6B400, s0;
	s10 =	ssub.s32 s8, s10;
	s9 =	sadd.s32 s9, s2  }
0xc: {  	s7 =	sshll.u32 s7, $0x2;
	s10 =	smax.u32 s10, $0x1;
	s12 =	sadd.s32 $0x6200, s9  }
0xd: {  	s13 =	sadd.s32 $0x9300, s9;
	s14 =	sadd.s32 $0xC400, s9;
	s15 =	sadd.s32 $0xF500, s9  }
0xe: {  	s16 =	sadd.s32 $0x12600, s9;
	s17 =	sadd.s32 $0x15700, s9;
	s0 =	sadd.s32 s7, s0  }
0xf: {  	v1 =	vimm.f32 $0.0e+00;
	v0 =	vmov s1;
	s7 =	smul.u32 $0xC800, s11;
	s11 =	sadd.s32 $0x3100, s9;
	s8 =	sadd.s32 $0x533000, s0  }
.LBB2_1:
0x10: {  	s0 =	simm.s32 $0x80;
	s1 =	simm.s32 $0x0  }
.LBB2_2:
0x11: {  	p0 =	sne.s32 s0, $0xC380;
	[tilespmem:s1+$0x640] =	vst v1;
	s29 =	smov.u32 s0;
	s0 =	sadd.s32 $0x80, s0  }
.Ltmp0:
0x12: {  	[tilespmem:s1+$0x650] =	vst v1;
	(pc) =	sbr.rel @p0 .LBB2_2-.Ltmp0, $2  }
0x13: {  	_ =	sdelay $0x2  }
0x14: {  	s1 =	sshra.s32 s29, $0x2  }
0x15: {  	[tilespmem:s1+$0x640] =	vst v1  }
0x16: {  	[tilespmem:s1+$0x650] =	vst v1  }
0x17: {  	[spmem:s9] =	stream.linear.scatter [tilespmem:s18], [sflag:$0x5], $0x3100, $0x38;
	[tilespmem:$0x1F240] =	vst v63  }
0x18: {  	_ =	swait.ge [sflag:s19], $0x3100  }
0x19: {  	[sflag:s19] =	ssyncset.done $0x0  }
0x1a: {  	[sflag:s19] =	ssyncadd.s32 $0xFFFFCF00  }
0x1b: {  	[spmem:s11] =	stream.linear.scatter [tilespmem:s18], [sflag:$0x5], $0x3100, $0x38;
	[tilespmem:$0x1F240] =	vst v63  }
0x1c: {  	_ =	swait.ge [sflag:s19], $0x3100  }
0x1d: {  	[sflag:s19] =	ssyncset.done $0x0  }
0x1e: {  	[sflag:s19] =	ssyncadd.s32 $0xFFFFCF00  }
0x1f: {  	[spmem:s12] =	stream.linear.scatter [tilespmem:s18], [sflag:$0x5], $0x3100, $0x38;
	[tilespmem:$0x1F240] =	vst v63  }
0x20: {  	_ =	swait.ge [sflag:s19], $0x3100  }
0x21: {  	[sflag:s19] =	ssyncset.done $0x0  }
0x22: {  	[sflag:s19] =	ssyncadd.s32 $0xFFFFCF00  }
0x23: {  	[spmem:s13] =	stream.linear.scatter [tilespmem:s18], [sflag:$0x5], $0x3100, $0x38;
	[tilespmem:$0x1F240] =	vst v63  }
0x24: {  	_ =	swait.ge [sflag:s19], $0x3100  }
0x25: {  	[sflag:s19] =	ssyncset.done $0x0  }
0x26: {  	[sflag:s19] =	ssyncadd.s32 $0xFFFFCF00  }
0x27: {  	[spmem:s14] =	stream.linear.scatter [tilespmem:s18], [sflag:$0x5], $0x3100, $0x38;
	[tilespmem:$0x1F240] =	vst v63  }
0x28: {  	_ =	swait.ge [sflag:s19], $0x3100  }
0x29: {  	[sflag:s19] =	ssyncset.done $0x0  }
0x2a: {  	[sflag:s19] =	ssyncadd.s32 $0xFFFFCF00  }
0x2b: {  	[spmem:s15] =	stream.linear.scatter [tilespmem:s18], [sflag:$0x5], $0x3100, $0x38;
	[tilespmem:$0x1F240] =	vst v63  }
0x2c: {  	_ =	swait.ge [sflag:s19], $0x3100  }
0x2d: {  	[sflag:s19] =	ssyncset.done $0x0  }
0x2e: {  	[sflag:s19] =	ssyncadd.s32 $0xFFFFCF00  }
0x2f: {  	[spmem:s16] =	stream.linear.scatter [tilespmem:s18], [sflag:$0x5], $0x3100, $0x38;
	[tilespmem:$0x1F240] =	vst v63  }
0x30: {  	_ =	swait.ge [sflag:s19], $0x3100  }
0x31: {  	[sflag:s19] =	ssyncset.done $0x0  }
0x32: {  	[sflag:s19] =	ssyncadd.s32 $0xFFFFCF00  }
0x33: {  	[spmem:s17] =	stream.linear.scatter [tilespmem:s18], [sflag:$0x5], $0x3100, $0x38;
	[tilespmem:$0x1F240] =	vst v63  }
0x34: {  	_ =	swait.ge [sflag:s19], $0x3100  }
0x35: {  	[sflag:s19] =	ssyncset.done $0x0  }
0x36: {  	[sflag:s19] =	ssyncadd.s32 $0xFFFFCF00  }
0x37: {  	s29 =	simm.s32 $0x0;
	s30 =	simm.s32 $0x0;
	[bflag:$0x0] =	sbarrier.arrive $0xFFFF  }
.LBB2_4:
0x38: {  	s0 =	smul.u32 $0x320, s30;
	_ =	sdelay $0x1  }
0x39: {  	s0 =	sadd.s32 s7, s0  }
0x3a: {  	s31 =	sshrl.u32 s0, $0x3  }
0x3b: {  	s0 =	sadd.s32 s5, s31  }
0x3c: {  	[tilespmem:s29], [sflag:$0x5] =	stream.linear.gather [hbm4b:s0+s29], $0x190, $0x38;
	[tilespmem:$0x1F240] =	vst v63  }
0x3d: {  	_ =	swait.ge [sflag:s19], $0x190  }
0x3e: {  	[sflag:s19] =	ssyncset.done $0x0  }
0x3f: {  	s1 =	sadd.s32 s6, s31;
	[sflag:s19] =	ssyncadd.s32 $0xFFFFFE70  }
0x40: {  	[tilespmem:s20], [sflag:$0x5] =	stream.linear.gather [hbm4b:s1+s29], $0x190, $0x38;
	[tilespmem:$0x1F240] =	vst v63  }
0x41: {  	_ =	swait.ge [sflag:s19], $0x190  }
0x42: {  	[sflag:s19] =	ssyncset.done $0x0  }
0x43: {  	s0 =	simm.s32 $0x0;
	s1 =	simm.s32 $0x40;
	[sflag:s19] =	ssyncadd.s32 $0xFFFFFE70  }
.LBB2_5:
0x44: {  	p0 =	sne.s32 s1, $0x600;
	v2 =	vld [tilespmem:s0+$0x0];
	_ =	sdelay $0x2  }
.Ltmp1:
0x45: {  	(pc) =	sbr.rel @p0 .LBB2_5-.Ltmp1, $4  }
0x46: {  	_ = 	snop  }
0x47: {  	v2 =	vshll.u32 v2, $0x1  }
0x48: {  	v2 =	vor.u32 v0, v2  }
0x49: {  	[tilespmem:s0+$0x0] =	vst v2;
	s0 =	sshra.s32 s1, $0x2;
	s1 =	sadd.s32 $0x40, s1  }
0x4a: {  	v2 =	vld [tilespmem:s0+$0x0];
	_ =	sdelay $0x4  }
0x4b: {  	v2 =	vshll.u32 v2, $0x1  }
0x4c: {  	v2 =	vor.u32 v0, v2  }
0x4d: {  	s1 =	sadd.s32 $0x32, s31;
	[tilespmem:s0+$0x0] =	vst v2;
	s0 =	simm.s32 $0x0  }
0x4e: {  	[tilespmem:s18], [sflag:$0x1] =	stream.indirect.gather [hbm4b:s4+s21], $0x20, s0, s21, $0xb8;
	[tilespmem:$0x1F240] =	vst v63  }
0x4f: {  	s31 =	sadd.s32 s5, s1  }
0x50: {  	[tilespmem:s21], [sflag:$0x5] =	stream.linear.gather [hbm4b:s31+s0], $0x190, $0x38;
	[tilespmem:$0x1F240] =	vst v63  }
0x51: {  	_ =	swait.ge [sflag:s19], $0x190  }
0x52: {  	[sflag:s19] =	ssyncset.done $0x0  }
0x53: {  	s1 =	sadd.s32 s6, s1;
	[sflag:s19] =	ssyncadd.s32 $0xFFFFFE70  }
0x54: {  	[tilespmem:s22], [sflag:$0x5] =	stream.linear.gather [hbm4b:s1+s0], $0x190, $0x38;
	[tilespmem:$0x1F240] =	vst v63  }
0x55: {  	_ =	swait.ge [sflag:s19], $0x190  }
0x56: {  	[sflag:s19] =	ssyncset.done $0x0  }
0x57: {  	s0 =	simm.s32 $0x0;
	s1 =	simm.s32 $0x40;
	[sflag:s19] =	ssyncadd.s32 $0xFFFFFE70  }
.LBB2_7:
0x58: {  	p0 =	sne.s32 s1, $0x600;
	v2 =	vld [tilespmem:s0+$0x190];
	_ =	sdelay $0x2  }
.Ltmp2:
0x59: {  	(pc) =	sbr.rel @p0 .LBB2_7-.Ltmp2, $4  }
0x5a: {  	_ = 	snop  }
0x5b: {  	v2 =	vshll.u32 v2, $0x1  }
0x5c: {  	v2 =	vor.u32 v0, v2  }
0x5d: {  	[tilespmem:s0+$0x190] =	vst v2;
	s0 =	sshra.s32 s1, $0x2;
	s1 =	sadd.s32 $0x40, s1  }
0x5e: {  	v2 =	vld [tilespmem:s0+$0x190];
	_ =	sdelay $0x4  }
0x5f: {  	v2 =	vshll.u32 v2, $0x1  }
0x60: {  	v2 =	vor.u32 v0, v2  }
0x61: {  	[tilespmem:s0+$0x190] =	vst v2  }
0x62: {  	[tilespmem:s23], [sflag:$0x2] =	stream.indirect.gather [hbm4b:s4+s21], $0x20, s21, s21, $0xb8;
	[tilespmem:$0x1F240] =	vst v63  }
0x63: {  	_ =	swait.ge [sflag:s24], $0x3200  }
0x64: {  	[sflag:s24] =	ssyncset.done $0x0  }
0x65: {  	[sflag:s24] =	ssyncadd.s32 $0xFFFFCE00  }
0x66: {  	[spmem:s2] =	stream.indirect.scatter.add.f32 [tilespmem:s18], [sflag:$0x3], $0x20, s20, s21, $0xb8;
	[tilespmem:$0x1F240] =	vst v63  }
0x67: {  	_ =	swait.ge [sflag:s25], $0x3200  }
0x68: {  	[sflag:s25] =	ssyncset.done $0x0  }
0x69: {  	s30 =	sadd.s32 $0x1, s30;
	[sflag:s25] =	ssyncadd.s32 $0xFFFFCE00  }
0x6a: {  	[spmem:s2] =	stream.indirect.scatter.add.f32 [tilespmem:s23], [sflag:$0x4], $0x20, s22, s21, $0xb8;
	[tilespmem:$0x1F240] =	vst v63  }
0x6b: {  	p0 =	sne.s32 s30, $0x40;
	_ =	swait.ge [sflag:s26], $0x3200  }
.Ltmp3:
0x6c: {  	[sflag:s26] =	ssyncset.done $0x0;
	(pc) =	sbr.rel @p0 .LBB2_4-.Ltmp3, $4  }
0x6d: {  	[sflag:s26] =	ssyncadd.s32 $0xFFFFCE00  }
0x6e: {  	_ =	swait.ge [sflag:s28], $0x3200  }
0x6f: {  	[sflag:s28] =	ssyncset.done $0x0  }
0x70: {  	[sflag:s28] =	ssyncadd.s32 $0xFFFFCE00  }
0x71: {  	s0 =	stileid.u32;
	s3 =	sadd.s32 $0x1, s3  }
0x72: {  	[bflag:$0x0] =	sbarrier.arrive $0xFFFF;
	s0 =	sshll.u32 s0, $0x6;
	p0 =	sne.s32 s3, s10  }
.Ltmp4:
0x73: {  	s1 =	sshrl.u32 s9, $0x3;
	s0 =	sor.u32 $0x1C05, s0;
	(pc) =	sbr.rel @p0 .LBB2_1-.Ltmp4, $4  }
0x74: {  	[hbm:s8], [sflag:s0] =	dma.local [spmem:s1], $0x3100  }
0x75: {  	_ =	swait.ge [sflag:s19], $0x3100  }
0x76: {  	[sflag:s19] =	ssyncset.done $0x0  }
0x77: {  	[sflag:s19] =	ssyncadd.s32 $0xFFFFCF00  }
0x78: {  	_ =	sfence.sel $0x180000  }
0x79: {  	[bflag:$0x0] =	sbarrier.arrive $0xFFFF  }
0x7a: {  	_ =	strace $0x9000005C  }
0x7b: {  	s0 =	stileid.u32;
	[bflag:$0x2] =	sbarrier.arrive $0xFFFF  }
0x7c: {  	p0 =	sne.s32 s0, $0x0;
	s0 =	rddreg [dreg:$0x2]  }
0x7d: {  	s0 =	sadd.s32 @!p0 $0x100000, s0  }
0x7e: {  	[sflag:s0] =	ssyncadd.tile.s32 @!p0 $0x1;
	_ =	shalt  }
.Lfunc_end2:
_tile_overlayer_lowered:
.L_overlay_start_2:
0x7f: {  	(tag) =	ssettag $0x2  }
0x80: {  	s0 =	rddreg [dreg:$0x0];
	s2 =	stileid.u32  }
0x81: {  	s1 =	rddreg [dreg:$0x1];
	p0 =	sne.s32 s2, $0x0  }
0x82: {  	s3 =	rddreg [dreg:$0x2];
	[bflag:$0x3] =	sbarrier.arrive $0xFFFF;
	s2 =	simm.s32 @!p0 $0x1C05  }
0x83: {  	[timem:s3], [sflag:s2] =	dma.local @!p0 [hbm:s0], s1  }
0x84: {  	s0 =	simm.s32 @!p0 $0x5  }
0x85: {  	_ =	swait.ge @!p0 [sflag:s0], s1  }
0x86: {  	s1 =	ssub.s32 @!p0 $0x0, s1;
	[sflag:s0] =	ssyncset.done @!p0 $0x0  }
0x87: {  	[sflag:s0] =	ssyncadd.s32 @!p0 s1  }
0x88: {  	[bflag:$0x3] =	sbarrier.arrive $0xFFFF  }
0x89: {  	_ =	shalt  }

// kernel: kernel.47.cloned.1.call-start
scs
__scs_entry_jumppad:
0x0: {  	(pc) =	sbr.rel $0x88, $3  }
0x1: {  	(tag) =	ssettag $0x0;
	lr =	simm.s32 $0x1  }
0x2: {  	[smem:$0x3F8A] =	sst lr;
	_ =	strace $0xD0000000  }
0x3: {  	_ = 	snop  }
0x4: {  	_ = 	snop  }
0x5: {  	_ = 	snop  }
0x6: {  	_ = 	snop  }
0x7: {  	_ = 	snop  }
__scs_overlays_trampoline_lowered:
0x8: {  	[smem:$0x3F99] =	sst s0  }
0x9: {  	[smem:$0x3F9A] =	sst s1  }
0xa: {  	[smem:$0x3F9B] =	sst s2  }
0xb: {  	[smem:$0x3F9C] =	sst s3  }
0xc: {  	[smem:$0x3F9D] =	sst s4  }
0xd: {  	[smem:$0x3F9E] =	sst s5  }
0xe: {  	[smem:$0x3F9F] =	sst s6  }
0xf: {  	[smem:$0x3FA0] =	sst s7  }
0x10: {  	[smem:$0x3FA1] =	sst s8  }
0x11: {  	[smem:$0x3FA2] =	sst s9;
	s0 =	simm.s32 @!p0 $0x0  }
0x12: {  	s1 =	sld [smem:$0x3F88];
	s0 =	simm.s32 @p0 $0x1  }
0x13: {  	[smem:$0x3FA3] =	sst s0;
	s0 =	simm.s32 @!p1 $0x0  }
0x14: {  	s2 =	sld [smem:$0x3F87];
	s0 =	simm.s32 @p1 $0x1  }
0x15: {  	[smem:$0x3FA4] =	sst s0;
	s0 =	simm.s32 @!p2 $0x0  }
0x16: {  	s3 =	sld [smem:$0x3FDB];
	s0 =	simm.s32 @p2 $0x1  }
0x17: {  	s4 =	simm.s32 $0x1BF5;
	[smem:$0x3FA6] =	sst s0  }
0x18: {  	s0 =	sld [smem:$0x3F89];
	_ =	swait.ge [sflag:s4], $0x0  }
0x19: {  	s7 =	sld [smem:$0x3F8A]  }
0x1a: {  	s8 =	sadd.s32 $0xFFFFE003, lr  }
0x1b: {  	s9 =	sadd.s32 $0xFFFFFEF7, lr;
	s5 =	simm.s32 $0xFFFFFFFF;
	p2 =	slt.u32 s8, $0xFFFFF086  }
0x1c: {  	p1 =	slt.u32 s9, $0xF7A;
	s5 =	simm.s32 @!p2 $0x0  }
0x1d: {  	s5 =	simm.s32 @p1 $0x1;
	p0 =	seq.s32 s7, s2  }
0x1e: {  	s7 =	smul.u32 @!p0 $0xF7A, s2;
	p2 =	seq.s32 @!p0 s5, $0x0  }
0x1f: {  	s9 =	smul.u32 $0xF7A, s1;
	s8 =	simm.s32 @!p0 $0x1BF5;
	p2 =	por !p2, p0  }
0x20: {  	[sflag:s8] =	ssyncset.s32 @!p0 $0xFFFFF086;
	s6 =	sadd.s32 @!p0 s3, s7;
	s7 =	simm.s32 @!p0 $0x108  }
0x21: {  	s3 =	sadd.s32 s3, s9;
	s6 =	sadd.s32 @!p0 $0x88, s6;
	s7 =	simm.s32 @p2 $0x1082  }
0x22: {  	[simem:s7], [sflag:s8] =	dma.local @!p0 [hbm:s6], $0xF7A  }
0x23: {  	s9 =	sor.u32 $0xD0000000, s2;
	s6 =	simm.s32 $0x108;
	_ =	swait.ge @!p0 [sflag:s8], $0x0  }
0x24: {  	s3 =	sadd.s32 $0x88, s3;
	s6 =	simm.s32 @!p1 $0x1082;
	[sflag:s4] =	ssyncset.s32 $0xFFFFF086  }
0x25: {  	[simem:s6], [sflag:s4] =	dma.local [hbm:s3], $0xF7A  }
0x26: {  	[smem:$0x3F8A] =	sst s1;
	(tag) =	ssettag s2;
	_ =	strace s9  }
0x27: {  	s1 =	sld [smem:$0x3F9A]  }
0x28: {  	s2 =	sld [smem:$0x3F9B]  }
0x29: {  	s4 =	sld [smem:$0x3F9D]  }
0x2a: {  	p0 =	seq.s32 s5, $0x0;
	s5 =	sld [smem:$0x3F9E]  }
0x2b: {  	s6 =	sld [smem:$0x3F9F]  }
0x2c: {  	s7 =	sld [smem:$0x3FA0]  }
0x2d: {  	s3 =	simm.s32 $0x108;
	s8 =	sld [smem:$0x3FA1]  }
0x2e: {  	s3 =	simm.s32 @!p0 $0x1082;
	s9 =	sld [smem:$0x3FA2]  }
0x2f: {  	lr =	sadd.s32 s0, s3;
	s0 =	sld [smem:$0x3F99]  }
0x30: {  	s3 =	sld [smem:$0x3F9C]  }
0x31: {  	[smem:$0x3FA5] =	sst s10  }
0x32: {  	s10 =	sld [smem:$0x3FA3];
	_ =	sdelay $0x3  }
0x33: {  	p0 =	seq.s32 s10, $0x1;
	s10 =	sld [smem:$0x3FA5];
	_ =	sdelay $0x3  }
0x34: {  	[smem:$0x3FA5] =	sst s10  }
0x35: {  	s10 =	sld [smem:$0x3FA4];
	_ =	sdelay $0x3  }
0x36: {  	p1 =	seq.s32 s10, $0x1;
	s10 =	sld [smem:$0x3FA5];
	_ =	sdelay $0x3  }
0x37: {  	[smem:$0x3FA5] =	sst s10  }
0x38: {  	s10 =	sld [smem:$0x3FA6]  }
0x39: {  	_ = 	snop;
	(pc) =	sbr.ind lr, $3  }
0x3a: {  	_ = 	snop  }
0x3b: {  	_ = 	snop  }
0x3c: {  	p2 =	seq.s32 s10, $0x1;
	s10 =	sld [smem:$0x3FA5]  }
0x3d: {  	_ =	shalt  }
0x3e: {  	_ =	shalt  }
0x3f: {  	_ =	shalt  }
0x40: {  	_ =	shalt  }
0x41: {  	_ =	shalt  }
0x42: {  	_ =	shalt  }
0x43: {  	_ =	shalt  }
0x44: {  	_ =	shalt  }
0x45: {  	_ =	shalt  }
0x46: {  	_ =	shalt  }
0x47: {  	_ =	shalt  }
0x48: {  	_ =	shalt  }
0x49: {  	_ =	shalt  }
0x4a: {  	_ =	shalt  }
0x4b: {  	_ =	shalt  }
0x4c: {  	_ =	shalt  }
0x4d: {  	_ =	shalt  }
0x4e: {  	_ =	shalt  }
0x4f: {  	_ =	shalt  }
0x50: {  	_ =	shalt  }
0x51: {  	_ =	shalt  }
0x52: {  	_ =	shalt  }
0x53: {  	_ =	shalt  }
0x54: {  	_ =	shalt  }
0x55: {  	_ =	shalt  }
0x56: {  	_ =	shalt  }
0x57: {  	_ =	shalt  }
0x58: {  	_ =	shalt  }
0x59: {  	_ =	shalt  }
0x5a: {  	_ =	shalt  }
0x5b: {  	_ =	shalt  }
0x5c: {  	_ =	shalt  }
0x5d: {  	_ =	shalt  }
0x5e: {  	_ =	shalt  }
0x5f: {  	_ =	shalt  }
0x60: {  	_ =	shalt  }
0x61: {  	_ =	shalt  }
0x62: {  	_ =	shalt  }
0x63: {  	_ =	shalt  }
0x64: {  	_ =	shalt  }
0x65: {  	_ =	shalt  }
0x66: {  	_ =	shalt  }
0x67: {  	_ =	shalt  }
0x68: {  	_ =	shalt  }
0x69: {  	_ =	shalt  }
0x6a: {  	_ =	shalt  }
0x6b: {  	_ =	shalt  }
0x6c: {  	_ =	shalt  }
0x6d: {  	_ =	shalt  }
0x6e: {  	_ =	shalt  }
0x6f: {  	_ =	shalt  }
0x70: {  	_ =	shalt  }
0x71: {  	_ =	shalt  }
0x72: {  	_ =	shalt  }
0x73: {  	_ =	shalt  }
0x74: {  	_ =	shalt  }
0x75: {  	_ =	shalt  }
0x76: {  	_ =	shalt  }
0x77: {  	_ =	shalt  }
0x78: {  	_ =	shalt  }
0x79: {  	_ =	shalt  }
0x7a: {  	_ =	shalt  }
0x7b: {  	_ =	shalt  }
0x7c: {  	_ =	shalt  }
0x7d: {  	_ =	shalt  }
0x7e: {  	_ =	shalt  }
0x7f: {  	_ =	shalt  }
0x80: {  	_ =	shalt  }
0x81: {  	_ =	shalt  }
0x82: {  	_ =	shalt  }
0x83: {  	_ =	shalt  }
0x84: {  	_ =	shalt  }
0x85: {  	_ =	shalt  }
0x86: {  	_ =	shalt  }
0x87: {  	_ =	shalt  }
.Lfunc_end0:
.L_simem_size_0:
called_computation.7_lowered:
.L_overlay_start_0:
0x88: {  	s2 =	sld [smem:$0x3FD9]  }
0x89: {  	s3 =	sld [smem:$0x3FFE];
	_ =	sdelay $0x1  }
0x8a: {  	s1 =	srdreg.scid  }
0x8b: {  	s0 =	sand.u32 $0x1, s1  }
0x8c: {  	s15 =	sshll.u32 s0, $0xA;
	s2 =	sadd.s32 s3, s2  }
0x8d: {  	s2 =	sadd.s32 s2, s15  }
0x8e: {  	[smem:$0x3FB1] =	sst s2  }
0x8f: {  	_ = 	snop  }
0x90: {  	s2 =	sld [smem:$0x3FD0];
	_ =	sdelay $0x2  }
0x91: {  	s16 =	simm.s32 $0xC;
	s4 =	simm.s32 $0x10  }
0x92: {  	[smem:s4], [sflag:s16] =	dma.local [hbm:s2], $0x1  }
0x93: {  	_ =	swait.eq [sflag:s16], $0x1  }
0x94: {  	[sflag:s16] =	ssyncset.done $0x0  }
0x95: {  	[sflag:s16] =	ssyncadd.s32 $0xFFFFFFFF  }
0x96: {  	s17 =	sld [smem:$0x12];
	(tm) =	ssettm $0x1  }
0x97: {  	s18 =	sld [smem:$0x3FFB];
	_ =	sdelay $0x3  }
0x98: {  	_ =	strace s18  }
0x99: {  	s2 =	sld [smem:$0x3FFC];
	_ =	sdelay $0x3  }
0x9a: {  	_ =	strace s2  }
0x9b: {  	s2 =	sld [smem:$0x3FFD];
	_ =	sdelay $0x3  }
0x9c: {  	_ =	strace s2  }
0x9d: {  	_ =	strace $0x8FFFFFFF  }
0x9e: {  	s19 =	sld [smem:$0x3FDB];
	_ =	sdelay $0x1  }
0x9f: {  	s20 =	simm.s32 $_scs_section_size  }
0xa0: {  	s5 =	simm.s32 $_size__tile_overlayer_lowered;
	s6 =	simm.s32 $_tile_overlayer_lowered  }
0xa1: {  	s7 =	simm.s32 $0x1BFF;
	s21 =	sshll.u32 s6, $0x1;
	s4 =	sadd.s32 s20, s19  }
0xa2: {  	s22 =	simm.s32 $0x0;
	s5 =	sshll.u32 s5, $0x1;
	s6 =	sadd.s32 s21, s4  }
0xa3: {  	[timem:s22], [sflag:s7] =	dma.local [hbm:s6], s5  }
0xa4: {  	_ =	swait.ge [sflag:s7], s5  }
0xa5: {  	s5 =	ssub.s32 $0x0, s5;
	[sflag:s7] =	ssyncset.done $0x0  }
0xa6: {  	[sflag:s7] =	ssyncadd.s32 s5;
	_ =	sdelay $0x1  }
0xa7: {  	s23 =	simm.s32 $0x1B8B  }
0xa8: {  	_ =	swait.ge [sflag:s23], $0x1  }
0xa9: {  	[sflag:s23] =	ssyncset.done $0x0  }
0xaa: {  	[sflag:s23] =	ssyncadd.s32 $0xFFFFFFFF  }
0xab: {  	s5 =	sld [smem:$0x0]  }
0xac: {  	s6 =	sand.u32 $0xFFFFFFFE, s1  }
0xad: {  	p0 =	sne.s32 s1, s6  }
0xae: {  	s6 =	sshll.u32 @p0 s6, $0xE  }
0xaf: {  	s6 =	sadd.s32 @p0 $0x11B8D, s6;
	s7 =	sshll.u32 @p0 s5, $0x11  }
0xb0: {  	s6 =	sor.u32 @p0 s7, s6  }
0xb1: {  	[sflag:s6] =	ssyncadd.remote.s32 @p0 $0x1;
	_ =	sdelay $0x1  }
0xb2: {  	s6 =	simm.s32 @p0 $0x1B8D  }
0xb3: {  	_ =	swait.eq @p0 [sflag:s6], $0x1  }
0xb4: {  	[sflag:s6] =	ssyncadd.s32 @p0 $0xFFFFFFFF  }
0xb5: {  	s7 =	sshll.u32 @!p0 s1, $0xE  }
0xb6: {  	s7 =	sor.u32 @!p0 $0x4000, s7;
	s6 =	simm.s32 @!p0 $0x1B8D  }
0xb7: {  	s5 =	sshll.u32 @!p0 s5, $0x11;
	s7 =	sadd.s32 @!p0 $0x11B8D, s7;
	_ =	swait.eq @!p0 [sflag:s6], $0x1  }
0xb8: {  	s5 =	sor.u32 @!p0 s5, s7;
	[sflag:s6] =	ssyncadd.s32 @!p0 $0xFFFFFFFF  }
0xb9: {  	s25 =	simm.s32 $0x1B8E;
	s24 =	sld [smem:$0x3FFE];
	[sflag:s5] =	ssyncadd.remote.s32 @!p0 $0x1  }
0xba: {  	s26 =	simm.s32 $execute0_lowered;
	[smem:$0x3FD2] =	sst s25  }
0xbb: {  	s6 =	sshll.u32 s26, $0x1;
	_ =	strace $0x80000064;
	[dreg:$0x1] =	wrdreg $0xFFFFFFFF  }
0xbc: {  	s28 =	simm.s32 $_size_execute0_lowered;
	s4 =	sadd.s32 s4, s6;
	[dreg:$0x0] =	wrdreg $0x0  }
0xbd: {  	s6 =	sshll.u32 s28, $0x1;
	[dreg:$0x2] =	wrdreg s4  }
0xbe: {  	[dreg:$0x3] =	wrdreg s6  }
0xbf: {  	[dreg:$0x4] =	wrdreg $0xC0  }
0xc0: {  	_ =	task [dreg:s22], $0x5FFFF  }
0xc1: {  	[dreg:$0x1] =	wrdreg $0xFFFFFFFF  }
0xc2: {  	[dreg:$0x0] =	wrdreg $0x60  }
0xc3: {  	[dreg:$0x2] =	wrdreg s24  }
0xc4: {  	[dreg:$0x3] =	wrdreg s17  }
0xc5: {  	[dreg:$0x4] =	wrdreg $0xCF900  }
0xc6: {  	[dreg:$0x5] =	wrdreg $0xA  }
0xc7: {  	_ =	task.clear_ibuf [dreg:s22], $0x6FFFF;
	_ =	strace $0x90000064  }
0xc8: {  	s29 =	simm.s32 $0xA;
	_ =	strace $0x80000066  }
0xc9: {  	_ =	swait.ge [sflag:s29], $0x1  }
0xca: {  	[sflag:s29] =	ssyncadd.s32 $0xFFFFFFFF  }
0xcb: {  	_ =	strace $0x90000066  }
0xcc: {  	_ =	sfence  }
0xcd: {  	s30 =	sld [smem:$0x0];
	_ =	sdelay $0x2  }
0xce: {  	s31 =	sshll.u32 s1, $0xD;
	s1 =	sshrl.u32 s1, $0x2  }
0xcf: {  	s4 =	sand.u32 $0x4000, s31;
	s1 =	sadd.s32 s1, s30  }
0xd0: {  	s0 =	sor.u32 s4, s0;
	s1 =	sshll.u32 s1, $0x11  }
0xd1: {  	s0 =	sor.u32 s1, s0  }
0xd2: {  	s0 =	sadd.s32 $0x8F2B, s0  }
0xd3: {  	[sflag:s0] =	ssyncadd.remote.s32 $0x1  }
0xd4: {  	_ =	sfence.sel $0xFFFF  }
0xd5: {  	[dreg:$0x0] =	wrdreg $0xFFFFFFFF;
	(pc) =	sbr.abs _section_cstart, $3  }
0xd6: {  	[dreg:$0x1] =	wrdreg $0xFFFFFFFF  }
0xd7: {  	_ =	task.clear_ibuf [dreg:s22], $0x2FFFF;
	_ =	strace $0x9FFFFFFF  }
0xd8: {  	(tm) =	ssettm $0x7FFFFFFF  }
0xd9: {  	_ =	shalt  }
tec
execute0_lowered:
.L_overlay_start_1:
0x0: {  	(tag) =	ssettag $0x1  }
0x1: {  	s4 =	rddreg [dreg:$0x0]  }
0x2: {  	s9 =	rddreg [dreg:$0x1]  }
0x3: {  	s2 =	rddreg [dreg:$0x2]  }
0x4: {  	s0 =	rddreg [dreg:$0x3];
	s3 =	simm.s32 $0x0;
	s5 =	srdreg.scid  }
0x5: {  	s1 =	stileid.u32;
	s13 =	simm.s32 $0x310;
	s16 =	simm.s32 $0x0  }
0x6: {  	[smem:$0x7FF] =	sst s3;
	s5 =	sand.u32 $0x1, s5;
	s6 =	smul.u32 $0x110, s1  }
0x7: {  	s10 =	sadd.s32 $0x6A400, s4;
	s8 =	smul.u32 $0x2200, s1;
	s14 =	sshll.u32 s1, $0x6  }
0x8: {  	_ =	strace $0x80000065;
	s7 =	smul.u32 $0x1100, s5;
	s11 =	sshll.u32 s5, $0x4  }
0x9: {  	s5 =	ssub.s32 $0x2, s5;
	s14 =	sor.u32 $0x1C01, s14;
	s26 =	sor.u32 s1, s11  }
0xa: {  	s28 =	sshrl.u32 s5, $0x1;
	s8 =	sshrl.u32 s8, $0x2;
	s12 =	smul.u32 $0x620, s26  }
0xb: {  	s6 =	sadd.s32 s6, s7;
	s11 =	ssub.s32 s5, s28;
	s30 =	smul.u32 $0x3100, s26  }
0xc: {  	s6 =	sadd.s32 s6, s4;
	s4 =	sadd.s32 s8, s2;
	s7 =	smax.u32 s11, $0x1  }
0xd: {  	s5 =	sadd.s32 $0x1C5600, s6;
	s29 =	sshrl.u32 s12, $0x3;
	s31 =	sadd.s32 $0x310, s12  }
0xe: {  	s8 =	sadd.s32 s10, s30;
	s15 =	sshrl.u32 s4, $0x3;
	s12 =	sshrl.u32 s31, $0x3  }
0xf: {  	s6 =	sadd.s32 s9, s29;
	s11 =	sshll.u32 s31, $0x3;
	s9 =	sadd.s32 s9, s12  }
0x10: {  	v0 =	vimm.f32 $0.0e+00;
	s10 =	sadd.s32 s10, s11;
	s11 =	simm.s32 $0xC710;
	s12 =	simm.s32 $0x1  }
.LBB2_1:
0x11: {  	s18 =	simm.s32 $0x100;
	s17 =	simm.s32 $0x0  }
.LBB2_2:
0x12: {  	p0 =	sne.s32 s18, $0x2100;
	[tilespmem:s17+$0xC740] =	vst v0;
	s19 =	smov.u32 s18;
	s18 =	sadd.s32 $0x100, s18  }
.Ltmp0:
0x13: {  	[tilespmem:s17+$0xC730] =	vst v0;
	(pc) =	sbr.rel @p0 .LBB2_2-.Ltmp0, $3  }
0x14: {  	[tilespmem:s17+$0xC710] =	vst v0  }
0x15: {  	[tilespmem:s17+$0xC720] =	vst v0;
	_ =	sdelay $0x1  }
0x16: {  	s17 =	sshra.s32 s19, $0x2  }
0x17: {  	[tilespmem:s17+$0xC740] =	vst v0  }
0x18: {  	[tilespmem:s17+$0xC730] =	vst v0  }
0x19: {  	[tilespmem:s17+$0xC710] =	vst v0  }
0x1a: {  	[tilespmem:s17+$0xC720] =	vst v0  }
0x1b: {  	[spmem:s4] =	stream.linear.scatter [tilespmem:s11], [sflag:$0x1], $0x880, $0x38;
	[tilespmem:$0xD810] =	vst v63  }
0x1c: {  	_ =	swait.ge [sflag:s12], $0x880  }
0x1d: {  	[sflag:s12] =	ssyncset.done $0x0  }
0x1e: {  	[sflag:s12] =	ssyncadd.s32 $0xFFFFF780  }
0x1f: {  	[bflag:$0x0] =	sbarrier.arrive $0xFFFF  }
0x20: {  	[tilespmem:s3], [sflag:$0x1] =	stream.linear.gather [hbm4b:s6+s3], $0x310, $0x38;
	[tilespmem:$0xD810] =	vst v63  }
0x21: {  	_ =	swait.ge [sflag:s12], $0x310  }
0x22: {  	[sflag:s12] =	ssyncset.done $0x0  }
0x23: {  	[sflag:s12] =	ssyncadd.s32 $0xFFFFFCF0  }
0x24: {  	[tilespmem:s13], [sflag:$0x1] =	stream.linear.gather [hbm4b:s8+s3], $0xC400, $0x38;
	[tilespmem:$0xD810] =	vst v63  }
0x25: {  	_ =	swait.ge [sflag:s12], $0xC400  }
0x26: {  	[sflag:s12] =	ssyncset.done $0x0  }
0x27: {  	[sflag:s12] =	ssyncadd.s32 $0xFFFF3C00  }
0x28: {  	[spmem:s2] =	stream.indirect.scatter.add.f32 [tilespmem:s13], [sflag:$0x1], $0x40, s3, s13, $0xb8;
	[tilespmem:$0xD810] =	vst v63  }
0x29: {  	_ =	swait.ge [sflag:s12], $0xC400  }
0x2a: {  	[sflag:s12] =	ssyncset.done $0x0  }
0x2b: {  	[sflag:s12] =	ssyncadd.s32 $0xFFFF3C00  }
0x2c: {  	[tilespmem:s3], [sflag:$0x1] =	stream.linear.gather [hbm4b:s9+s3], $0x310, $0x38;
	[tilespmem:$0xD810] =	vst v63  }
0x2d: {  	_ =	swait.ge [sflag:s12], $0x310  }
0x2e: {  	[sflag:s12] =	ssyncset.done $0x0  }
0x2f: {  	[sflag:s12] =	ssyncadd.s32 $0xFFFFFCF0  }
0x30: {  	[tilespmem:s13], [sflag:$0x1] =	stream.linear.gather [hbm4b:s10+s3], $0xC400, $0x38;
	[tilespmem:$0xD810] =	vst v63  }
0x31: {  	_ =	swait.ge [sflag:s12], $0xC400  }
0x32: {  	[sflag:s12] =	ssyncset.done $0x0  }
0x33: {  	[sflag:s12] =	ssyncadd.s32 $0xFFFF3C00  }
0x34: {  	[spmem:s2] =	stream.indirect.scatter.add.f32 [tilespmem:s13], [sflag:$0x1], $0x40, s3, s13, $0xb8;
	[tilespmem:$0xD810] =	vst v63  }
0x35: {  	_ =	swait.ge [sflag:s12], $0xC400  }
0x36: {  	s16 =	sadd.s32 $0x1, s16;
	[sflag:s12] =	ssyncset.done $0x0  }
0x37: {  	p0 =	sne.s32 s16, s7;
	[sflag:s12] =	ssyncadd.s32 $0xFFFF3C00  }
.Ltmp1:
0x38: {  	[bflag:$0x0] =	sbarrier.arrive $0xFFFF;
	(pc) =	sbr.rel @p0 .LBB2_1-.Ltmp1, $4  }
0x39: {  	[hbm:s5], [sflag:s14] =	dma.local [spmem:s15], $0x110  }
0x3a: {  	_ =	swait.ge [sflag:s12], $0x110  }
0x3b: {  	[sflag:s12] =	ssyncset.done $0x0  }
0x3c: {  	[sflag:s12] =	ssyncadd.s32 $0xFFFFFEF0  }
0x3d: {  	_ =	sfence.sel $0x180000  }
0x3e: {  	[bflag:$0x0] =	sbarrier.arrive $0xFFFF  }
0x3f: {  	p0 =	sne.s32 s1, $0x0;
	_ =	strace $0x90000065  }
0x40: {  	s0 =	sadd.s32 @!p0 $0x100000, s0;
	[bflag:$0x2] =	sbarrier.arrive $0xFFFF  }
0x41: {  	[sflag:s0] =	ssyncadd.tile.s32 @!p0 $0x1;
	_ =	shalt  }
.Lfunc_end2:
_tile_overlayer_lowered:
.L_overlay_start_2:
0x42: {  	(tag) =	ssettag $0x2  }
0x43: {  	s0 =	rddreg [dreg:$0x0];
	s2 =	stileid.u32  }
0x44: {  	s1 =	rddreg [dreg:$0x1];
	p0 =	sne.s32 s2, $0x0  }
0x45: {  	s3 =	rddreg [dreg:$0x2];
	[bflag:$0x3] =	sbarrier.arrive $0xFFFF;
	s2 =	simm.s32 @!p0 $0x1C01  }
0x46: {  	[timem:s3], [sflag:s2] =	dma.local @!p0 [hbm:s0], s1  }
0x47: {  	s0 =	simm.s32 @!p0 $0x1  }
0x48: {  	_ =	swait.ge @!p0 [sflag:s0], s1  }
0x49: {  	s1 =	ssub.s32 @!p0 $0x0, s1;
	[sflag:s0] =	ssyncset.done @!p0 $0x0  }
0x4a: {  	[sflag:s0] =	ssyncadd.s32 @!p0 s1  }
0x4b: {  	[bflag:$0x3] =	sbarrier.arrive $0xFFFF  }
0x4c: {  	_ =	shalt  }

// kernel: kernel.50.cloned.1.call-start
scs
__scs_entry_jumppad:
0x0: {  	(pc) =	sbr.rel $0x88, $3  }
0x1: {  	(tag) =	ssettag $0x0;
	lr =	simm.s32 $0x1  }
0x2: {  	[smem:$0x3F8A] =	sst lr;
	_ =	strace $0xD0000000  }
0x3: {  	_ = 	snop  }
0x4: {  	_ = 	snop  }
0x5: {  	_ = 	snop  }
0x6: {  	_ = 	snop  }
0x7: {  	_ = 	snop  }
__scs_overlays_trampoline_lowered:
0x8: {  	[smem:$0x3F99] =	sst s0  }
0x9: {  	[smem:$0x3F9A] =	sst s1  }
0xa: {  	[smem:$0x3F9B] =	sst s2  }
0xb: {  	[smem:$0x3F9C] =	sst s3  }
0xc: {  	[smem:$0x3F9D] =	sst s4  }
0xd: {  	[smem:$0x3F9E] =	sst s5  }
0xe: {  	[smem:$0x3F9F] =	sst s6  }
0xf: {  	[smem:$0x3FA0] =	sst s7  }
0x10: {  	[smem:$0x3FA1] =	sst s8  }
0x11: {  	[smem:$0x3FA2] =	sst s9;
	s0 =	simm.s32 @!p0 $0x0  }
0x12: {  	s1 =	sld [smem:$0x3F88];
	s0 =	simm.s32 @p0 $0x1  }
0x13: {  	[smem:$0x3FA3] =	sst s0;
	s0 =	simm.s32 @!p1 $0x0  }
0x14: {  	s2 =	sld [smem:$0x3F87];
	s0 =	simm.s32 @p1 $0x1  }
0x15: {  	[smem:$0x3FA4] =	sst s0;
	s0 =	simm.s32 @!p2 $0x0  }
0x16: {  	s3 =	sld [smem:$0x3FDB];
	s0 =	simm.s32 @p2 $0x1  }
0x17: {  	s4 =	simm.s32 $0x1BF5;
	[smem:$0x3FA6] =	sst s0  }
0x18: {  	s0 =	sld [smem:$0x3F89];
	_ =	swait.ge [sflag:s4], $0x0  }
0x19: {  	s7 =	sld [smem:$0x3F8A]  }
0x1a: {  	s8 =	sadd.s32 $0xFFFFE003, lr  }
0x1b: {  	s9 =	sadd.s32 $0xFFFFFEF7, lr;
	s5 =	simm.s32 $0xFFFFFFFF;
	p2 =	slt.u32 s8, $0xFFFFF086  }
0x1c: {  	p1 =	slt.u32 s9, $0xF7A;
	s5 =	simm.s32 @!p2 $0x0  }
0x1d: {  	s5 =	simm.s32 @p1 $0x1;
	p0 =	seq.s32 s7, s2  }
0x1e: {  	s7 =	smul.u32 @!p0 $0xF7A, s2;
	p2 =	seq.s32 @!p0 s5, $0x0  }
0x1f: {  	s9 =	smul.u32 $0xF7A, s1;
	s8 =	simm.s32 @!p0 $0x1BF5;
	p2 =	por !p2, p0  }
0x20: {  	[sflag:s8] =	ssyncset.s32 @!p0 $0xFFFFF086;
	s6 =	sadd.s32 @!p0 s3, s7;
	s7 =	simm.s32 @!p0 $0x108  }
0x21: {  	s3 =	sadd.s32 s3, s9;
	s6 =	sadd.s32 @!p0 $0x88, s6;
	s7 =	simm.s32 @p2 $0x1082  }
0x22: {  	[simem:s7], [sflag:s8] =	dma.local @!p0 [hbm:s6], $0xF7A  }
0x23: {  	s9 =	sor.u32 $0xD0000000, s2;
	s6 =	simm.s32 $0x108;
	_ =	swait.ge @!p0 [sflag:s8], $0x0  }
0x24: {  	s3 =	sadd.s32 $0x88, s3;
	s6 =	simm.s32 @!p1 $0x1082;
	[sflag:s4] =	ssyncset.s32 $0xFFFFF086  }
0x25: {  	[simem:s6], [sflag:s4] =	dma.local [hbm:s3], $0xF7A  }
0x26: {  	[smem:$0x3F8A] =	sst s1;
	(tag) =	ssettag s2;
	_ =	strace s9  }
0x27: {  	s1 =	sld [smem:$0x3F9A]  }
0x28: {  	s2 =	sld [smem:$0x3F9B]  }
0x29: {  	s4 =	sld [smem:$0x3F9D]  }
0x2a: {  	p0 =	seq.s32 s5, $0x0;
	s5 =	sld [smem:$0x3F9E]  }
0x2b: {  	s6 =	sld [smem:$0x3F9F]  }
0x2c: {  	s7 =	sld [smem:$0x3FA0]  }
0x2d: {  	s3 =	simm.s32 $0x108;
	s8 =	sld [smem:$0x3FA1]  }
0x2e: {  	s3 =	simm.s32 @!p0 $0x1082;
	s9 =	sld [smem:$0x3FA2]  }
0x2f: {  	lr =	sadd.s32 s0, s3;
	s0 =	sld [smem:$0x3F99]  }
0x30: {  	s3 =	sld [smem:$0x3F9C]  }
0x31: {  	[smem:$0x3FA5] =	sst s10  }
0x32: {  	s10 =	sld [smem:$0x3FA3];
	_ =	sdelay $0x3  }
0x33: {  	p0 =	seq.s32 s10, $0x1;
	s10 =	sld [smem:$0x3FA5];
	_ =	sdelay $0x3  }
0x34: {  	[smem:$0x3FA5] =	sst s10  }
0x35: {  	s10 =	sld [smem:$0x3FA4];
	_ =	sdelay $0x3  }
0x36: {  	p1 =	seq.s32 s10, $0x1;
	s10 =	sld [smem:$0x3FA5];
	_ =	sdelay $0x3  }
0x37: {  	[smem:$0x3FA5] =	sst s10  }
0x38: {  	s10 =	sld [smem:$0x3FA6]  }
0x39: {  	_ = 	snop;
	(pc) =	sbr.ind lr, $3  }
0x3a: {  	_ = 	snop  }
0x3b: {  	_ = 	snop  }
0x3c: {  	p2 =	seq.s32 s10, $0x1;
	s10 =	sld [smem:$0x3FA5]  }
0x3d: {  	_ =	shalt  }
0x3e: {  	_ =	shalt  }
0x3f: {  	_ =	shalt  }
0x40: {  	_ =	shalt  }
0x41: {  	_ =	shalt  }
0x42: {  	_ =	shalt  }
0x43: {  	_ =	shalt  }
0x44: {  	_ =	shalt  }
0x45: {  	_ =	shalt  }
0x46: {  	_ =	shalt  }
0x47: {  	_ =	shalt  }
0x48: {  	_ =	shalt  }
0x49: {  	_ =	shalt  }
0x4a: {  	_ =	shalt  }
0x4b: {  	_ =	shalt  }
0x4c: {  	_ =	shalt  }
0x4d: {  	_ =	shalt  }
0x4e: {  	_ =	shalt  }
0x4f: {  	_ =	shalt  }
0x50: {  	_ =	shalt  }
0x51: {  	_ =	shalt  }
0x52: {  	_ =	shalt  }
0x53: {  	_ =	shalt  }
0x54: {  	_ =	shalt  }
0x55: {  	_ =	shalt  }
0x56: {  	_ =	shalt  }
0x57: {  	_ =	shalt  }
0x58: {  	_ =	shalt  }
0x59: {  	_ =	shalt  }
0x5a: {  	_ =	shalt  }
0x5b: {  	_ =	shalt  }
0x5c: {  	_ =	shalt  }
0x5d: {  	_ =	shalt  }
0x5e: {  	_ =	shalt  }
0x5f: {  	_ =	shalt  }
0x60: {  	_ =	shalt  }
0x61: {  	_ =	shalt  }
0x62: {  	_ =	shalt  }
0x63: {  	_ =	shalt  }
0x64: {  	_ =	shalt  }
0x65: {  	_ =	shalt  }
0x66: {  	_ =	shalt  }
0x67: {  	_ =	shalt  }
0x68: {  	_ =	shalt  }
0x69: {  	_ =	shalt  }
0x6a: {  	_ =	shalt  }
0x6b: {  	_ =	shalt  }
0x6c: {  	_ =	shalt  }
0x6d: {  	_ =	shalt  }
0x6e: {  	_ =	shalt  }
0x6f: {  	_ =	shalt  }
0x70: {  	_ =	shalt  }
0x71: {  	_ =	shalt  }
0x72: {  	_ =	shalt  }
0x73: {  	_ =	shalt  }
0x74: {  	_ =	shalt  }
0x75: {  	_ =	shalt  }
0x76: {  	_ =	shalt  }
0x77: {  	_ =	shalt  }
0x78: {  	_ =	shalt  }
0x79: {  	_ =	shalt  }
0x7a: {  	_ =	shalt  }
0x7b: {  	_ =	shalt  }
0x7c: {  	_ =	shalt  }
0x7d: {  	_ =	shalt  }
0x7e: {  	_ =	shalt  }
0x7f: {  	_ =	shalt  }
0x80: {  	_ =	shalt  }
0x81: {  	_ =	shalt  }
0x82: {  	_ =	shalt  }
0x83: {  	_ =	shalt  }
0x84: {  	_ =	shalt  }
0x85: {  	_ =	shalt  }
0x86: {  	_ =	shalt  }
0x87: {  	_ =	shalt  }
.Lfunc_end0:
.L_simem_size_0:
called_computation.8_lowered:
.L_overlay_start_0:
0x88: {  	s2 =	sld [smem:$0x3FD9]  }
0x89: {  	s3 =	sld [smem:$0x3FFE];
	_ =	sdelay $0x1  }
0x8a: {  	s1 =	srdreg.scid  }
0x8b: {  	s0 =	sand.u32 $0x1, s1  }
0x8c: {  	s16 =	sshll.u32 s0, $0xA;
	s2 =	sadd.s32 s3, s2  }
0x8d: {  	s2 =	sadd.s32 s2, s16  }
0x8e: {  	[smem:$0x3FB1] =	sst s2  }
0x8f: {  	_ = 	snop  }
0x90: {  	(tm) =	ssettm $0x1  }
0x91: {  	s17 =	sld [smem:$0x3FFB];
	_ =	sdelay $0x3  }
0x92: {  	_ =	strace s17  }
0x93: {  	s2 =	sld [smem:$0x3FFC];
	_ =	sdelay $0x3  }
0x94: {  	_ =	strace s2  }
0x95: {  	s2 =	sld [smem:$0x3FFD];
	_ =	sdelay $0x3  }
0x96: {  	_ =	strace s2  }
0x97: {  	_ =	strace $0x8FFFFFFF  }
0x98: {  	s18 =	sld [smem:$0x3FDB];
	_ =	sdelay $0x1  }
0x99: {  	s19 =	simm.s32 $_scs_section_size  }
0x9a: {  	s4 =	simm.s32 $_size__tile_overlayer_lowered;
	s5 =	simm.s32 $_tile_overlayer_lowered  }
0x9b: {  	s22 =	simm.s32 $0x1BFF;
	s21 =	sshll.u32 s5, $0x1;
	s2 =	sadd.s32 s19, s18  }
0x9c: {  	s6 =	simm.s32 $0x0;
	s20 =	sshll.u32 s4, $0x1;
	s4 =	sadd.s32 s21, s2  }
0x9d: {  	[timem:s6], [sflag:s22] =	dma.local [hbm:s4], s20  }
0x9e: {  	_ =	swait.ge [sflag:s22], s20  }
0x9f: {  	s3 =	ssub.s32 $0x0, s20;
	[sflag:s22] =	ssyncset.done $0x0  }
0xa0: {  	[sflag:s22] =	ssyncadd.s32 s3;
	_ =	sdelay $0x1  }
0xa1: {  	s23 =	simm.s32 $0x1B8B  }
0xa2: {  	_ =	swait.ge [sflag:s23], $0x1  }
0xa3: {  	[sflag:s23] =	ssyncset.done $0x0  }
0xa4: {  	s25 =	simm.s32 $0x1B8E;
	s24 =	sld [smem:$0x3FFE];
	[sflag:s23] =	ssyncadd.s32 $0xFFFFFFFF  }
0xa5: {  	s26 =	simm.s32 $execute0_lowered;
	[smem:$0x3FD2] =	sst s25  }
0xa6: {  	s4 =	sshll.u32 s26, $0x1;
	_ =	strace $0x80000046;
	[dreg:$0x1] =	wrdreg $0xFFFFFFFF  }
0xa7: {  	s28 =	simm.s32 $_size_execute0_lowered;
	s2 =	sadd.s32 s2, s4;
	[dreg:$0x0] =	wrdreg $0x0  }
0xa8: {  	s4 =	sshll.u32 s28, $0x1;
	[dreg:$0x2] =	wrdreg s2  }
0xa9: {  	[dreg:$0x3] =	wrdreg s4  }
0xaa: {  	[dreg:$0x4] =	wrdreg $0xC0  }
0xab: {  	_ =	task [dreg:s6], $0x5FFFF  }
0xac: {  	[dreg:$0x1] =	wrdreg $0xFFFFFFFF  }
0xad: {  	[dreg:$0x0] =	wrdreg $0x60  }
0xae: {  	[dreg:$0x2] =	wrdreg s24  }
0xaf: {  	[dreg:$0x3] =	wrdreg $0x70800  }
0xb0: {  	[dreg:$0x4] =	wrdreg $0xB  }
0xb1: {  	_ =	task.clear_ibuf [dreg:s6], $0x5FFFF;
	_ =	strace $0x90000046  }
0xb2: {  	s29 =	simm.s32 $0xB;
	_ =	strace $0x80000048  }
0xb3: {  	_ =	swait.ge [sflag:s29], $0x1  }
0xb4: {  	[sflag:s29] =	ssyncadd.s32 $0xFFFFFFFF  }
0xb5: {  	_ =	strace $0x90000048  }
0xb6: {  	_ =	sfence  }
0xb7: {  	s30 =	sld [smem:$0x0];
	_ =	sdelay $0x2  }
0xb8: {  	s31 =	sshll.u32 s1, $0xD;
	s1 =	sshrl.u32 s1, $0x2  }
0xb9: {  	s3 =	sand.u32 $0x4000, s31;
	s1 =	sadd.s32 s1, s30  }
0xba: {  	s0 =	sor.u32 s3, s0;
	s1 =	sshll.u32 s1, $0x11  }
0xbb: {  	s0 =	sor.u32 s1, s0  }
0xbc: {  	s0 =	sadd.s32 $0x8F2B, s0  }
0xbd: {  	[sflag:s0] =	ssyncadd.remote.s32 $0x1  }
0xbe: {  	_ =	sfence.sel $0xFFFF  }
0xbf: {  	[dreg:$0x0] =	wrdreg $0xFFFFFFFF;
	(pc) =	sbr.abs _section_cstart, $3  }
0xc0: {  	[dreg:$0x1] =	wrdreg $0xFFFFFFFF  }
0xc1: {  	_ =	task.clear_ibuf [dreg:s6], $0x2FFFF;
	_ =	strace $0x9FFFFFFF  }
0xc2: {  	(tm) =	ssettm $0x7FFFFFFF  }
0xc3: {  	_ =	shalt  }
tec
execute0_lowered:
.L_overlay_start_1:
0x0: {  	(tag) =	ssettag $0x1  }
0x1: {  	s0 =	rddreg [dreg:$0x0]  }
0x2: {  	s2 =	rddreg [dreg:$0x1];
	s1 =	srdreg.scid  }
0x3: {  	s9 =	stileid.u32;
	s3 =	simm.s32 $0x0;
	s19 =	simm.s32 $0xC80  }
0x4: {  	s20 =	simm.s32 $0x5;
	s21 =	simm.s32 $0x640;
	s22 =	simm.s32 $0x320  }
0x5: {  	s23 =	simm.s32 $0x960;
	s28 =	simm.s32 $0x3;
	s29 =	simm.s32 $0x4  }
0x6: {  	s30 =	simm.s32 $0x0;
	s1 =	sand.u32 $0x1, s1;
	s5 =	smul.u32 $0xC40, s9  }
0x7: {  	[smem:$0x7FF] =	sst s3;
	s4 =	sadd.s32 $0xCC400, s0;
	s7 =	smul.u32 $0x31000, s9  }
0x8: {  	s18 =	sadd.s32 $0x21400, s0;
	s17 =	sadd.s32 $0x8400, s0;
	s31 =	smul.u32 $0x6400, s9  }
0x9: {  	s6 =	smul.u32 $0xC400, s1;
	_ =	strace $0x80000047;
	s24 =	ssub.s32 $0x2, s1  }
0xa: {  	s1 =	smul.u32 $0x64000, s1;
	s25 =	sshrl.u32 s24, $0x1;
	s26 =	sshrl.u32 s7, $0x2  }
0xb: {  	s5 =	sadd.s32 s5, s6;
	s8 =	ssub.s32 s24, s25;
	s6 =	sadd.s32 s26, s2  }
0xc: {  	s24 =	simm.s32 $0x3E80;
	s25 =	simm.s32 $0x1;
	s26 =	simm.s32 $0x2  }
0xd: {  	s5 =	sshll.u32 s5, $0x1;
	s9 =	sadd.s32 $0x3100, s6;
	s10 =	sadd.s32 $0x4980, s6  }
0xe: {  	s11 =	sadd.s32 $0x6200, s6;
	s12 =	sadd.s32 $0x7A80, s6;
	s0 =	sadd.s32 s5, s0  }
0xf: {  	s13 =	sadd.s32 $0x9300, s6;
	s14 =	sadd.s32 $0xAB80, s6;
	s0 =	sadd.s32 $0x3A400, s0  }
0x10: {  	s5 =	smax.u32 s8, $0x1;
	[dreg:$0x3] =	wrdreg s0;
	s0 =	sadd.s32 s31, s1  }
0x11: {  	s8 =	sadd.s32 $0x1880, s6;
	s1 =	sor.u32 $0x320, s0;
	s0 =	sshrl.u32 s0, $0x3  }
0x12: {  	[dreg:$0x4] =	wrdreg s5;
	s1 =	sshrl.u32 s1, $0x3;
	s15 =	sadd.s32 s0, s17  }
0x13: {  	v0 =	vimm.f32 $0.0e+00;
	s16 =	sadd.s32 s0, s18;
	s17 =	sadd.s32 s1, s17;
	s18 =	sadd.s32 s1, s18  }
.LBB2_1:
0x14: {  	s0 =	simm.s32 $0x40;
	s1 =	simm.s32 $0x0  }
.LBB2_2:
0x15: {  	p0 =	sne.s32 s0, $0x61C0;
	[tilespmem:s1+$0xC80] =	vst v0;
	s1 =	smov.u32 s0;
	s0 =	sadd.s32 $0x40, s0  }
.Ltmp0:
0x16: {  	(pc) =	sbr.rel @p0 .LBB2_2-.Ltmp0, $2  }
0x17: {  	_ =	sdelay $0x2  }
0x18: {  	s1 =	sshra.s32 s1, $0x2  }
0x19: {  	[tilespmem:s1+$0xC80] =	vst v0  }
0x1a: {  	[spmem:s6] =	stream.linear.scatter [tilespmem:s19], [sflag:$0x5], $0x1880, $0x38;
	[tilespmem:$0x13480] =	vst v63  }
0x1b: {  	_ =	swait.ge [sflag:s20], $0x1880  }
0x1c: {  	[sflag:s20] =	ssyncset.done $0x0  }
0x1d: {  	[sflag:s20] =	ssyncadd.s32 $0xFFFFE780  }
0x1e: {  	[spmem:s8] =	stream.linear.scatter [tilespmem:s19], [sflag:$0x5], $0x1880, $0x38;
	[tilespmem:$0x13480] =	vst v63  }
0x1f: {  	_ =	swait.ge [sflag:s20], $0x1880  }
0x20: {  	[sflag:s20] =	ssyncset.done $0x0  }
0x21: {  	[sflag:s20] =	ssyncadd.s32 $0xFFFFE780  }
0x22: {  	[spmem:s9] =	stream.linear.scatter [tilespmem:s19], [sflag:$0x5], $0x1880, $0x38;
	[tilespmem:$0x13480] =	vst v63  }
0x23: {  	_ =	swait.ge [sflag:s20], $0x1880  }
0x24: {  	[sflag:s20] =	ssyncset.done $0x0  }
0x25: {  	[sflag:s20] =	ssyncadd.s32 $0xFFFFE780  }
0x26: {  	[spmem:s10] =	stream.linear.scatter [tilespmem:s19], [sflag:$0x5], $0x1880, $0x38;
	[tilespmem:$0x13480] =	vst v63  }
0x27: {  	_ =	swait.ge [sflag:s20], $0x1880  }
0x28: {  	[sflag:s20] =	ssyncset.done $0x0  }
0x29: {  	[sflag:s20] =	ssyncadd.s32 $0xFFFFE780  }
0x2a: {  	[spmem:s11] =	stream.linear.scatter [tilespmem:s19], [sflag:$0x5], $0x1880, $0x38;
	[tilespmem:$0x13480] =	vst v63  }
0x2b: {  	_ =	swait.ge [sflag:s20], $0x1880  }
0x2c: {  	[sflag:s20] =	ssyncset.done $0x0  }
0x2d: {  	[sflag:s20] =	ssyncadd.s32 $0xFFFFE780  }
0x2e: {  	[spmem:s12] =	stream.linear.scatter [tilespmem:s19], [sflag:$0x5], $0x1880, $0x38;
	[tilespmem:$0x13480] =	vst v63  }
0x2f: {  	_ =	swait.ge [sflag:s20], $0x1880  }
0x30: {  	[sflag:s20] =	ssyncset.done $0x0  }
0x31: {  	[sflag:s20] =	ssyncadd.s32 $0xFFFFE780  }
0x32: {  	[spmem:s13] =	stream.linear.scatter [tilespmem:s19], [sflag:$0x5], $0x1880, $0x38;
	[tilespmem:$0x13480] =	vst v63  }
0x33: {  	_ =	swait.ge [sflag:s20], $0x1880  }
0x34: {  	[sflag:s20] =	ssyncset.done $0x0  }
0x35: {  	[sflag:s20] =	ssyncadd.s32 $0xFFFFE780  }
0x36: {  	[spmem:s14] =	stream.linear.scatter [tilespmem:s19], [sflag:$0x5], $0x1880, $0x38;
	[tilespmem:$0x13480] =	vst v63  }
0x37: {  	_ =	swait.ge [sflag:s20], $0x1880  }
0x38: {  	[sflag:s20] =	ssyncset.done $0x0  }
0x39: {  	[sflag:s20] =	ssyncadd.s32 $0xFFFFE780  }
0x3a: {  	s0 =	sadd.s32 $0x0, s16;
	[bflag:$0x0] =	sbarrier.arrive $0xFFFF  }
0x3b: {  	[tilespmem:s3], [sflag:$0x5] =	stream.linear.gather [hbm4b:s0+s3], $0x320, $0x38;
	[tilespmem:$0x13480] =	vst v63  }
0x3c: {  	_ =	swait.ge [sflag:s20], $0x320  }
0x3d: {  	[sflag:s20] =	ssyncset.done $0x0  }
0x3e: {  	s1 =	sadd.s32 $0x0, s15;
	[sflag:s20] =	ssyncadd.s32 $0xFFFFFCE0  }
0x3f: {  	[tilespmem:s21], [sflag:$0x5] =	stream.linear.gather [hbm4b:s1+s3], $0x320, $0x38;
	[tilespmem:$0x13480] =	vst v63  }
0x40: {  	_ =	swait.ge [sflag:s20], $0x320  }
0x41: {  	[sflag:s20] =	ssyncset.done $0x0  }
0x42: {  	[sflag:s20] =	ssyncadd.s32 $0xFFFFFCE0  }
0x43: {  	[tilespmem:s19], [sflag:$0x1] =	stream.indirect.gather [hbm4b:s4+s22], $0x10, s3, s22, $0xb8;
	[tilespmem:$0x13480] =	vst v63  }
0x44: {  	s5 =	sadd.s32 $0x0, s18  }
0x45: {  	[tilespmem:s22], [sflag:$0x5] =	stream.linear.gather [hbm4b:s5+s3], $0x320, $0x38;
	[tilespmem:$0x13480] =	vst v63  }
0x46: {  	_ =	swait.ge [sflag:s20], $0x320  }
0x47: {  	[sflag:s20] =	ssyncset.done $0x0  }
0x48: {  	s7 =	sadd.s32 $0x0, s17;
	[sflag:s20] =	ssyncadd.s32 $0xFFFFFCE0  }
0x49: {  	[tilespmem:s23], [sflag:$0x5] =	stream.linear.gather [hbm4b:s7+s3], $0x320, $0x38;
	[tilespmem:$0x13480] =	vst v63  }
0x4a: {  	_ =	swait.ge [sflag:s20], $0x320  }
0x4b: {  	[sflag:s20] =	ssyncset.done $0x0  }
0x4c: {  	[sflag:s20] =	ssyncadd.s32 $0xFFFFFCE0  }
0x4d: {  	[tilespmem:s24], [sflag:$0x2] =	stream.indirect.gather [hbm4b:s4+s22], $0x10, s22, s22, $0xb8;
	[tilespmem:$0x13480] =	vst v63  }
0x4e: {  	_ =	swait.ge [sflag:s25], $0x3200  }
0x4f: {  	[sflag:s25] =	ssyncset.done $0x0  }
0x50: {  	[sflag:s25] =	ssyncadd.s32 $0xFFFFCE00  }
0x51: {  	[spmem:s2] =	stream.indirect.scatter.add.f32 [tilespmem:s19], [sflag:$0x3], $0x10, s21, s22, $0xb8;
	[tilespmem:$0x13480] =	vst v63  }
0x52: {  	_ =	swait.ge [sflag:s26], $0x3200  }
0x53: {  	[sflag:s26] =	ssyncset.done $0x0  }
0x54: {  	[sflag:s26] =	ssyncadd.s32 $0xFFFFCE00  }
0x55: {  	[spmem:s2] =	stream.indirect.scatter.add.f32 [tilespmem:s24], [sflag:$0x4], $0x10, s23, s22, $0xb8;
	[tilespmem:$0x13480] =	vst v63  }
0x56: {  	_ =	swait.ge [sflag:s28], $0x3200  }
0x57: {  	[sflag:s28] =	ssyncset.done $0x0  }
0x58: {  	[sflag:s28] =	ssyncadd.s32 $0xFFFFCE00  }
0x59: {  	_ =	swait.ge [sflag:s29], $0x3200  }
0x5a: {  	s31 =	simm.s32 $0xC8;
	s0 =	simm.s32 $0x190;
	[sflag:s29] =	ssyncset.done $0x0  }
.LBB2_4:
0x5b: {  	s5 =	sadd.s32 s31, s16  }
0x5c: {  	[sflag:s29] =	ssyncadd.s32 $0xFFFFCE00;
	s7 =	smov.u32 s0;
	s1 =	sadd.s32 $0xC8, s0  }
0x5d: {  	[tilespmem:s3], [sflag:$0x5] =	stream.linear.gather [hbm4b:s5+s3], $0x320, $0x38;
	[tilespmem:$0x13480] =	vst v63  }
0x5e: {  	p0 =	sne.s32 s0, $0xBB8;
	_ =	swait.ge [sflag:s20], $0x320  }
0x5f: {  	[sflag:s20] =	ssyncset.done $0x0  }
0x60: {  	s0 =	sadd.s32 s31, s15;
	[sflag:s20] =	ssyncadd.s32 $0xFFFFFCE0  }
0x61: {  	[tilespmem:s21], [sflag:$0x5] =	stream.linear.gather [hbm4b:s0+s3], $0x320, $0x38;
	[tilespmem:$0x13480] =	vst v63  }
0x62: {  	_ =	swait.ge [sflag:s20], $0x320  }
0x63: {  	[sflag:s20] =	ssyncset.done $0x0  }
0x64: {  	[sflag:s20] =	ssyncadd.s32 $0xFFFFFCE0  }
0x65: {  	[tilespmem:s19], [sflag:$0x1] =	stream.indirect.gather [hbm4b:s4+s22], $0x10, s3, s22, $0xb8;
	[tilespmem:$0x13480] =	vst v63  }
0x66: {  	s0 =	sadd.s32 s31, s18  }
0x67: {  	[tilespmem:s22], [sflag:$0x5] =	stream.linear.gather [hbm4b:s0+s3], $0x320, $0x38;
	[tilespmem:$0x13480] =	vst v63  }
0x68: {  	_ =	swait.ge [sflag:s20], $0x320  }
0x69: {  	[sflag:s20] =	ssyncset.done $0x0  }
0x6a: {  	s0 =	sadd.s32 s31, s17;
	s31 =	smov.u32 s7;
	[sflag:s20] =	ssyncadd.s32 $0xFFFFFCE0  }
0x6b: {  	[tilespmem:s23], [sflag:$0x5] =	stream.linear.gather [hbm4b:s0+s3], $0x320, $0x38;
	[tilespmem:$0x13480] =	vst v63  }
0x6c: {  	_ =	swait.ge [sflag:s20], $0x320  }
0x6d: {  	[sflag:s20] =	ssyncset.done $0x0  }
0x6e: {  	[sflag:s20] =	ssyncadd.s32 $0xFFFFFCE0  }
0x6f: {  	[tilespmem:s24], [sflag:$0x2] =	stream.indirect.gather [hbm4b:s4+s22], $0x10, s22, s22, $0xb8;
	[tilespmem:$0x13480] =	vst v63  }
0x70: {  	_ =	swait.ge [sflag:s25], $0x3200  }
0x71: {  	[sflag:s25] =	ssyncset.done $0x0  }
0x72: {  	[sflag:s25] =	ssyncadd.s32 $0xFFFFCE00  }
0x73: {  	[spmem:s2] =	stream.indirect.scatter.add.f32 [tilespmem:s19], [sflag:$0x3], $0x10, s21, s22, $0xb8;
	[tilespmem:$0x13480] =	vst v63  }
0x74: {  	_ =	swait.ge [sflag:s26], $0x3200  }
0x75: {  	[sflag:s26] =	ssyncset.done $0x0  }
0x76: {  	[sflag:s26] =	ssyncadd.s32 $0xFFFFCE00  }
0x77: {  	[spmem:s2] =	stream.indirect.scatter.add.f32 [tilespmem:s24], [sflag:$0x4], $0x10, s23, s22, $0xb8;
	[tilespmem:$0x13480] =	vst v63  }
.Ltmp1:
0x78: {  	_ =	swait.ge [sflag:s28], $0x3200;
	(pc) =	sbr.rel @p0 .LBB2_4-.Ltmp1, $4  }
0x79: {  	[sflag:s28] =	ssyncset.done $0x0  }
0x7a: {  	[sflag:s28] =	ssyncadd.s32 $0xFFFFCE00  }
0x7b: {  	_ =	swait.ge [sflag:s29], $0x3200  }
0x7c: {  	s0 =	smov.u32 s1;
	[sflag:s29] =	ssyncset.done $0x0  }
0x7d: {  	s0 =	sadd.s32 s31, s16;
	[sflag:s29] =	ssyncadd.s32 $0xFFFFCE00  }
0x7e: {  	[tilespmem:s3], [sflag:$0x5] =	stream.linear.gather [hbm4b:s0+s3], $0x320, $0x38;
	[tilespmem:$0x13480] =	vst v63  }
0x7f: {  	_ =	swait.ge [sflag:s20], $0x320  }
0x80: {  	[sflag:s20] =	ssyncset.done $0x0  }
0x81: {  	s7 =	sadd.s32 s31, s15;
	[sflag:s20] =	ssyncadd.s32 $0xFFFFFCE0  }
0x82: {  	[tilespmem:s21], [sflag:$0x5] =	stream.linear.gather [hbm4b:s7+s3], $0x320, $0x38;
	[tilespmem:$0x13480] =	vst v63  }
0x83: {  	_ =	swait.ge [sflag:s20], $0x320  }
0x84: {  	[sflag:s20] =	ssyncset.done $0x0  }
0x85: {  	[sflag:s20] =	ssyncadd.s32 $0xFFFFFCE0  }
0x86: {  	[tilespmem:s19], [sflag:$0x1] =	stream.indirect.gather [hbm4b:s4+s22], $0x10, s3, s22, $0xb8;
	[tilespmem:$0x13480] =	vst v63  }
0x87: {  	s1 =	sadd.s32 s31, s18  }
0x88: {  	[tilespmem:s22], [sflag:$0x5] =	stream.linear.gather [hbm4b:s1+s3], $0x320, $0x38;
	[tilespmem:$0x13480] =	vst v63  }
0x89: {  	_ =	swait.ge [sflag:s20], $0x320  }
0x8a: {  	[sflag:s20] =	ssyncset.done $0x0  }
0x8b: {  	s5 =	sadd.s32 s31, s17;
	[sflag:s20] =	ssyncadd.s32 $0xFFFFFCE0  }
0x8c: {  	[tilespmem:s23], [sflag:$0x5] =	stream.linear.gather [hbm4b:s5+s3], $0x320, $0x38;
	[tilespmem:$0x13480] =	vst v63  }
0x8d: {  	_ =	swait.ge [sflag:s20], $0x320  }
0x8e: {  	[sflag:s20] =	ssyncset.done $0x0  }
0x8f: {  	[sflag:s20] =	ssyncadd.s32 $0xFFFFFCE0  }
0x90: {  	[tilespmem:s24], [sflag:$0x2] =	stream.indirect.gather [hbm4b:s4+s22], $0x10, s22, s22, $0xb8;
	[tilespmem:$0x13480] =	vst v63  }
0x91: {  	_ =	swait.ge [sflag:s25], $0x3200  }
0x92: {  	[sflag:s25] =	ssyncset.done $0x0  }
0x93: {  	[sflag:s25] =	ssyncadd.s32 $0xFFFFCE00  }
0x94: {  	[spmem:s2] =	stream.indirect.scatter.add.f32 [tilespmem:s19], [sflag:$0x3], $0x10, s21, s22, $0xb8;
	[tilespmem:$0x13480] =	vst v63  }
0x95: {  	_ =	swait.ge [sflag:s26], $0x3200  }
0x96: {  	[sflag:s26] =	ssyncset.done $0x0  }
0x97: {  	[sflag:s26] =	ssyncadd.s32 $0xFFFFCE00  }
0x98: {  	[spmem:s2] =	stream.indirect.scatter.add.f32 [tilespmem:s24], [sflag:$0x4], $0x10, s23, s22, $0xb8;
	[tilespmem:$0x13480] =	vst v63  }
0x99: {  	_ =	swait.ge [sflag:s28], $0x3200  }
0x9a: {  	[sflag:s28] =	ssyncset.done $0x0  }
0x9b: {  	[sflag:s28] =	ssyncadd.s32 $0xFFFFCE00  }
0x9c: {  	_ =	swait.ge [sflag:s29], $0x3200  }
0x9d: {  	[sflag:s29] =	ssyncset.done $0x0  }
0x9e: {  	s7 =	stileid.u32;
	[sflag:s29] =	ssyncadd.s32 $0xFFFFCE00  }
0x9f: {  	s0 =	sshll.u32 s7, $0x6;
	[bflag:$0x0] =	sbarrier.arrive $0xFFFF  }
0xa0: {  	s0 =	sor.u32 $0x1C05, s0;
	s1 =	sshrl.u32 s6, $0x3;
	s5 =	rddreg [dreg:$0x3]  }
0xa1: {  	[hbm:s5], [sflag:s0] =	dma.local [spmem:s1], $0x1880  }
0xa2: {  	_ =	swait.ge [sflag:s20], $0x1880  }
0xa3: {  	s30 =	sadd.s32 $0x1, s30;
	s31 =	rddreg [dreg:$0x4]  }
0xa4: {  	p0 =	sne.s32 s30, s31  }
.Ltmp2:
0xa5: {  	_ = 	snop;
	(pc) =	sbr.rel @p0 .LBB2_1-.Ltmp2, $3  }
0xa6: {  	_ =	sdelay $0x1  }
0xa7: {  	[sflag:s20] =	ssyncset.done $0x0  }
0xa8: {  	[sflag:s20] =	ssyncadd.s32 $0xFFFFE780  }
0xa9: {  	_ =	sfence.sel $0x180000  }
0xaa: {  	[bflag:$0x0] =	sbarrier.arrive $0xFFFF  }
0xab: {  	_ =	strace $0x90000047  }
0xac: {  	s0 =	stileid.u32;
	[bflag:$0x2] =	sbarrier.arrive $0xFFFF  }
0xad: {  	p0 =	sne.s32 s0, $0x0;
	s0 =	rddreg [dreg:$0x2]  }
0xae: {  	s0 =	sadd.s32 @!p0 $0x100000, s0  }
0xaf: {  	[sflag:s0] =	ssyncadd.tile.s32 @!p0 $0x1;
	_ =	shalt  }
.Lfunc_end2:
_tile_overlayer_lowered:
.L_overlay_start_2:
0xb0: {  	(tag) =	ssettag $0x2  }
0xb1: {  	s0 =	rddreg [dreg:$0x0];
	s2 =	stileid.u32  }
0xb2: {  	s1 =	rddreg [dreg:$0x1];
	p0 =	sne.s32 s2, $0x0  }
0xb3: {  	s3 =	rddreg [dreg:$0x2];
	[bflag:$0x3] =	sbarrier.arrive $0xFFFF;
	s2 =	simm.s32 @!p0 $0x1C05  }
0xb4: {  	[timem:s3], [sflag:s2] =	dma.local @!p0 [hbm:s0], s1  }
0xb5: {  	s0 =	simm.s32 @!p0 $0x5  }
0xb6: {  	_ =	swait.ge @!p0 [sflag:s0], s1  }
0xb7: {  	s1 =	ssub.s32 @!p0 $0x0, s1;
	[sflag:s0] =	ssyncset.done @!p0 $0x0  }
0xb8: {  	[sflag:s0] =	ssyncadd.s32 @!p0 s1  }
0xb9: {  	[bflag:$0x3] =	sbarrier.arrive $0xFFFF  }
0xba: {  	_ =	shalt  }

// kernel: kernel.53.cloned.1.call-start
scs
__scs_entry_jumppad:
0x0: {  	(pc) =	sbr.rel $0x88, $3  }
0x1: {  	(tag) =	ssettag $0x0;
	lr =	simm.s32 $0x1  }
0x2: {  	[smem:$0x3F8A] =	sst lr;
	_ =	strace $0xD0000000  }
0x3: {  	_ = 	snop  }
0x4: {  	_ = 	snop  }
0x5: {  	_ = 	snop  }
0x6: {  	_ = 	snop  }
0x7: {  	_ = 	snop  }
__scs_overlays_trampoline_lowered:
0x8: {  	[smem:$0x3F99] =	sst s0  }
0x9: {  	[smem:$0x3F9A] =	sst s1  }
0xa: {  	[smem:$0x3F9B] =	sst s2  }
0xb: {  	[smem:$0x3F9C] =	sst s3  }
0xc: {  	[smem:$0x3F9D] =	sst s4  }
0xd: {  	[smem:$0x3F9E] =	sst s5  }
0xe: {  	[smem:$0x3F9F] =	sst s6  }
0xf: {  	[smem:$0x3FA0] =	sst s7  }
0x10: {  	[smem:$0x3FA1] =	sst s8  }
0x11: {  	[smem:$0x3FA2] =	sst s9;
	s0 =	simm.s32 @!p0 $0x0  }
0x12: {  	s1 =	sld [smem:$0x3F88];
	s0 =	simm.s32 @p0 $0x1  }
0x13: {  	[smem:$0x3FA3] =	sst s0;
	s0 =	simm.s32 @!p1 $0x0  }
0x14: {  	s2 =	sld [smem:$0x3F87];
	s0 =	simm.s32 @p1 $0x1  }
0x15: {  	[smem:$0x3FA4] =	sst s0;
	s0 =	simm.s32 @!p2 $0x0  }
0x16: {  	s3 =	sld [smem:$0x3FDB];
	s0 =	simm.s32 @p2 $0x1  }
0x17: {  	s4 =	simm.s32 $0x1BF5;
	[smem:$0x3FA6] =	sst s0  }
0x18: {  	s0 =	sld [smem:$0x3F89];
	_ =	swait.ge [sflag:s4], $0x0  }
0x19: {  	s7 =	sld [smem:$0x3F8A]  }
0x1a: {  	s8 =	sadd.s32 $0xFFFFE003, lr  }
0x1b: {  	s9 =	sadd.s32 $0xFFFFFEF7, lr;
	s5 =	simm.s32 $0xFFFFFFFF;
	p2 =	slt.u32 s8, $0xFFFFF086  }
0x1c: {  	p1 =	slt.u32 s9, $0xF7A;
	s5 =	simm.s32 @!p2 $0x0  }
0x1d: {  	s5 =	simm.s32 @p1 $0x1;
	p0 =	seq.s32 s7, s2  }
0x1e: {  	s7 =	smul.u32 @!p0 $0xF7A, s2;
	p2 =	seq.s32 @!p0 s5, $0x0  }
0x1f: {  	s9 =	smul.u32 $0xF7A, s1;
	s8 =	simm.s32 @!p0 $0x1BF5;
	p2 =	por !p2, p0  }
0x20: {  	[sflag:s8] =	ssyncset.s32 @!p0 $0xFFFFF086;
	s6 =	sadd.s32 @!p0 s3, s7;
	s7 =	simm.s32 @!p0 $0x108  }
0x21: {  	s3 =	sadd.s32 s3, s9;
	s6 =	sadd.s32 @!p0 $0x88, s6;
	s7 =	simm.s32 @p2 $0x1082  }
0x22: {  	[simem:s7], [sflag:s8] =	dma.local @!p0 [hbm:s6], $0xF7A  }
0x23: {  	s9 =	sor.u32 $0xD0000000, s2;
	s6 =	simm.s32 $0x108;
	_ =	swait.ge @!p0 [sflag:s8], $0x0  }
0x24: {  	s3 =	sadd.s32 $0x88, s3;
	s6 =	simm.s32 @!p1 $0x1082;
	[sflag:s4] =	ssyncset.s32 $0xFFFFF086  }
0x25: {  	[simem:s6], [sflag:s4] =	dma.local [hbm:s3], $0xF7A  }
0x26: {  	[smem:$0x3F8A] =	sst s1;
	(tag) =	ssettag s2;
	_ =	strace s9  }
0x27: {  	s1 =	sld [smem:$0x3F9A]  }
0x28: {  	s2 =	sld [smem:$0x3F9B]  }
0x29: {  	s4 =	sld [smem:$0x3F9D]  }
0x2a: {  	p0 =	seq.s32 s5, $0x0;
	s5 =	sld [smem:$0x3F9E]  }
0x2b: {  	s6 =	sld [smem:$0x3F9F]  }
0x2c: {  	s7 =	sld [smem:$0x3FA0]  }
0x2d: {  	s3 =	simm.s32 $0x108;
	s8 =	sld [smem:$0x3FA1]  }
0x2e: {  	s3 =	simm.s32 @!p0 $0x1082;
	s9 =	sld [smem:$0x3FA2]  }
0x2f: {  	lr =	sadd.s32 s0, s3;
	s0 =	sld [smem:$0x3F99]  }
0x30: {  	s3 =	sld [smem:$0x3F9C]  }
0x31: {  	[smem:$0x3FA5] =	sst s10  }
0x32: {  	s10 =	sld [smem:$0x3FA3];
	_ =	sdelay $0x3  }
0x33: {  	p0 =	seq.s32 s10, $0x1;
	s10 =	sld [smem:$0x3FA5];
	_ =	sdelay $0x3  }
0x34: {  	[smem:$0x3FA5] =	sst s10  }
0x35: {  	s10 =	sld [smem:$0x3FA4];
	_ =	sdelay $0x3  }
0x36: {  	p1 =	seq.s32 s10, $0x1;
	s10 =	sld [smem:$0x3FA5];
	_ =	sdelay $0x3  }
0x37: {  	[smem:$0x3FA5] =	sst s10  }
0x38: {  	s10 =	sld [smem:$0x3FA6]  }
0x39: {  	_ = 	snop;
	(pc) =	sbr.ind lr, $3  }
0x3a: {  	_ = 	snop  }
0x3b: {  	_ = 	snop  }
0x3c: {  	p2 =	seq.s32 s10, $0x1;
	s10 =	sld [smem:$0x3FA5]  }
0x3d: {  	_ =	shalt  }
0x3e: {  	_ =	shalt  }
0x3f: {  	_ =	shalt  }
0x40: {  	_ =	shalt  }
0x41: {  	_ =	shalt  }
0x42: {  	_ =	shalt  }
0x43: {  	_ =	shalt  }
0x44: {  	_ =	shalt  }
0x45: {  	_ =	shalt  }
0x46: {  	_ =	shalt  }
0x47: {  	_ =	shalt  }
0x48: {  	_ =	shalt  }
0x49: {  	_ =	shalt  }
0x4a: {  	_ =	shalt  }
0x4b: {  	_ =	shalt  }
0x4c: {  	_ =	shalt  }
0x4d: {  	_ =	shalt  }
0x4e: {  	_ =	shalt  }
0x4f: {  	_ =	shalt  }
0x50: {  	_ =	shalt  }
0x51: {  	_ =	shalt  }
0x52: {  	_ =	shalt  }
0x53: {  	_ =	shalt  }
0x54: {  	_ =	shalt  }
0x55: {  	_ =	shalt  }
0x56: {  	_ =	shalt  }
0x57: {  	_ =	shalt  }
0x58: {  	_ =	shalt  }
0x59: {  	_ =	shalt  }
0x5a: {  	_ =	shalt  }
0x5b: {  	_ =	shalt  }
0x5c: {  	_ =	shalt  }
0x5d: {  	_ =	shalt  }
0x5e: {  	_ =	shalt  }
0x5f: {  	_ =	shalt  }
0x60: {  	_ =	shalt  }
0x61: {  	_ =	shalt  }
0x62: {  	_ =	shalt  }
0x63: {  	_ =	shalt  }
0x64: {  	_ =	shalt  }
0x65: {  	_ =	shalt  }
0x66: {  	_ =	shalt  }
0x67: {  	_ =	shalt  }
0x68: {  	_ =	shalt  }
0x69: {  	_ =	shalt  }
0x6a: {  	_ =	shalt  }
0x6b: {  	_ =	shalt  }
0x6c: {  	_ =	shalt  }
0x6d: {  	_ =	shalt  }
0x6e: {  	_ =	shalt  }
0x6f: {  	_ =	shalt  }
0x70: {  	_ =	shalt  }
0x71: {  	_ =	shalt  }
0x72: {  	_ =	shalt  }
0x73: {  	_ =	shalt  }
0x74: {  	_ =	shalt  }
0x75: {  	_ =	shalt  }
0x76: {  	_ =	shalt  }
0x77: {  	_ =	shalt  }
0x78: {  	_ =	shalt  }
0x79: {  	_ =	shalt  }
0x7a: {  	_ =	shalt  }
0x7b: {  	_ =	shalt  }
0x7c: {  	_ =	shalt  }
0x7d: {  	_ =	shalt  }
0x7e: {  	_ =	shalt  }
0x7f: {  	_ =	shalt  }
0x80: {  	_ =	shalt  }
0x81: {  	_ =	shalt  }
0x82: {  	_ =	shalt  }
0x83: {  	_ =	shalt  }
0x84: {  	_ =	shalt  }
0x85: {  	_ =	shalt  }
0x86: {  	_ =	shalt  }
0x87: {  	_ =	shalt  }
.Lfunc_end0:
.L_simem_size_0:
called_computation.9_lowered:
.L_overlay_start_0:
0x88: {  	s2 =	sld [smem:$0x3FD9]  }
0x89: {  	s3 =	sld [smem:$0x3FFE];
	_ =	sdelay $0x1  }
0x8a: {  	s1 =	srdreg.scid  }
0x8b: {  	s0 =	sand.u32 $0x1, s1  }
0x8c: {  	s17 =	sshll.u32 s0, $0xA;
	s2 =	sadd.s32 s3, s2  }
0x8d: {  	s2 =	sadd.s32 s2, s17  }
0x8e: {  	[smem:$0x3FB1] =	sst s2  }
0x8f: {  	_ = 	snop  }
0x90: {  	(tm) =	ssettm $0x1  }
0x91: {  	s18 =	sld [smem:$0x3FFB];
	_ =	sdelay $0x3  }
0x92: {  	_ =	strace s18  }
0x93: {  	s2 =	sld [smem:$0x3FFC];
	_ =	sdelay $0x3  }
0x94: {  	_ =	strace s2  }
0x95: {  	s2 =	sld [smem:$0x3FFD];
	_ =	sdelay $0x3  }
0x96: {  	_ =	strace s2  }
0x97: {  	_ =	strace $0x8FFFFFFF  }
0x98: {  	s19 =	sld [smem:$0x3FDB];
	_ =	sdelay $0x1  }
0x99: {  	s20 =	simm.s32 $_scs_section_size  }
0x9a: {  	s4 =	simm.s32 $_size__tile_overlayer_lowered;
	s5 =	simm.s32 $_tile_overlayer_lowered  }
0x9b: {  	s6 =	simm.s32 $0x1BFF;
	s21 =	sshll.u32 s5, $0x1;
	s3 =	sadd.s32 s20, s19  }
0x9c: {  	s22 =	simm.s32 $0x0;
	s4 =	sshll.u32 s4, $0x1;
	s5 =	sadd.s32 s21, s3  }
0x9d: {  	[timem:s22], [sflag:s6] =	dma.local [hbm:s5], s4  }
0x9e: {  	_ =	swait.ge [sflag:s6], s4  }
0x9f: {  	s4 =	ssub.s32 $0x0, s4;
	[sflag:s6] =	ssyncset.done $0x0  }
0xa0: {  	[sflag:s6] =	ssyncadd.s32 s4;
	_ =	sdelay $0x1  }
0xa1: {  	s23 =	simm.s32 $0x1B8B  }
0xa2: {  	_ =	swait.ge [sflag:s23], $0x1  }
0xa3: {  	[sflag:s23] =	ssyncset.done $0x0  }
0xa4: {  	[sflag:s23] =	ssyncadd.s32 $0xFFFFFFFF  }
0xa5: {  	s4 =	sld [smem:$0x0]  }
0xa6: {  	s5 =	sand.u32 $0xFFFFFFFE, s1  }
0xa7: {  	p0 =	sne.s32 s1, s5  }
0xa8: {  	s5 =	sshll.u32 @p0 s5, $0xE  }
0xa9: {  	s5 =	sadd.s32 @p0 $0x11B8D, s5;
	s6 =	sshll.u32 @p0 s4, $0x11  }
0xaa: {  	s5 =	sor.u32 @p0 s6, s5  }
0xab: {  	[sflag:s5] =	ssyncadd.remote.s32 @p0 $0x1;
	_ =	sdelay $0x1  }
0xac: {  	s5 =	simm.s32 @p0 $0x1B8D  }
0xad: {  	_ =	swait.eq @p0 [sflag:s5], $0x1  }
0xae: {  	[sflag:s5] =	ssyncadd.s32 @p0 $0xFFFFFFFF  }
0xaf: {  	s6 =	sshll.u32 @!p0 s1, $0xE  }
0xb0: {  	s6 =	sor.u32 @!p0 $0x4000, s6;
	s5 =	simm.s32 @!p0 $0x1B8D  }
0xb1: {  	s4 =	sshll.u32 @!p0 s4, $0x11;
	s6 =	sadd.s32 @!p0 $0x11B8D, s6;
	_ =	swait.eq @!p0 [sflag:s5], $0x1  }
0xb2: {  	s4 =	sor.u32 @!p0 s4, s6;
	[sflag:s5] =	ssyncadd.s32 @!p0 $0xFFFFFFFF  }
0xb3: {  	s25 =	simm.s32 $0x1B8E;
	s24 =	sld [smem:$0x3FFE];
	[sflag:s4] =	ssyncadd.remote.s32 @!p0 $0x1  }
0xb4: {  	s26 =	simm.s32 $execute0_lowered;
	[smem:$0x3FD2] =	sst s25  }
0xb5: {  	s5 =	sshll.u32 s26, $0x1;
	_ =	strace $0x8000004F;
	[dreg:$0x1] =	wrdreg $0xFFFFFFFF  }
0xb6: {  	s28 =	simm.s32 $_size_execute0_lowered;
	s3 =	sadd.s32 s3, s5;
	[dreg:$0x0] =	wrdreg $0x0  }
0xb7: {  	s5 =	sshll.u32 s28, $0x1;
	[dreg:$0x2] =	wrdreg s3  }
0xb8: {  	[dreg:$0x3] =	wrdreg s5  }
0xb9: {  	[dreg:$0x4] =	wrdreg $0xC0  }
0xba: {  	_ =	task [dreg:s22], $0x5FFFF  }
0xbb: {  	[dreg:$0x1] =	wrdreg $0xFFFFFFFF  }
0xbc: {  	[dreg:$0x0] =	wrdreg $0x60  }
0xbd: {  	[dreg:$0x2] =	wrdreg s24  }
0xbe: {  	[dreg:$0x3] =	wrdreg $0x6A400  }
0xbf: {  	[dreg:$0x4] =	wrdreg $0xB  }
0xc0: {  	_ =	task.clear_ibuf [dreg:s22], $0x5FFFF;
	_ =	strace $0x9000004F  }
0xc1: {  	s29 =	simm.s32 $0xB;
	_ =	strace $0x80000051  }
0xc2: {  	_ =	swait.ge [sflag:s29], $0x1  }
0xc3: {  	[sflag:s29] =	ssyncadd.s32 $0xFFFFFFFF  }
0xc4: {  	_ =	strace $0x90000051  }
0xc5: {  	_ =	sfence  }
0xc6: {  	s30 =	sld [smem:$0x0];
	_ =	sdelay $0x2  }
0xc7: {  	s31 =	sshll.u32 s1, $0xD;
	s1 =	sshrl.u32 s1, $0x2  }
0xc8: {  	s4 =	sand.u32 $0x4000, s31;
	s1 =	sadd.s32 s1, s30  }
0xc9: {  	s0 =	sor.u32 s4, s0;
	s1 =	sshll.u32 s1, $0x11  }
0xca: {  	s0 =	sor.u32 s1, s0  }
0xcb: {  	s0 =	sadd.s32 $0x8F2B, s0  }
0xcc: {  	[sflag:s0] =	ssyncadd.remote.s32 $0x1  }
0xcd: {  	_ =	sfence.sel $0xFFFF  }
0xce: {  	[dreg:$0x0] =	wrdreg $0xFFFFFFFF;
	(pc) =	sbr.abs _section_cstart, $3  }
0xcf: {  	[dreg:$0x1] =	wrdreg $0xFFFFFFFF  }
0xd0: {  	_ =	task.clear_ibuf [dreg:s22], $0x2FFFF;
	_ =	strace $0x9FFFFFFF  }
0xd1: {  	(tm) =	ssettm $0x7FFFFFFF  }
tec
execute0_lowered:
.L_overlay_start_1:
0x0: {  	(tag) =	ssettag $0x1  }
0x1: {  	s0 =	rddreg [dreg:$0x0]  }
0x2: {  	s2 =	rddreg [dreg:$0x1];
	s3 =	simm.s32 $0x0  }
0x3: {  	s1 =	srdreg.scid;
	s11 =	stileid.u32;
	s18 =	simm.s32 $0x640  }
0x4: {  	s19 =	simm.s32 $0x5;
	s20 =	simm.s32 $0x320;
	s21 =	simm.s32 $0x190  }
0x5: {  	s22 =	simm.s32 $0x4B0;
	s23 =	simm.s32 $0x3840;
	s24 =	simm.s32 $0x1  }
0x6: {  	s25 =	simm.s32 $0x2;
	s26 =	simm.s32 $0x3;
	s6 =	smul.u32 $0xC40, s11  }
0x7: {  	s28 =	simm.s32 $0x4;
	s1 =	sand.u32 $0x1, s1;
	s9 =	smul.u32 $0x62000, s11  }
0x8: {  	[smem:$0x7FF] =	sst s3;
	s4 =	sadd.s32 $0x2FF800, s0;
	s7 =	smul.u32 $0xC400, s1  }
0x9: {  	s5 =	sadd.s32 $0x21400, s0;
	_ =	strace $0x80000050;
	s8 =	ssub.s32 $0x2, s1  }
0xa: {  	s10 =	sshrl.u32 s8, $0x1;
	s9 =	sshrl.u32 s9, $0x2;
	s7 =	sadd.s32 s6, s7  }
0xb: {  	s6 =	sadd.s32 $0x8400, s0;
	s10 =	ssub.s32 s8, s10;
	s9 =	sadd.s32 s9, s2  }
0xc: {  	s7 =	sshll.u32 s7, $0x2;
	s10 =	smax.u32 s10, $0x1;
	s12 =	sadd.s32 $0x6200, s9  }
0xd: {  	s13 =	sadd.s32 $0x9300, s9;
	s14 =	sadd.s32 $0xC400, s9;
	s15 =	sadd.s32 $0xF500, s9  }
0xe: {  	s16 =	sadd.s32 $0x12600, s9;
	s17 =	sadd.s32 $0x15700, s9;
	s0 =	sadd.s32 s7, s0  }
0xf: {  	v1 =	vimm.f32 $0.0e+00;
	v0 =	vmov s1;
	s7 =	smul.u32 $0xC800, s11;
	s11 =	sadd.s32 $0x3100, s9;
	s8 =	sadd.s32 $0x3AB000, s0  }
.LBB2_1:
0x10: {  	s0 =	simm.s32 $0x80;
	s1 =	simm.s32 $0x0  }
.LBB2_2:
0x11: {  	p0 =	sne.s32 s0, $0xC380;
	[tilespmem:s1+$0x640] =	vst v1;
	s29 =	smov.u32 s0;
	s0 =	sadd.s32 $0x80, s0  }
.Ltmp0:
0x12: {  	[tilespmem:s1+$0x650] =	vst v1;
	(pc) =	sbr.rel @p0 .LBB2_2-.Ltmp0, $2  }
0x13: {  	_ =	sdelay $0x2  }
0x14: {  	s1 =	sshra.s32 s29, $0x2  }
0x15: {  	[tilespmem:s1+$0x640] =	vst v1  }
0x16: {  	[tilespmem:s1+$0x650] =	vst v1  }
0x17: {  	[spmem:s9] =	stream.linear.scatter [tilespmem:s18], [sflag:$0x5], $0x3100, $0x38;
	[tilespmem:$0x1F240] =	vst v63  }
0x18: {  	_ =	swait.ge [sflag:s19], $0x3100  }
0x19: {  	[sflag:s19] =	ssyncset.done $0x0  }
0x1a: {  	[sflag:s19] =	ssyncadd.s32 $0xFFFFCF00  }
0x1b: {  	[spmem:s11] =	stream.linear.scatter [tilespmem:s18], [sflag:$0x5], $0x3100, $0x38;
	[tilespmem:$0x1F240] =	vst v63  }
0x1c: {  	_ =	swait.ge [sflag:s19], $0x3100  }
0x1d: {  	[sflag:s19] =	ssyncset.done $0x0  }
0x1e: {  	[sflag:s19] =	ssyncadd.s32 $0xFFFFCF00  }
0x1f: {  	[spmem:s12] =	stream.linear.scatter [tilespmem:s18], [sflag:$0x5], $0x3100, $0x38;
	[tilespmem:$0x1F240] =	vst v63  }
0x20: {  	_ =	swait.ge [sflag:s19], $0x3100  }
0x21: {  	[sflag:s19] =	ssyncset.done $0x0  }
0x22: {  	[sflag:s19] =	ssyncadd.s32 $0xFFFFCF00  }
0x23: {  	[spmem:s13] =	stream.linear.scatter [tilespmem:s18], [sflag:$0x5], $0x3100, $0x38;
	[tilespmem:$0x1F240] =	vst v63  }
0x24: {  	_ =	swait.ge [sflag:s19], $0x3100  }
0x25: {  	[sflag:s19] =	ssyncset.done $0x0  }
0x26: {  	[sflag:s19] =	ssyncadd.s32 $0xFFFFCF00  }
0x27: {  	[spmem:s14] =	stream.linear.scatter [tilespmem:s18], [sflag:$0x5], $0x3100, $0x38;
	[tilespmem:$0x1F240] =	vst v63  }
0x28: {  	_ =	swait.ge [sflag:s19], $0x3100  }
0x29: {  	[sflag:s19] =	ssyncset.done $0x0  }
0x2a: {  	[sflag:s19] =	ssyncadd.s32 $0xFFFFCF00  }
0x2b: {  	[spmem:s15] =	stream.linear.scatter [tilespmem:s18], [sflag:$0x5], $0x3100, $0x38;
	[tilespmem:$0x1F240] =	vst v63  }
0x2c: {  	_ =	swait.ge [sflag:s19], $0x3100  }
0x2d: {  	[sflag:s19] =	ssyncset.done $0x0  }
0x2e: {  	[sflag:s19] =	ssyncadd.s32 $0xFFFFCF00  }
0x2f: {  	[spmem:s16] =	stream.linear.scatter [tilespmem:s18], [sflag:$0x5], $0x3100, $0x38;
	[tilespmem:$0x1F240] =	vst v63  }
0x30: {  	_ =	swait.ge [sflag:s19], $0x3100  }
0x31: {  	[sflag:s19] =	ssyncset.done $0x0  }
0x32: {  	[sflag:s19] =	ssyncadd.s32 $0xFFFFCF00  }
0x33: {  	[spmem:s17] =	stream.linear.scatter [tilespmem:s18], [sflag:$0x5], $0x3100, $0x38;
	[tilespmem:$0x1F240] =	vst v63  }
0x34: {  	_ =	swait.ge [sflag:s19], $0x3100  }
0x35: {  	[sflag:s19] =	ssyncset.done $0x0  }
0x36: {  	[sflag:s19] =	ssyncadd.s32 $0xFFFFCF00  }
0x37: {  	s29 =	simm.s32 $0x0;
	s30 =	simm.s32 $0x0;
	[bflag:$0x0] =	sbarrier.arrive $0xFFFF  }
.LBB2_4:
0x38: {  	s0 =	smul.u32 $0x320, s30;
	_ =	sdelay $0x1  }
0x39: {  	s0 =	sadd.s32 s7, s0  }
0x3a: {  	s31 =	sshrl.u32 s0, $0x3  }
0x3b: {  	s0 =	sadd.s32 s5, s31  }
0x3c: {  	[tilespmem:s29], [sflag:$0x5] =	stream.linear.gather [hbm4b:s0+s29], $0x190, $0x38;
	[tilespmem:$0x1F240] =	vst v63  }
0x3d: {  	_ =	swait.ge [sflag:s19], $0x190  }
0x3e: {  	[sflag:s19] =	ssyncset.done $0x0  }
0x3f: {  	s1 =	sadd.s32 s6, s31;
	[sflag:s19] =	ssyncadd.s32 $0xFFFFFE70  }
0x40: {  	[tilespmem:s20], [sflag:$0x5] =	stream.linear.gather [hbm4b:s1+s29], $0x190, $0x38;
	[tilespmem:$0x1F240] =	vst v63  }
0x41: {  	_ =	swait.ge [sflag:s19], $0x190  }
0x42: {  	[sflag:s19] =	ssyncset.done $0x0  }
0x43: {  	s0 =	simm.s32 $0x0;
	s1 =	simm.s32 $0x40;
	[sflag:s19] =	ssyncadd.s32 $0xFFFFFE70  }
.LBB2_5:
0x44: {  	p0 =	sne.s32 s1, $0x600;
	v2 =	vld [tilespmem:s0+$0x0];
	_ =	sdelay $0x2  }
.Ltmp1:
0x45: {  	(pc) =	sbr.rel @p0 .LBB2_5-.Ltmp1, $4  }
0x46: {  	_ = 	snop  }
0x47: {  	v2 =	vshll.u32 v2, $0x1  }
0x48: {  	v2 =	vor.u32 v0, v2  }
0x49: {  	[tilespmem:s0+$0x0] =	vst v2;
	s0 =	sshra.s32 s1, $0x2;
	s1 =	sadd.s32 $0x40, s1  }
0x4a: {  	v2 =	vld [tilespmem:s0+$0x0];
	_ =	sdelay $0x4  }
0x4b: {  	v2 =	vshll.u32 v2, $0x1  }
0x4c: {  	v2 =	vor.u32 v0, v2  }
0x4d: {  	s1 =	sadd.s32 $0x32, s31;
	[tilespmem:s0+$0x0] =	vst v2;
	s0 =	simm.s32 $0x0  }
0x4e: {  	[tilespmem:s18], [sflag:$0x1] =	stream.indirect.gather [hbm4b:s4+s21], $0x20, s0, s21, $0xb8;
	[tilespmem:$0x1F240] =	vst v63  }
0x4f: {  	s31 =	sadd.s32 s5, s1  }
0x50: {  	[tilespmem:s21], [sflag:$0x5] =	stream.linear.gather [hbm4b:s31+s0], $0x190, $0x38;
	[tilespmem:$0x1F240] =	vst v63  }
0x51: {  	_ =	swait.ge [sflag:s19], $0x190  }
0x52: {  	[sflag:s19] =	ssyncset.done $0x0  }
0x53: {  	s1 =	sadd.s32 s6, s1;
	[sflag:s19] =	ssyncadd.s32 $0xFFFFFE70  }
0x54: {  	[tilespmem:s22], [sflag:$0x5] =	stream.linear.gather [hbm4b:s1+s0], $0x190, $0x38;
	[tilespmem:$0x1F240] =	vst v63  }
0x55: {  	_ =	swait.ge [sflag:s19], $0x190  }
0x56: {  	[sflag:s19] =	ssyncset.done $0x0  }
0x57: {  	s0 =	simm.s32 $0x0;
	s1 =	simm.s32 $0x40;
	[sflag:s19] =	ssyncadd.s32 $0xFFFFFE70  }
.LBB2_7:
0x58: {  	p0 =	sne.s32 s1, $0x600;
	v2 =	vld [tilespmem:s0+$0x190];
	_ =	sdelay $0x2  }
.Ltmp2:
0x59: {  	(pc) =	sbr.rel @p0 .LBB2_7-.Ltmp2, $4  }
0x5a: {  	_ = 	snop  }
0x5b: {  	v2 =	vshll.u32 v2, $0x1  }
0x5c: {  	v2 =	vor.u32 v0, v2  }
0x5d: {  	[tilespmem:s0+$0x190] =	vst v2;
	s0 =	sshra.s32 s1, $0x2;
	s1 =	sadd.s32 $0x40, s1  }
0x5e: {  	v2 =	vld [tilespmem:s0+$0x190];
	_ =	sdelay $0x4  }
0x5f: {  	v2 =	vshll.u32 v2, $0x1  }
0x60: {  	v2 =	vor.u32 v0, v2  }
0x61: {  	[tilespmem:s0+$0x190] =	vst v2  }
0x62: {  	[tilespmem:s23], [sflag:$0x2] =	stream.indirect.gather [hbm4b:s4+s21], $0x20, s21, s21, $0xb8;
	[tilespmem:$0x1F240] =	vst v63  }
0x63: {  	_ =	swait.ge [sflag:s24], $0x3200  }
0x64: {  	[sflag:s24] =	ssyncset.done $0x0  }
0x65: {  	[sflag:s24] =	ssyncadd.s32 $0xFFFFCE00  }
0x66: {  	[spmem:s2] =	stream.indirect.scatter.add.f32 [tilespmem:s18], [sflag:$0x3], $0x20, s20, s21, $0xb8;
	[tilespmem:$0x1F240] =	vst v63  }
0x67: {  	_ =	swait.ge [sflag:s25], $0x3200  }
0x68: {  	[sflag:s25] =	ssyncset.done $0x0  }
0x69: {  	s30 =	sadd.s32 $0x1, s30;
	[sflag:s25] =	ssyncadd.s32 $0xFFFFCE00  }
0x6a: {  	[spmem:s2] =	stream.indirect.scatter.add.f32 [tilespmem:s23], [sflag:$0x4], $0x20, s22, s21, $0xb8;
	[tilespmem:$0x1F240] =	vst v63  }
0x6b: {  	p0 =	sne.s32 s30, $0x40;
	_ =	swait.ge [sflag:s26], $0x3200  }
.Ltmp3:
0x6c: {  	[sflag:s26] =	ssyncset.done $0x0;
	(pc) =	sbr.rel @p0 .LBB2_4-.Ltmp3, $4  }
0x6d: {  	[sflag:s26] =	ssyncadd.s32 $0xFFFFCE00  }
0x6e: {  	_ =	swait.ge [sflag:s28], $0x3200  }
0x6f: {  	[sflag:s28] =	ssyncset.done $0x0  }
0x70: {  	[sflag:s28] =	ssyncadd.s32 $0xFFFFCE00  }
0x71: {  	s0 =	stileid.u32;
	s3 =	sadd.s32 $0x1, s3  }
0x72: {  	[bflag:$0x0] =	sbarrier.arrive $0xFFFF;
	s0 =	sshll.u32 s0, $0x6;
	p0 =	sne.s32 s3, s10  }
.Ltmp4:
0x73: {  	s1 =	sshrl.u32 s9, $0x3;
	s0 =	sor.u32 $0x1C05, s0;
	(pc) =	sbr.rel @p0 .LBB2_1-.Ltmp4, $4  }
0x74: {  	[hbm:s8], [sflag:s0] =	dma.local [spmem:s1], $0x3100  }
0x75: {  	_ =	swait.ge [sflag:s19], $0x3100  }
0x76: {  	[sflag:s19] =	ssyncset.done $0x0  }
0x77: {  	[sflag:s19] =	ssyncadd.s32 $0xFFFFCF00  }
0x78: {  	_ =	sfence.sel $0x180000  }
0x79: {  	[bflag:$0x0] =	sbarrier.arrive $0xFFFF  }
0x7a: {  	_ =	strace $0x90000050  }
0x7b: {  	s0 =	stileid.u32;
	[bflag:$0x2] =	sbarrier.arrive $0xFFFF  }
0x7c: {  	p0 =	sne.s32 s0, $0x0;
	s0 =	rddreg [dreg:$0x2]  }
0x7d: {  	s0 =	sadd.s32 @!p0 $0x100000, s0  }
0x7e: {  	[sflag:s0] =	ssyncadd.tile.s32 @!p0 $0x1;
	_ =	shalt  }
.Lfunc_end2:
_tile_overlayer_lowered:
.L_overlay_start_2:
0x7f: {  	(tag) =	ssettag $0x2  }
0x80: {  	s0 =	rddreg [dreg:$0x0];
	s2 =	stileid.u32  }
0x81: {  	s1 =	rddreg [dreg:$0x1];
	p0 =	sne.s32 s2, $0x0  }
0x82: {  	s3 =	rddreg [dreg:$0x2];
	[bflag:$0x3] =	sbarrier.arrive $0xFFFF;
	s2 =	simm.s32 @!p0 $0x1C05  }
0x83: {  	[timem:s3], [sflag:s2] =	dma.local @!p0 [hbm:s0], s1  }
0x84: {  	s0 =	simm.s32 @!p0 $0x5  }
0x85: {  	_ =	swait.ge @!p0 [sflag:s0], s1  }
0x86: {  	s1 =	ssub.s32 @!p0 $0x0, s1;
	[sflag:s0] =	ssyncset.done @!p0 $0x0  }
0x87: {  	[sflag:s0] =	ssyncadd.s32 @!p0 s1  }
0x88: {  	[bflag:$0x3] =	sbarrier.arrive $0xFFFF  }
0x89: {  	_ =	shalt  }

// kernel: kernel.56.cloned.1.call-start
scs
__scs_entry_jumppad:
0x0: {  	(pc) =	sbr.rel $0x88, $3  }
0x1: {  	(tag) =	ssettag $0x0;
	lr =	simm.s32 $0x1  }
0x2: {  	[smem:$0x3F8A] =	sst lr;
	_ =	strace $0xD0000000  }
0x3: {  	_ = 	snop  }
0x4: {  	_ = 	snop  }
0x5: {  	_ = 	snop  }
0x6: {  	_ = 	snop  }
0x7: {  	_ = 	snop  }
__scs_overlays_trampoline_lowered:
0x8: {  	[smem:$0x3F99] =	sst s0  }
0x9: {  	[smem:$0x3F9A] =	sst s1  }
0xa: {  	[smem:$0x3F9B] =	sst s2  }
0xb: {  	[smem:$0x3F9C] =	sst s3  }
0xc: {  	[smem:$0x3F9D] =	sst s4  }
0xd: {  	[smem:$0x3F9E] =	sst s5  }
0xe: {  	[smem:$0x3F9F] =	sst s6  }
0xf: {  	[smem:$0x3FA0] =	sst s7  }
0x10: {  	[smem:$0x3FA1] =	sst s8  }
0x11: {  	[smem:$0x3FA2] =	sst s9;
	s0 =	simm.s32 @!p0 $0x0  }
0x12: {  	s1 =	sld [smem:$0x3F88];
	s0 =	simm.s32 @p0 $0x1  }
0x13: {  	[smem:$0x3FA3] =	sst s0;
	s0 =	simm.s32 @!p1 $0x0  }
0x14: {  	s2 =	sld [smem:$0x3F87];
	s0 =	simm.s32 @p1 $0x1  }
0x15: {  	[smem:$0x3FA4] =	sst s0;
	s0 =	simm.s32 @!p2 $0x0  }
0x16: {  	s3 =	sld [smem:$0x3FDB];
	s0 =	simm.s32 @p2 $0x1  }
0x17: {  	s4 =	simm.s32 $0x1BF5;
	[smem:$0x3FA6] =	sst s0  }
0x18: {  	s0 =	sld [smem:$0x3F89];
	_ =	swait.ge [sflag:s4], $0x0  }
0x19: {  	s7 =	sld [smem:$0x3F8A]  }
0x1a: {  	s8 =	sadd.s32 $0xFFFFE003, lr  }
0x1b: {  	s9 =	sadd.s32 $0xFFFFFEF7, lr;
	s5 =	simm.s32 $0xFFFFFFFF;
	p2 =	slt.u32 s8, $0xFFFFF086  }
0x1c: {  	p1 =	slt.u32 s9, $0xF7A;
	s5 =	simm.s32 @!p2 $0x0  }
0x1d: {  	s5 =	simm.s32 @p1 $0x1;
	p0 =	seq.s32 s7, s2  }
0x1e: {  	s7 =	smul.u32 @!p0 $0xF7A, s2;
	p2 =	seq.s32 @!p0 s5, $0x0  }
0x1f: {  	s9 =	smul.u32 $0xF7A, s1;
	s8 =	simm.s32 @!p0 $0x1BF5;
	p2 =	por !p2, p0  }
0x20: {  	[sflag:s8] =	ssyncset.s32 @!p0 $0xFFFFF086;
	s6 =	sadd.s32 @!p0 s3, s7;
	s7 =	simm.s32 @!p0 $0x108  }
0x21: {  	s3 =	sadd.s32 s3, s9;
	s6 =	sadd.s32 @!p0 $0x88, s6;
	s7 =	simm.s32 @p2 $0x1082  }
0x22: {  	[simem:s7], [sflag:s8] =	dma.local @!p0 [hbm:s6], $0xF7A  }
0x23: {  	s9 =	sor.u32 $0xD0000000, s2;
	s6 =	simm.s32 $0x108;
	_ =	swait.ge @!p0 [sflag:s8], $0x0  }
0x24: {  	s3 =	sadd.s32 $0x88, s3;
	s6 =	simm.s32 @!p1 $0x1082;
	[sflag:s4] =	ssyncset.s32 $0xFFFFF086  }
0x25: {  	[simem:s6], [sflag:s4] =	dma.local [hbm:s3], $0xF7A  }
0x26: {  	[smem:$0x3F8A] =	sst s1;
	(tag) =	ssettag s2;
	_ =	strace s9  }
0x27: {  	s1 =	sld [smem:$0x3F9A]  }
0x28: {  	s2 =	sld [smem:$0x3F9B]  }
0x29: {  	s4 =	sld [smem:$0x3F9D]  }
0x2a: {  	p0 =	seq.s32 s5, $0x0;
	s5 =	sld [smem:$0x3F9E]  }
0x2b: {  	s6 =	sld [smem:$0x3F9F]  }
0x2c: {  	s7 =	sld [smem:$0x3FA0]  }
0x2d: {  	s3 =	simm.s32 $0x108;
	s8 =	sld [smem:$0x3FA1]  }
0x2e: {  	s3 =	simm.s32 @!p0 $0x1082;
	s9 =	sld [smem:$0x3FA2]  }
0x2f: {  	lr =	sadd.s32 s0, s3;
	s0 =	sld [smem:$0x3F99]  }
0x30: {  	s3 =	sld [smem:$0x3F9C]  }
0x31: {  	[smem:$0x3FA5] =	sst s10  }
0x32: {  	s10 =	sld [smem:$0x3FA3];
	_ =	sdelay $0x3  }
0x33: {  	p0 =	seq.s32 s10, $0x1;
	s10 =	sld [smem:$0x3FA5];
	_ =	sdelay $0x3  }
0x34: {  	[smem:$0x3FA5] =	sst s10  }
0x35: {  	s10 =	sld [smem:$0x3FA4];
	_ =	sdelay $0x3  }
0x36: {  	p1 =	seq.s32 s10, $0x1;
	s10 =	sld [smem:$0x3FA5];
	_ =	sdelay $0x3  }
0x37: {  	[smem:$0x3FA5] =	sst s10  }
0x38: {  	s10 =	sld [smem:$0x3FA6]  }
0x39: {  	_ = 	snop;
	(pc) =	sbr.ind lr, $3  }
0x3a: {  	_ = 	snop  }
0x3b: {  	_ = 	snop  }
0x3c: {  	p2 =	seq.s32 s10, $0x1;
	s10 =	sld [smem:$0x3FA5]  }
0x3d: {  	_ =	shalt  }
0x3e: {  	_ =	shalt  }
0x3f: {  	_ =	shalt  }
0x40: {  	_ =	shalt  }
0x41: {  	_ =	shalt  }
0x42: {  	_ =	shalt  }
0x43: {  	_ =	shalt  }
0x44: {  	_ =	shalt  }
0x45: {  	_ =	shalt  }
0x46: {  	_ =	shalt  }
0x47: {  	_ =	shalt  }
0x48: {  	_ =	shalt  }
0x49: {  	_ =	shalt  }
0x4a: {  	_ =	shalt  }
0x4b: {  	_ =	shalt  }
0x4c: {  	_ =	shalt  }
0x4d: {  	_ =	shalt  }
0x4e: {  	_ =	shalt  }
0x4f: {  	_ =	shalt  }
0x50: {  	_ =	shalt  }
0x51: {  	_ =	shalt  }
0x52: {  	_ =	shalt  }
0x53: {  	_ =	shalt  }
0x54: {  	_ =	shalt  }
0x55: {  	_ =	shalt  }
0x56: {  	_ =	shalt  }
0x57: {  	_ =	shalt  }
0x58: {  	_ =	shalt  }
0x59: {  	_ =	shalt  }
0x5a: {  	_ =	shalt  }
0x5b: {  	_ =	shalt  }
0x5c: {  	_ =	shalt  }
0x5d: {  	_ =	shalt  }
0x5e: {  	_ =	shalt  }
0x5f: {  	_ =	shalt  }
0x60: {  	_ =	shalt  }
0x61: {  	_ =	shalt  }
0x62: {  	_ =	shalt  }
0x63: {  	_ =	shalt  }
0x64: {  	_ =	shalt  }
0x65: {  	_ =	shalt  }
0x66: {  	_ =	shalt  }
0x67: {  	_ =	shalt  }
0x68: {  	_ =	shalt  }
0x69: {  	_ =	shalt  }
0x6a: {  	_ =	shalt  }
0x6b: {  	_ =	shalt  }
0x6c: {  	_ =	shalt  }
0x6d: {  	_ =	shalt  }
0x6e: {  	_ =	shalt  }
0x6f: {  	_ =	shalt  }
0x70: {  	_ =	shalt  }
0x71: {  	_ =	shalt  }
0x72: {  	_ =	shalt  }
0x73: {  	_ =	shalt  }
0x74: {  	_ =	shalt  }
0x75: {  	_ =	shalt  }
0x76: {  	_ =	shalt  }
0x77: {  	_ =	shalt  }
0x78: {  	_ =	shalt  }
0x79: {  	_ =	shalt  }
0x7a: {  	_ =	shalt  }
0x7b: {  	_ =	shalt  }
0x7c: {  	_ =	shalt  }
0x7d: {  	_ =	shalt  }
0x7e: {  	_ =	shalt  }
0x7f: {  	_ =	shalt  }
0x80: {  	_ =	shalt  }
0x81: {  	_ =	shalt  }
0x82: {  	_ =	shalt  }
0x83: {  	_ =	shalt  }
0x84: {  	_ =	shalt  }
0x85: {  	_ =	shalt  }
0x86: {  	_ =	shalt  }
0x87: {  	_ =	shalt  }
.Lfunc_end0:
.L_simem_size_0:
called_computation.10_lowered:
.L_overlay_start_0:
0x88: {  	s2 =	sld [smem:$0x3FD9]  }
0x89: {  	s3 =	sld [smem:$0x3FFE];
	_ =	sdelay $0x1  }
0x8a: {  	s1 =	srdreg.scid  }
0x8b: {  	s0 =	sand.u32 $0x1, s1  }
0x8c: {  	s17 =	sshll.u32 s0, $0xA;
	s2 =	sadd.s32 s3, s2  }
0x8d: {  	s2 =	sadd.s32 s2, s17  }
0x8e: {  	[smem:$0x3FB1] =	sst s2  }
0x8f: {  	_ = 	snop  }
0x90: {  	(tm) =	ssettm $0x1  }
0x91: {  	s18 =	sld [smem:$0x3FFB];
	_ =	sdelay $0x3  }
0x92: {  	_ =	strace s18  }
0x93: {  	s2 =	sld [smem:$0x3FFC];
	_ =	sdelay $0x3  }
0x94: {  	_ =	strace s2  }
0x95: {  	s2 =	sld [smem:$0x3FFD];
	_ =	sdelay $0x3  }
0x96: {  	_ =	strace s2  }
0x97: {  	_ =	strace $0x8FFFFFFF  }
0x98: {  	s19 =	sld [smem:$0x3FDB];
	_ =	sdelay $0x1  }
0x99: {  	s20 =	simm.s32 $_scs_section_size  }
0x9a: {  	s4 =	simm.s32 $_size__tile_overlayer_lowered;
	s5 =	simm.s32 $_tile_overlayer_lowered  }
0x9b: {  	s6 =	simm.s32 $0x1BFF;
	s21 =	sshll.u32 s5, $0x1;
	s3 =	sadd.s32 s20, s19  }
0x9c: {  	s22 =	simm.s32 $0x0;
	s4 =	sshll.u32 s4, $0x1;
	s5 =	sadd.s32 s21, s3  }
0x9d: {  	[timem:s22], [sflag:s6] =	dma.local [hbm:s5], s4  }
0x9e: {  	_ =	swait.ge [sflag:s6], s4  }
0x9f: {  	s4 =	ssub.s32 $0x0, s4;
	[sflag:s6] =	ssyncset.done $0x0  }
0xa0: {  	[sflag:s6] =	ssyncadd.s32 s4;
	_ =	sdelay $0x1  }
0xa1: {  	s23 =	simm.s32 $0x1B8B  }
0xa2: {  	_ =	swait.ge [sflag:s23], $0x1  }
0xa3: {  	[sflag:s23] =	ssyncset.done $0x0  }
0xa4: {  	[sflag:s23] =	ssyncadd.s32 $0xFFFFFFFF  }
0xa5: {  	s4 =	sld [smem:$0x0]  }
0xa6: {  	s5 =	sand.u32 $0xFFFFFFFE, s1  }
0xa7: {  	p0 =	sne.s32 s1, s5  }
0xa8: {  	s5 =	sshll.u32 @p0 s5, $0xE  }
0xa9: {  	s5 =	sadd.s32 @p0 $0x11B8D, s5;
	s6 =	sshll.u32 @p0 s4, $0x11  }
0xaa: {  	s5 =	sor.u32 @p0 s6, s5  }
0xab: {  	[sflag:s5] =	ssyncadd.remote.s32 @p0 $0x1;
	_ =	sdelay $0x1  }
0xac: {  	s5 =	simm.s32 @p0 $0x1B8D  }
0xad: {  	_ =	swait.eq @p0 [sflag:s5], $0x1  }
0xae: {  	[sflag:s5] =	ssyncadd.s32 @p0 $0xFFFFFFFF  }
0xaf: {  	s6 =	sshll.u32 @!p0 s1, $0xE  }
0xb0: {  	s6 =	sor.u32 @!p0 $0x4000, s6;
	s5 =	simm.s32 @!p0 $0x1B8D  }
0xb1: {  	s4 =	sshll.u32 @!p0 s4, $0x11;
	s6 =	sadd.s32 @!p0 $0x11B8D, s6;
	_ =	swait.eq @!p0 [sflag:s5], $0x1  }
0xb2: {  	s4 =	sor.u32 @!p0 s4, s6;
	[sflag:s5] =	ssyncadd.s32 @!p0 $0xFFFFFFFF  }
0xb3: {  	s25 =	simm.s32 $0x1B8E;
	s24 =	sld [smem:$0x3FFE];
	[sflag:s4] =	ssyncadd.remote.s32 @!p0 $0x1  }
0xb4: {  	s26 =	simm.s32 $execute0_lowered;
	[smem:$0x3FD2] =	sst s25  }
0xb5: {  	s5 =	sshll.u32 s26, $0x1;
	_ =	strace $0x80000058;
	[dreg:$0x1] =	wrdreg $0xFFFFFFFF  }
0xb6: {  	s28 =	simm.s32 $_size_execute0_lowered;
	s3 =	sadd.s32 s3, s5;
	[dreg:$0x0] =	wrdreg $0x0  }
0xb7: {  	s5 =	sshll.u32 s28, $0x1;
	[dreg:$0x2] =	wrdreg s3  }
0xb8: {  	[dreg:$0x3] =	wrdreg s5  }
0xb9: {  	[dreg:$0x4] =	wrdreg $0xC0  }
0xba: {  	_ =	task [dreg:s22], $0x5FFFF  }
0xbb: {  	[dreg:$0x1] =	wrdreg $0xFFFFFFFF  }
0xbc: {  	[dreg:$0x0] =	wrdreg $0x60  }
0xbd: {  	[dreg:$0x2] =	wrdreg s24  }
0xbe: {  	[dreg:$0x3] =	wrdreg $0x6A400  }
0xbf: {  	[dreg:$0x4] =	wrdreg $0xB  }
0xc0: {  	_ =	task.clear_ibuf [dreg:s22], $0x5FFFF;
	_ =	strace $0x90000058  }
0xc1: {  	s29 =	simm.s32 $0xB;
	_ =	strace $0x8000005A  }
0xc2: {  	_ =	swait.ge [sflag:s29], $0x1  }
0xc3: {  	[sflag:s29] =	ssyncadd.s32 $0xFFFFFFFF  }
0xc4: {  	_ =	strace $0x9000005A  }
0xc5: {  	_ =	sfence  }
0xc6: {  	s30 =	sld [smem:$0x0];
	_ =	sdelay $0x2  }
0xc7: {  	s31 =	sshll.u32 s1, $0xD;
	s1 =	sshrl.u32 s1, $0x2  }
0xc8: {  	s4 =	sand.u32 $0x4000, s31;
	s1 =	sadd.s32 s1, s30  }
0xc9: {  	s0 =	sor.u32 s4, s0;
	s1 =	sshll.u32 s1, $0x11  }
0xca: {  	s0 =	sor.u32 s1, s0  }
0xcb: {  	s0 =	sadd.s32 $0x8F2B, s0  }
0xcc: {  	[sflag:s0] =	ssyncadd.remote.s32 $0x1  }
0xcd: {  	_ =	sfence.sel $0xFFFF  }
0xce: {  	[dreg:$0x0] =	wrdreg $0xFFFFFFFF;
	(pc) =	sbr.abs _section_cstart, $3  }
0xcf: {  	[dreg:$0x1] =	wrdreg $0xFFFFFFFF  }
0xd0: {  	_ =	task.clear_ibuf [dreg:s22], $0x2FFFF;
	_ =	strace $0x9FFFFFFF  }
0xd1: {  	(tm) =	ssettm $0x7FFFFFFF  }
tec
execute0_lowered:
.L_overlay_start_1:
0x0: {  	(tag) =	ssettag $0x1  }
0x1: {  	s0 =	rddreg [dreg:$0x0]  }
0x2: {  	s2 =	rddreg [dreg:$0x1];
	s3 =	simm.s32 $0x0  }
0x3: {  	s1 =	srdreg.scid;
	s11 =	stileid.u32;
	s18 =	simm.s32 $0x640  }
0x4: {  	s19 =	simm.s32 $0x5;
	s20 =	simm.s32 $0x320;
	s21 =	simm.s32 $0x190  }
0x5: {  	s22 =	simm.s32 $0x4B0;
	s23 =	simm.s32 $0x3840;
	s24 =	simm.s32 $0x1  }
0x6: {  	s25 =	simm.s32 $0x2;
	s26 =	simm.s32 $0x3;
	s6 =	smul.u32 $0xC40, s11  }
0x7: {  	s28 =	simm.s32 $0x4;
	s1 =	sand.u32 $0x1, s1;
	s9 =	smul.u32 $0x62000, s11  }
0x8: {  	[smem:$0x7FF] =	sst s3;
	s4 =	sadd.s32 $0x393200, s0;
	s7 =	smul.u32 $0xC400, s1  }
0x9: {  	s5 =	sadd.s32 $0x21400, s0;
	_ =	strace $0x80000059;
	s8 =	ssub.s32 $0x2, s1  }
0xa: {  	s10 =	sshrl.u32 s8, $0x1;
	s9 =	sshrl.u32 s9, $0x2;
	s7 =	sadd.s32 s6, s7  }
0xb: {  	s6 =	sadd.s32 $0x8400, s0;
	s10 =	ssub.s32 s8, s10;
	s9 =	sadd.s32 s9, s2  }
0xc: {  	s7 =	sshll.u32 s7, $0x2;
	s10 =	smax.u32 s10, $0x1;
	s12 =	sadd.s32 $0x6200, s9  }
0xd: {  	s13 =	sadd.s32 $0x9300, s9;
	s14 =	sadd.s32 $0xC400, s9;
	s15 =	sadd.s32 $0xF500, s9  }
0xe: {  	s16 =	sadd.s32 $0x12600, s9;
	s17 =	sadd.s32 $0x15700, s9;
	s0 =	sadd.s32 s7, s0  }
0xf: {  	v1 =	vimm.f32 $0.0e+00;
	v0 =	vmov s1;
	s7 =	smul.u32 $0xC800, s11;
	s11 =	sadd.s32 $0x3100, s9;
	s8 =	sadd.s32 $0x46F000, s0  }
.LBB2_1:
0x10: {  	s0 =	simm.s32 $0x80;
	s1 =	simm.s32 $0x0  }
.LBB2_2:
0x11: {  	p0 =	sne.s32 s0, $0xC380;
	[tilespmem:s1+$0x640] =	vst v1;
	s29 =	smov.u32 s0;
	s0 =	sadd.s32 $0x80, s0  }
.Ltmp0:
0x12: {  	[tilespmem:s1+$0x650] =	vst v1;
	(pc) =	sbr.rel @p0 .LBB2_2-.Ltmp0, $2  }
0x13: {  	_ =	sdelay $0x2  }
0x14: {  	s1 =	sshra.s32 s29, $0x2  }
0x15: {  	[tilespmem:s1+$0x640] =	vst v1  }
0x16: {  	[tilespmem:s1+$0x650] =	vst v1  }
0x17: {  	[spmem:s9] =	stream.linear.scatter [tilespmem:s18], [sflag:$0x5], $0x3100, $0x38;
	[tilespmem:$0x1F240] =	vst v63  }
0x18: {  	_ =	swait.ge [sflag:s19], $0x3100  }
0x19: {  	[sflag:s19] =	ssyncset.done $0x0  }
0x1a: {  	[sflag:s19] =	ssyncadd.s32 $0xFFFFCF00  }
0x1b: {  	[spmem:s11] =	stream.linear.scatter [tilespmem:s18], [sflag:$0x5], $0x3100, $0x38;
	[tilespmem:$0x1F240] =	vst v63  }
0x1c: {  	_ =	swait.ge [sflag:s19], $0x3100  }
0x1d: {  	[sflag:s19] =	ssyncset.done $0x0  }
0x1e: {  	[sflag:s19] =	ssyncadd.s32 $0xFFFFCF00  }
0x1f: {  	[spmem:s12] =	stream.linear.scatter [tilespmem:s18], [sflag:$0x5], $0x3100, $0x38;
	[tilespmem:$0x1F240] =	vst v63  }
0x20: {  	_ =	swait.ge [sflag:s19], $0x3100  }
0x21: {  	[sflag:s19] =	ssyncset.done $0x0  }
0x22: {  	[sflag:s19] =	ssyncadd.s32 $0xFFFFCF00  }
0x23: {  	[spmem:s13] =	stream.linear.scatter [tilespmem:s18], [sflag:$0x5], $0x3100, $0x38;
	[tilespmem:$0x1F240] =	vst v63  }
0x24: {  	_ =	swait.ge [sflag:s19], $0x3100  }
0x25: {  	[sflag:s19] =	ssyncset.done $0x0  }
0x26: {  	[sflag:s19] =	ssyncadd.s32 $0xFFFFCF00  }
0x27: {  	[spmem:s14] =	stream.linear.scatter [tilespmem:s18], [sflag:$0x5], $0x3100, $0x38;
	[tilespmem:$0x1F240] =	vst v63  }
0x28: {  	_ =	swait.ge [sflag:s19], $0x3100  }
0x29: {  	[sflag:s19] =	ssyncset.done $0x0  }
0x2a: {  	[sflag:s19] =	ssyncadd.s32 $0xFFFFCF00  }
0x2b: {  	[spmem:s15] =	stream.linear.scatter [tilespmem:s18], [sflag:$0x5], $0x3100, $0x38;
	[tilespmem:$0x1F240] =	vst v63  }
0x2c: {  	_ =	swait.ge [sflag:s19], $0x3100  }
0x2d: {  	[sflag:s19] =	ssyncset.done $0x0  }
0x2e: {  	[sflag:s19] =	ssyncadd.s32 $0xFFFFCF00  }
0x2f: {  	[spmem:s16] =	stream.linear.scatter [tilespmem:s18], [sflag:$0x5], $0x3100, $0x38;
	[tilespmem:$0x1F240] =	vst v63  }
0x30: {  	_ =	swait.ge [sflag:s19], $0x3100  }
0x31: {  	[sflag:s19] =	ssyncset.done $0x0  }
0x32: {  	[sflag:s19] =	ssyncadd.s32 $0xFFFFCF00  }
0x33: {  	[spmem:s17] =	stream.linear.scatter [tilespmem:s18], [sflag:$0x5], $0x3100, $0x38;
	[tilespmem:$0x1F240] =	vst v63  }
0x34: {  	_ =	swait.ge [sflag:s19], $0x3100  }
0x35: {  	[sflag:s19] =	ssyncset.done $0x0  }
0x36: {  	[sflag:s19] =	ssyncadd.s32 $0xFFFFCF00  }
0x37: {  	s29 =	simm.s32 $0x0;
	s30 =	simm.s32 $0x0;
	[bflag:$0x0] =	sbarrier.arrive $0xFFFF  }
.LBB2_4:
0x38: {  	s0 =	smul.u32 $0x320, s30;
	_ =	sdelay $0x1  }
0x39: {  	s0 =	sadd.s32 s7, s0  }
0x3a: {  	s31 =	sshrl.u32 s0, $0x3  }
0x3b: {  	s0 =	sadd.s32 s5, s31  }
0x3c: {  	[tilespmem:s29], [sflag:$0x5] =	stream.linear.gather [hbm4b:s0+s29], $0x190, $0x38;
	[tilespmem:$0x1F240] =	vst v63  }
0x3d: {  	_ =	swait.ge [sflag:s19], $0x190  }
0x3e: {  	[sflag:s19] =	ssyncset.done $0x0  }
0x3f: {  	s1 =	sadd.s32 s6, s31;
	[sflag:s19] =	ssyncadd.s32 $0xFFFFFE70  }
0x40: {  	[tilespmem:s20], [sflag:$0x5] =	stream.linear.gather [hbm4b:s1+s29], $0x190, $0x38;
	[tilespmem:$0x1F240] =	vst v63  }
0x41: {  	_ =	swait.ge [sflag:s19], $0x190  }
0x42: {  	[sflag:s19] =	ssyncset.done $0x0  }
0x43: {  	s0 =	simm.s32 $0x0;
	s1 =	simm.s32 $0x40;
	[sflag:s19] =	ssyncadd.s32 $0xFFFFFE70  }
.LBB2_5:
0x44: {  	p0 =	sne.s32 s1, $0x600;
	v2 =	vld [tilespmem:s0+$0x0];
	_ =	sdelay $0x2  }
.Ltmp1:
0x45: {  	(pc) =	sbr.rel @p0 .LBB2_5-.Ltmp1, $4  }
0x46: {  	_ = 	snop  }
0x47: {  	v2 =	vshll.u32 v2, $0x1  }
0x48: {  	v2 =	vor.u32 v0, v2  }
0x49: {  	[tilespmem:s0+$0x0] =	vst v2;
	s0 =	sshra.s32 s1, $0x2;
	s1 =	sadd.s32 $0x40, s1  }
0x4a: {  	v2 =	vld [tilespmem:s0+$0x0];
	_ =	sdelay $0x4  }
0x4b: {  	v2 =	vshll.u32 v2, $0x1  }
0x4c: {  	v2 =	vor.u32 v0, v2  }
0x4d: {  	s1 =	sadd.s32 $0x32, s31;
	[tilespmem:s0+$0x0] =	vst v2;
	s0 =	simm.s32 $0x0  }
0x4e: {  	[tilespmem:s18], [sflag:$0x1] =	stream.indirect.gather [hbm4b:s4+s21], $0x20, s0, s21, $0xb8;
	[tilespmem:$0x1F240] =	vst v63  }
0x4f: {  	s31 =	sadd.s32 s5, s1  }
0x50: {  	[tilespmem:s21], [sflag:$0x5] =	stream.linear.gather [hbm4b:s31+s0], $0x190, $0x38;
	[tilespmem:$0x1F240] =	vst v63  }
0x51: {  	_ =	swait.ge [sflag:s19], $0x190  }
0x52: {  	[sflag:s19] =	ssyncset.done $0x0  }
0x53: {  	s1 =	sadd.s32 s6, s1;
	[sflag:s19] =	ssyncadd.s32 $0xFFFFFE70  }
0x54: {  	[tilespmem:s22], [sflag:$0x5] =	stream.linear.gather [hbm4b:s1+s0], $0x190, $0x38;
	[tilespmem:$0x1F240] =	vst v63  }
0x55: {  	_ =	swait.ge [sflag:s19], $0x190  }
0x56: {  	[sflag:s19] =	ssyncset.done $0x0  }
0x57: {  	s0 =	simm.s32 $0x0;
	s1 =	simm.s32 $0x40;
	[sflag:s19] =	ssyncadd.s32 $0xFFFFFE70  }
.LBB2_7:
0x58: {  	p0 =	sne.s32 s1, $0x600;
	v2 =	vld [tilespmem:s0+$0x190];
	_ =	sdelay $0x2  }
.Ltmp2:
0x59: {  	(pc) =	sbr.rel @p0 .LBB2_7-.Ltmp2, $4  }
0x5a: {  	_ = 	snop  }
0x5b: {  	v2 =	vshll.u32 v2, $0x1  }
0x5c: {  	v2 =	vor.u32 v0, v2  }
0x5d: {  	[tilespmem:s0+$0x190] =	vst v2;
	s0 =	sshra.s32 s1, $0x2;
	s1 =	sadd.s32 $0x40, s1  }
0x5e: {  	v2 =	vld [tilespmem:s0+$0x190];
	_ =	sdelay $0x4  }
0x5f: {  	v2 =	vshll.u32 v2, $0x1  }
0x60: {  	v2 =	vor.u32 v0, v2  }
0x61: {  	[tilespmem:s0+$0x190] =	vst v2  }
0x62: {  	[tilespmem:s23], [sflag:$0x2] =	stream.indirect.gather [hbm4b:s4+s21], $0x20, s21, s21, $0xb8;
	[tilespmem:$0x1F240] =	vst v63  }
0x63: {  	_ =	swait.ge [sflag:s24], $0x3200  }
0x64: {  	[sflag:s24] =	ssyncset.done $0x0  }
0x65: {  	[sflag:s24] =	ssyncadd.s32 $0xFFFFCE00  }
0x66: {  	[spmem:s2] =	stream.indirect.scatter.add.f32 [tilespmem:s18], [sflag:$0x3], $0x20, s20, s21, $0xb8;
	[tilespmem:$0x1F240] =	vst v63  }
0x67: {  	_ =	swait.ge [sflag:s25], $0x3200  }
0x68: {  	[sflag:s25] =	ssyncset.done $0x0  }
0x69: {  	s30 =	sadd.s32 $0x1, s30;
	[sflag:s25] =	ssyncadd.s32 $0xFFFFCE00  }
0x6a: {  	[spmem:s2] =	stream.indirect.scatter.add.f32 [tilespmem:s23], [sflag:$0x4], $0x20, s22, s21, $0xb8;
	[tilespmem:$0x1F240] =	vst v63  }
0x6b: {  	p0 =	sne.s32 s30, $0x40;
	_ =	swait.ge [sflag:s26], $0x3200  }
.Ltmp3:
0x6c: {  	[sflag:s26] =	ssyncset.done $0x0;
	(pc) =	sbr.rel @p0 .LBB2_4-.Ltmp3, $4  }
0x6d: {  	[sflag:s26] =	ssyncadd.s32 $0xFFFFCE00  }
0x6e: {  	_ =	swait.ge [sflag:s28], $0x3200  }
0x6f: {  	[sflag:s28] =	ssyncset.done $0x0  }
0x70: {  	[sflag:s28] =	ssyncadd.s32 $0xFFFFCE00  }
0x71: {  	s0 =	stileid.u32;
	s3 =	sadd.s32 $0x1, s3  }
0x72: {  	[bflag:$0x0] =	sbarrier.arrive $0xFFFF;
	s0 =	sshll.u32 s0, $0x6;
	p0 =	sne.s32 s3, s10  }
.Ltmp4:
0x73: {  	s1 =	sshrl.u32 s9, $0x3;
	s0 =	sor.u32 $0x1C05, s0;
	(pc) =	sbr.rel @p0 .LBB2_1-.Ltmp4, $4  }
0x74: {  	[hbm:s8], [sflag:s0] =	dma.local [spmem:s1], $0x3100  }
0x75: {  	_ =	swait.ge [sflag:s19], $0x3100  }
0x76: {  	[sflag:s19] =	ssyncset.done $0x0  }
0x77: {  	[sflag:s19] =	ssyncadd.s32 $0xFFFFCF00  }
0x78: {  	_ =	sfence.sel $0x180000  }
0x79: {  	[bflag:$0x0] =	sbarrier.arrive $0xFFFF  }
0x7a: {  	_ =	strace $0x90000059  }
0x7b: {  	s0 =	stileid.u32;
	[bflag:$0x2] =	sbarrier.arrive $0xFFFF  }
0x7c: {  	p0 =	sne.s32 s0, $0x0;
	s0 =	rddreg [dreg:$0x2]  }
0x7d: {  	s0 =	sadd.s32 @!p0 $0x100000, s0  }
0x7e: {  	[sflag:s0] =	ssyncadd.tile.s32 @!p0 $0x1;
	_ =	shalt  }
.Lfunc_end2:
_tile_overlayer_lowered:
.L_overlay_start_2:
0x7f: {  	(tag) =	ssettag $0x2  }
0x80: {  	s0 =	rddreg [dreg:$0x0];
	s2 =	stileid.u32  }
0x81: {  	s1 =	rddreg [dreg:$0x1];
	p0 =	sne.s32 s2, $0x0  }
0x82: {  	s3 =	rddreg [dreg:$0x2];
	[bflag:$0x3] =	sbarrier.arrive $0xFFFF;
	s2 =	simm.s32 @!p0 $0x1C05  }
0x83: {  	[timem:s3], [sflag:s2] =	dma.local @!p0 [hbm:s0], s1  }
0x84: {  	s0 =	simm.s32 @!p0 $0x5  }
0x85: {  	_ =	swait.ge @!p0 [sflag:s0], s1  }
0x86: {  	s1 =	ssub.s32 @!p0 $0x0, s1;
	[sflag:s0] =	ssyncset.done @!p0 $0x0  }
0x87: {  	[sflag:s0] =	ssyncadd.s32 @!p0 s1  }
0x88: {  	[bflag:$0x3] =	sbarrier.arrive $0xFFFF  }
0x89: {  	_ =	shalt  }

// kernel: kernel.59.cloned.1.call-start
scs
__scs_entry_jumppad:
0x0: {  	(pc) =	sbr.rel $0x88, $3  }
0x1: {  	(tag) =	ssettag $0x0;
	lr =	simm.s32 $0x1  }
0x2: {  	[smem:$0x3F8A] =	sst lr;
	_ =	strace $0xD0000000  }
0x3: {  	_ = 	snop  }
0x4: {  	_ = 	snop  }
0x5: {  	_ = 	snop  }
0x6: {  	_ = 	snop  }
0x7: {  	_ = 	snop  }
__scs_overlays_trampoline_lowered:
0x8: {  	[smem:$0x3F99] =	sst s0  }
0x9: {  	[smem:$0x3F9A] =	sst s1  }
0xa: {  	[smem:$0x3F9B] =	sst s2  }
0xb: {  	[smem:$0x3F9C] =	sst s3  }
0xc: {  	[smem:$0x3F9D] =	sst s4  }
0xd: {  	[smem:$0x3F9E] =	sst s5  }
0xe: {  	[smem:$0x3F9F] =	sst s6  }
0xf: {  	[smem:$0x3FA0] =	sst s7  }
0x10: {  	[smem:$0x3FA1] =	sst s8  }
0x11: {  	[smem:$0x3FA2] =	sst s9;
	s0 =	simm.s32 @!p0 $0x0  }
0x12: {  	s1 =	sld [smem:$0x3F88];
	s0 =	simm.s32 @p0 $0x1  }
0x13: {  	[smem:$0x3FA3] =	sst s0;
	s0 =	simm.s32 @!p1 $0x0  }
0x14: {  	s2 =	sld [smem:$0x3F87];
	s0 =	simm.s32 @p1 $0x1  }
0x15: {  	[smem:$0x3FA4] =	sst s0;
	s0 =	simm.s32 @!p2 $0x0  }
0x16: {  	s3 =	sld [smem:$0x3FDB];
	s0 =	simm.s32 @p2 $0x1  }
0x17: {  	s4 =	simm.s32 $0x1BF5;
	[smem:$0x3FA6] =	sst s0  }
0x18: {  	s0 =	sld [smem:$0x3F89];
	_ =	swait.ge [sflag:s4], $0x0  }
0x19: {  	s7 =	sld [smem:$0x3F8A]  }
0x1a: {  	s8 =	sadd.s32 $0xFFFFE003, lr  }
0x1b: {  	s9 =	sadd.s32 $0xFFFFFEF7, lr;
	s5 =	simm.s32 $0xFFFFFFFF;
	p2 =	slt.u32 s8, $0xFFFFF086  }
0x1c: {  	p1 =	slt.u32 s9, $0xF7A;
	s5 =	simm.s32 @!p2 $0x0  }
0x1d: {  	s5 =	simm.s32 @p1 $0x1;
	p0 =	seq.s32 s7, s2  }
0x1e: {  	s7 =	smul.u32 @!p0 $0xF7A, s2;
	p2 =	seq.s32 @!p0 s5, $0x0  }
0x1f: {  	s9 =	smul.u32 $0xF7A, s1;
	s8 =	simm.s32 @!p0 $0x1BF5;
	p2 =	por !p2, p0  }
0x20: {  	[sflag:s8] =	ssyncset.s32 @!p0 $0xFFFFF086;
	s6 =	sadd.s32 @!p0 s3, s7;
	s7 =	simm.s32 @!p0 $0x108  }
0x21: {  	s3 =	sadd.s32 s3, s9;
	s6 =	sadd.s32 @!p0 $0x88, s6;
	s7 =	simm.s32 @p2 $0x1082  }
0x22: {  	[simem:s7], [sflag:s8] =	dma.local @!p0 [hbm:s6], $0xF7A  }
0x23: {  	s9 =	sor.u32 $0xD0000000, s2;
	s6 =	simm.s32 $0x108;
	_ =	swait.ge @!p0 [sflag:s8], $0x0  }
0x24: {  	s3 =	sadd.s32 $0x88, s3;
	s6 =	simm.s32 @!p1 $0x1082;
	[sflag:s4] =	ssyncset.s32 $0xFFFFF086  }
0x25: {  	[simem:s6], [sflag:s4] =	dma.local [hbm:s3], $0xF7A  }
0x26: {  	[smem:$0x3F8A] =	sst s1;
	(tag) =	ssettag s2;
	_ =	strace s9  }
0x27: {  	s1 =	sld [smem:$0x3F9A]  }
0x28: {  	s2 =	sld [smem:$0x3F9B]  }
0x29: {  	s4 =	sld [smem:$0x3F9D]  }
0x2a: {  	p0 =	seq.s32 s5, $0x0;
	s5 =	sld [smem:$0x3F9E]  }
0x2b: {  	s6 =	sld [smem:$0x3F9F]  }
0x2c: {  	s7 =	sld [smem:$0x3FA0]  }
0x2d: {  	s3 =	simm.s32 $0x108;
	s8 =	sld [smem:$0x3FA1]  }
0x2e: {  	s3 =	simm.s32 @!p0 $0x1082;
	s9 =	sld [smem:$0x3FA2]  }
0x2f: {  	lr =	sadd.s32 s0, s3;
	s0 =	sld [smem:$0x3F99]  }
0x30: {  	s3 =	sld [smem:$0x3F9C]  }
0x31: {  	[smem:$0x3FA5] =	sst s10  }
0x32: {  	s10 =	sld [smem:$0x3FA3];
	_ =	sdelay $0x3  }
0x33: {  	p0 =	seq.s32 s10, $0x1;
	s10 =	sld [smem:$0x3FA5];
	_ =	sdelay $0x3  }
0x34: {  	[smem:$0x3FA5] =	sst s10  }
0x35: {  	s10 =	sld [smem:$0x3FA4];
	_ =	sdelay $0x3  }
0x36: {  	p1 =	seq.s32 s10, $0x1;
	s10 =	sld [smem:$0x3FA5];
	_ =	sdelay $0x3  }
0x37: {  	[smem:$0x3FA5] =	sst s10  }
0x38: {  	s10 =	sld [smem:$0x3FA6]  }
0x39: {  	_ = 	snop;
	(pc) =	sbr.ind lr, $3  }
0x3a: {  	_ = 	snop  }
0x3b: {  	_ = 	snop  }
0x3c: {  	p2 =	seq.s32 s10, $0x1;
	s10 =	sld [smem:$0x3FA5]  }
0x3d: {  	_ =	shalt  }
0x3e: {  	_ =	shalt  }
0x3f: {  	_ =	shalt  }
0x40: {  	_ =	shalt  }
0x41: {  	_ =	shalt  }
0x42: {  	_ =	shalt  }
0x43: {  	_ =	shalt  }
0x44: {  	_ =	shalt  }
0x45: {  	_ =	shalt  }
0x46: {  	_ =	shalt  }
0x47: {  	_ =	shalt  }
0x48: {  	_ =	shalt  }
0x49: {  	_ =	shalt  }
0x4a: {  	_ =	shalt  }
0x4b: {  	_ =	shalt  }
0x4c: {  	_ =	shalt  }
0x4d: {  	_ =	shalt  }
0x4e: {  	_ =	shalt  }
0x4f: {  	_ =	shalt  }
0x50: {  	_ =	shalt  }
0x51: {  	_ =	shalt  }
0x52: {  	_ =	shalt  }
0x53: {  	_ =	shalt  }
0x54: {  	_ =	shalt  }
0x55: {  	_ =	shalt  }
0x56: {  	_ =	shalt  }
0x57: {  	_ =	shalt  }
0x58: {  	_ =	shalt  }
0x59: {  	_ =	shalt  }
0x5a: {  	_ =	shalt  }
0x5b: {  	_ =	shalt  }
0x5c: {  	_ =	shalt  }
0x5d: {  	_ =	shalt  }
0x5e: {  	_ =	shalt  }
0x5f: {  	_ =	shalt  }
0x60: {  	_ =	shalt  }
0x61: {  	_ =	shalt  }
0x62: {  	_ =	shalt  }
0x63: {  	_ =	shalt  }
0x64: {  	_ =	shalt  }
0x65: {  	_ =	shalt  }
0x66: {  	_ =	shalt  }
0x67: {  	_ =	shalt  }
0x68: {  	_ =	shalt  }
0x69: {  	_ =	shalt  }
0x6a: {  	_ =	shalt  }
0x6b: {  	_ =	shalt  }
0x6c: {  	_ =	shalt  }
0x6d: {  	_ =	shalt  }
0x6e: {  	_ =	shalt  }
0x6f: {  	_ =	shalt  }
0x70: {  	_ =	shalt  }
0x71: {  	_ =	shalt  }
0x72: {  	_ =	shalt  }
0x73: {  	_ =	shalt  }
0x74: {  	_ =	shalt  }
0x75: {  	_ =	shalt  }
0x76: {  	_ =	shalt  }
0x77: {  	_ =	shalt  }
0x78: {  	_ =	shalt  }
0x79: {  	_ =	shalt  }
0x7a: {  	_ =	shalt  }
0x7b: {  	_ =	shalt  }
0x7c: {  	_ =	shalt  }
0x7d: {  	_ =	shalt  }
0x7e: {  	_ =	shalt  }
0x7f: {  	_ =	shalt  }
0x80: {  	_ =	shalt  }
0x81: {  	_ =	shalt  }
0x82: {  	_ =	shalt  }
0x83: {  	_ =	shalt  }
0x84: {  	_ =	shalt  }
0x85: {  	_ =	shalt  }
0x86: {  	_ =	shalt  }
0x87: {  	_ =	shalt  }
.Lfunc_end0:
.L_simem_size_0:
called_computation.11_lowered:
.L_overlay_start_0:
0x88: {  	s2 =	sld [smem:$0x3FD9]  }
0x89: {  	s3 =	sld [smem:$0x3FFE];
	_ =	sdelay $0x1  }
0x8a: {  	s1 =	srdreg.scid  }
0x8b: {  	s0 =	sand.u32 $0x1, s1  }
0x8c: {  	s15 =	sshll.u32 s0, $0xA;
	s2 =	sadd.s32 s3, s2  }
0x8d: {  	s2 =	sadd.s32 s2, s15  }
0x8e: {  	[smem:$0x3FB1] =	sst s2  }
0x8f: {  	_ = 	snop  }
0x90: {  	s2 =	sld [smem:$0x3FD0];
	_ =	sdelay $0x2  }
0x91: {  	s16 =	simm.s32 $0xC;
	s4 =	simm.s32 $0x10  }
0x92: {  	[smem:s4], [sflag:s16] =	dma.local [hbm:s2], $0x1  }
0x93: {  	_ =	swait.eq [sflag:s16], $0x1  }
0x94: {  	[sflag:s16] =	ssyncset.done $0x0  }
0x95: {  	[sflag:s16] =	ssyncadd.s32 $0xFFFFFFFF  }
0x96: {  	s17 =	sld [smem:$0x11];
	(tm) =	ssettm $0x1  }
0x97: {  	s18 =	sld [smem:$0x3FFB];
	_ =	sdelay $0x3  }
0x98: {  	_ =	strace s18  }
0x99: {  	s2 =	sld [smem:$0x3FFC];
	_ =	sdelay $0x3  }
0x9a: {  	_ =	strace s2  }
0x9b: {  	s2 =	sld [smem:$0x3FFD];
	_ =	sdelay $0x3  }
0x9c: {  	_ =	strace s2  }
0x9d: {  	_ =	strace $0x8FFFFFFF  }
0x9e: {  	s19 =	sld [smem:$0x3FDB];
	_ =	sdelay $0x1  }
0x9f: {  	s20 =	simm.s32 $_scs_section_size  }
0xa0: {  	s5 =	simm.s32 $_size__tile_overlayer_lowered;
	s6 =	simm.s32 $_tile_overlayer_lowered  }
0xa1: {  	s7 =	simm.s32 $0x1BFF;
	s21 =	sshll.u32 s6, $0x1;
	s4 =	sadd.s32 s20, s19  }
0xa2: {  	s22 =	simm.s32 $0x0;
	s5 =	sshll.u32 s5, $0x1;
	s6 =	sadd.s32 s21, s4  }
0xa3: {  	[timem:s22], [sflag:s7] =	dma.local [hbm:s6], s5  }
0xa4: {  	_ =	swait.ge [sflag:s7], s5  }
0xa5: {  	s5 =	ssub.s32 $0x0, s5;
	[sflag:s7] =	ssyncset.done $0x0  }
0xa6: {  	[sflag:s7] =	ssyncadd.s32 s5;
	_ =	sdelay $0x1  }
0xa7: {  	s23 =	simm.s32 $0x1B8B  }
0xa8: {  	_ =	swait.ge [sflag:s23], $0x1  }
0xa9: {  	[sflag:s23] =	ssyncset.done $0x0  }
0xaa: {  	[sflag:s23] =	ssyncadd.s32 $0xFFFFFFFF  }
0xab: {  	s5 =	sld [smem:$0x0]  }
0xac: {  	s6 =	sand.u32 $0xFFFFFFFE, s1  }
0xad: {  	p0 =	sne.s32 s1, s6  }
0xae: {  	s6 =	sshll.u32 @p0 s6, $0xE  }
0xaf: {  	s6 =	sadd.s32 @p0 $0x11B8D, s6;
	s7 =	sshll.u32 @p0 s5, $0x11  }
0xb0: {  	s6 =	sor.u32 @p0 s7, s6  }
0xb1: {  	[sflag:s6] =	ssyncadd.remote.s32 @p0 $0x1;
	_ =	sdelay $0x1  }
0xb2: {  	s6 =	simm.s32 @p0 $0x1B8D  }
0xb3: {  	_ =	swait.eq @p0 [sflag:s6], $0x1  }
0xb4: {  	[sflag:s6] =	ssyncadd.s32 @p0 $0xFFFFFFFF  }
0xb5: {  	s7 =	sshll.u32 @!p0 s1, $0xE  }
0xb6: {  	s7 =	sor.u32 @!p0 $0x4000, s7;
	s6 =	simm.s32 @!p0 $0x1B8D  }
0xb7: {  	s5 =	sshll.u32 @!p0 s5, $0x11;
	s7 =	sadd.s32 @!p0 $0x11B8D, s7;
	_ =	swait.eq @!p0 [sflag:s6], $0x1  }
0xb8: {  	s5 =	sor.u32 @!p0 s5, s7;
	[sflag:s6] =	ssyncadd.s32 @!p0 $0xFFFFFFFF  }
0xb9: {  	s25 =	simm.s32 $0x1B8E;
	s24 =	sld [smem:$0x3FFE];
	[sflag:s5] =	ssyncadd.remote.s32 @!p0 $0x1  }
0xba: {  	s26 =	simm.s32 $execute0_lowered;
	[smem:$0x3FD2] =	sst s25  }
0xbb: {  	s6 =	sshll.u32 s26, $0x1;
	_ =	strace $0x80000061;
	[dreg:$0x1] =	wrdreg $0xFFFFFFFF  }
0xbc: {  	s28 =	simm.s32 $_size_execute0_lowered;
	s4 =	sadd.s32 s4, s6;
	[dreg:$0x0] =	wrdreg $0x0  }
0xbd: {  	s6 =	sshll.u32 s28, $0x1;
	[dreg:$0x2] =	wrdreg s4  }
0xbe: {  	[dreg:$0x3] =	wrdreg s6  }
0xbf: {  	[dreg:$0x4] =	wrdreg $0xC0  }
0xc0: {  	_ =	task [dreg:s22], $0x5FFFF  }
0xc1: {  	[dreg:$0x1] =	wrdreg $0xFFFFFFFF  }
0xc2: {  	[dreg:$0x0] =	wrdreg $0x60  }
0xc3: {  	[dreg:$0x2] =	wrdreg s24  }
0xc4: {  	[dreg:$0x3] =	wrdreg s17  }
0xc5: {  	[dreg:$0x4] =	wrdreg $0xCF900  }
0xc6: {  	[dreg:$0x5] =	wrdreg $0xB  }
0xc7: {  	_ =	task.clear_ibuf [dreg:s22], $0x6FFFF;
	_ =	strace $0x90000061  }
0xc8: {  	s29 =	simm.s32 $0xB;
	_ =	strace $0x80000063  }
0xc9: {  	_ =	swait.ge [sflag:s29], $0x1  }
0xca: {  	[sflag:s29] =	ssyncadd.s32 $0xFFFFFFFF  }
0xcb: {  	_ =	strace $0x90000063  }
0xcc: {  	_ =	sfence  }
0xcd: {  	s30 =	sld [smem:$0x0];
	_ =	sdelay $0x2  }
0xce: {  	s31 =	sshll.u32 s1, $0xD;
	s1 =	sshrl.u32 s1, $0x2  }
0xcf: {  	s4 =	sand.u32 $0x4000, s31;
	s1 =	sadd.s32 s1, s30  }
0xd0: {  	s0 =	sor.u32 s4, s0;
	s1 =	sshll.u32 s1, $0x11  }
0xd1: {  	s0 =	sor.u32 s1, s0  }
0xd2: {  	s0 =	sadd.s32 $0x8F2B, s0  }
0xd3: {  	[sflag:s0] =	ssyncadd.remote.s32 $0x1  }
0xd4: {  	_ =	sfence.sel $0xFFFF  }
0xd5: {  	[dreg:$0x0] =	wrdreg $0xFFFFFFFF;
	(pc) =	sbr.abs _section_cstart, $3  }
0xd6: {  	[dreg:$0x1] =	wrdreg $0xFFFFFFFF  }
0xd7: {  	_ =	task.clear_ibuf [dreg:s22], $0x2FFFF;
	_ =	strace $0x9FFFFFFF  }
0xd8: {  	(tm) =	ssettm $0x7FFFFFFF  }
0xd9: {  	_ =	shalt  }
tec
execute0_lowered:
.L_overlay_start_1:
0x0: {  	(tag) =	ssettag $0x1  }
0x1: {  	s4 =	rddreg [dreg:$0x0]  }
0x2: {  	s9 =	rddreg [dreg:$0x1]  }
0x3: {  	s2 =	rddreg [dreg:$0x2]  }
0x4: {  	s0 =	rddreg [dreg:$0x3];
	s3 =	simm.s32 $0x0;
	s5 =	srdreg.scid  }
0x5: {  	s1 =	stileid.u32;
	s13 =	simm.s32 $0x310;
	s16 =	simm.s32 $0x0  }
0x6: {  	[smem:$0x7FF] =	sst s3;
	s5 =	sand.u32 $0x1, s5;
	s6 =	smul.u32 $0x110, s1  }
0x7: {  	s10 =	sadd.s32 $0x8400, s4;
	s8 =	smul.u32 $0x2200, s1;
	s14 =	sshll.u32 s1, $0x6  }
0x8: {  	_ =	strace $0x80000062;
	s7 =	smul.u32 $0x1100, s5;
	s11 =	sshll.u32 s5, $0x4  }
0x9: {  	s5 =	ssub.s32 $0x2, s5;
	s14 =	sor.u32 $0x1C01, s14;
	s26 =	sor.u32 s1, s11  }
0xa: {  	s28 =	sshrl.u32 s5, $0x1;
	s8 =	sshrl.u32 s8, $0x2;
	s12 =	smul.u32 $0x620, s26  }
0xb: {  	s6 =	sadd.s32 s6, s7;
	s11 =	ssub.s32 s5, s28;
	s30 =	smul.u32 $0x3100, s26  }
0xc: {  	s6 =	sadd.s32 s6, s4;
	s4 =	sadd.s32 s8, s2;
	s7 =	smax.u32 s11, $0x1  }
0xd: {  	s5 =	sadd.s32 $0x1C3400, s6;
	s29 =	sshrl.u32 s12, $0x3;
	s31 =	sadd.s32 $0x310, s12  }
0xe: {  	s8 =	sadd.s32 s10, s30;
	s15 =	sshrl.u32 s4, $0x3;
	s12 =	sshrl.u32 s31, $0x3  }
0xf: {  	s6 =	sadd.s32 s9, s29;
	s11 =	sshll.u32 s31, $0x3;
	s9 =	sadd.s32 s9, s12  }
0x10: {  	v0 =	vimm.f32 $0.0e+00;
	s10 =	sadd.s32 s10, s11;
	s11 =	simm.s32 $0xC710;
	s12 =	simm.s32 $0x1  }
.LBB2_1:
0x11: {  	s18 =	simm.s32 $0x100;
	s17 =	simm.s32 $0x0  }
.LBB2_2:
0x12: {  	p0 =	sne.s32 s18, $0x2100;
	[tilespmem:s17+$0xC740] =	vst v0;
	s19 =	smov.u32 s18;
	s18 =	sadd.s32 $0x100, s18  }
.Ltmp0:
0x13: {  	[tilespmem:s17+$0xC730] =	vst v0;
	(pc) =	sbr.rel @p0 .LBB2_2-.Ltmp0, $3  }
0x14: {  	[tilespmem:s17+$0xC710] =	vst v0  }
0x15: {  	[tilespmem:s17+$0xC720] =	vst v0;
	_ =	sdelay $0x1  }
0x16: {  	s17 =	sshra.s32 s19, $0x2  }
0x17: {  	[tilespmem:s17+$0xC740] =	vst v0  }
0x18: {  	[tilespmem:s17+$0xC730] =	vst v0  }
0x19: {  	[tilespmem:s17+$0xC710] =	vst v0  }
0x1a: {  	[tilespmem:s17+$0xC720] =	vst v0  }
0x1b: {  	[spmem:s4] =	stream.linear.scatter [tilespmem:s11], [sflag:$0x1], $0x880, $0x38;
	[tilespmem:$0xD810] =	vst v63  }
0x1c: {  	_ =	swait.ge [sflag:s12], $0x880  }
0x1d: {  	[sflag:s12] =	ssyncset.done $0x0  }
0x1e: {  	[sflag:s12] =	ssyncadd.s32 $0xFFFFF780  }
0x1f: {  	[bflag:$0x0] =	sbarrier.arrive $0xFFFF  }
0x20: {  	[tilespmem:s3], [sflag:$0x1] =	stream.linear.gather [hbm4b:s6+s3], $0x310, $0x38;
	[tilespmem:$0xD810] =	vst v63  }
0x21: {  	_ =	swait.ge [sflag:s12], $0x310  }
0x22: {  	[sflag:s12] =	ssyncset.done $0x0  }
0x23: {  	[sflag:s12] =	ssyncadd.s32 $0xFFFFFCF0  }
0x24: {  	[tilespmem:s13], [sflag:$0x1] =	stream.linear.gather [hbm4b:s8+s3], $0xC400, $0x38;
	[tilespmem:$0xD810] =	vst v63  }
0x25: {  	_ =	swait.ge [sflag:s12], $0xC400  }
0x26: {  	[sflag:s12] =	ssyncset.done $0x0  }
0x27: {  	[sflag:s12] =	ssyncadd.s32 $0xFFFF3C00  }
0x28: {  	[spmem:s2] =	stream.indirect.scatter.add.f32 [tilespmem:s13], [sflag:$0x1], $0x40, s3, s13, $0xb8;
	[tilespmem:$0xD810] =	vst v63  }
0x29: {  	_ =	swait.ge [sflag:s12], $0xC400  }
0x2a: {  	[sflag:s12] =	ssyncset.done $0x0  }
0x2b: {  	[sflag:s12] =	ssyncadd.s32 $0xFFFF3C00  }
0x2c: {  	[tilespmem:s3], [sflag:$0x1] =	stream.linear.gather [hbm4b:s9+s3], $0x310, $0x38;
	[tilespmem:$0xD810] =	vst v63  }
0x2d: {  	_ =	swait.ge [sflag:s12], $0x310  }
0x2e: {  	[sflag:s12] =	ssyncset.done $0x0  }
0x2f: {  	[sflag:s12] =	ssyncadd.s32 $0xFFFFFCF0  }
0x30: {  	[tilespmem:s13], [sflag:$0x1] =	stream.linear.gather [hbm4b:s10+s3], $0xC400, $0x38;
	[tilespmem:$0xD810] =	vst v63  }
0x31: {  	_ =	swait.ge [sflag:s12], $0xC400  }
0x32: {  	[sflag:s12] =	ssyncset.done $0x0  }
0x33: {  	[sflag:s12] =	ssyncadd.s32 $0xFFFF3C00  }
0x34: {  	[spmem:s2] =	stream.indirect.scatter.add.f32 [tilespmem:s13], [sflag:$0x1], $0x40, s3, s13, $0xb8;
	[tilespmem:$0xD810] =	vst v63  }
0x35: {  	_ =	swait.ge [sflag:s12], $0xC400  }
0x36: {  	s16 =	sadd.s32 $0x1, s16;
	[sflag:s12] =	ssyncset.done $0x0  }
0x37: {  	p0 =	sne.s32 s16, s7;
	[sflag:s12] =	ssyncadd.s32 $0xFFFF3C00  }
.Ltmp1:
0x38: {  	[bflag:$0x0] =	sbarrier.arrive $0xFFFF;
	(pc) =	sbr.rel @p0 .LBB2_1-.Ltmp1, $4  }
0x39: {  	[hbm:s5], [sflag:s14] =	dma.local [spmem:s15], $0x110  }
0x3a: {  	_ =	swait.ge [sflag:s12], $0x110  }
0x3b: {  	[sflag:s12] =	ssyncset.done $0x0  }
0x3c: {  	[sflag:s12] =	ssyncadd.s32 $0xFFFFFEF0  }
0x3d: {  	_ =	sfence.sel $0x180000  }
0x3e: {  	[bflag:$0x0] =	sbarrier.arrive $0xFFFF  }
0x3f: {  	p0 =	sne.s32 s1, $0x0;
	_ =	strace $0x90000062  }
0x40: {  	s0 =	sadd.s32 @!p0 $0x100000, s0;
	[bflag:$0x2] =	sbarrier.arrive $0xFFFF  }
0x41: {  	[sflag:s0] =	ssyncadd.tile.s32 @!p0 $0x1;
	_ =	shalt  }
.Lfunc_end2:
_tile_overlayer_lowered:
.L_overlay_start_2:
0x42: {  	(tag) =	ssettag $0x2  }
0x43: {  	s0 =	rddreg [dreg:$0x0];
	s2 =	stileid.u32  }
0x44: {  	s1 =	rddreg [dreg:$0x1];
	p0 =	sne.s32 s2, $0x0  }
0x45: {  	s3 =	rddreg [dreg:$0x2];
	[bflag:$0x3] =	sbarrier.arrive $0xFFFF;
	s2 =	simm.s32 @!p0 $0x1C01  }
0x46: {  	[timem:s3], [sflag:s2] =	dma.local @!p0 [hbm:s0], s1  }
0x47: {  	s0 =	simm.s32 @!p0 $0x1  }
0x48: {  	_ =	swait.ge @!p0 [sflag:s0], s1  }
0x49: {  	s1 =	ssub.s32 @!p0 $0x0, s1;
	[sflag:s0] =	ssyncset.done @!p0 $0x0  }
0x4a: {  	[sflag:s0] =	ssyncadd.s32 @!p0 s1  }
0x4b: {  	[bflag:$0x3] =	sbarrier.arrive $0xFFFF  }
0x4c: {  	_ =	shalt  }

</sc_bundles>
